<compile_context>
chip_gen: v7x
topology: tpu7x:2x2x1
jax: 0.10.2.dev20260603
libtpu: 0.0.44.dev20260713+nightly
codegen_flags: <defaults>
</compile_context>

<pallas_src>
import functools

import jax
import jax.numpy as jnp
from jax import lax
from jax.experimental import pallas as pl
from jax.experimental.pallas import tpu as pltpu
from jax.experimental.pallas import tpu_sc as plsc

VOCAB = 100000
D = 128
L = 16
NC = 2
NS = 16
NW = NC * NS
C = 128


def _lane_sum(v):
    lanes = jnp.arange(L, dtype=jnp.int32)
    dnums = lax.GatherDimensionNumbers(
        offset_dims=(), collapsed_slice_dims=(0,), start_index_map=(0,)
    )
    for m in (8, 4, 2, 1):
        perm = (lanes ^ m).reshape(L, 1)
        v = v + lax.gather(
            v, perm, dnums, (1,), mode=lax.GatherScatterMode.PROMISE_IN_BOUNDS
        )
    return v


def _rsqrt_newton(s):
    i = lax.bitcast_convert_type(s, jnp.int32)
    i = jnp.int32(0x5F3759DF) - lax.shift_right_logical(i, 1)
    x = lax.bitcast_convert_type(i, jnp.float32)
    half = s * jnp.float32(0.5)
    for _ in range(1):
        x = x * (jnp.float32(1.5) - half * x * x)
    return x


def _make_sc_kernel(B, nbuf=5, k_ahead=2):
    assert B % (8 * NW) == 0
    b_per_w = B // NW
    assert b_per_w % C == 0
    nchunk = b_per_w // C
    assert nchunk % nbuf == 0
    assert 1 <= k_ahead < nbuf

    mesh = plsc.VectorSubcoreMesh(
        core_axis_name="c", subcore_axis_name="s", num_cores=NC, num_subcores=NS
    )

    @functools.partial(
        pl.kernel,
        out_type=jax.ShapeDtypeStruct((B, D), jnp.float32),
        mesh=mesh,
        scratch_types=[
            pltpu.VMEM((nchunk, C), jnp.int32),
            pltpu.VMEM((nbuf, C, D), jnp.float32),
        ]
        + [pltpu.SemaphoreType.DMA] * (2 * nbuf),
    )
    def sc_kernel(idx_hbm, table_hbm, out_hbm, idx_v, rows_v, *sems):
        gsem, ssem = sems[:nbuf], sems[nbuf:]
        wid = lax.axis_index("s") * NC + lax.axis_index("c")
        base = wid * b_per_w
        pltpu.sync_copy(idx_hbm.at[wid], idx_v)

        def gather_start(c, b):
            pltpu.async_copy(table_hbm.at[idx_v.at[c]], rows_v.at[b], gsem[b])

        def gather_wait(c, b):
            pltpu.make_async_copy(
                table_hbm.at[idx_v.at[c]], rows_v.at[b], gsem[b]
            ).wait()

        def store_start(c, b):
            pltpu.async_copy(
                rows_v.at[b], out_hbm.at[pl.ds(base + c * C, C)], ssem[b]
            )

        def store_wait(c, b):
            pltpu.make_async_copy(
                rows_v.at[b], out_hbm.at[pl.ds(base + c * C, C)], ssem[b]
            ).wait()

        def normalize(b, lo, n):
            def row_body(r, rcarry):
                acc = jnp.zeros((L,), jnp.float32)
                vs = []
                for j in range(D // L):
                    v = rows_v[b, r, pl.ds(j * L, L)]
                    vs.append(v)
                    acc = acc + v * v
                scale = _rsqrt_newton(_lane_sum(acc))
                for j in range(D // L):
                    rows_v[b, r, pl.ds(j * L, L)] = vs[j] * scale
                return rcarry

            lax.fori_loop(lo, lo + n, row_body, 0, unroll=4)

        for b in range(k_ahead):
            gather_start(b, b)

        def group_body(i, carry):
            for b in range(nbuf):
                c = i * nbuf + b
                ba = (b + k_ahead) % nbuf

                @pl.when(c + k_ahead < nchunk)
                def _():
                    @pl.when(c + k_ahead - nbuf >= 0)
                    def _():
                        store_wait(c + k_ahead - nbuf, ba)

                    gather_start(c + k_ahead, ba)

                gather_wait(c, b)
                normalize(b, 0, C)
                store_start(c, b)
            return carry

        lax.fori_loop(0, nchunk // nbuf, group_body, 0)
        for j in range(nchunk - nbuf, nchunk):
            store_wait(j, j % nbuf)

    return sc_kernel


def kernel(input_ids, embedding):
    B = input_ids.shape[0] * input_ids.shape[1]
    idx = input_ids.reshape(NW, B // (NW * C), C).astype(jnp.int32)
    out = _make_sc_kernel(B)(idx, embedding)
    return out.reshape(input_ids.shape[0], input_ids.shape[1], D)

# --- scband reference (transcript-rebuilt; emitter-appended) ---
"""Pipeline reference for scband-hyperspherical-embedding-87187836108811 (READ-ONLY COPY).

The authoritative reference and input builder live on the scoring server;
editing this copy changes nothing except your own understanding.
"""

import jax, jax.numpy as jnp
import numpy as np

VOCAB = 100000
EMBED_DIM = 128

def _l2_normalize(x, axis=-1, eps=1e-12):
    # Matches torch F.normalize(p=2): x / max(||x||_2, eps)
    norm = jnp.sqrt(jnp.sum(x * x, axis=axis, keepdims=True))
    return x / jnp.maximum(norm, eps)

def setup_inputs(seed: int = 0) -> dict:
    key = jax.random.key(seed)
    k1, k2 = jax.random.split(key)
    input_ids = jax.random.randint(k1, (1024, 200), 0, VOCAB, dtype=jnp.int64 if jax.config.jax_enable_x64 else jnp.int32)
    embedding = jax.random.normal(k2, (VOCAB, EMBED_DIM), dtype=jnp.float32)
    embedding = _l2_normalize(embedding, axis=1)
    return {"input_ids": input_ids, "embedding": embedding}

def reference(input_ids, embedding):
    # F.embedding -> gather rows
    emb = jnp.take(embedding, input_ids, axis=0)
    # F.normalize(p=2, dim=-1)
    emb = _l2_normalize(emb, axis=-1)
    return emb

if __name__ == "__main__":
    import jax
    _d = setup_inputs()
    print(jax.jit(kernel)(*tuple(_d.values())))

</pallas_src>

<mosaic_0001>
#map = affine_map<(d0, d1) -> (0, 0, 0)>
#map1 = affine_map<(d0, d1) -> (0, 0)>
module attributes {stable_mosaic.version = 14 : i64} {
  func.func @sc_kernel(%arg0: i32, %arg1: i32, %arg2: memref<32x50x128xi32, #tpu.memory_space<hbm>>, %arg3: memref<100000x128xf32, #tpu.memory_space<hbm>>, %arg4: memref<204800x128xf32, #tpu.memory_space<hbm>>, %arg5: memref<50x128xi32, #tpu.memory_space<vmem>>, %arg6: memref<5x128x128xf32, #tpu.memory_space<vmem>>, %arg7: memref<!tpu.dma_semaphore, #tpu.memory_space<semaphore_mem>>, %arg8: memref<!tpu.dma_semaphore, #tpu.memory_space<semaphore_mem>>, %arg9: memref<!tpu.dma_semaphore, #tpu.memory_space<semaphore_mem>>, %arg10: memref<!tpu.dma_semaphore, #tpu.memory_space<semaphore_mem>>, %arg11: memref<!tpu.dma_semaphore, #tpu.memory_space<semaphore_mem>>, %arg12: memref<!tpu.dma_semaphore, #tpu.memory_space<semaphore_mem>>, %arg13: memref<!tpu.dma_semaphore, #tpu.memory_space<semaphore_mem>>, %arg14: memref<!tpu.dma_semaphore, #tpu.memory_space<semaphore_mem>>, %arg15: memref<!tpu.dma_semaphore, #tpu.memory_space<semaphore_mem>>, %arg16: memref<!tpu.dma_semaphore, #tpu.memory_space<semaphore_mem>>) attributes {dimension_semantics = [#tpu.dimension_semantics<core_parallel>, #tpu.dimension_semantics<subcore_parallel>], iteration_bounds = array<i64: 2, 16>, scalar_prefetch = 0 : i64, scratch_operands = 12 : i64, tpu.core_type = #tpu.core_type<sc_vector_subcore>, window_params = [{transform_indices = #map}, {transform_indices = #map1}, {transform_indices = #map1}]} {
    %mul3A = arith.constant 2 : i32
    %mul3A_0 = arith.muli %arg1, %mul3A : i32
    %add3A = arith.addi %mul3A_0, %arg0 : i32
    %mul3A_1 = arith.constant 6400 : i32
    %mul3A_2 = arith.muli %add3A, %mul3A_1 : i32
    "tpu.region"() ({
      %run_scoped3A = tpu.sem_alloc : memref<!tpu.dma_semaphore, #tpu.memory_space<semaphore_mem>>
      %dma_start3A_105 = arith.constant 0 : i32
      %dma_start3A_106 = arith.constant 0 : i32
      %dma_start3A_107 = tpu.memref_slice %arg2[%add3A, %dma_start3A_105, %dma_start3A_106] : memref<32x50x128xi32, #tpu.memory_space<hbm>> -> memref<1x50x128xi32, #tpu.memory_space<hbm>>
      %dma_start3A_108 = tpu.memref_squeeze %dma_start3A_107 : memref<1x50x128xi32, #tpu.memory_space<hbm>> -> memref<50x128xi32, #tpu.memory_space<hbm>>
      %dma_start3A_109 = arith.constant 0 : i32
      %dma_start3A_110 = arith.constant 0 : i32
      %dma_start3A_111 = tpu.memref_slice %arg2[%add3A, %dma_start3A_109, %dma_start3A_110] : memref<32x50x128xi32, #tpu.memory_space<hbm>> -> memref<1x50x128xi32, #tpu.memory_space<hbm>>
      %dma_start3A_112 = tpu.memref_squeeze %dma_start3A_111 : memref<1x50x128xi32, #tpu.memory_space<hbm>> -> memref<50x128xi32, #tpu.memory_space<hbm>>
      tpu.enqueue_dma source(%dma_start3A_112 : memref<50x128xi32, #tpu.memory_space<hbm>>) target(%arg5 : memref<50x128xi32, #tpu.memory_space<vmem>>) target_semaphore(%run_scoped3A : memref<!tpu.dma_semaphore, #tpu.memory_space<semaphore_mem>>)
      %dma_wait3A_113 = arith.constant 0 : i32
      %dma_wait3A_114 = arith.constant 0 : i32
      %dma_wait3A_115 = tpu.memref_slice %arg2[%add3A, %dma_wait3A_113, %dma_wait3A_114] : memref<32x50x128xi32, #tpu.memory_space<hbm>> -> memref<1x50x128xi32, #tpu.memory_space<hbm>>
      %dma_wait3A_116 = tpu.memref_squeeze %dma_wait3A_115 : memref<1x50x128xi32, #tpu.memory_space<hbm>> -> memref<50x128xi32, #tpu.memory_space<hbm>>
      %dma_wait3A_117 = arith.constant 0 : i32
      %dma_wait3A_118 = arith.constant 0 : i32
      %dma_wait3A_119 = tpu.memref_slice %arg2[%add3A, %dma_wait3A_117, %dma_wait3A_118] : memref<32x50x128xi32, #tpu.memory_space<hbm>> -> memref<1x50x128xi32, #tpu.memory_space<hbm>>
      %dma_wait3A_120 = tpu.memref_squeeze %dma_wait3A_119 : memref<1x50x128xi32, #tpu.memory_space<hbm>> -> memref<50x128xi32, #tpu.memory_space<hbm>>
      tpu.wait_dma2 semaphore(%run_scoped3A : memref<!tpu.dma_semaphore, #tpu.memory_space<semaphore_mem>>) src(%dma_wait3A_120 : memref<50x128xi32, #tpu.memory_space<hbm>>) dst(%arg5 : memref<50x128xi32, #tpu.memory_space<vmem>>)
      tpu.yield
    }) : () -> ()
    %dma_start3A = arith.constant 0 : i32
    %dma_start3A_3 = arith.constant 0 : i32
    %dma_start3A_4 = arith.constant 0 : i32
    %dma_start3A_5 = arith.constant 0 : i32
    %dma_start3A_6 = tpu.memref_slice %arg6[%dma_start3A_3, %dma_start3A_4, %dma_start3A_5] : memref<5x128x128xf32, #tpu.memory_space<vmem>> -> memref<1x128x128xf32, #tpu.memory_space<vmem>>
    %dma_start3A_7 = tpu.memref_squeeze %dma_start3A_6 : memref<1x128x128xf32, #tpu.memory_space<vmem>> -> memref<128x128xf32, #tpu.memory_space<vmem>>
    %dma_start3A_8 = arith.constant 0 : i32
    %dma_start3A_9 = tpu.memref_slice %arg5[%dma_start3A, %dma_start3A_8] : memref<50x128xi32, #tpu.memory_space<vmem>> -> memref<1x128xi32, #tpu.memory_space<vmem>>
    %dma_start3A_10 = tpu.memref_squeeze %dma_start3A_9 : memref<1x128xi32, #tpu.memory_space<vmem>> -> memref<128xi32, #tpu.memory_space<vmem>>
    %dma_start3A_11 = arith.constant 0 : i32
    %dma_start3A_12 = arith.constant 0 : i32
    %dma_start3A_13 = tpu.memref_slice %arg3[%dma_start3A_11, %dma_start3A_12] : memref<100000x128xf32, #tpu.memory_space<hbm>> -> memref<100000x128xf32, #tpu.memory_space<hbm>>
    tpu.enqueue_indirect_dma source(%dma_start3A_13 : memref<100000x128xf32, #tpu.memory_space<hbm>>) target(%dma_start3A_7 : memref<128x128xf32, #tpu.memory_space<vmem>>) offsets(%dma_start3A_10 : memref<128xi32, #tpu.memory_space<vmem>>) semaphore(%arg7 : memref<!tpu.dma_semaphore, #tpu.memory_space<semaphore_mem>>)
    %dma_start3A_14 = arith.constant 1 : i32
    %dma_start3A_15 = arith.constant 1 : i32
    %dma_start3A_16 = arith.constant 0 : i32
    %dma_start3A_17 = arith.constant 0 : i32
    %dma_start3A_18 = tpu.memref_slice %arg6[%dma_start3A_15, %dma_start3A_16, %dma_start3A_17] : memref<5x128x128xf32, #tpu.memory_space<vmem>> -> memref<1x128x128xf32, #tpu.memory_space<vmem>>
    %dma_start3A_19 = tpu.memref_squeeze %dma_start3A_18 : memref<1x128x128xf32, #tpu.memory_space<vmem>> -> memref<128x128xf32, #tpu.memory_space<vmem>>
    %dma_start3A_20 = arith.constant 0 : i32
    %dma_start3A_21 = tpu.memref_slice %arg5[%dma_start3A_14, %dma_start3A_20] : memref<50x128xi32, #tpu.memory_space<vmem>> -> memref<1x128xi32, #tpu.memory_space<vmem>>
    %dma_start3A_22 = tpu.memref_squeeze %dma_start3A_21 : memref<1x128xi32, #tpu.memory_space<vmem>> -> memref<128xi32, #tpu.memory_space<vmem>>
    %dma_start3A_23 = arith.constant 0 : i32
    %dma_start3A_24 = arith.constant 0 : i32
    %dma_start3A_25 = tpu.memref_slice %arg3[%dma_start3A_23, %dma_start3A_24] : memref<100000x128xf32, #tpu.memory_space<hbm>> -> memref<100000x128xf32, #tpu.memory_space<hbm>>
    tpu.enqueue_indirect_dma source(%dma_start3A_25 : memref<100000x128xf32, #tpu.memory_space<hbm>>) target(%dma_start3A_19 : memref<128x128xf32, #tpu.memory_space<vmem>>) offsets(%dma_start3A_22 : memref<128xi32, #tpu.memory_space<vmem>>) semaphore(%arg8 : memref<!tpu.dma_semaphore, #tpu.memory_space<semaphore_mem>>)
    %scan3A = arith.constant 0 : i32
    %scan3A_26 = arith.constant 0 : i32
    %scan3A_27 = arith.constant 10 : i32
    %scan3A_28 = arith.addi %scan3A_26, %scan3A_27 : i32
    %scan3A_29 = arith.constant 1 : i32
    scf.for %scan3A_105 = %scan3A_26 to %scan3A_28 step %scan3A_29  : i32 {
      %mul3A_106 = arith.constant 5 : i32
      %mul3A_107 = arith.muli %scan3A_105, %mul3A_106 : i32
      %add3A_108 = arith.constant 0 : i32
      %add3A_109 = arith.addi %mul3A_107, %add3A_108 : i32
      %add3A_110 = arith.constant 2 : i32
      %add3A_111 = arith.addi %add3A_109, %add3A_110 : i32
      %lt3A = arith.constant 50 : i32
      %lt3A_112 = arith.cmpi slt, %add3A_111, %lt3A : i32
      %convert_element_type3A = arith.extui %lt3A_112 : i1 to i32
      %cond3A = arith.constant 0 : i32
      %cond3A_113 = arith.cmpi ne, %convert_element_type3A, %cond3A : i32
      scf.if %cond3A_113 {
        %add3A_323 = arith.constant 2 : i32
        %add3A_324 = arith.addi %add3A_109, %add3A_323 : i32
        %sub3A = arith.constant 5 : i32
        %sub3A_325 = arith.subi %add3A_324, %sub3A : i32
        %ge3A = arith.constant 0 : i32
        %ge3A_326 = arith.cmpi sge, %sub3A_325, %ge3A : i32
        %convert_element_type3A_327 = arith.extui %ge3A_326 : i1 to i32
        %cond3A_328 = arith.constant 0 : i32
        %cond3A_329 = arith.cmpi ne, %convert_element_type3A_327, %cond3A_328 : i32
        scf.if %cond3A_329 {
          %add3A_343 = arith.constant 2 : i32
          %add3A_344 = arith.addi %add3A_109, %add3A_343 : i32
          %sub3A_345 = arith.constant 5 : i32
          %sub3A_346 = arith.subi %add3A_344, %sub3A_345 : i32
          %mul3A_347 = arith.constant 128 : i32
          %mul3A_348 = arith.muli %sub3A_346, %mul3A_347 : i32
          %add3A_349 = arith.addi %mul3A_2, %mul3A_348 : i32
          %dma_wait3A_350 = arith.constant 2 : i32
          %dma_wait3A_351 = arith.constant 0 : i32
          %dma_wait3A_352 = arith.constant 0 : i32
          %dma_wait3A_353 = tpu.memref_slice %arg6[%dma_wait3A_350, %dma_wait3A_351, %dma_wait3A_352] : memref<5x128x128xf32, #tpu.memory_space<vmem>> -> memref<1x128x128xf32, #tpu.memory_space<vmem>>
          %dma_wait3A_354 = tpu.memref_squeeze %dma_wait3A_353 : memref<1x128x128xf32, #tpu.memory_space<vmem>> -> memref<128x128xf32, #tpu.memory_space<vmem>>
          %dma_wait3A_355 = arith.constant 0 : i32
          %dma_wait3A_356 = tpu.memref_slice %arg4[%add3A_349, %dma_wait3A_355] : memref<204800x128xf32, #tpu.memory_space<hbm>> -> memref<128x128xf32, #tpu.memory_space<hbm>>
          %dma_wait3A_357 = arith.constant 0 : i32
          %dma_wait3A_358 = tpu.memref_slice %arg4[%add3A_349, %dma_wait3A_357] : memref<204800x128xf32, #tpu.memory_space<hbm>> -> memref<128x128xf32, #tpu.memory_space<hbm>>
          %dma_wait3A_359 = arith.constant 0 : i32
          %dma_wait3A_360 = arith.constant 0 : i32
          %dma_wait3A_361 = tpu.memref_slice %arg6[%dma_wait3A_350, %dma_wait3A_359, %dma_wait3A_360] : memref<5x128x128xf32, #tpu.memory_space<vmem>> -> memref<1x128x128xf32, #tpu.memory_space<vmem>>
          %dma_wait3A_362 = tpu.memref_squeeze %dma_wait3A_361 : memref<1x128x128xf32, #tpu.memory_space<vmem>> -> memref<128x128xf32, #tpu.memory_space<vmem>>
          tpu.wait_dma2 semaphore(%arg14 : memref<!tpu.dma_semaphore, #tpu.memory_space<semaphore_mem>>) src(%dma_wait3A_362 : memref<128x128xf32, #tpu.memory_space<vmem>>) dst(%dma_wait3A_358 : memref<128x128xf32, #tpu.memory_space<hbm>>)
        } else {
        }
        %add3A_330 = arith.constant 2 : i32
        %add3A_331 = arith.addi %add3A_109, %add3A_330 : i32
        %dma_start3A_332 = arith.constant 2 : i32
        %dma_start3A_333 = arith.constant 0 : i32
        %dma_start3A_334 = arith.constant 0 : i32
        %dma_start3A_335 = tpu.memref_slice %arg6[%dma_start3A_332, %dma_start3A_333, %dma_start3A_334] : memref<5x128x128xf32, #tpu.memory_space<vmem>> -> memref<1x128x128xf32, #tpu.memory_space<vmem>>
        %dma_start3A_336 = tpu.memref_squeeze %dma_start3A_335 : memref<1x128x128xf32, #tpu.memory_space<vmem>> -> memref<128x128xf32, #tpu.memory_space<vmem>>
        %dma_start3A_337 = arith.constant 0 : i32
        %dma_start3A_338 = tpu.memref_slice %arg5[%add3A_331, %dma_start3A_337] : memref<50x128xi32, #tpu.memory_space<vmem>> -> memref<1x128xi32, #tpu.memory_space<vmem>>
        %dma_start3A_339 = tpu.memref_squeeze %dma_start3A_338 : memref<1x128xi32, #tpu.memory_space<vmem>> -> memref<128xi32, #tpu.memory_space<vmem>>
        %dma_start3A_340 = arith.constant 0 : i32
        %dma_start3A_341 = arith.constant 0 : i32
        %dma_start3A_342 = tpu.memref_slice %arg3[%dma_start3A_340, %dma_start3A_341] : memref<100000x128xf32, #tpu.memory_space<hbm>> -> memref<100000x128xf32, #tpu.memory_space<hbm>>
        tpu.enqueue_indirect_dma source(%dma_start3A_342 : memref<100000x128xf32, #tpu.memory_space<hbm>>) target(%dma_start3A_336 : memref<128x128xf32, #tpu.memory_space<vmem>>) offsets(%dma_start3A_339 : memref<128xi32, #tpu.memory_space<vmem>>) semaphore(%arg9 : memref<!tpu.dma_semaphore, #tpu.memory_space<semaphore_mem>>)
      } else {
      }
      %dma_wait3A_114 = arith.constant 0 : i32
      %dma_wait3A_115 = arith.constant 0 : i32
      %dma_wait3A_116 = arith.constant 0 : i32
      %dma_wait3A_117 = tpu.memref_slice %arg6[%dma_wait3A_114, %dma_wait3A_115, %dma_wait3A_116] : memref<5x128x128xf32, #tpu.memory_space<vmem>> -> memref<1x128x128xf32, #tpu.memory_space<vmem>>
      %dma_wait3A_118 = tpu.memref_squeeze %dma_wait3A_117 : memref<1x128x128xf32, #tpu.memory_space<vmem>> -> memref<128x128xf32, #tpu.memory_space<vmem>>
      %dma_wait3A_119 = arith.constant 0 : i32
      %dma_wait3A_120 = tpu.memref_slice %arg5[%add3A_109, %dma_wait3A_119] : memref<50x128xi32, #tpu.memory_space<vmem>> -> memref<1x128xi32, #tpu.memory_space<vmem>>
      %dma_wait3A_121 = tpu.memref_squeeze %dma_wait3A_120 : memref<1x128xi32, #tpu.memory_space<vmem>> -> memref<128xi32, #tpu.memory_space<vmem>>
      %dma_wait3A_122 = arith.constant 0 : i32
      %dma_wait3A_123 = arith.constant 0 : i32
      %dma_wait3A_124 = tpu.memref_slice %arg3[%dma_wait3A_122, %dma_wait3A_123] : memref<100000x128xf32, #tpu.memory_space<hbm>> -> memref<100000x128xf32, #tpu.memory_space<hbm>>
      tpu.wait_indirect_dma semaphore(%arg7 : memref<!tpu.dma_semaphore, #tpu.memory_space<semaphore_mem>>) src(%dma_wait3A_124 : memref<100000x128xf32, #tpu.memory_space<hbm>>) dst(%dma_wait3A_118 : memref<128x128xf32, #tpu.memory_space<vmem>>)
      %scan3A_125 = arith.constant 0 : i32
      %scan3A_126 = arith.constant 0 : i32
      %scan3A_127 = arith.constant 128 : i32
      %scan3A_128 = arith.addi %scan3A_126, %scan3A_127 : i32
      %scan3A_129 = arith.constant 4 : i32
      scf.for %scan3A_323 = %scan3A_126 to %scan3A_128 step %scan3A_129  : i32 {
        %broadcast_in_dim3A = arith.constant 0.000000e+00 : f32
        %broadcast_in_dim3A_324 = vector.broadcast %broadcast_in_dim3A : f32 to vector<16xf32>
        %get3A = arith.constant 0 : i32
        %get3A_325 = arith.index_cast %get3A : i32 to index
        %get3A_326 = arith.index_cast %scan3A_323 : i32 to index
        %get3A_327 = arith.constant 0 : index
        %get3A_328 = tpu.vector_load %arg6[%get3A_325, %get3A_326, %get3A_327] {strides = array<i32>} : memref<5x128x128xf32, #tpu.memory_space<vmem>>, vector<1x1x16xf32>,
        %get3A_329 = vector.shape_cast %get3A_328 : vector<1x1x16xf32> to vector<16xf32>
        %mul3A_330 = arith.mulf %get3A_329, %get3A_329 : vector<16xf32>
        %add3A_331 = arith.addf %broadcast_in_dim3A_324, %mul3A_330 : vector<16xf32>
        %get3A_332 = arith.constant 0 : i32
        %get3A_333 = arith.index_cast %get3A_332 : i32 to index
        %get3A_334 = arith.index_cast %scan3A_323 : i32 to index
        %get3A_335 = arith.constant 16 : index
        %get3A_336 = tpu.vector_load %arg6[%get3A_333, %get3A_334, %get3A_335] {strides = array<i32>} : memref<5x128x128xf32, #tpu.memory_space<vmem>>, vector<1x1x16xf32>,
        %get3A_337 = vector.shape_cast %get3A_336 : vector<1x1x16xf32> to vector<16xf32>
        %mul3A_338 = arith.mulf %get3A_337, %get3A_337 : vector<16xf32>
        %add3A_339 = arith.addf %add3A_331, %mul3A_338 : vector<16xf32>
        %get3A_340 = arith.constant 0 : i32
        %get3A_341 = arith.index_cast %get3A_340 : i32 to index
        %get3A_342 = arith.index_cast %scan3A_323 : i32 to index
        %get3A_343 = arith.constant 32 : index
        %get3A_344 = tpu.vector_load %arg6[%get3A_341, %get3A_342, %get3A_343] {strides = array<i32>} : memref<5x128x128xf32, #tpu.memory_space<vmem>>, vector<1x1x16xf32>,
        %get3A_345 = vector.shape_cast %get3A_344 : vector<1x1x16xf32> to vector<16xf32>
        %mul3A_346 = arith.mulf %get3A_345, %get3A_345 : vector<16xf32>
        %add3A_347 = arith.addf %add3A_339, %mul3A_346 : vector<16xf32>
        %get3A_348 = arith.constant 0 : i32
        %get3A_349 = arith.index_cast %get3A_348 : i32 to index
        %get3A_350 = arith.index_cast %scan3A_323 : i32 to index
        %get3A_351 = arith.constant 48 : index
        %get3A_352 = tpu.vector_load %arg6[%get3A_349, %get3A_350, %get3A_351] {strides = array<i32>} : memref<5x128x128xf32, #tpu.memory_space<vmem>>, vector<1x1x16xf32>,
        %get3A_353 = vector.shape_cast %get3A_352 : vector<1x1x16xf32> to vector<16xf32>
        %mul3A_354 = arith.mulf %get3A_353, %get3A_353 : vector<16xf32>
        %add3A_355 = arith.addf %add3A_347, %mul3A_354 : vector<16xf32>
        %get3A_356 = arith.constant 0 : i32
        %get3A_357 = arith.index_cast %get3A_356 : i32 to index
        %get3A_358 = arith.index_cast %scan3A_323 : i32 to index
        %get3A_359 = arith.constant 64 : index
        %get3A_360 = tpu.vector_load %arg6[%get3A_357, %get3A_358, %get3A_359] {strides = array<i32>} : memref<5x128x128xf32, #tpu.memory_space<vmem>>, vector<1x1x16xf32>,
        %get3A_361 = vector.shape_cast %get3A_360 : vector<1x1x16xf32> to vector<16xf32>
        %mul3A_362 = arith.mulf %get3A_361, %get3A_361 : vector<16xf32>
        %add3A_363 = arith.addf %add3A_355, %mul3A_362 : vector<16xf32>
        %get3A_364 = arith.constant 0 : i32
        %get3A_365 = arith.index_cast %get3A_364 : i32 to index
        %get3A_366 = arith.index_cast %scan3A_323 : i32 to index
        %get3A_367 = arith.constant 80 : index
        %get3A_368 = tpu.vector_load %arg6[%get3A_365, %get3A_366, %get3A_367] {strides = array<i32>} : memref<5x128x128xf32, #tpu.memory_space<vmem>>, vector<1x1x16xf32>,
        %get3A_369 = vector.shape_cast %get3A_368 : vector<1x1x16xf32> to vector<16xf32>
        %mul3A_370 = arith.mulf %get3A_369, %get3A_369 : vector<16xf32>
        %add3A_371 = arith.addf %add3A_363, %mul3A_370 : vector<16xf32>
        %get3A_372 = arith.constant 0 : i32
        %get3A_373 = arith.index_cast %get3A_372 : i32 to index
        %get3A_374 = arith.index_cast %scan3A_323 : i32 to index
        %get3A_375 = arith.constant 96 : index
        %get3A_376 = tpu.vector_load %arg6[%get3A_373, %get3A_374, %get3A_375] {strides = array<i32>} : memref<5x128x128xf32, #tpu.memory_space<vmem>>, vector<1x1x16xf32>,
        %get3A_377 = vector.shape_cast %get3A_376 : vector<1x1x16xf32> to vector<16xf32>
        %mul3A_378 = arith.mulf %get3A_377, %get3A_377 : vector<16xf32>
        %add3A_379 = arith.addf %add3A_371, %mul3A_378 : vector<16xf32>
        %get3A_380 = arith.constant 0 : i32
        %get3A_381 = arith.index_cast %get3A_380 : i32 to index
        %get3A_382 = arith.index_cast %scan3A_323 : i32 to index
        %get3A_383 = arith.constant 112 : index
        %get3A_384 = tpu.vector_load %arg6[%get3A_381, %get3A_382, %get3A_383] {strides = array<i32>} : memref<5x128x128xf32, #tpu.memory_space<vmem>>, vector<1x1x16xf32>,
        %get3A_385 = vector.shape_cast %get3A_384 : vector<1x1x16xf32> to vector<16xf32>
        %mul3A_386 = arith.mulf %get3A_385, %get3A_385 : vector<16xf32>
        %add3A_387 = arith.addf %add3A_379, %mul3A_386 : vector<16xf32>
        %iota3A = tpu.iota {dimensions = array<i32: 0>} : vector<16xi32>
        %xor3A = arith.constant 8 : i32
        %xor3A_388 = vector.broadcast %xor3A : i32 to vector<16xi32>
        %xor3A_389 = arith.xori %iota3A, %xor3A_388 : vector<16xi32>
        %reshape3A = vector.shape_cast %xor3A_389 : vector<16xi32> to vector<16x1xi32>
        %gather3A = vector.shape_cast %reshape3A : vector<16x1xi32> to vector<16xi32>
        %gather3A_390 = tpu.dynamic_gather %add3A_387[%gather3A] in [0] : vector<16xf32>, vector<16xi32> -> vector<16xf32>
        %add3A_391 = arith.addf %add3A_387, %gather3A_390 : vector<16xf32>
        %xor3A_392 = arith.constant 4 : i32
        %xor3A_393 = vector.broadcast %xor3A_392 : i32 to vector<16xi32>
        %xor3A_394 = arith.xori %iota3A, %xor3A_393 : vector<16xi32>
        %reshape3A_395 = vector.shape_cast %xor3A_394 : vector<16xi32> to vector<16x1xi32>
        %gather3A_396 = vector.shape_cast %reshape3A_395 : vector<16x1xi32> to vector<16xi32>
        %gather3A_397 = tpu.dynamic_gather %add3A_391[%gather3A_396] in [0] : vector<16xf32>, vector<16xi32> -> vector<16xf32>
        %add3A_398 = arith.addf %add3A_391, %gather3A_397 : vector<16xf32>
        %xor3A_399 = arith.constant 2 : i32
        %xor3A_400 = vector.broadcast %xor3A_399 : i32 to vector<16xi32>
        %xor3A_401 = arith.xori %iota3A, %xor3A_400 : vector<16xi32>
        %reshape3A_402 = vector.shape_cast %xor3A_401 : vector<16xi32> to vector<16x1xi32>
        %gather3A_403 = vector.shape_cast %reshape3A_402 : vector<16x1xi32> to vector<16xi32>
        %gather3A_404 = tpu.dynamic_gather %add3A_398[%gather3A_403] in [0] : vector<16xf32>, vector<16xi32> -> vector<16xf32>
        %add3A_405 = arith.addf %add3A_398, %gather3A_404 : vector<16xf32>
        %xor3A_406 = arith.constant 1 : i32
        %xor3A_407 = vector.broadcast %xor3A_406 : i32 to vector<16xi32>
        %xor3A_408 = arith.xori %iota3A, %xor3A_407 : vector<16xi32>
        %reshape3A_409 = vector.shape_cast %xor3A_408 : vector<16xi32> to vector<16x1xi32>
        %gather3A_410 = vector.shape_cast %reshape3A_409 : vector<16x1xi32> to vector<16xi32>
        %gather3A_411 = tpu.dynamic_gather %add3A_405[%gather3A_410] in [0] : vector<16xf32>, vector<16xi32> -> vector<16xf32>
        %add3A_412 = arith.addf %add3A_405, %gather3A_411 : vector<16xf32>
        %bitcast_convert_type3A = tpu.bitcast %add3A_412 : vector<16xf32> -> vector<16xi32>
        %shift_right_logical3A = arith.constant 1 : i32
        %shift_right_logical3A_413 = vector.broadcast %shift_right_logical3A : i32 to vector<16xi32>
        %shift_right_logical3A_414 = arith.shrui %bitcast_convert_type3A, %shift_right_logical3A_413 : vector<16xi32>
        %sub3A = arith.constant 1597463007 : i32
        %sub3A_415 = vector.broadcast %sub3A : i32 to vector<16xi32>
        %sub3A_416 = arith.subi %sub3A_415, %shift_right_logical3A_414 : vector<16xi32>
        %bitcast_convert_type3A_417 = tpu.bitcast %sub3A_416 : vector<16xi32> -> vector<16xf32>
        %mul3A_418 = arith.constant 5.000000e-01 : f32
        %mul3A_419 = vector.broadcast %mul3A_418 : f32 to vector<16xf32>
        %mul3A_420 = arith.mulf %add3A_412, %mul3A_419 : vector<16xf32>
        %mul3A_421 = arith.mulf %mul3A_420, %bitcast_convert_type3A_417 : vector<16xf32>
        %mul3A_422 = arith.mulf %mul3A_421, %bitcast_convert_type3A_417 : vector<16xf32>
        %sub3A_423 = arith.constant 1.500000e+00 : f32
        %sub3A_424 = vector.broadcast %sub3A_423 : f32 to vector<16xf32>
        %sub3A_425 = arith.subf %sub3A_424, %mul3A_422 : vector<16xf32>
        %mul3A_426 = arith.mulf %bitcast_convert_type3A_417, %sub3A_425 : vector<16xf32>
        %mul3A_427 = arith.mulf %get3A_329, %mul3A_426 : vector<16xf32>
        %swap3A = arith.constant 0 : i32
        %swap3A_428 = arith.index_cast %swap3A : i32 to index
        %swap3A_429 = arith.index_cast %scan3A_323 : i32 to index
        %swap3A_430 = arith.constant 0 : index
        %swap3A_431 = tpu.vector_load %arg6[%swap3A_428, %swap3A_429, %swap3A_430] {strides = array<i32>} : memref<5x128x128xf32, #tpu.memory_space<vmem>>, vector<1x1x16xf32>,
        %swap3A_432 = vector.shape_cast %swap3A_431 : vector<1x1x16xf32> to vector<16xf32>
        %swap3A_433 = vector.shape_cast %mul3A_427 : vector<16xf32> to vector<1x1x16xf32>
        tpu.vector_store %arg6[%swap3A_428, %swap3A_429, %swap3A_430], %swap3A_433 {strides = array<i32>} : memref<5x128x128xf32, #tpu.memory_space<vmem>>, vector<1x1x16xf32>,
        %mul3A_434 = arith.mulf %get3A_337, %mul3A_426 : vector<16xf32>
        %swap3A_435 = arith.constant 0 : i32
        %swap3A_436 = arith.index_cast %swap3A_435 : i32 to index
        %swap3A_437 = arith.index_cast %scan3A_323 : i32 to index
        %swap3A_438 = arith.constant 16 : index
        %swap3A_439 = tpu.vector_load %arg6[%swap3A_436, %swap3A_437, %swap3A_438] {strides = array<i32>} : memref<5x128x128xf32, #tpu.memory_space<vmem>>, vector<1x1x16xf32>,
        %swap3A_440 = vector.shape_cast %swap3A_439 : vector<1x1x16xf32> to vector<16xf32>
        %swap3A_441 = vector.shape_cast %mul3A_434 : vector<16xf32> to vector<1x1x16xf32>
        tpu.vector_store %arg6[%swap3A_436, %swap3A_437, %swap3A_438], %swap3A_441 {strides = array<i32>} : memref<5x128x128xf32, #tpu.memory_space<vmem>>, vector<1x1x16xf32>,
        %mul3A_442 = arith.mulf %get3A_345, %mul3A_426 : vector<16xf32>
        %swap3A_443 = arith.constant 0 : i32
        %swap3A_444 = arith.index_cast %swap3A_443 : i32 to index
        %swap3A_445 = arith.index_cast %scan3A_323 : i32 to index
        %swap3A_446 = arith.constant 32 : index
        %swap3A_447 = tpu.vector_load %arg6[%swap3A_444, %swap3A_445, %swap3A_446] {strides = array<i32>} : memref<5x128x128xf32, #tpu.memory_space<vmem>>, vector<1x1x16xf32>,
        %swap3A_448 = vector.shape_cast %swap3A_447 : vector<1x1x16xf32> to vector<16xf32>
        %swap3A_449 = vector.shape_cast %mul3A_442 : vector<16xf32> to vector<1x1x16xf32>
        tpu.vector_store %arg6[%swap3A_444, %swap3A_445, %swap3A_446], %swap3A_449 {strides = array<i32>} : memref<5x128x128xf32, #tpu.memory_space<vmem>>, vector<1x1x16xf32>,
        %mul3A_450 = arith.mulf %get3A_353, %mul3A_426 : vector<16xf32>
        %swap3A_451 = arith.constant 0 : i32
        %swap3A_452 = arith.index_cast %swap3A_451 : i32 to index
        %swap3A_453 = arith.index_cast %scan3A_323 : i32 to index
        %swap3A_454 = arith.constant 48 : index
        %swap3A_455 = tpu.vector_load %arg6[%swap3A_452, %swap3A_453, %swap3A_454] {strides = array<i32>} : memref<5x128x128xf32, #tpu.memory_space<vmem>>, vector<1x1x16xf32>,
        %swap3A_456 = vector.shape_cast %swap3A_455 : vector<1x1x16xf32> to vector<16xf32>
        %swap3A_457 = vector.shape_cast %mul3A_450 : vector<16xf32> to vector<1x1x16xf32>
        tpu.vector_store %arg6[%swap3A_452, %swap3A_453, %swap3A_454], %swap3A_457 {strides = array<i32>} : memref<5x128x128xf32, #tpu.memory_space<vmem>>, vector<1x1x16xf32>,
        %mul3A_458 = arith.mulf %get3A_361, %mul3A_426 : vector<16xf32>
        %swap3A_459 = arith.constant 0 : i32
        %swap3A_460 = arith.index_cast %swap3A_459 : i32 to index
        %swap3A_461 = arith.index_cast %scan3A_323 : i32 to index
        %swap3A_462 = arith.constant 64 : index
        %swap3A_463 = tpu.vector_load %arg6[%swap3A_460, %swap3A_461, %swap3A_462] {strides = array<i32>} : memref<5x128x128xf32, #tpu.memory_space<vmem>>, vector<1x1x16xf32>,
        %swap3A_464 = vector.shape_cast %swap3A_463 : vector<1x1x16xf32> to vector<16xf32>
        %swap3A_465 = vector.shape_cast %mul3A_458 : vector<16xf32> to vector<1x1x16xf32>
        tpu.vector_store %arg6[%swap3A_460, %swap3A_461, %swap3A_462], %swap3A_465 {strides = array<i32>} : memref<5x128x128xf32, #tpu.memory_space<vmem>>, vector<1x1x16xf32>,
        %mul3A_466 = arith.mulf %get3A_369, %mul3A_426 : vector<16xf32>
        %swap3A_467 = arith.constant 0 : i32
        %swap3A_468 = arith.index_cast %swap3A_467 : i32 to index
        %swap3A_469 = arith.index_cast %scan3A_323 : i32 to index
        %swap3A_470 = arith.constant 80 : index
        %swap3A_471 = tpu.vector_load %arg6[%swap3A_468, %swap3A_469, %swap3A_470] {strides = array<i32>} : memref<5x128x128xf32, #tpu.memory_space<vmem>>, vector<1x1x16xf32>,
        %swap3A_472 = vector.shape_cast %swap3A_471 : vector<1x1x16xf32> to vector<16xf32>
        %swap3A_473 = vector.shape_cast %mul3A_466 : vector<16xf32> to vector<1x1x16xf32>
        tpu.vector_store %arg6[%swap3A_468, %swap3A_469, %swap3A_470], %swap3A_473 {strides = array<i32>} : memref<5x128x128xf32, #tpu.memory_space<vmem>>, vector<1x1x16xf32>,
        %mul3A_474 = arith.mulf %get3A_377, %mul3A_426 : vector<16xf32>
        %swap3A_475 = arith.constant 0 : i32
        %swap3A_476 = arith.index_cast %swap3A_475 : i32 to index
        %swap3A_477 = arith.index_cast %scan3A_323 : i32 to index
        %swap3A_478 = arith.constant 96 : index
        %swap3A_479 = tpu.vector_load %arg6[%swap3A_476, %swap3A_477, %swap3A_478] {strides = array<i32>} : memref<5x128x128xf32, #tpu.memory_space<vmem>>, vector<1x1x16xf32>,
        %swap3A_480 = vector.shape_cast %swap3A_479 : vector<1x1x16xf32> to vector<16xf32>
        %swap3A_481 = vector.shape_cast %mul3A_474 : vector<16xf32> to vector<1x1x16xf32>
        tpu.vector_store %arg6[%swap3A_476, %swap3A_477, %swap3A_478], %swap3A_481 {strides = array<i32>} : memref<5x128x128xf32, #tpu.memory_space<vmem>>, vector<1x1x16xf32>,
        %mul3A_482 = arith.mulf %get3A_385, %mul3A_426 : vector<16xf32>
        %swap3A_483 = arith.constant 0 : i32
        %swap3A_484 = arith.index_cast %swap3A_483 : i32 to index
        %swap3A_485 = arith.index_cast %scan3A_323 : i32 to index
        %swap3A_486 = arith.constant 112 : index
        %swap3A_487 = tpu.vector_load %arg6[%swap3A_484, %swap3A_485, %swap3A_486] {strides = array<i32>} : memref<5x128x128xf32, #tpu.memory_space<vmem>>, vector<1x1x16xf32>,
        %swap3A_488 = vector.shape_cast %swap3A_487 : vector<1x1x16xf32> to vector<16xf32>
        %swap3A_489 = vector.shape_cast %mul3A_482 : vector<16xf32> to vector<1x1x16xf32>
        tpu.vector_store %arg6[%swap3A_484, %swap3A_485, %swap3A_486], %swap3A_489 {strides = array<i32>} : memref<5x128x128xf32, #tpu.memory_space<vmem>>, vector<1x1x16xf32>,
        %scan3A_490 = arith.constant 1 : i32
        %scan3A_491 = arith.addi %scan3A_323, %scan3A_490 : i32
        %broadcast_in_dim3A_492 = arith.constant 0.000000e+00 : f32
        %broadcast_in_dim3A_493 = vector.broadcast %broadcast_in_dim3A_492 : f32 to vector<16xf32>
        %get3A_494 = arith.constant 0 : i32
        %get3A_495 = arith.index_cast %get3A_494 : i32 to index
        %get3A_496 = arith.index_cast %scan3A_491 : i32 to index
        %get3A_497 = arith.constant 0 : index
        %get3A_498 = tpu.vector_load %arg6[%get3A_495, %get3A_496, %get3A_497] {strides = array<i32>} : memref<5x128x128xf32, #tpu.memory_space<vmem>>, vector<1x1x16xf32>,
        %get3A_499 = vector.shape_cast %get3A_498 : vector<1x1x16xf32> to vector<16xf32>
        %mul3A_500 = arith.mulf %get3A_499, %get3A_499 : vector<16xf32>
        %add3A_501 = arith.addf %broadcast_in_dim3A_493, %mul3A_500 : vector<16xf32>
        %get3A_502 = arith.constant 0 : i32
        %get3A_503 = arith.index_cast %get3A_502 : i32 to index
        %get3A_504 = arith.index_cast %scan3A_491 : i32 to index
        %get3A_505 = arith.constant 16 : index
        %get3A_506 = tpu.vector_load %arg6[%get3A_503, %get3A_504, %get3A_505] {strides = array<i32>} : memref<5x128x128xf32, #tpu.memory_space<vmem>>, vector<1x1x16xf32>,
        %get3A_507 = vector.shape_cast %get3A_506 : vector<1x1x16xf32> to vector<16xf32>
        %mul3A_508 = arith.mulf %get3A_507, %get3A_507 : vector<16xf32>
        %add3A_509 = arith.addf %add3A_501, %mul3A_508 : vector<16xf32>
        %get3A_510 = arith.constant 0 : i32
        %get3A_511 = arith.index_cast %get3A_510 : i32 to index
        %get3A_512 = arith.index_cast %scan3A_491 : i32 to index
        %get3A_513 = arith.constant 32 : index
        %get3A_514 = tpu.vector_load %arg6[%get3A_511, %get3A_512, %get3A_513] {strides = array<i32>} : memref<5x128x128xf32, #tpu.memory_space<vmem>>, vector<1x1x16xf32>,
        %get3A_515 = vector.shape_cast %get3A_514 : vector<1x1x16xf32> to vector<16xf32>
        %mul3A_516 = arith.mulf %get3A_515, %get3A_515 : vector<16xf32>
        %add3A_517 = arith.addf %add3A_509, %mul3A_516 : vector<16xf32>
        %get3A_518 = arith.constant 0 : i32
        %get3A_519 = arith.index_cast %get3A_518 : i32 to index
        %get3A_520 = arith.index_cast %scan3A_491 : i32 to index
        %get3A_521 = arith.constant 48 : index
        %get3A_522 = tpu.vector_load %arg6[%get3A_519, %get3A_520, %get3A_521] {strides = array<i32>} : memref<5x128x128xf32, #tpu.memory_space<vmem>>, vector<1x1x16xf32>,
        %get3A_523 = vector.shape_cast %get3A_522 : vector<1x1x16xf32> to vector<16xf32>
        %mul3A_524 = arith.mulf %get3A_523, %get3A_523 : vector<16xf32>
        %add3A_525 = arith.addf %add3A_517, %mul3A_524 : vector<16xf32>
        %get3A_526 = arith.constant 0 : i32
        %get3A_527 = arith.index_cast %get3A_526 : i32 to index
        %get3A_528 = arith.index_cast %scan3A_491 : i32 to index
        %get3A_529 = arith.constant 64 : index
        %get3A_530 = tpu.vector_load %arg6[%get3A_527, %get3A_528, %get3A_529] {strides = array<i32>} : memref<5x128x128xf32, #tpu.memory_space<vmem>>, vector<1x1x16xf32>,
        %get3A_531 = vector.shape_cast %get3A_530 : vector<1x1x16xf32> to vector<16xf32>
        %mul3A_532 = arith.mulf %get3A_531, %get3A_531 : vector<16xf32>
        %add3A_533 = arith.addf %add3A_525, %mul3A_532 : vector<16xf32>
        %get3A_534 = arith.constant 0 : i32
        %get3A_535 = arith.index_cast %get3A_534 : i32 to index
        %get3A_536 = arith.index_cast %scan3A_491 : i32 to index
        %get3A_537 = arith.constant 80 : index
        %get3A_538 = tpu.vector_load %arg6[%get3A_535, %get3A_536, %get3A_537] {strides = array<i32>} : memref<5x128x128xf32, #tpu.memory_space<vmem>>, vector<1x1x16xf32>,
        %get3A_539 = vector.shape_cast %get3A_538 : vector<1x1x16xf32> to vector<16xf32>
        %mul3A_540 = arith.mulf %get3A_539, %get3A_539 : vector<16xf32>
        %add3A_541 = arith.addf %add3A_533, %mul3A_540 : vector<16xf32>
        %get3A_542 = arith.constant 0 : i32
        %get3A_543 = arith.index_cast %get3A_542 : i32 to index
        %get3A_544 = arith.index_cast %scan3A_491 : i32 to index
        %get3A_545 = arith.constant 96 : index
        %get3A_546 = tpu.vector_load %arg6[%get3A_543, %get3A_544, %get3A_545] {strides = array<i32>} : memref<5x128x128xf32, #tpu.memory_space<vmem>>, vector<1x1x16xf32>,
        %get3A_547 = vector.shape_cast %get3A_546 : vector<1x1x16xf32> to vector<16xf32>
        %mul3A_548 = arith.mulf %get3A_547, %get3A_547 : vector<16xf32>
        %add3A_549 = arith.addf %add3A_541, %mul3A_548 : vector<16xf32>
        %get3A_550 = arith.constant 0 : i32
        %get3A_551 = arith.index_cast %get3A_550 : i32 to index
        %get3A_552 = arith.index_cast %scan3A_491 : i32 to index
        %get3A_553 = arith.constant 112 : index
        %get3A_554 = tpu.vector_load %arg6[%get3A_551, %get3A_552, %get3A_553] {strides = array<i32>} : memref<5x128x128xf32, #tpu.memory_space<vmem>>, vector<1x1x16xf32>,
        %get3A_555 = vector.shape_cast %get3A_554 : vector<1x1x16xf32> to vector<16xf32>
        %mul3A_556 = arith.mulf %get3A_555, %get3A_555 : vector<16xf32>
        %add3A_557 = arith.addf %add3A_549, %mul3A_556 : vector<16xf32>
        %iota3A_558 = tpu.iota {dimensions = array<i32: 0>} : vector<16xi32>
        %xor3A_559 = arith.constant 8 : i32
        %xor3A_560 = vector.broadcast %xor3A_559 : i32 to vector<16xi32>
        %xor3A_561 = arith.xori %iota3A_558, %xor3A_560 : vector<16xi32>
        %reshape3A_562 = vector.shape_cast %xor3A_561 : vector<16xi32> to vector<16x1xi32>
        %gather3A_563 = vector.shape_cast %reshape3A_562 : vector<16x1xi32> to vector<16xi32>
        %gather3A_564 = tpu.dynamic_gather %add3A_557[%gather3A_563] in [0] : vector<16xf32>, vector<16xi32> -> vector<16xf32>
        %add3A_565 = arith.addf %add3A_557, %gather3A_564 : vector<16xf32>
        %xor3A_566 = arith.constant 4 : i32
        %xor3A_567 = vector.broadcast %xor3A_566 : i32 to vector<16xi32>
        %xor3A_568 = arith.xori %iota3A_558, %xor3A_567 : vector<16xi32>
        %reshape3A_569 = vector.shape_cast %xor3A_568 : vector<16xi32> to vector<16x1xi32>
        %gather3A_570 = vector.shape_cast %reshape3A_569 : vector<16x1xi32> to vector<16xi32>
        %gather3A_571 = tpu.dynamic_gather %add3A_565[%gather3A_570] in [0] : vector<16xf32>, vector<16xi32> -> vector<16xf32>
        %add3A_572 = arith.addf %add3A_565, %gather3A_571 : vector<16xf32>
        %xor3A_573 = arith.constant 2 : i32
        %xor3A_574 = vector.broadcast %xor3A_573 : i32 to vector<16xi32>
        %xor3A_575 = arith.xori %iota3A_558, %xor3A_574 : vector<16xi32>
        %reshape3A_576 = vector.shape_cast %xor3A_575 : vector<16xi32> to vector<16x1xi32>
        %gather3A_577 = vector.shape_cast %reshape3A_576 : vector<16x1xi32> to vector<16xi32>
        %gather3A_578 = tpu.dynamic_gather %add3A_572[%gather3A_577] in [0] : vector<16xf32>, vector<16xi32> -> vector<16xf32>
        %add3A_579 = arith.addf %add3A_572, %gather3A_578 : vector<16xf32>
        %xor3A_580 = arith.constant 1 : i32
        %xor3A_581 = vector.broadcast %xor3A_580 : i32 to vector<16xi32>
        %xor3A_582 = arith.xori %iota3A_558, %xor3A_581 : vector<16xi32>
        %reshape3A_583 = vector.shape_cast %xor3A_582 : vector<16xi32> to vector<16x1xi32>
        %gather3A_584 = vector.shape_cast %reshape3A_583 : vector<16x1xi32> to vector<16xi32>
        %gather3A_585 = tpu.dynamic_gather %add3A_579[%gather3A_584] in [0] : vector<16xf32>, vector<16xi32> -> vector<16xf32>
        %add3A_586 = arith.addf %add3A_579, %gather3A_585 : vector<16xf32>
        %bitcast_convert_type3A_587 = tpu.bitcast %add3A_586 : vector<16xf32> -> vector<16xi32>
        %shift_right_logical3A_588 = arith.constant 1 : i32
        %shift_right_logical3A_589 = vector.broadcast %shift_right_logical3A_588 : i32 to vector<16xi32>
        %shift_right_logical3A_590 = arith.shrui %bitcast_convert_type3A_587, %shift_right_logical3A_589 : vector<16xi32>
        %sub3A_591 = arith.constant 1597463007 : i32
        %sub3A_592 = vector.broadcast %sub3A_591 : i32 to vector<16xi32>
        %sub3A_593 = arith.subi %sub3A_592, %shift_right_logical3A_590 : vector<16xi32>
        %bitcast_convert_type3A_594 = tpu.bitcast %sub3A_593 : vector<16xi32> -> vector<16xf32>
        %mul3A_595 = arith.constant 5.000000e-01 : f32
        %mul3A_596 = vector.broadcast %mul3A_595 : f32 to vector<16xf32>
        %mul3A_597 = arith.mulf %add3A_586, %mul3A_596 : vector<16xf32>
        %mul3A_598 = arith.mulf %mul3A_597, %bitcast_convert_type3A_594 : vector<16xf32>
        %mul3A_599 = arith.mulf %mul3A_598, %bitcast_convert_type3A_594 : vector<16xf32>
        %sub3A_600 = arith.constant 1.500000e+00 : f32
        %sub3A_601 = vector.broadcast %sub3A_600 : f32 to vector<16xf32>
        %sub3A_602 = arith.subf %sub3A_601, %mul3A_599 : vector<16xf32>
        %mul3A_603 = arith.mulf %bitcast_convert_type3A_594, %sub3A_602 : vector<16xf32>
        %mul3A_604 = arith.mulf %get3A_499, %mul3A_603 : vector<16xf32>
        %swap3A_605 = arith.constant 0 : i32
        %swap3A_606 = arith.index_cast %swap3A_605 : i32 to index
        %swap3A_607 = arith.index_cast %scan3A_491 : i32 to index
        %swap3A_608 = arith.constant 0 : index
        %swap3A_609 = tpu.vector_load %arg6[%swap3A_606, %swap3A_607, %swap3A_608] {strides = array<i32>} : memref<5x128x128xf32, #tpu.memory_space<vmem>>, vector<1x1x16xf32>,
        %swap3A_610 = vector.shape_cast %swap3A_609 : vector<1x1x16xf32> to vector<16xf32>
        %swap3A_611 = vector.shape_cast %mul3A_604 : vector<16xf32> to vector<1x1x16xf32>
        tpu.vector_store %arg6[%swap3A_606, %swap3A_607, %swap3A_608], %swap3A_611 {strides = array<i32>} : memref<5x128x128xf32, #tpu.memory_space<vmem>>, vector<1x1x16xf32>,
        %mul3A_612 = arith.mulf %get3A_507, %mul3A_603 : vector<16xf32>
        %swap3A_613 = arith.constant 0 : i32
        %swap3A_614 = arith.index_cast %swap3A_613 : i32 to index
        %swap3A_615 = arith.index_cast %scan3A_491 : i32 to index
        %swap3A_616 = arith.constant 16 : index
        %swap3A_617 = tpu.vector_load %arg6[%swap3A_614, %swap3A_615, %swap3A_616] {strides = array<i32>} : memref<5x128x128xf32, #tpu.memory_space<vmem>>, vector<1x1x16xf32>,
        %swap3A_618 = vector.shape_cast %swap3A_617 : vector<1x1x16xf32> to vector<16xf32>
        %swap3A_619 = vector.shape_cast %mul3A_612 : vector<16xf32> to vector<1x1x16xf32>
        tpu.vector_store %arg6[%swap3A_614, %swap3A_615, %swap3A_616], %swap3A_619 {strides = array<i32>} : memref<5x128x128xf32, #tpu.memory_space<vmem>>, vector<1x1x16xf32>,
        %mul3A_620 = arith.mulf %get3A_515, %mul3A_603 : vector<16xf32>
        %swap3A_621 = arith.constant 0 : i32
        %swap3A_622 = arith.index_cast %swap3A_621 : i32 to index
        %swap3A_623 = arith.index_cast %scan3A_491 : i32 to index
        %swap3A_624 = arith.constant 32 : index
        %swap3A_625 = tpu.vector_load %arg6[%swap3A_622, %swap3A_623, %swap3A_624] {strides = array<i32>} : memref<5x128x128xf32, #tpu.memory_space<vmem>>, vector<1x1x16xf32>,
        %swap3A_626 = vector.shape_cast %swap3A_625 : vector<1x1x16xf32> to vector<16xf32>
        %swap3A_627 = vector.shape_cast %mul3A_620 : vector<16xf32> to vector<1x1x16xf32>
        tpu.vector_store %arg6[%swap3A_622, %swap3A_623, %swap3A_624], %swap3A_627 {strides = array<i32>} : memref<5x128x128xf32, #tpu.memory_space<vmem>>, vector<1x1x16xf32>,
        %mul3A_628 = arith.mulf %get3A_523, %mul3A_603 : vector<16xf32>
        %swap3A_629 = arith.constant 0 : i32
        %swap3A_630 = arith.index_cast %swap3A_629 : i32 to index
        %swap3A_631 = arith.index_cast %scan3A_491 : i32 to index
        %swap3A_632 = arith.constant 48 : index
        %swap3A_633 = tpu.vector_load %arg6[%swap3A_630, %swap3A_631, %swap3A_632] {strides = array<i32>} : memref<5x128x128xf32, #tpu.memory_space<vmem>>, vector<1x1x16xf32>,
        %swap3A_634 = vector.shape_cast %swap3A_633 : vector<1x1x16xf32> to vector<16xf32>
        %swap3A_635 = vector.shape_cast %mul3A_628 : vector<16xf32> to vector<1x1x16xf32>
        tpu.vector_store %arg6[%swap3A_630, %swap3A_631, %swap3A_632], %swap3A_635 {strides = array<i32>} : memref<5x128x128xf32, #tpu.memory_space<vmem>>, vector<1x1x16xf32>,
        %mul3A_636 = arith.mulf %get3A_531, %mul3A_603 : vector<16xf32>
        %swap3A_637 = arith.constant 0 : i32
        %swap3A_638 = arith.index_cast %swap3A_637 : i32 to index
        %swap3A_639 = arith.index_cast %scan3A_491 : i32 to index
        %swap3A_640 = arith.constant 64 : index
        %swap3A_641 = tpu.vector_load %arg6[%swap3A_638, %swap3A_639, %swap3A_640] {strides = array<i32>} : memref<5x128x128xf32, #tpu.memory_space<vmem>>, vector<1x1x16xf32>,
        %swap3A_642 = vector.shape_cast %swap3A_641 : vector<1x1x16xf32> to vector<16xf32>
        %swap3A_643 = vector.shape_cast %mul3A_636 : vector<16xf32> to vector<1x1x16xf32>
        tpu.vector_store %arg6[%swap3A_638, %swap3A_639, %swap3A_640], %swap3A_643 {strides = array<i32>} : memref<5x128x128xf32, #tpu.memory_space<vmem>>, vector<1x1x16xf32>,
        %mul3A_644 = arith.mulf %get3A_539, %mul3A_603 : vector<16xf32>
        %swap3A_645 = arith.constant 0 : i32
        %swap3A_646 = arith.index_cast %swap3A_645 : i32 to index
        %swap3A_647 = arith.index_cast %scan3A_491 : i32 to index
        %swap3A_648 = arith.constant 80 : index
        %swap3A_649 = tpu.vector_load %arg6[%swap3A_646, %swap3A_647, %swap3A_648] {strides = array<i32>} : memref<5x128x128xf32, #tpu.memory_space<vmem>>, vector<1x1x16xf32>,
        %swap3A_650 = vector.shape_cast %swap3A_649 : vector<1x1x16xf32> to vector<16xf32>
        %swap3A_651 = vector.shape_cast %mul3A_644 : vector<16xf32> to vector<1x1x16xf32>
        tpu.vector_store %arg6[%swap3A_646, %swap3A_647, %swap3A_648], %swap3A_651 {strides = array<i32>} : memref<5x128x128xf32, #tpu.memory_space<vmem>>, vector<1x1x16xf32>,
        %mul3A_652 = arith.mulf %get3A_547, %mul3A_603 : vector<16xf32>
        %swap3A_653 = arith.constant 0 : i32
        %swap3A_654 = arith.index_cast %swap3A_653 : i32 to index
        %swap3A_655 = arith.index_cast %scan3A_491 : i32 to index
        %swap3A_656 = arith.constant 96 : index
        %swap3A_657 = tpu.vector_load %arg6[%swap3A_654, %swap3A_655, %swap3A_656] {strides = array<i32>} : memref<5x128x128xf32, #tpu.memory_space<vmem>>, vector<1x1x16xf32>,
        %swap3A_658 = vector.shape_cast %swap3A_657 : vector<1x1x16xf32> to vector<16xf32>
        %swap3A_659 = vector.shape_cast %mul3A_652 : vector<16xf32> to vector<1x1x16xf32>
        tpu.vector_store %arg6[%swap3A_654, %swap3A_655, %swap3A_656], %swap3A_659 {strides = array<i32>} : memref<5x128x128xf32, #tpu.memory_space<vmem>>, vector<1x1x16xf32>,
        %mul3A_660 = arith.mulf %get3A_555, %mul3A_603 : vector<16xf32>
        %swap3A_661 = arith.constant 0 : i32
        %swap3A_662 = arith.index_cast %swap3A_661 : i32 to index
        %swap3A_663 = arith.index_cast %scan3A_491 : i32 to index
        %swap3A_664 = arith.constant 112 : index
        %swap3A_665 = tpu.vector_load %arg6[%swap3A_662, %swap3A_663, %swap3A_664] {strides = array<i32>} : memref<5x128x128xf32, #tpu.memory_space<vmem>>, vector<1x1x16xf32>,
        %swap3A_666 = vector.shape_cast %swap3A_665 : vector<1x1x16xf32> to vector<16xf32>
        %swap3A_667 = vector.shape_cast %mul3A_660 : vector<16xf32> to vector<1x1x16xf32>
        tpu.vector_store %arg6[%swap3A_662, %swap3A_663, %swap3A_664], %swap3A_667 {strides = array<i32>} : memref<5x128x128xf32, #tpu.memory_space<vmem>>, vector<1x1x16xf32>,
        %scan3A_668 = arith.constant 2 : i32
        %scan3A_669 = arith.addi %scan3A_323, %scan3A_668 : i32
        %broadcast_in_dim3A_670 = arith.constant 0.000000e+00 : f32
        %broadcast_in_dim3A_671 = vector.broadcast %broadcast_in_dim3A_670 : f32 to vector<16xf32>
        %get3A_672 = arith.constant 0 : i32
        %get3A_673 = arith.index_cast %get3A_672 : i32 to index
        %get3A_674 = arith.index_cast %scan3A_669 : i32 to index
        %get3A_675 = arith.constant 0 : index
        %get3A_676 = tpu.vector_load %arg6[%get3A_673, %get3A_674, %get3A_675] {strides = array<i32>} : memref<5x128x128xf32, #tpu.memory_space<vmem>>, vector<1x1x16xf32>,
        %get3A_677 = vector.shape_cast %get3A_676 : vector<1x1x16xf32> to vector<16xf32>
        %mul3A_678 = arith.mulf %get3A_677, %get3A_677 : vector<16xf32>
        %add3A_679 = arith.addf %broadcast_in_dim3A_671, %mul3A_678 : vector<16xf32>
        %get3A_680 = arith.constant 0 : i32
        %get3A_681 = arith.index_cast %get3A_680 : i32 to index
        %get3A_682 = arith.index_cast %scan3A_669 : i32 to index
        %get3A_683 = arith.constant 16 : index
        %get3A_684 = tpu.vector_load %arg6[%get3A_681, %get3A_682, %get3A_683] {strides = array<i32>} : memref<5x128x128xf32, #tpu.memory_space<vmem>>, vector<1x1x16xf32>,
        %get3A_685 = vector.shape_cast %get3A_684 : vector<1x1x16xf32> to vector<16xf32>
        %mul3A_686 = arith.mulf %get3A_685, %get3A_685 : vector<16xf32>
        %add3A_687 = arith.addf %add3A_679, %mul3A_686 : vector<16xf32>
        %get3A_688 = arith.constant 0 : i32
        %get3A_689 = arith.index_cast %get3A_688 : i32 to index
        %get3A_690 = arith.index_cast %scan3A_669 : i32 to index
        %get3A_691 = arith.constant 32 : index
        %get3A_692 = tpu.vector_load %arg6[%get3A_689, %get3A_690, %get3A_691] {strides = array<i32>} : memref<5x128x128xf32, #tpu.memory_space<vmem>>, vector<1x1x16xf32>,
        %get3A_693 = vector.shape_cast %get3A_692 : vector<1x1x16xf32> to vector<16xf32>
        %mul3A_694 = arith.mulf %get3A_693, %get3A_693 : vector<16xf32>
        %add3A_695 = arith.addf %add3A_687, %mul3A_694 : vector<16xf32>
        %get3A_696 = arith.constant 0 : i32
        %get3A_697 = arith.index_cast %get3A_696 : i32 to index
        %get3A_698 = arith.index_cast %scan3A_669 : i32 to index
        %get3A_699 = arith.constant 48 : index
        %get3A_700 = tpu.vector_load %arg6[%get3A_697, %get3A_698, %get3A_699] {strides = array<i32>} : memref<5x128x128xf32, #tpu.memory_space<vmem>>, vector<1x1x16xf32>,
        %get3A_701 = vector.shape_cast %get3A_700 : vector<1x1x16xf32> to vector<16xf32>
        %mul3A_702 = arith.mulf %get3A_701, %get3A_701 : vector<16xf32>
        %add3A_703 = arith.addf %add3A_695, %mul3A_702 : vector<16xf32>
        %get3A_704 = arith.constant 0 : i32
        %get3A_705 = arith.index_cast %get3A_704 : i32 to index
        %get3A_706 = arith.index_cast %scan3A_669 : i32 to index
        %get3A_707 = arith.constant 64 : index
        %get3A_708 = tpu.vector_load %arg6[%get3A_705, %get3A_706, %get3A_707] {strides = array<i32>} : memref<5x128x128xf32, #tpu.memory_space<vmem>>, vector<1x1x16xf32>,
        %get3A_709 = vector.shape_cast %get3A_708 : vector<1x1x16xf32> to vector<16xf32>
        %mul3A_710 = arith.mulf %get3A_709, %get3A_709 : vector<16xf32>
        %add3A_711 = arith.addf %add3A_703, %mul3A_710 : vector<16xf32>
        %get3A_712 = arith.constant 0 : i32
        %get3A_713 = arith.index_cast %get3A_712 : i32 to index
        %get3A_714 = arith.index_cast %scan3A_669 : i32 to index
        %get3A_715 = arith.constant 80 : index
        %get3A_716 = tpu.vector_load %arg6[%get3A_713, %get3A_714, %get3A_715] {strides = array<i32>} : memref<5x128x128xf32, #tpu.memory_space<vmem>>, vector<1x1x16xf32>,
        %get3A_717 = vector.shape_cast %get3A_716 : vector<1x1x16xf32> to vector<16xf32>
        %mul3A_718 = arith.mulf %get3A_717, %get3A_717 : vector<16xf32>
        %add3A_719 = arith.addf %add3A_711, %mul3A_718 : vector<16xf32>
        %get3A_720 = arith.constant 0 : i32
        %get3A_721 = arith.index_cast %get3A_720 : i32 to index
        %get3A_722 = arith.index_cast %scan3A_669 : i32 to index
        %get3A_723 = arith.constant 96 : index
        %get3A_724 = tpu.vector_load %arg6[%get3A_721, %get3A_722, %get3A_723] {strides = array<i32>} : memref<5x128x128xf32, #tpu.memory_space<vmem>>, vector<1x1x16xf32>,
        %get3A_725 = vector.shape_cast %get3A_724 : vector<1x1x16xf32> to vector<16xf32>
        %mul3A_726 = arith.mulf %get3A_725, %get3A_725 : vector<16xf32>
        %add3A_727 = arith.addf %add3A_719, %mul3A_726 : vector<16xf32>
        %get3A_728 = arith.constant 0 : i32
        %get3A_729 = arith.index_cast %get3A_728 : i32 to index
        %get3A_730 = arith.index_cast %scan3A_669 : i32 to index
        %get3A_731 = arith.constant 112 : index
        %get3A_732 = tpu.vector_load %arg6[%get3A_729, %get3A_730, %get3A_731] {strides = array<i32>} : memref<5x128x128xf32, #tpu.memory_space<vmem>>, vector<1x1x16xf32>,
        %get3A_733 = vector.shape_cast %get3A_732 : vector<1x1x16xf32> to vector<16xf32>
        %mul3A_734 = arith.mulf %get3A_733, %get3A_733 : vector<16xf32>
        %add3A_735 = arith.addf %add3A_727, %mul3A_734 : vector<16xf32>
        %iota3A_736 = tpu.iota {dimensions = array<i32: 0>} : vector<16xi32>
        %xor3A_737 = arith.constant 8 : i32
        %xor3A_738 = vector.broadcast %xor3A_737 : i32 to vector<16xi32>
        %xor3A_739 = arith.xori %iota3A_736, %xor3A_738 : vector<16xi32>
        %reshape3A_740 = vector.shape_cast %xor3A_739 : vector<16xi32> to vector<16x1xi32>
        %gather3A_741 = vector.shape_cast %reshape3A_740 : vector<16x1xi32> to vector<16xi32>
        %gather3A_742 = tpu.dynamic_gather %add3A_735[%gather3A_741] in [0] : vector<16xf32>, vector<16xi32> -> vector<16xf32>
        %add3A_743 = arith.addf %add3A_735, %gather3A_742 : vector<16xf32>
        %xor3A_744 = arith.constant 4 : i32
        %xor3A_745 = vector.broadcast %xor3A_744 : i32 to vector<16xi32>
        %xor3A_746 = arith.xori %iota3A_736, %xor3A_745 : vector<16xi32>
        %reshape3A_747 = vector.shape_cast %xor3A_746 : vector<16xi32> to vector<16x1xi32>
        %gather3A_748 = vector.shape_cast %reshape3A_747 : vector<16x1xi32> to vector<16xi32>
        %gather3A_749 = tpu.dynamic_gather %add3A_743[%gather3A_748] in [0] : vector<16xf32>, vector<16xi32> -> vector<16xf32>
        %add3A_750 = arith.addf %add3A_743, %gather3A_749 : vector<16xf32>
        %xor3A_751 = arith.constant 2 : i32
        %xor3A_752 = vector.broadcast %xor3A_751 : i32 to vector<16xi32>
        %xor3A_753 = arith.xori %iota3A_736, %xor3A_752 : vector<16xi32>
        %reshape3A_754 = vector.shape_cast %xor3A_753 : vector<16xi32> to vector<16x1xi32>
        %gather3A_755 = vector.shape_cast %reshape3A_754 : vector<16x1xi32> to vector<16xi32>
        %gather3A_756 = tpu.dynamic_gather %add3A_750[%gather3A_755] in [0] : vector<16xf32>, vector<16xi32> -> vector<16xf32>
        %add3A_757 = arith.addf %add3A_750, %gather3A_756 : vector<16xf32>
        %xor3A_758 = arith.constant 1 : i32
        %xor3A_759 = vector.broadcast %xor3A_758 : i32 to vector<16xi32>
        %xor3A_760 = arith.xori %iota3A_736, %xor3A_759 : vector<16xi32>
        %reshape3A_761 = vector.shape_cast %xor3A_760 : vector<16xi32> to vector<16x1xi32>
        %gather3A_762 = vector.shape_cast %reshape3A_761 : vector<16x1xi32> to vector<16xi32>
        %gather3A_763 = tpu.dynamic_gather %add3A_757[%gather3A_762] in [0] : vector<16xf32>, vector<16xi32> -> vector<16xf32>
        %add3A_764 = arith.addf %add3A_757, %gather3A_763 : vector<16xf32>
        %bitcast_convert_type3A_765 = tpu.bitcast %add3A_764 : vector<16xf32> -> vector<16xi32>
        %shift_right_logical3A_766 = arith.constant 1 : i32
        %shift_right_logical3A_767 = vector.broadcast %shift_right_logical3A_766 : i32 to vector<16xi32>
        %shift_right_logical3A_768 = arith.shrui %bitcast_convert_type3A_765, %shift_right_logical3A_767 : vector<16xi32>
        %sub3A_769 = arith.constant 1597463007 : i32
        %sub3A_770 = vector.broadcast %sub3A_769 : i32 to vector<16xi32>
        %sub3A_771 = arith.subi %sub3A_770, %shift_right_logical3A_768 : vector<16xi32>
        %bitcast_convert_type3A_772 = tpu.bitcast %sub3A_771 : vector<16xi32> -> vector<16xf32>
        %mul3A_773 = arith.constant 5.000000e-01 : f32
        %mul3A_774 = vector.broadcast %mul3A_773 : f32 to vector<16xf32>
        %mul3A_775 = arith.mulf %add3A_764, %mul3A_774 : vector<16xf32>
        %mul3A_776 = arith.mulf %mul3A_775, %bitcast_convert_type3A_772 : vector<16xf32>
        %mul3A_777 = arith.mulf %mul3A_776, %bitcast_convert_type3A_772 : vector<16xf32>
        %sub3A_778 = arith.constant 1.500000e+00 : f32
        %sub3A_779 = vector.broadcast %sub3A_778 : f32 to vector<16xf32>
        %sub3A_780 = arith.subf %sub3A_779, %mul3A_777 : vector<16xf32>
        %mul3A_781 = arith.mulf %bitcast_convert_type3A_772, %sub3A_780 : vector<16xf32>
        %mul3A_782 = arith.mulf %get3A_677, %mul3A_781 : vector<16xf32>
        %swap3A_783 = arith.constant 0 : i32
        %swap3A_784 = arith.index_cast %swap3A_783 : i32 to index
        %swap3A_785 = arith.index_cast %scan3A_669 : i32 to index
        %swap3A_786 = arith.constant 0 : index
        %swap3A_787 = tpu.vector_load %arg6[%swap3A_784, %swap3A_785, %swap3A_786] {strides = array<i32>} : memref<5x128x128xf32, #tpu.memory_space<vmem>>, vector<1x1x16xf32>,
        %swap3A_788 = vector.shape_cast %swap3A_787 : vector<1x1x16xf32> to vector<16xf32>
        %swap3A_789 = vector.shape_cast %mul3A_782 : vector<16xf32> to vector<1x1x16xf32>
        tpu.vector_store %arg6[%swap3A_784, %swap3A_785, %swap3A_786], %swap3A_789 {strides = array<i32>} : memref<5x128x128xf32, #tpu.memory_space<vmem>>, vector<1x1x16xf32>,
        %mul3A_790 = arith.mulf %get3A_685, %mul3A_781 : vector<16xf32>
        %swap3A_791 = arith.constant 0 : i32
        %swap3A_792 = arith.index_cast %swap3A_791 : i32 to index
        %swap3A_793 = arith.index_cast %scan3A_669 : i32 to index
        %swap3A_794 = arith.constant 16 : index
        %swap3A_795 = tpu.vector_load %arg6[%swap3A_792, %swap3A_793, %swap3A_794] {strides = array<i32>} : memref<5x128x128xf32, #tpu.memory_space<vmem>>, vector<1x1x16xf32>,
        %swap3A_796 = vector.shape_cast %swap3A_795 : vector<1x1x16xf32> to vector<16xf32>
        %swap3A_797 = vector.shape_cast %mul3A_790 : vector<16xf32> to vector<1x1x16xf32>
        tpu.vector_store %arg6[%swap3A_792, %swap3A_793, %swap3A_794], %swap3A_797 {strides = array<i32>} : memref<5x128x128xf32, #tpu.memory_space<vmem>>, vector<1x1x16xf32>,
        %mul3A_798 = arith.mulf %get3A_693, %mul3A_781 : vector<16xf32>
        %swap3A_799 = arith.constant 0 : i32
        %swap3A_800 = arith.index_cast %swap3A_799 : i32 to index
        %swap3A_801 = arith.index_cast %scan3A_669 : i32 to index
        %swap3A_802 = arith.constant 32 : index
        %swap3A_803 = tpu.vector_load %arg6[%swap3A_800, %swap3A_801, %swap3A_802] {strides = array<i32>} : memref<5x128x128xf32, #tpu.memory_space<vmem>>, vector<1x1x16xf32>,
        %swap3A_804 = vector.shape_cast %swap3A_803 : vector<1x1x16xf32> to vector<16xf32>
        %swap3A_805 = vector.shape_cast %mul3A_798 : vector<16xf32> to vector<1x1x16xf32>
        tpu.vector_store %arg6[%swap3A_800, %swap3A_801, %swap3A_802], %swap3A_805 {strides = array<i32>} : memref<5x128x128xf32, #tpu.memory_space<vmem>>, vector<1x1x16xf32>,
        %mul3A_806 = arith.mulf %get3A_701, %mul3A_781 : vector<16xf32>
        %swap3A_807 = arith.constant 0 : i32
        %swap3A_808 = arith.index_cast %swap3A_807 : i32 to index
        %swap3A_809 = arith.index_cast %scan3A_669 : i32 to index
        %swap3A_810 = arith.constant 48 : index
        %swap3A_811 = tpu.vector_load %arg6[%swap3A_808, %swap3A_809, %swap3A_810] {strides = array<i32>} : memref<5x128x128xf32, #tpu.memory_space<vmem>>, vector<1x1x16xf32>,
        %swap3A_812 = vector.shape_cast %swap3A_811 : vector<1x1x16xf32> to vector<16xf32>
        %swap3A_813 = vector.shape_cast %mul3A_806 : vector<16xf32> to vector<1x1x16xf32>
        tpu.vector_store %arg6[%swap3A_808, %swap3A_809, %swap3A_810], %swap3A_813 {strides = array<i32>} : memref<5x128x128xf32, #tpu.memory_space<vmem>>, vector<1x1x16xf32>,
        %mul3A_814 = arith.mulf %get3A_709, %mul3A_781 : vector<16xf32>
        %swap3A_815 = arith.constant 0 : i32
        %swap3A_816 = arith.index_cast %swap3A_815 : i32 to index
        %swap3A_817 = arith.index_cast %scan3A_669 : i32 to index
        %swap3A_818 = arith.constant 64 : index
        %swap3A_819 = tpu.vector_load %arg6[%swap3A_816, %swap3A_817, %swap3A_818] {strides = array<i32>} : memref<5x128x128xf32, #tpu.memory_space<vmem>>, vector<1x1x16xf32>,
        %swap3A_820 = vector.shape_cast %swap3A_819 : vector<1x1x16xf32> to vector<16xf32>
        %swap3A_821 = vector.shape_cast %mul3A_814 : vector<16xf32> to vector<1x1x16xf32>
        tpu.vector_store %arg6[%swap3A_816, %swap3A_817, %swap3A_818], %swap3A_821 {strides = array<i32>} : memref<5x128x128xf32, #tpu.memory_space<vmem>>, vector<1x1x16xf32>,
        %mul3A_822 = arith.mulf %get3A_717, %mul3A_781 : vector<16xf32>
        %swap3A_823 = arith.constant 0 : i32
        %swap3A_824 = arith.index_cast %swap3A_823 : i32 to index
        %swap3A_825 = arith.index_cast %scan3A_669 : i32 to index
        %swap3A_826 = arith.constant 80 : index
        %swap3A_827 = tpu.vector_load %arg6[%swap3A_824, %swap3A_825, %swap3A_826] {strides = array<i32>} : memref<5x128x128xf32, #tpu.memory_space<vmem>>, vector<1x1x16xf32>,
        %swap3A_828 = vector.shape_cast %swap3A_827 : vector<1x1x16xf32> to vector<16xf32>
        %swap3A_829 = vector.shape_cast %mul3A_822 : vector<16xf32> to vector<1x1x16xf32>
        tpu.vector_store %arg6[%swap3A_824, %swap3A_825, %swap3A_826], %swap3A_829 {strides = array<i32>} : memref<5x128x128xf32, #tpu.memory_space<vmem>>, vector<1x1x16xf32>,
        %mul3A_830 = arith.mulf %get3A_725, %mul3A_781 : vector<16xf32>
        %swap3A_831 = arith.constant 0 : i32
        %swap3A_832 = arith.index_cast %swap3A_831 : i32 to index
        %swap3A_833 = arith.index_cast %scan3A_669 : i32 to index
        %swap3A_834 = arith.constant 96 : index
        %swap3A_835 = tpu.vector_load %arg6[%swap3A_832, %swap3A_833, %swap3A_834] {strides = array<i32>} : memref<5x128x128xf32, #tpu.memory_space<vmem>>, vector<1x1x16xf32>,
        %swap3A_836 = vector.shape_cast %swap3A_835 : vector<1x1x16xf32> to vector<16xf32>
        %swap3A_837 = vector.shape_cast %mul3A_830 : vector<16xf32> to vector<1x1x16xf32>
        tpu.vector_store %arg6[%swap3A_832, %swap3A_833, %swap3A_834], %swap3A_837 {strides = array<i32>} : memref<5x128x128xf32, #tpu.memory_space<vmem>>, vector<1x1x16xf32>,
        %mul3A_838 = arith.mulf %get3A_733, %mul3A_781 : vector<16xf32>
        %swap3A_839 = arith.constant 0 : i32
        %swap3A_840 = arith.index_cast %swap3A_839 : i32 to index
        %swap3A_841 = arith.index_cast %scan3A_669 : i32 to index
        %swap3A_842 = arith.constant 112 : index
        %swap3A_843 = tpu.vector_load %arg6[%swap3A_840, %swap3A_841, %swap3A_842] {strides = array<i32>} : memref<5x128x128xf32, #tpu.memory_space<vmem>>, vector<1x1x16xf32>,
        %swap3A_844 = vector.shape_cast %swap3A_843 : vector<1x1x16xf32> to vector<16xf32>
        %swap3A_845 = vector.shape_cast %mul3A_838 : vector<16xf32> to vector<1x1x16xf32>
        tpu.vector_store %arg6[%swap3A_840, %swap3A_841, %swap3A_842], %swap3A_845 {strides = array<i32>} : memref<5x128x128xf32, #tpu.memory_space<vmem>>, vector<1x1x16xf32>,
        %scan3A_846 = arith.constant 3 : i32
        %scan3A_847 = arith.addi %scan3A_323, %scan3A_846 : i32
        %broadcast_in_dim3A_848 = arith.constant 0.000000e+00 : f32
        %broadcast_in_dim3A_849 = vector.broadcast %broadcast_in_dim3A_848 : f32 to vector<16xf32>
        %get3A_850 = arith.constant 0 : i32
        %get3A_851 = arith.index_cast %get3A_850 : i32 to index
        %get3A_852 = arith.index_cast %scan3A_847 : i32 to index
        %get3A_853 = arith.constant 0 : index
        %get3A_854 = tpu.vector_load %arg6[%get3A_851, %get3A_852, %get3A_853] {strides = array<i32>} : memref<5x128x128xf32, #tpu.memory_space<vmem>>, vector<1x1x16xf32>,
        %get3A_855 = vector.shape_cast %get3A_854 : vector<1x1x16xf32> to vector<16xf32>
        %mul3A_856 = arith.mulf %get3A_855, %get3A_855 : vector<16xf32>
        %add3A_857 = arith.addf %broadcast_in_dim3A_849, %mul3A_856 : vector<16xf32>
        %get3A_858 = arith.constant 0 : i32
        %get3A_859 = arith.index_cast %get3A_858 : i32 to index
        %get3A_860 = arith.index_cast %scan3A_847 : i32 to index
        %get3A_861 = arith.constant 16 : index
        %get3A_862 = tpu.vector_load %arg6[%get3A_859, %get3A_860, %get3A_861] {strides = array<i32>} : memref<5x128x128xf32, #tpu.memory_space<vmem>>, vector<1x1x16xf32>,
        %get3A_863 = vector.shape_cast %get3A_862 : vector<1x1x16xf32> to vector<16xf32>
        %mul3A_864 = arith.mulf %get3A_863, %get3A_863 : vector<16xf32>
        %add3A_865 = arith.addf %add3A_857, %mul3A_864 : vector<16xf32>
        %get3A_866 = arith.constant 0 : i32
        %get3A_867 = arith.index_cast %get3A_866 : i32 to index
        %get3A_868 = arith.index_cast %scan3A_847 : i32 to index
        %get3A_869 = arith.constant 32 : index
        %get3A_870 = tpu.vector_load %arg6[%get3A_867, %get3A_868, %get3A_869] {strides = array<i32>} : memref<5x128x128xf32, #tpu.memory_space<vmem>>, vector<1x1x16xf32>,
        %get3A_871 = vector.shape_cast %get3A_870 : vector<1x1x16xf32> to vector<16xf32>
        %mul3A_872 = arith.mulf %get3A_871, %get3A_871 : vector<16xf32>
        %add3A_873 = arith.addf %add3A_865, %mul3A_872 : vector<16xf32>
        %get3A_874 = arith.constant 0 : i32
        %get3A_875 = arith.index_cast %get3A_874 : i32 to index
        %get3A_876 = arith.index_cast %scan3A_847 : i32 to index
        %get3A_877 = arith.constant 48 : index
        %get3A_878 = tpu.vector_load %arg6[%get3A_875, %get3A_876, %get3A_877] {strides = array<i32>} : memref<5x128x128xf32, #tpu.memory_space<vmem>>, vector<1x1x16xf32>,
        %get3A_879 = vector.shape_cast %get3A_878 : vector<1x1x16xf32> to vector<16xf32>
        %mul3A_880 = arith.mulf %get3A_879, %get3A_879 : vector<16xf32>
        %add3A_881 = arith.addf %add3A_873, %mul3A_880 : vector<16xf32>
        %get3A_882 = arith.constant 0 : i32
        %get3A_883 = arith.index_cast %get3A_882 : i32 to index
        %get3A_884 = arith.index_cast %scan3A_847 : i32 to index
        %get3A_885 = arith.constant 64 : index
        %get3A_886 = tpu.vector_load %arg6[%get3A_883, %get3A_884, %get3A_885] {strides = array<i32>} : memref<5x128x128xf32, #tpu.memory_space<vmem>>, vector<1x1x16xf32>,
        %get3A_887 = vector.shape_cast %get3A_886 : vector<1x1x16xf32> to vector<16xf32>
        %mul3A_888 = arith.mulf %get3A_887, %get3A_887 : vector<16xf32>
        %add3A_889 = arith.addf %add3A_881, %mul3A_888 : vector<16xf32>
        %get3A_890 = arith.constant 0 : i32
        %get3A_891 = arith.index_cast %get3A_890 : i32 to index
        %get3A_892 = arith.index_cast %scan3A_847 : i32 to index
        %get3A_893 = arith.constant 80 : index
        %get3A_894 = tpu.vector_load %arg6[%get3A_891, %get3A_892, %get3A_893] {strides = array<i32>} : memref<5x128x128xf32, #tpu.memory_space<vmem>>, vector<1x1x16xf32>,
        %get3A_895 = vector.shape_cast %get3A_894 : vector<1x1x16xf32> to vector<16xf32>
        %mul3A_896 = arith.mulf %get3A_895, %get3A_895 : vector<16xf32>
        %add3A_897 = arith.addf %add3A_889, %mul3A_896 : vector<16xf32>
        %get3A_898 = arith.constant 0 : i32
        %get3A_899 = arith.index_cast %get3A_898 : i32 to index
        %get3A_900 = arith.index_cast %scan3A_847 : i32 to index
        %get3A_901 = arith.constant 96 : index
        %get3A_902 = tpu.vector_load %arg6[%get3A_899, %get3A_900, %get3A_901] {strides = array<i32>} : memref<5x128x128xf32, #tpu.memory_space<vmem>>, vector<1x1x16xf32>,
        %get3A_903 = vector.shape_cast %get3A_902 : vector<1x1x16xf32> to vector<16xf32>
        %mul3A_904 = arith.mulf %get3A_903, %get3A_903 : vector<16xf32>
        %add3A_905 = arith.addf %add3A_897, %mul3A_904 : vector<16xf32>
        %get3A_906 = arith.constant 0 : i32
        %get3A_907 = arith.index_cast %get3A_906 : i32 to index
        %get3A_908 = arith.index_cast %scan3A_847 : i32 to index
        %get3A_909 = arith.constant 112 : index
        %get3A_910 = tpu.vector_load %arg6[%get3A_907, %get3A_908, %get3A_909] {strides = array<i32>} : memref<5x128x128xf32, #tpu.memory_space<vmem>>, vector<1x1x16xf32>,
        %get3A_911 = vector.shape_cast %get3A_910 : vector<1x1x16xf32> to vector<16xf32>
        %mul3A_912 = arith.mulf %get3A_911, %get3A_911 : vector<16xf32>
        %add3A_913 = arith.addf %add3A_905, %mul3A_912 : vector<16xf32>
        %iota3A_914 = tpu.iota {dimensions = array<i32: 0>} : vector<16xi32>
        %xor3A_915 = arith.constant 8 : i32
        %xor3A_916 = vector.broadcast %xor3A_915 : i32 to vector<16xi32>
        %xor3A_917 = arith.xori %iota3A_914, %xor3A_916 : vector<16xi32>
        %reshape3A_918 = vector.shape_cast %xor3A_917 : vector<16xi32> to vector<16x1xi32>
        %gather3A_919 = vector.shape_cast %reshape3A_918 : vector<16x1xi32> to vector<16xi32>
        %gather3A_920 = tpu.dynamic_gather %add3A_913[%gather3A_919] in [0] : vector<16xf32>, vector<16xi32> -> vector<16xf32>
        %add3A_921 = arith.addf %add3A_913, %gather3A_920 : vector<16xf32>
        %xor3A_922 = arith.constant 4 : i32
        %xor3A_923 = vector.broadcast %xor3A_922 : i32 to vector<16xi32>
        %xor3A_924 = arith.xori %iota3A_914, %xor3A_923 : vector<16xi32>
        %reshape3A_925 = vector.shape_cast %xor3A_924 : vector<16xi32> to vector<16x1xi32>
        %gather3A_926 = vector.shape_cast %reshape3A_925 : vector<16x1xi32> to vector<16xi32>
        %gather3A_927 = tpu.dynamic_gather %add3A_921[%gather3A_926] in [0] : vector<16xf32>, vector<16xi32> -> vector<16xf32>
        %add3A_928 = arith.addf %add3A_921, %gather3A_927 : vector<16xf32>
        %xor3A_929 = arith.constant 2 : i32
        %xor3A_930 = vector.broadcast %xor3A_929 : i32 to vector<16xi32>
        %xor3A_931 = arith.xori %iota3A_914, %xor3A_930 : vector<16xi32>
        %reshape3A_932 = vector.shape_cast %xor3A_931 : vector<16xi32> to vector<16x1xi32>
        %gather3A_933 = vector.shape_cast %reshape3A_932 : vector<16x1xi32> to vector<16xi32>
        %gather3A_934 = tpu.dynamic_gather %add3A_928[%gather3A_933] in [0] : vector<16xf32>, vector<16xi32> -> vector<16xf32>
        %add3A_935 = arith.addf %add3A_928, %gather3A_934 : vector<16xf32>
        %xor3A_936 = arith.constant 1 : i32
        %xor3A_937 = vector.broadcast %xor3A_936 : i32 to vector<16xi32>
        %xor3A_938 = arith.xori %iota3A_914, %xor3A_937 : vector<16xi32>
        %reshape3A_939 = vector.shape_cast %xor3A_938 : vector<16xi32> to vector<16x1xi32>
        %gather3A_940 = vector.shape_cast %reshape3A_939 : vector<16x1xi32> to vector<16xi32>
        %gather3A_941 = tpu.dynamic_gather %add3A_935[%gather3A_940] in [0] : vector<16xf32>, vector<16xi32> -> vector<16xf32>
        %add3A_942 = arith.addf %add3A_935, %gather3A_941 : vector<16xf32>
        %bitcast_convert_type3A_943 = tpu.bitcast %add3A_942 : vector<16xf32> -> vector<16xi32>
        %shift_right_logical3A_944 = arith.constant 1 : i32
        %shift_right_logical3A_945 = vector.broadcast %shift_right_logical3A_944 : i32 to vector<16xi32>
        %shift_right_logical3A_946 = arith.shrui %bitcast_convert_type3A_943, %shift_right_logical3A_945 : vector<16xi32>
        %sub3A_947 = arith.constant 1597463007 : i32
        %sub3A_948 = vector.broadcast %sub3A_947 : i32 to vector<16xi32>
        %sub3A_949 = arith.subi %sub3A_948, %shift_right_logical3A_946 : vector<16xi32>
        %bitcast_convert_type3A_950 = tpu.bitcast %sub3A_949 : vector<16xi32> -> vector<16xf32>
        %mul3A_951 = arith.constant 5.000000e-01 : f32
        %mul3A_952 = vector.broadcast %mul3A_951 : f32 to vector<16xf32>
        %mul3A_953 = arith.mulf %add3A_942, %mul3A_952 : vector<16xf32>
        %mul3A_954 = arith.mulf %mul3A_953, %bitcast_convert_type3A_950 : vector<16xf32>
        %mul3A_955 = arith.mulf %mul3A_954, %bitcast_convert_type3A_950 : vector<16xf32>
        %sub3A_956 = arith.constant 1.500000e+00 : f32
        %sub3A_957 = vector.broadcast %sub3A_956 : f32 to vector<16xf32>
        %sub3A_958 = arith.subf %sub3A_957, %mul3A_955 : vector<16xf32>
        %mul3A_959 = arith.mulf %bitcast_convert_type3A_950, %sub3A_958 : vector<16xf32>
        %mul3A_960 = arith.mulf %get3A_855, %mul3A_959 : vector<16xf32>
        %swap3A_961 = arith.constant 0 : i32
        %swap3A_962 = arith.index_cast %swap3A_961 : i32 to index
        %swap3A_963 = arith.index_cast %scan3A_847 : i32 to index
        %swap3A_964 = arith.constant 0 : index
        %swap3A_965 = tpu.vector_load %arg6[%swap3A_962, %swap3A_963, %swap3A_964] {strides = array<i32>} : memref<5x128x128xf32, #tpu.memory_space<vmem>>, vector<1x1x16xf32>,
        %swap3A_966 = vector.shape_cast %swap3A_965 : vector<1x1x16xf32> to vector<16xf32>
        %swap3A_967 = vector.shape_cast %mul3A_960 : vector<16xf32> to vector<1x1x16xf32>
        tpu.vector_store %arg6[%swap3A_962, %swap3A_963, %swap3A_964], %swap3A_967 {strides = array<i32>} : memref<5x128x128xf32, #tpu.memory_space<vmem>>, vector<1x1x16xf32>,
        %mul3A_968 = arith.mulf %get3A_863, %mul3A_959 : vector<16xf32>
        %swap3A_969 = arith.constant 0 : i32
        %swap3A_970 = arith.index_cast %swap3A_969 : i32 to index
        %swap3A_971 = arith.index_cast %scan3A_847 : i32 to index
        %swap3A_972 = arith.constant 16 : index
        %swap3A_973 = tpu.vector_load %arg6[%swap3A_970, %swap3A_971, %swap3A_972] {strides = array<i32>} : memref<5x128x128xf32, #tpu.memory_space<vmem>>, vector<1x1x16xf32>,
        %swap3A_974 = vector.shape_cast %swap3A_973 : vector<1x1x16xf32> to vector<16xf32>
        %swap3A_975 = vector.shape_cast %mul3A_968 : vector<16xf32> to vector<1x1x16xf32>
        tpu.vector_store %arg6[%swap3A_970, %swap3A_971, %swap3A_972], %swap3A_975 {strides = array<i32>} : memref<5x128x128xf32, #tpu.memory_space<vmem>>, vector<1x1x16xf32>,
        %mul3A_976 = arith.mulf %get3A_871, %mul3A_959 : vector<16xf32>
        %swap3A_977 = arith.constant 0 : i32
        %swap3A_978 = arith.index_cast %swap3A_977 : i32 to index
        %swap3A_979 = arith.index_cast %scan3A_847 : i32 to index
        %swap3A_980 = arith.constant 32 : index
        %swap3A_981 = tpu.vector_load %arg6[%swap3A_978, %swap3A_979, %swap3A_980] {strides = array<i32>} : memref<5x128x128xf32, #tpu.memory_space<vmem>>, vector<1x1x16xf32>,
        %swap3A_982 = vector.shape_cast %swap3A_981 : vector<1x1x16xf32> to vector<16xf32>
        %swap3A_983 = vector.shape_cast %mul3A_976 : vector<16xf32> to vector<1x1x16xf32>
        tpu.vector_store %arg6[%swap3A_978, %swap3A_979, %swap3A_980], %swap3A_983 {strides = array<i32>} : memref<5x128x128xf32, #tpu.memory_space<vmem>>, vector<1x1x16xf32>,
        %mul3A_984 = arith.mulf %get3A_879, %mul3A_959 : vector<16xf32>
        %swap3A_985 = arith.constant 0 : i32
        %swap3A_986 = arith.index_cast %swap3A_985 : i32 to index
        %swap3A_987 = arith.index_cast %scan3A_847 : i32 to index
        %swap3A_988 = arith.constant 48 : index
        %swap3A_989 = tpu.vector_load %arg6[%swap3A_986, %swap3A_987, %swap3A_988] {strides = array<i32>} : memref<5x128x128xf32, #tpu.memory_space<vmem>>, vector<1x1x16xf32>,
        %swap3A_990 = vector.shape_cast %swap3A_989 : vector<1x1x16xf32> to vector<16xf32>
        %swap3A_991 = vector.shape_cast %mul3A_984 : vector<16xf32> to vector<1x1x16xf32>
        tpu.vector_store %arg6[%swap3A_986, %swap3A_987, %swap3A_988], %swap3A_991 {strides = array<i32>} : memref<5x128x128xf32, #tpu.memory_space<vmem>>, vector<1x1x16xf32>,
        %mul3A_992 = arith.mulf %get3A_887, %mul3A_959 : vector<16xf32>
        %swap3A_993 = arith.constant 0 : i32
        %swap3A_994 = arith.index_cast %swap3A_993 : i32 to index
        %swap3A_995 = arith.index_cast %scan3A_847 : i32 to index
        %swap3A_996 = arith.constant 64 : index
        %swap3A_997 = tpu.vector_load %arg6[%swap3A_994, %swap3A_995, %swap3A_996] {strides = array<i32>} : memref<5x128x128xf32, #tpu.memory_space<vmem>>, vector<1x1x16xf32>,
        %swap3A_998 = vector.shape_cast %swap3A_997 : vector<1x1x16xf32> to vector<16xf32>
        %swap3A_999 = vector.shape_cast %mul3A_992 : vector<16xf32> to vector<1x1x16xf32>
        tpu.vector_store %arg6[%swap3A_994, %swap3A_995, %swap3A_996], %swap3A_999 {strides = array<i32>} : memref<5x128x128xf32, #tpu.memory_space<vmem>>, vector<1x1x16xf32>,
        %mul3A_1000 = arith.mulf %get3A_895, %mul3A_959 : vector<16xf32>
        %swap3A_1001 = arith.constant 0 : i32
        %swap3A_1002 = arith.index_cast %swap3A_1001 : i32 to index
        %swap3A_1003 = arith.index_cast %scan3A_847 : i32 to index
        %swap3A_1004 = arith.constant 80 : index
        %swap3A_1005 = tpu.vector_load %arg6[%swap3A_1002, %swap3A_1003, %swap3A_1004] {strides = array<i32>} : memref<5x128x128xf32, #tpu.memory_space<vmem>>, vector<1x1x16xf32>,
        %swap3A_1006 = vector.shape_cast %swap3A_1005 : vector<1x1x16xf32> to vector<16xf32>
        %swap3A_1007 = vector.shape_cast %mul3A_1000 : vector<16xf32> to vector<1x1x16xf32>
        tpu.vector_store %arg6[%swap3A_1002, %swap3A_1003, %swap3A_1004], %swap3A_1007 {strides = array<i32>} : memref<5x128x128xf32, #tpu.memory_space<vmem>>, vector<1x1x16xf32>,
        %mul3A_1008 = arith.mulf %get3A_903, %mul3A_959 : vector<16xf32>
        %swap3A_1009 = arith.constant 0 : i32
        %swap3A_1010 = arith.index_cast %swap3A_1009 : i32 to index
        %swap3A_1011 = arith.index_cast %scan3A_847 : i32 to index
        %swap3A_1012 = arith.constant 96 : index
        %swap3A_1013 = tpu.vector_load %arg6[%swap3A_1010, %swap3A_1011, %swap3A_1012] {strides = array<i32>} : memref<5x128x128xf32, #tpu.memory_space<vmem>>, vector<1x1x16xf32>,
        %swap3A_1014 = vector.shape_cast %swap3A_1013 : vector<1x1x16xf32> to vector<16xf32>
        %swap3A_1015 = vector.shape_cast %mul3A_1008 : vector<16xf32> to vector<1x1x16xf32>
        tpu.vector_store %arg6[%swap3A_1010, %swap3A_1011, %swap3A_1012], %swap3A_1015 {strides = array<i32>} : memref<5x128x128xf32, #tpu.memory_space<vmem>>, vector<1x1x16xf32>,
        %mul3A_1016 = arith.mulf %get3A_911, %mul3A_959 : vector<16xf32>
        %swap3A_1017 = arith.constant 0 : i32
        %swap3A_1018 = arith.index_cast %swap3A_1017 : i32 to index
        %swap3A_1019 = arith.index_cast %scan3A_847 : i32 to index
        %swap3A_1020 = arith.constant 112 : index
        %swap3A_1021 = tpu.vector_load %arg6[%swap3A_1018, %swap3A_1019, %swap3A_1020] {strides = array<i32>} : memref<5x128x128xf32, #tpu.memory_space<vmem>>, vector<1x1x16xf32>,
        %swap3A_1022 = vector.shape_cast %swap3A_1021 : vector<1x1x16xf32> to vector<16xf32>
        %swap3A_1023 = vector.shape_cast %mul3A_1016 : vector<16xf32> to vector<1x1x16xf32>
        tpu.vector_store %arg6[%swap3A_1018, %swap3A_1019, %swap3A_1020], %swap3A_1023 {strides = array<i32>} : memref<5x128x128xf32, #tpu.memory_space<vmem>>, vector<1x1x16xf32>,
      }
      %scan3A_130 = arith.constant 128 : i32
      %mul3A_131 = arith.constant 128 : i32
      %mul3A_132 = arith.muli %add3A_109, %mul3A_131 : i32
      %add3A_133 = arith.addi %mul3A_2, %mul3A_132 : i32
      %dma_start3A_134 = arith.constant 0 : i32
      %dma_start3A_135 = arith.constant 0 : i32
      %dma_start3A_136 = arith.constant 0 : i32
      %dma_start3A_137 = tpu.memref_slice %arg6[%dma_start3A_134, %dma_start3A_135, %dma_start3A_136] : memref<5x128x128xf32, #tpu.memory_space<vmem>> -> memref<1x128x128xf32, #tpu.memory_space<vmem>>
      %dma_start3A_138 = tpu.memref_squeeze %dma_start3A_137 : memref<1x128x128xf32, #tpu.memory_space<vmem>> -> memref<128x128xf32, #tpu.memory_space<vmem>>
      %dma_start3A_139 = arith.constant 0 : i32
      %dma_start3A_140 = tpu.memref_slice %arg4[%add3A_133, %dma_start3A_139] : memref<204800x128xf32, #tpu.memory_space<hbm>> -> memref<128x128xf32, #tpu.memory_space<hbm>>
      %dma_start3A_141 = arith.constant 0 : i32
      %dma_start3A_142 = tpu.memref_slice %arg4[%add3A_133, %dma_start3A_141] : memref<204800x128xf32, #tpu.memory_space<hbm>> -> memref<128x128xf32, #tpu.memory_space<hbm>>
      %dma_start3A_143 = arith.constant 0 : i32
      %dma_start3A_144 = arith.constant 0 : i32
      %dma_start3A_145 = tpu.memref_slice %arg6[%dma_start3A_134, %dma_start3A_143, %dma_start3A_144] : memref<5x128x128xf32, #tpu.memory_space<vmem>> -> memref<1x128x128xf32, #tpu.memory_space<vmem>>
      %dma_start3A_146 = tpu.memref_squeeze %dma_start3A_145 : memref<1x128x128xf32, #tpu.memory_space<vmem>> -> memref<128x128xf32, #tpu.memory_space<vmem>>
      tpu.enqueue_dma source(%dma_start3A_146 : memref<128x128xf32, #tpu.memory_space<vmem>>) target(%dma_start3A_142 : memref<128x128xf32, #tpu.memory_space<hbm>>) target_semaphore(%arg12 : memref<!tpu.dma_semaphore, #tpu.memory_space<semaphore_mem>>)
      %mul3A_147 = arith.constant 5 : i32
      %mul3A_148 = arith.muli %scan3A_105, %mul3A_147 : i32
      %add3A_149 = arith.constant 1 : i32
      %add3A_150 = arith.addi %mul3A_148, %add3A_149 : i32
      %add3A_151 = arith.constant 2 : i32
      %add3A_152 = arith.addi %add3A_150, %add3A_151 : i32
      %lt3A_153 = arith.constant 50 : i32
      %lt3A_154 = arith.cmpi slt, %add3A_152, %lt3A_153 : i32
      %convert_element_type3A_155 = arith.extui %lt3A_154 : i1 to i32
      %cond3A_156 = arith.constant 0 : i32
      %cond3A_157 = arith.cmpi ne, %convert_element_type3A_155, %cond3A_156 : i32
      scf.if %cond3A_157 {
        %add3A_323 = arith.constant 2 : i32
        %add3A_324 = arith.addi %add3A_150, %add3A_323 : i32
        %sub3A = arith.constant 5 : i32
        %sub3A_325 = arith.subi %add3A_324, %sub3A : i32
        %ge3A = arith.constant 0 : i32
        %ge3A_326 = arith.cmpi sge, %sub3A_325, %ge3A : i32
        %convert_element_type3A_327 = arith.extui %ge3A_326 : i1 to i32
        %cond3A_328 = arith.constant 0 : i32
        %cond3A_329 = arith.cmpi ne, %convert_element_type3A_327, %cond3A_328 : i32
        scf.if %cond3A_329 {
          %add3A_343 = arith.constant 2 : i32
          %add3A_344 = arith.addi %add3A_150, %add3A_343 : i32
          %sub3A_345 = arith.constant 5 : i32
          %sub3A_346 = arith.subi %add3A_344, %sub3A_345 : i32
          %mul3A_347 = arith.constant 128 : i32
          %mul3A_348 = arith.muli %sub3A_346, %mul3A_347 : i32
          %add3A_349 = arith.addi %mul3A_2, %mul3A_348 : i32
          %dma_wait3A_350 = arith.constant 3 : i32
          %dma_wait3A_351 = arith.constant 0 : i32
          %dma_wait3A_352 = arith.constant 0 : i32
          %dma_wait3A_353 = tpu.memref_slice %arg6[%dma_wait3A_350, %dma_wait3A_351, %dma_wait3A_352] : memref<5x128x128xf32, #tpu.memory_space<vmem>> -> memref<1x128x128xf32, #tpu.memory_space<vmem>>
          %dma_wait3A_354 = tpu.memref_squeeze %dma_wait3A_353 : memref<1x128x128xf32, #tpu.memory_space<vmem>> -> memref<128x128xf32, #tpu.memory_space<vmem>>
          %dma_wait3A_355 = arith.constant 0 : i32
          %dma_wait3A_356 = tpu.memref_slice %arg4[%add3A_349, %dma_wait3A_355] : memref<204800x128xf32, #tpu.memory_space<hbm>> -> memref<128x128xf32, #tpu.memory_space<hbm>>
          %dma_wait3A_357 = arith.constant 0 : i32
          %dma_wait3A_358 = tpu.memref_slice %arg4[%add3A_349, %dma_wait3A_357] : memref<204800x128xf32, #tpu.memory_space<hbm>> -> memref<128x128xf32, #tpu.memory_space<hbm>>
          %dma_wait3A_359 = arith.constant 0 : i32
          %dma_wait3A_360 = arith.constant 0 : i32
          %dma_wait3A_361 = tpu.memref_slice %arg6[%dma_wait3A_350, %dma_wait3A_359, %dma_wait3A_360] : memref<5x128x128xf32, #tpu.memory_space<vmem>> -> memref<1x128x128xf32, #tpu.memory_space<vmem>>
          %dma_wait3A_362 = tpu.memref_squeeze %dma_wait3A_361 : memref<1x128x128xf32, #tpu.memory_space<vmem>> -> memref<128x128xf32, #tpu.memory_space<vmem>>
          tpu.wait_dma2 semaphore(%arg15 : memref<!tpu.dma_semaphore, #tpu.memory_space<semaphore_mem>>) src(%dma_wait3A_362 : memref<128x128xf32, #tpu.memory_space<vmem>>) dst(%dma_wait3A_358 : memref<128x128xf32, #tpu.memory_space<hbm>>)
        } else {
        }
        %add3A_330 = arith.constant 2 : i32
        %add3A_331 = arith.addi %add3A_150, %add3A_330 : i32
        %dma_start3A_332 = arith.constant 3 : i32
        %dma_start3A_333 = arith.constant 0 : i32
        %dma_start3A_334 = arith.constant 0 : i32
        %dma_start3A_335 = tpu.memref_slice %arg6[%dma_start3A_332, %dma_start3A_333, %dma_start3A_334] : memref<5x128x128xf32, #tpu.memory_space<vmem>> -> memref<1x128x128xf32, #tpu.memory_space<vmem>>
        %dma_start3A_336 = tpu.memref_squeeze %dma_start3A_335 : memref<1x128x128xf32, #tpu.memory_space<vmem>> -> memref<128x128xf32, #tpu.memory_space<vmem>>
        %dma_start3A_337 = arith.constant 0 : i32
        %dma_start3A_338 = tpu.memref_slice %arg5[%add3A_331, %dma_start3A_337] : memref<50x128xi32, #tpu.memory_space<vmem>> -> memref<1x128xi32, #tpu.memory_space<vmem>>
        %dma_start3A_339 = tpu.memref_squeeze %dma_start3A_338 : memref<1x128xi32, #tpu.memory_space<vmem>> -> memref<128xi32, #tpu.memory_space<vmem>>
        %dma_start3A_340 = arith.constant 0 : i32
        %dma_start3A_341 = arith.constant 0 : i32
        %dma_start3A_342 = tpu.memref_slice %arg3[%dma_start3A_340, %dma_start3A_341] : memref<100000x128xf32, #tpu.memory_space<hbm>> -> memref<100000x128xf32, #tpu.memory_space<hbm>>
        tpu.enqueue_indirect_dma source(%dma_start3A_342 : memref<100000x128xf32, #tpu.memory_space<hbm>>) target(%dma_start3A_336 : memref<128x128xf32, #tpu.memory_space<vmem>>) offsets(%dma_start3A_339 : memref<128xi32, #tpu.memory_space<vmem>>) semaphore(%arg10 : memref<!tpu.dma_semaphore, #tpu.memory_space<semaphore_mem>>)
      } else {
      }
      %dma_wait3A_158 = arith.constant 1 : i32
      %dma_wait3A_159 = arith.constant 0 : i32
      %dma_wait3A_160 = arith.constant 0 : i32
      %dma_wait3A_161 = tpu.memref_slice %arg6[%dma_wait3A_158, %dma_wait3A_159, %dma_wait3A_160] : memref<5x128x128xf32, #tpu.memory_space<vmem>> -> memref<1x128x128xf32, #tpu.memory_space<vmem>>
      %dma_wait3A_162 = tpu.memref_squeeze %dma_wait3A_161 : memref<1x128x128xf32, #tpu.memory_space<vmem>> -> memref<128x128xf32, #tpu.memory_space<vmem>>
      %dma_wait3A_163 = arith.constant 0 : i32
      %dma_wait3A_164 = tpu.memref_slice %arg5[%add3A_150, %dma_wait3A_163] : memref<50x128xi32, #tpu.memory_space<vmem>> -> memref<1x128xi32, #tpu.memory_space<vmem>>
      %dma_wait3A_165 = tpu.memref_squeeze %dma_wait3A_164 : memref<1x128xi32, #tpu.memory_space<vmem>> -> memref<128xi32, #tpu.memory_space<vmem>>
      %dma_wait3A_166 = arith.constant 0 : i32
      %dma_wait3A_167 = arith.constant 0 : i32
      %dma_wait3A_168 = tpu.memref_slice %arg3[%dma_wait3A_166, %dma_wait3A_167] : memref<100000x128xf32, #tpu.memory_space<hbm>> -> memref<100000x128xf32, #tpu.memory_space<hbm>>
      tpu.wait_indirect_dma semaphore(%arg8 : memref<!tpu.dma_semaphore, #tpu.memory_space<semaphore_mem>>) src(%dma_wait3A_168 : memref<100000x128xf32, #tpu.memory_space<hbm>>) dst(%dma_wait3A_162 : memref<128x128xf32, #tpu.memory_space<vmem>>)
      %scan3A_169 = arith.constant 0 : i32
      %scan3A_170 = arith.constant 0 : i32
      %scan3A_171 = arith.constant 128 : i32
      %scan3A_172 = arith.addi %scan3A_170, %scan3A_171 : i32
      %scan3A_173 = arith.constant 4 : i32
      scf.for %scan3A_323 = %scan3A_170 to %scan3A_172 step %scan3A_173  : i32 {
        %broadcast_in_dim3A = arith.constant 0.000000e+00 : f32
        %broadcast_in_dim3A_324 = vector.broadcast %broadcast_in_dim3A : f32 to vector<16xf32>
        %get3A = arith.constant 1 : i32
        %get3A_325 = arith.index_cast %get3A : i32 to index
        %get3A_326 = arith.index_cast %scan3A_323 : i32 to index
        %get3A_327 = arith.constant 0 : index
        %get3A_328 = tpu.vector_load %arg6[%get3A_325, %get3A_326, %get3A_327] {strides = array<i32>} : memref<5x128x128xf32, #tpu.memory_space<vmem>>, vector<1x1x16xf32>,
        %get3A_329 = vector.shape_cast %get3A_328 : vector<1x1x16xf32> to vector<16xf32>
        %mul3A_330 = arith.mulf %get3A_329, %get3A_329 : vector<16xf32>
        %add3A_331 = arith.addf %broadcast_in_dim3A_324, %mul3A_330 : vector<16xf32>
        %get3A_332 = arith.constant 1 : i32
        %get3A_333 = arith.index_cast %get3A_332 : i32 to index
        %get3A_334 = arith.index_cast %scan3A_323 : i32 to index
        %get3A_335 = arith.constant 16 : index
        %get3A_336 = tpu.vector_load %arg6[%get3A_333, %get3A_334, %get3A_335] {strides = array<i32>} : memref<5x128x128xf32, #tpu.memory_space<vmem>>, vector<1x1x16xf32>,
        %get3A_337 = vector.shape_cast %get3A_336 : vector<1x1x16xf32> to vector<16xf32>
        %mul3A_338 = arith.mulf %get3A_337, %get3A_337 : vector<16xf32>
        %add3A_339 = arith.addf %add3A_331, %mul3A_338 : vector<16xf32>
        %get3A_340 = arith.constant 1 : i32
        %get3A_341 = arith.index_cast %get3A_340 : i32 to index
        %get3A_342 = arith.index_cast %scan3A_323 : i32 to index
        %get3A_343 = arith.constant 32 : index
        %get3A_344 = tpu.vector_load %arg6[%get3A_341, %get3A_342, %get3A_343] {strides = array<i32>} : memref<5x128x128xf32, #tpu.memory_space<vmem>>, vector<1x1x16xf32>,
        %get3A_345 = vector.shape_cast %get3A_344 : vector<1x1x16xf32> to vector<16xf32>
        %mul3A_346 = arith.mulf %get3A_345, %get3A_345 : vector<16xf32>
        %add3A_347 = arith.addf %add3A_339, %mul3A_346 : vector<16xf32>
        %get3A_348 = arith.constant 1 : i32
        %get3A_349 = arith.index_cast %get3A_348 : i32 to index
        %get3A_350 = arith.index_cast %scan3A_323 : i32 to index
        %get3A_351 = arith.constant 48 : index
        %get3A_352 = tpu.vector_load %arg6[%get3A_349, %get3A_350, %get3A_351] {strides = array<i32>} : memref<5x128x128xf32, #tpu.memory_space<vmem>>, vector<1x1x16xf32>,
        %get3A_353 = vector.shape_cast %get3A_352 : vector<1x1x16xf32> to vector<16xf32>
        %mul3A_354 = arith.mulf %get3A_353, %get3A_353 : vector<16xf32>
        %add3A_355 = arith.addf %add3A_347, %mul3A_354 : vector<16xf32>
        %get3A_356 = arith.constant 1 : i32
        %get3A_357 = arith.index_cast %get3A_356 : i32 to index
        %get3A_358 = arith.index_cast %scan3A_323 : i32 to index
        %get3A_359 = arith.constant 64 : index
        %get3A_360 = tpu.vector_load %arg6[%get3A_357, %get3A_358, %get3A_359] {strides = array<i32>} : memref<5x128x128xf32, #tpu.memory_space<vmem>>, vector<1x1x16xf32>,
        %get3A_361 = vector.shape_cast %get3A_360 : vector<1x1x16xf32> to vector<16xf32>
        %mul3A_362 = arith.mulf %get3A_361, %get3A_361 : vector<16xf32>
        %add3A_363 = arith.addf %add3A_355, %mul3A_362 : vector<16xf32>
        %get3A_364 = arith.constant 1 : i32
        %get3A_365 = arith.index_cast %get3A_364 : i32 to index
        %get3A_366 = arith.index_cast %scan3A_323 : i32 to index
        %get3A_367 = arith.constant 80 : index
        %get3A_368 = tpu.vector_load %arg6[%get3A_365, %get3A_366, %get3A_367] {strides = array<i32>} : memref<5x128x128xf32, #tpu.memory_space<vmem>>, vector<1x1x16xf32>,
        %get3A_369 = vector.shape_cast %get3A_368 : vector<1x1x16xf32> to vector<16xf32>
        %mul3A_370 = arith.mulf %get3A_369, %get3A_369 : vector<16xf32>
        %add3A_371 = arith.addf %add3A_363, %mul3A_370 : vector<16xf32>
        %get3A_372 = arith.constant 1 : i32
        %get3A_373 = arith.index_cast %get3A_372 : i32 to index
        %get3A_374 = arith.index_cast %scan3A_323 : i32 to index
        %get3A_375 = arith.constant 96 : index
        %get3A_376 = tpu.vector_load %arg6[%get3A_373, %get3A_374, %get3A_375] {strides = array<i32>} : memref<5x128x128xf32, #tpu.memory_space<vmem>>, vector<1x1x16xf32>,
        %get3A_377 = vector.shape_cast %get3A_376 : vector<1x1x16xf32> to vector<16xf32>
        %mul3A_378 = arith.mulf %get3A_377, %get3A_377 : vector<16xf32>
        %add3A_379 = arith.addf %add3A_371, %mul3A_378 : vector<16xf32>
        %get3A_380 = arith.constant 1 : i32
        %get3A_381 = arith.index_cast %get3A_380 : i32 to index
        %get3A_382 = arith.index_cast %scan3A_323 : i32 to index
        %get3A_383 = arith.constant 112 : index
        %get3A_384 = tpu.vector_load %arg6[%get3A_381, %get3A_382, %get3A_383] {strides = array<i32>} : memref<5x128x128xf32, #tpu.memory_space<vmem>>, vector<1x1x16xf32>,
        %get3A_385 = vector.shape_cast %get3A_384 : vector<1x1x16xf32> to vector<16xf32>
        %mul3A_386 = arith.mulf %get3A_385, %get3A_385 : vector<16xf32>
        %add3A_387 = arith.addf %add3A_379, %mul3A_386 : vector<16xf32>
        %iota3A = tpu.iota {dimensions = array<i32: 0>} : vector<16xi32>
        %xor3A = arith.constant 8 : i32
        %xor3A_388 = vector.broadcast %xor3A : i32 to vector<16xi32>
        %xor3A_389 = arith.xori %iota3A, %xor3A_388 : vector<16xi32>
        %reshape3A = vector.shape_cast %xor3A_389 : vector<16xi32> to vector<16x1xi32>
        %gather3A = vector.shape_cast %reshape3A : vector<16x1xi32> to vector<16xi32>
        %gather3A_390 = tpu.dynamic_gather %add3A_387[%gather3A] in [0] : vector<16xf32>, vector<16xi32> -> vector<16xf32>
        %add3A_391 = arith.addf %add3A_387, %gather3A_390 : vector<16xf32>
        %xor3A_392 = arith.constant 4 : i32
        %xor3A_393 = vector.broadcast %xor3A_392 : i32 to vector<16xi32>
        %xor3A_394 = arith.xori %iota3A, %xor3A_393 : vector<16xi32>
        %reshape3A_395 = vector.shape_cast %xor3A_394 : vector<16xi32> to vector<16x1xi32>
        %gather3A_396 = vector.shape_cast %reshape3A_395 : vector<16x1xi32> to vector<16xi32>
        %gather3A_397 = tpu.dynamic_gather %add3A_391[%gather3A_396] in [0] : vector<16xf32>, vector<16xi32> -> vector<16xf32>
        %add3A_398 = arith.addf %add3A_391, %gather3A_397 : vector<16xf32>
        %xor3A_399 = arith.constant 2 : i32
        %xor3A_400 = vector.broadcast %xor3A_399 : i32 to vector<16xi32>
        %xor3A_401 = arith.xori %iota3A, %xor3A_400 : vector<16xi32>
        %reshape3A_402 = vector.shape_cast %xor3A_401 : vector<16xi32> to vector<16x1xi32>
        %gather3A_403 = vector.shape_cast %reshape3A_402 : vector<16x1xi32> to vector<16xi32>
        %gather3A_404 = tpu.dynamic_gather %add3A_398[%gather3A_403] in [0] : vector<16xf32>, vector<16xi32> -> vector<16xf32>
        %add3A_405 = arith.addf %add3A_398, %gather3A_404 : vector<16xf32>
        %xor3A_406 = arith.constant 1 : i32
        %xor3A_407 = vector.broadcast %xor3A_406 : i32 to vector<16xi32>
        %xor3A_408 = arith.xori %iota3A, %xor3A_407 : vector<16xi32>
        %reshape3A_409 = vector.shape_cast %xor3A_408 : vector<16xi32> to vector<16x1xi32>
        %gather3A_410 = vector.shape_cast %reshape3A_409 : vector<16x1xi32> to vector<16xi32>
        %gather3A_411 = tpu.dynamic_gather %add3A_405[%gather3A_410] in [0] : vector<16xf32>, vector<16xi32> -> vector<16xf32>
        %add3A_412 = arith.addf %add3A_405, %gather3A_411 : vector<16xf32>
        %bitcast_convert_type3A = tpu.bitcast %add3A_412 : vector<16xf32> -> vector<16xi32>
        %shift_right_logical3A = arith.constant 1 : i32
        %shift_right_logical3A_413 = vector.broadcast %shift_right_logical3A : i32 to vector<16xi32>
        %shift_right_logical3A_414 = arith.shrui %bitcast_convert_type3A, %shift_right_logical3A_413 : vector<16xi32>
        %sub3A = arith.constant 1597463007 : i32
        %sub3A_415 = vector.broadcast %sub3A : i32 to vector<16xi32>
        %sub3A_416 = arith.subi %sub3A_415, %shift_right_logical3A_414 : vector<16xi32>
        %bitcast_convert_type3A_417 = tpu.bitcast %sub3A_416 : vector<16xi32> -> vector<16xf32>
        %mul3A_418 = arith.constant 5.000000e-01 : f32
        %mul3A_419 = vector.broadcast %mul3A_418 : f32 to vector<16xf32>
        %mul3A_420 = arith.mulf %add3A_412, %mul3A_419 : vector<16xf32>
        %mul3A_421 = arith.mulf %mul3A_420, %bitcast_convert_type3A_417 : vector<16xf32>
        %mul3A_422 = arith.mulf %mul3A_421, %bitcast_convert_type3A_417 : vector<16xf32>
        %sub3A_423 = arith.constant 1.500000e+00 : f32
        %sub3A_424 = vector.broadcast %sub3A_423 : f32 to vector<16xf32>
        %sub3A_425 = arith.subf %sub3A_424, %mul3A_422 : vector<16xf32>
        %mul3A_426 = arith.mulf %bitcast_convert_type3A_417, %sub3A_425 : vector<16xf32>
        %mul3A_427 = arith.mulf %get3A_329, %mul3A_426 : vector<16xf32>
        %swap3A = arith.constant 1 : i32
        %swap3A_428 = arith.index_cast %swap3A : i32 to index
        %swap3A_429 = arith.index_cast %scan3A_323 : i32 to index
        %swap3A_430 = arith.constant 0 : index
        %swap3A_431 = tpu.vector_load %arg6[%swap3A_428, %swap3A_429, %swap3A_430] {strides = array<i32>} : memref<5x128x128xf32, #tpu.memory_space<vmem>>, vector<1x1x16xf32>,
        %swap3A_432 = vector.shape_cast %swap3A_431 : vector<1x1x16xf32> to vector<16xf32>
        %swap3A_433 = vector.shape_cast %mul3A_427 : vector<16xf32> to vector<1x1x16xf32>
        tpu.vector_store %arg6[%swap3A_428, %swap3A_429, %swap3A_430], %swap3A_433 {strides = array<i32>} : memref<5x128x128xf32, #tpu.memory_space<vmem>>, vector<1x1x16xf32>,
        %mul3A_434 = arith.mulf %get3A_337, %mul3A_426 : vector<16xf32>
        %swap3A_435 = arith.constant 1 : i32
        %swap3A_436 = arith.index_cast %swap3A_435 : i32 to index
        %swap3A_437 = arith.index_cast %scan3A_323 : i32 to index
        %swap3A_438 = arith.constant 16 : index
        %swap3A_439 = tpu.vector_load %arg6[%swap3A_436, %swap3A_437, %swap3A_438] {strides = array<i32>} : memref<5x128x128xf32, #tpu.memory_space<vmem>>, vector<1x1x16xf32>,
        %swap3A_440 = vector.shape_cast %swap3A_439 : vector<1x1x16xf32> to vector<16xf32>
        %swap3A_441 = vector.shape_cast %mul3A_434 : vector<16xf32> to vector<1x1x16xf32>
        tpu.vector_store %arg6[%swap3A_436, %swap3A_437, %swap3A_438], %swap3A_441 {strides = array<i32>} : memref<5x128x128xf32, #tpu.memory_space<vmem>>, vector<1x1x16xf32>,
        %mul3A_442 = arith.mulf %get3A_345, %mul3A_426 : vector<16xf32>
        %swap3A_443 = arith.constant 1 : i32
        %swap3A_444 = arith.index_cast %swap3A_443 : i32 to index
        %swap3A_445 = arith.index_cast %scan3A_323 : i32 to index
        %swap3A_446 = arith.constant 32 : index
        %swap3A_447 = tpu.vector_load %arg6[%swap3A_444, %swap3A_445, %swap3A_446] {strides = array<i32>} : memref<5x128x128xf32, #tpu.memory_space<vmem>>, vector<1x1x16xf32>,
        %swap3A_448 = vector.shape_cast %swap3A_447 : vector<1x1x16xf32> to vector<16xf32>
        %swap3A_449 = vector.shape_cast %mul3A_442 : vector<16xf32> to vector<1x1x16xf32>
        tpu.vector_store %arg6[%swap3A_444, %swap3A_445, %swap3A_446], %swap3A_449 {strides = array<i32>} : memref<5x128x128xf32, #tpu.memory_space<vmem>>, vector<1x1x16xf32>,
        %mul3A_450 = arith.mulf %get3A_353, %mul3A_426 : vector<16xf32>
        %swap3A_451 = arith.constant 1 : i32
        %swap3A_452 = arith.index_cast %swap3A_451 : i32 to index
        %swap3A_453 = arith.index_cast %scan3A_323 : i32 to index
        %swap3A_454 = arith.constant 48 : index
        %swap3A_455 = tpu.vector_load %arg6[%swap3A_452, %swap3A_453, %swap3A_454] {strides = array<i32>} : memref<5x128x128xf32, #tpu.memory_space<vmem>>, vector<1x1x16xf32>,
        %swap3A_456 = vector.shape_cast %swap3A_455 : vector<1x1x16xf32> to vector<16xf32>
        %swap3A_457 = vector.shape_cast %mul3A_450 : vector<16xf32> to vector<1x1x16xf32>
        tpu.vector_store %arg6[%swap3A_452, %swap3A_453, %swap3A_454], %swap3A_457 {strides = array<i32>} : memref<5x128x128xf32, #tpu.memory_space<vmem>>, vector<1x1x16xf32>,
        %mul3A_458 = arith.mulf %get3A_361, %mul3A_426 : vector<16xf32>
        %swap3A_459 = arith.constant 1 : i32
        %swap3A_460 = arith.index_cast %swap3A_459 : i32 to index
        %swap3A_461 = arith.index_cast %scan3A_323 : i32 to index
        %swap3A_462 = arith.constant 64 : index
        %swap3A_463 = tpu.vector_load %arg6[%swap3A_460, %swap3A_461, %swap3A_462] {strides = array<i32>} : memref<5x128x128xf32, #tpu.memory_space<vmem>>, vector<1x1x16xf32>,
        %swap3A_464 = vector.shape_cast %swap3A_463 : vector<1x1x16xf32> to vector<16xf32>
        %swap3A_465 = vector.shape_cast %mul3A_458 : vector<16xf32> to vector<1x1x16xf32>
        tpu.vector_store %arg6[%swap3A_460, %swap3A_461, %swap3A_462], %swap3A_465 {strides = array<i32>} : memref<5x128x128xf32, #tpu.memory_space<vmem>>, vector<1x1x16xf32>,
        %mul3A_466 = arith.mulf %get3A_369, %mul3A_426 : vector<16xf32>
        %swap3A_467 = arith.constant 1 : i32
        %swap3A_468 = arith.index_cast %swap3A_467 : i32 to index
        %swap3A_469 = arith.index_cast %scan3A_323 : i32 to index
        %swap3A_470 = arith.constant 80 : index
        %swap3A_471 = tpu.vector_load %arg6[%swap3A_468, %swap3A_469, %swap3A_470] {strides = array<i32>} : memref<5x128x128xf32, #tpu.memory_space<vmem>>, vector<1x1x16xf32>,
        %swap3A_472 = vector.shape_cast %swap3A_471 : vector<1x1x16xf32> to vector<16xf32>
        %swap3A_473 = vector.shape_cast %mul3A_466 : vector<16xf32> to vector<1x1x16xf32>
        tpu.vector_store %arg6[%swap3A_468, %swap3A_469, %swap3A_470], %swap3A_473 {strides = array<i32>} : memref<5x128x128xf32, #tpu.memory_space<vmem>>, vector<1x1x16xf32>,
        %mul3A_474 = arith.mulf %get3A_377, %mul3A_426 : vector<16xf32>
        %swap3A_475 = arith.constant 1 : i32
        %swap3A_476 = arith.index_cast %swap3A_475 : i32 to index
        %swap3A_477 = arith.index_cast %scan3A_323 : i32 to index
        %swap3A_478 = arith.constant 96 : index
        %swap3A_479 = tpu.vector_load %arg6[%swap3A_476, %swap3A_477, %swap3A_478] {strides = array<i32>} : memref<5x128x128xf32, #tpu.memory_space<vmem>>, vector<1x1x16xf32>,
        %swap3A_480 = vector.shape_cast %swap3A_479 : vector<1x1x16xf32> to vector<16xf32>
        %swap3A_481 = vector.shape_cast %mul3A_474 : vector<16xf32> to vector<1x1x16xf32>
        tpu.vector_store %arg6[%swap3A_476, %swap3A_477, %swap3A_478], %swap3A_481 {strides = array<i32>} : memref<5x128x128xf32, #tpu.memory_space<vmem>>, vector<1x1x16xf32>,
        %mul3A_482 = arith.mulf %get3A_385, %mul3A_426 : vector<16xf32>
        %swap3A_483 = arith.constant 1 : i32
        %swap3A_484 = arith.index_cast %swap3A_483 : i32 to index
        %swap3A_485 = arith.index_cast %scan3A_323 : i32 to index
        %swap3A_486 = arith.constant 112 : index
        %swap3A_487 = tpu.vector_load %arg6[%swap3A_484, %swap3A_485, %swap3A_486] {strides = array<i32>} : memref<5x128x128xf32, #tpu.memory_space<vmem>>, vector<1x1x16xf32>,
        %swap3A_488 = vector.shape_cast %swap3A_487 : vector<1x1x16xf32> to vector<16xf32>
        %swap3A_489 = vector.shape_cast %mul3A_482 : vector<16xf32> to vector<1x1x16xf32>
        tpu.vector_store %arg6[%swap3A_484, %swap3A_485, %swap3A_486], %swap3A_489 {strides = array<i32>} : memref<5x128x128xf32, #tpu.memory_space<vmem>>, vector<1x1x16xf32>,
        %scan3A_490 = arith.constant 1 : i32
        %scan3A_491 = arith.addi %scan3A_323, %scan3A_490 : i32
        %broadcast_in_dim3A_492 = arith.constant 0.000000e+00 : f32
        %broadcast_in_dim3A_493 = vector.broadcast %broadcast_in_dim3A_492 : f32 to vector<16xf32>
        %get3A_494 = arith.constant 1 : i32
        %get3A_495 = arith.index_cast %get3A_494 : i32 to index
        %get3A_496 = arith.index_cast %scan3A_491 : i32 to index
        %get3A_497 = arith.constant 0 : index
        %get3A_498 = tpu.vector_load %arg6[%get3A_495, %get3A_496, %get3A_497] {strides = array<i32>} : memref<5x128x128xf32, #tpu.memory_space<vmem>>, vector<1x1x16xf32>,
        %get3A_499 = vector.shape_cast %get3A_498 : vector<1x1x16xf32> to vector<16xf32>
        %mul3A_500 = arith.mulf %get3A_499, %get3A_499 : vector<16xf32>
        %add3A_501 = arith.addf %broadcast_in_dim3A_493, %mul3A_500 : vector<16xf32>
        %get3A_502 = arith.constant 1 : i32
        %get3A_503 = arith.index_cast %get3A_502 : i32 to index
        %get3A_504 = arith.index_cast %scan3A_491 : i32 to index
        %get3A_505 = arith.constant 16 : index
        %get3A_506 = tpu.vector_load %arg6[%get3A_503, %get3A_504, %get3A_505] {strides = array<i32>} : memref<5x128x128xf32, #tpu.memory_space<vmem>>, vector<1x1x16xf32>,
        %get3A_507 = vector.shape_cast %get3A_506 : vector<1x1x16xf32> to vector<16xf32>
        %mul3A_508 = arith.mulf %get3A_507, %get3A_507 : vector<16xf32>
        %add3A_509 = arith.addf %add3A_501, %mul3A_508 : vector<16xf32>
        %get3A_510 = arith.constant 1 : i32
        %get3A_511 = arith.index_cast %get3A_510 : i32 to index
        %get3A_512 = arith.index_cast %scan3A_491 : i32 to index
        %get3A_513 = arith.constant 32 : index
        %get3A_514 = tpu.vector_load %arg6[%get3A_511, %get3A_512, %get3A_513] {strides = array<i32>} : memref<5x128x128xf32, #tpu.memory_space<vmem>>, vector<1x1x16xf32>,
        %get3A_515 = vector.shape_cast %get3A_514 : vector<1x1x16xf32> to vector<16xf32>
        %mul3A_516 = arith.mulf %get3A_515, %get3A_515 : vector<16xf32>
        %add3A_517 = arith.addf %add3A_509, %mul3A_516 : vector<16xf32>
        %get3A_518 = arith.constant 1 : i32
        %get3A_519 = arith.index_cast %get3A_518 : i32 to index
        %get3A_520 = arith.index_cast %scan3A_491 : i32 to index
        %get3A_521 = arith.constant 48 : index
        %get3A_522 = tpu.vector_load %arg6[%get3A_519, %get3A_520, %get3A_521] {strides = array<i32>} : memref<5x128x128xf32, #tpu.memory_space<vmem>>, vector<1x1x16xf32>,
        %get3A_523 = vector.shape_cast %get3A_522 : vector<1x1x16xf32> to vector<16xf32>
        %mul3A_524 = arith.mulf %get3A_523, %get3A_523 : vector<16xf32>
        %add3A_525 = arith.addf %add3A_517, %mul3A_524 : vector<16xf32>
        %get3A_526 = arith.constant 1 : i32
        %get3A_527 = arith.index_cast %get3A_526 : i32 to index
        %get3A_528 = arith.index_cast %scan3A_491 : i32 to index
        %get3A_529 = arith.constant 64 : index
        %get3A_530 = tpu.vector_load %arg6[%get3A_527, %get3A_528, %get3A_529] {strides = array<i32>} : memref<5x128x128xf32, #tpu.memory_space<vmem>>, vector<1x1x16xf32>,
        %get3A_531 = vector.shape_cast %get3A_530 : vector<1x1x16xf32> to vector<16xf32>
        %mul3A_532 = arith.mulf %get3A_531, %get3A_531 : vector<16xf32>
        %add3A_533 = arith.addf %add3A_525, %mul3A_532 : vector<16xf32>
        %get3A_534 = arith.constant 1 : i32
        %get3A_535 = arith.index_cast %get3A_534 : i32 to index
        %get3A_536 = arith.index_cast %scan3A_491 : i32 to index
        %get3A_537 = arith.constant 80 : index
        %get3A_538 = tpu.vector_load %arg6[%get3A_535, %get3A_536, %get3A_537] {strides = array<i32>} : memref<5x128x128xf32, #tpu.memory_space<vmem>>, vector<1x1x16xf32>,
        %get3A_539 = vector.shape_cast %get3A_538 : vector<1x1x16xf32> to vector<16xf32>
        %mul3A_540 = arith.mulf %get3A_539, %get3A_539 : vector<16xf32>
        %add3A_541 = arith.addf %add3A_533, %mul3A_540 : vector<16xf32>
        %get3A_542 = arith.constant 1 : i32
        %get3A_543 = arith.index_cast %get3A_542 : i32 to index
        %get3A_544 = arith.index_cast %scan3A_491 : i32 to index
        %get3A_545 = arith.constant 96 : index
        %get3A_546 = tpu.vector_load %arg6[%get3A_543, %get3A_544, %get3A_545] {strides = array<i32>} : memref<5x128x128xf32, #tpu.memory_space<vmem>>, vector<1x1x16xf32>,
        %get3A_547 = vector.shape_cast %get3A_546 : vector<1x1x16xf32> to vector<16xf32>
        %mul3A_548 = arith.mulf %get3A_547, %get3A_547 : vector<16xf32>
        %add3A_549 = arith.addf %add3A_541, %mul3A_548 : vector<16xf32>
        %get3A_550 = arith.constant 1 : i32
        %get3A_551 = arith.index_cast %get3A_550 : i32 to index
        %get3A_552 = arith.index_cast %scan3A_491 : i32 to index
        %get3A_553 = arith.constant 112 : index
        %get3A_554 = tpu.vector_load %arg6[%get3A_551, %get3A_552, %get3A_553] {strides = array<i32>} : memref<5x128x128xf32, #tpu.memory_space<vmem>>, vector<1x1x16xf32>,
        %get3A_555 = vector.shape_cast %get3A_554 : vector<1x1x16xf32> to vector<16xf32>
        %mul3A_556 = arith.mulf %get3A_555, %get3A_555 : vector<16xf32>
        %add3A_557 = arith.addf %add3A_549, %mul3A_556 : vector<16xf32>
        %iota3A_558 = tpu.iota {dimensions = array<i32: 0>} : vector<16xi32>
        %xor3A_559 = arith.constant 8 : i32
        %xor3A_560 = vector.broadcast %xor3A_559 : i32 to vector<16xi32>
        %xor3A_561 = arith.xori %iota3A_558, %xor3A_560 : vector<16xi32>
        %reshape3A_562 = vector.shape_cast %xor3A_561 : vector<16xi32> to vector<16x1xi32>
        %gather3A_563 = vector.shape_cast %reshape3A_562 : vector<16x1xi32> to vector<16xi32>
        %gather3A_564 = tpu.dynamic_gather %add3A_557[%gather3A_563] in [0] : vector<16xf32>, vector<16xi32> -> vector<16xf32>
        %add3A_565 = arith.addf %add3A_557, %gather3A_564 : vector<16xf32>
        %xor3A_566 = arith.constant 4 : i32
        %xor3A_567 = vector.broadcast %xor3A_566 : i32 to vector<16xi32>
        %xor3A_568 = arith.xori %iota3A_558, %xor3A_567 : vector<16xi32>
        %reshape3A_569 = vector.shape_cast %xor3A_568 : vector<16xi32> to vector<16x1xi32>
        %gather3A_570 = vector.shape_cast %reshape3A_569 : vector<16x1xi32> to vector<16xi32>
        %gather3A_571 = tpu.dynamic_gather %add3A_565[%gather3A_570] in [0] : vector<16xf32>, vector<16xi32> -> vector<16xf32>
        %add3A_572 = arith.addf %add3A_565, %gather3A_571 : vector<16xf32>
        %xor3A_573 = arith.constant 2 : i32
        %xor3A_574 = vector.broadcast %xor3A_573 : i32 to vector<16xi32>
        %xor3A_575 = arith.xori %iota3A_558, %xor3A_574 : vector<16xi32>
        %reshape3A_576 = vector.shape_cast %xor3A_575 : vector<16xi32> to vector<16x1xi32>
        %gather3A_577 = vector.shape_cast %reshape3A_576 : vector<16x1xi32> to vector<16xi32>
        %gather3A_578 = tpu.dynamic_gather %add3A_572[%gather3A_577] in [0] : vector<16xf32>, vector<16xi32> -> vector<16xf32>
        %add3A_579 = arith.addf %add3A_572, %gather3A_578 : vector<16xf32>
        %xor3A_580 = arith.constant 1 : i32
        %xor3A_581 = vector.broadcast %xor3A_580 : i32 to vector<16xi32>
        %xor3A_582 = arith.xori %iota3A_558, %xor3A_581 : vector<16xi32>
        %reshape3A_583 = vector.shape_cast %xor3A_582 : vector<16xi32> to vector<16x1xi32>
        %gather3A_584 = vector.shape_cast %reshape3A_583 : vector<16x1xi32> to vector<16xi32>
        %gather3A_585 = tpu.dynamic_gather %add3A_579[%gather3A_584] in [0] : vector<16xf32>, vector<16xi32> -> vector<16xf32>
        %add3A_586 = arith.addf %add3A_579, %gather3A_585 : vector<16xf32>
        %bitcast_convert_type3A_587 = tpu.bitcast %add3A_586 : vector<16xf32> -> vector<16xi32>
        %shift_right_logical3A_588 = arith.constant 1 : i32
        %shift_right_logical3A_589 = vector.broadcast %shift_right_logical3A_588 : i32 to vector<16xi32>
        %shift_right_logical3A_590 = arith.shrui %bitcast_convert_type3A_587, %shift_right_logical3A_589 : vector<16xi32>
        %sub3A_591 = arith.constant 1597463007 : i32
        %sub3A_592 = vector.broadcast %sub3A_591 : i32 to vector<16xi32>
        %sub3A_593 = arith.subi %sub3A_592, %shift_right_logical3A_590 : vector<16xi32>
        %bitcast_convert_type3A_594 = tpu.bitcast %sub3A_593 : vector<16xi32> -> vector<16xf32>
        %mul3A_595 = arith.constant 5.000000e-01 : f32
        %mul3A_596 = vector.broadcast %mul3A_595 : f32 to vector<16xf32>
        %mul3A_597 = arith.mulf %add3A_586, %mul3A_596 : vector<16xf32>
        %mul3A_598 = arith.mulf %mul3A_597, %bitcast_convert_type3A_594 : vector<16xf32>
        %mul3A_599 = arith.mulf %mul3A_598, %bitcast_convert_type3A_594 : vector<16xf32>
        %sub3A_600 = arith.constant 1.500000e+00 : f32
        %sub3A_601 = vector.broadcast %sub3A_600 : f32 to vector<16xf32>
        %sub3A_602 = arith.subf %sub3A_601, %mul3A_599 : vector<16xf32>
        %mul3A_603 = arith.mulf %bitcast_convert_type3A_594, %sub3A_602 : vector<16xf32>
        %mul3A_604 = arith.mulf %get3A_499, %mul3A_603 : vector<16xf32>
        %swap3A_605 = arith.constant 1 : i32
        %swap3A_606 = arith.index_cast %swap3A_605 : i32 to index
        %swap3A_607 = arith.index_cast %scan3A_491 : i32 to index
        %swap3A_608 = arith.constant 0 : index
        %swap3A_609 = tpu.vector_load %arg6[%swap3A_606, %swap3A_607, %swap3A_608] {strides = array<i32>} : memref<5x128x128xf32, #tpu.memory_space<vmem>>, vector<1x1x16xf32>,
        %swap3A_610 = vector.shape_cast %swap3A_609 : vector<1x1x16xf32> to vector<16xf32>
        %swap3A_611 = vector.shape_cast %mul3A_604 : vector<16xf32> to vector<1x1x16xf32>
        tpu.vector_store %arg6[%swap3A_606, %swap3A_607, %swap3A_608], %swap3A_611 {strides = array<i32>} : memref<5x128x128xf32, #tpu.memory_space<vmem>>, vector<1x1x16xf32>,
        %mul3A_612 = arith.mulf %get3A_507, %mul3A_603 : vector<16xf32>
        %swap3A_613 = arith.constant 1 : i32
        %swap3A_614 = arith.index_cast %swap3A_613 : i32 to index
        %swap3A_615 = arith.index_cast %scan3A_491 : i32 to index
        %swap3A_616 = arith.constant 16 : index
        %swap3A_617 = tpu.vector_load %arg6[%swap3A_614, %swap3A_615, %swap3A_616] {strides = array<i32>} : memref<5x128x128xf32, #tpu.memory_space<vmem>>, vector<1x1x16xf32>,
        %swap3A_618 = vector.shape_cast %swap3A_617 : vector<1x1x16xf32> to vector<16xf32>
        %swap3A_619 = vector.shape_cast %mul3A_612 : vector<16xf32> to vector<1x1x16xf32>
        tpu.vector_store %arg6[%swap3A_614, %swap3A_615, %swap3A_616], %swap3A_619 {strides = array<i32>} : memref<5x128x128xf32, #tpu.memory_space<vmem>>, vector<1x1x16xf32>,
        %mul3A_620 = arith.mulf %get3A_515, %mul3A_603 : vector<16xf32>
        %swap3A_621 = arith.constant 1 : i32
        %swap3A_622 = arith.index_cast %swap3A_621 : i32 to index
        %swap3A_623 = arith.index_cast %scan3A_491 : i32 to index
        %swap3A_624 = arith.constant 32 : index
        %swap3A_625 = tpu.vector_load %arg6[%swap3A_622, %swap3A_623, %swap3A_624] {strides = array<i32>} : memref<5x128x128xf32, #tpu.memory_space<vmem>>, vector<1x1x16xf32>,
        %swap3A_626 = vector.shape_cast %swap3A_625 : vector<1x1x16xf32> to vector<16xf32>
        %swap3A_627 = vector.shape_cast %mul3A_620 : vector<16xf32> to vector<1x1x16xf32>
        tpu.vector_store %arg6[%swap3A_622, %swap3A_623, %swap3A_624], %swap3A_627 {strides = array<i32>} : memref<5x128x128xf32, #tpu.memory_space<vmem>>, vector<1x1x16xf32>,
        %mul3A_628 = arith.mulf %get3A_523, %mul3A_603 : vector<16xf32>
        %swap3A_629 = arith.constant 1 : i32
        %swap3A_630 = arith.index_cast %swap3A_629 : i32 to index
        %swap3A_631 = arith.index_cast %scan3A_491 : i32 to index
        %swap3A_632 = arith.constant 48 : index
        %swap3A_633 = tpu.vector_load %arg6[%swap3A_630, %swap3A_631, %swap3A_632] {strides = array<i32>} : memref<5x128x128xf32, #tpu.memory_space<vmem>>, vector<1x1x16xf32>,
        %swap3A_634 = vector.shape_cast %swap3A_633 : vector<1x1x16xf32> to vector<16xf32>
        %swap3A_635 = vector.shape_cast %mul3A_628 : vector<16xf32> to vector<1x1x16xf32>
        tpu.vector_store %arg6[%swap3A_630, %swap3A_631, %swap3A_632], %swap3A_635 {strides = array<i32>} : memref<5x128x128xf32, #tpu.memory_space<vmem>>, vector<1x1x16xf32>,
        %mul3A_636 = arith.mulf %get3A_531, %mul3A_603 : vector<16xf32>
        %swap3A_637 = arith.constant 1 : i32
        %swap3A_638 = arith.index_cast %swap3A_637 : i32 to index
        %swap3A_639 = arith.index_cast %scan3A_491 : i32 to index
        %swap3A_640 = arith.constant 64 : index
        %swap3A_641 = tpu.vector_load %arg6[%swap3A_638, %swap3A_639, %swap3A_640] {strides = array<i32>} : memref<5x128x128xf32, #tpu.memory_space<vmem>>, vector<1x1x16xf32>,
        %swap3A_642 = vector.shape_cast %swap3A_641 : vector<1x1x16xf32> to vector<16xf32>
        %swap3A_643 = vector.shape_cast %mul3A_636 : vector<16xf32> to vector<1x1x16xf32>
        tpu.vector_store %arg6[%swap3A_638, %swap3A_639, %swap3A_640], %swap3A_643 {strides = array<i32>} : memref<5x128x128xf32, #tpu.memory_space<vmem>>, vector<1x1x16xf32>,
        %mul3A_644 = arith.mulf %get3A_539, %mul3A_603 : vector<16xf32>
        %swap3A_645 = arith.constant 1 : i32
        %swap3A_646 = arith.index_cast %swap3A_645 : i32 to index
        %swap3A_647 = arith.index_cast %scan3A_491 : i32 to index
        %swap3A_648 = arith.constant 80 : index
        %swap3A_649 = tpu.vector_load %arg6[%swap3A_646, %swap3A_647, %swap3A_648] {strides = array<i32>} : memref<5x128x128xf32, #tpu.memory_space<vmem>>, vector<1x1x16xf32>,
        %swap3A_650 = vector.shape_cast %swap3A_649 : vector<1x1x16xf32> to vector<16xf32>
        %swap3A_651 = vector.shape_cast %mul3A_644 : vector<16xf32> to vector<1x1x16xf32>
        tpu.vector_store %arg6[%swap3A_646, %swap3A_647, %swap3A_648], %swap3A_651 {strides = array<i32>} : memref<5x128x128xf32, #tpu.memory_space<vmem>>, vector<1x1x16xf32>,
        %mul3A_652 = arith.mulf %get3A_547, %mul3A_603 : vector<16xf32>
        %swap3A_653 = arith.constant 1 : i32
        %swap3A_654 = arith.index_cast %swap3A_653 : i32 to index
        %swap3A_655 = arith.index_cast %scan3A_491 : i32 to index
        %swap3A_656 = arith.constant 96 : index
        %swap3A_657 = tpu.vector_load %arg6[%swap3A_654, %swap3A_655, %swap3A_656] {strides = array<i32>} : memref<5x128x128xf32, #tpu.memory_space<vmem>>, vector<1x1x16xf32>,
        %swap3A_658 = vector.shape_cast %swap3A_657 : vector<1x1x16xf32> to vector<16xf32>
        %swap3A_659 = vector.shape_cast %mul3A_652 : vector<16xf32> to vector<1x1x16xf32>
        tpu.vector_store %arg6[%swap3A_654, %swap3A_655, %swap3A_656], %swap3A_659 {strides = array<i32>} : memref<5x128x128xf32, #tpu.memory_space<vmem>>, vector<1x1x16xf32>,
        %mul3A_660 = arith.mulf %get3A_555, %mul3A_603 : vector<16xf32>
        %swap3A_661 = arith.constant 1 : i32
        %swap3A_662 = arith.index_cast %swap3A_661 : i32 to index
        %swap3A_663 = arith.index_cast %scan3A_491 : i32 to index
        %swap3A_664 = arith.constant 112 : index
        %swap3A_665 = tpu.vector_load %arg6[%swap3A_662, %swap3A_663, %swap3A_664] {strides = array<i32>} : memref<5x128x128xf32, #tpu.memory_space<vmem>>, vector<1x1x16xf32>,
        %swap3A_666 = vector.shape_cast %swap3A_665 : vector<1x1x16xf32> to vector<16xf32>
        %swap3A_667 = vector.shape_cast %mul3A_660 : vector<16xf32> to vector<1x1x16xf32>
        tpu.vector_store %arg6[%swap3A_662, %swap3A_663, %swap3A_664], %swap3A_667 {strides = array<i32>} : memref<5x128x128xf32, #tpu.memory_space<vmem>>, vector<1x1x16xf32>,
        %scan3A_668 = arith.constant 2 : i32
        %scan3A_669 = arith.addi %scan3A_323, %scan3A_668 : i32
        %broadcast_in_dim3A_670 = arith.constant 0.000000e+00 : f32
        %broadcast_in_dim3A_671 = vector.broadcast %broadcast_in_dim3A_670 : f32 to vector<16xf32>
        %get3A_672 = arith.constant 1 : i32
        %get3A_673 = arith.index_cast %get3A_672 : i32 to index
        %get3A_674 = arith.index_cast %scan3A_669 : i32 to index
        %get3A_675 = arith.constant 0 : index
        %get3A_676 = tpu.vector_load %arg6[%get3A_673, %get3A_674, %get3A_675] {strides = array<i32>} : memref<5x128x128xf32, #tpu.memory_space<vmem>>, vector<1x1x16xf32>,
        %get3A_677 = vector.shape_cast %get3A_676 : vector<1x1x16xf32> to vector<16xf32>
        %mul3A_678 = arith.mulf %get3A_677, %get3A_677 : vector<16xf32>
        %add3A_679 = arith.addf %broadcast_in_dim3A_671, %mul3A_678 : vector<16xf32>
        %get3A_680 = arith.constant 1 : i32
        %get3A_681 = arith.index_cast %get3A_680 : i32 to index
        %get3A_682 = arith.index_cast %scan3A_669 : i32 to index
        %get3A_683 = arith.constant 16 : index
        %get3A_684 = tpu.vector_load %arg6[%get3A_681, %get3A_682, %get3A_683] {strides = array<i32>} : memref<5x128x128xf32, #tpu.memory_space<vmem>>, vector<1x1x16xf32>,
        %get3A_685 = vector.shape_cast %get3A_684 : vector<1x1x16xf32> to vector<16xf32>
        %mul3A_686 = arith.mulf %get3A_685, %get3A_685 : vector<16xf32>
        %add3A_687 = arith.addf %add3A_679, %mul3A_686 : vector<16xf32>
        %get3A_688 = arith.constant 1 : i32
        %get3A_689 = arith.index_cast %get3A_688 : i32 to index
        %get3A_690 = arith.index_cast %scan3A_669 : i32 to index
        %get3A_691 = arith.constant 32 : index
        %get3A_692 = tpu.vector_load %arg6[%get3A_689, %get3A_690, %get3A_691] {strides = array<i32>} : memref<5x128x128xf32, #tpu.memory_space<vmem>>, vector<1x1x16xf32>,
        %get3A_693 = vector.shape_cast %get3A_692 : vector<1x1x16xf32> to vector<16xf32>
        %mul3A_694 = arith.mulf %get3A_693, %get3A_693 : vector<16xf32>
        %add3A_695 = arith.addf %add3A_687, %mul3A_694 : vector<16xf32>
        %get3A_696 = arith.constant 1 : i32
        %get3A_697 = arith.index_cast %get3A_696 : i32 to index
        %get3A_698 = arith.index_cast %scan3A_669 : i32 to index
        %get3A_699 = arith.constant 48 : index
        %get3A_700 = tpu.vector_load %arg6[%get3A_697, %get3A_698, %get3A_699] {strides = array<i32>} : memref<5x128x128xf32, #tpu.memory_space<vmem>>, vector<1x1x16xf32>,
        %get3A_701 = vector.shape_cast %get3A_700 : vector<1x1x16xf32> to vector<16xf32>
        %mul3A_702 = arith.mulf %get3A_701, %get3A_701 : vector<16xf32>
        %add3A_703 = arith.addf %add3A_695, %mul3A_702 : vector<16xf32>
        %get3A_704 = arith.constant 1 : i32
        %get3A_705 = arith.index_cast %get3A_704 : i32 to index
        %get3A_706 = arith.index_cast %scan3A_669 : i32 to index
        %get3A_707 = arith.constant 64 : index
        %get3A_708 = tpu.vector_load %arg6[%get3A_705, %get3A_706, %get3A_707] {strides = array<i32>} : memref<5x128x128xf32, #tpu.memory_space<vmem>>, vector<1x1x16xf32>,
        %get3A_709 = vector.shape_cast %get3A_708 : vector<1x1x16xf32> to vector<16xf32>
        %mul3A_710 = arith.mulf %get3A_709, %get3A_709 : vector<16xf32>
        %add3A_711 = arith.addf %add3A_703, %mul3A_710 : vector<16xf32>
        %get3A_712 = arith.constant 1 : i32
        %get3A_713 = arith.index_cast %get3A_712 : i32 to index
        %get3A_714 = arith.index_cast %scan3A_669 : i32 to index
        %get3A_715 = arith.constant 80 : index
        %get3A_716 = tpu.vector_load %arg6[%get3A_713, %get3A_714, %get3A_715] {strides = array<i32>} : memref<5x128x128xf32, #tpu.memory_space<vmem>>, vector<1x1x16xf32>,
        %get3A_717 = vector.shape_cast %get3A_716 : vector<1x1x16xf32> to vector<16xf32>
        %mul3A_718 = arith.mulf %get3A_717, %get3A_717 : vector<16xf32>
        %add3A_719 = arith.addf %add3A_711, %mul3A_718 : vector<16xf32>
        %get3A_720 = arith.constant 1 : i32
        %get3A_721 = arith.index_cast %get3A_720 : i32 to index
        %get3A_722 = arith.index_cast %scan3A_669 : i32 to index
        %get3A_723 = arith.constant 96 : index
        %get3A_724 = tpu.vector_load %arg6[%get3A_721, %get3A_722, %get3A_723] {strides = array<i32>} : memref<5x128x128xf32, #tpu.memory_space<vmem>>, vector<1x1x16xf32>,
        %get3A_725 = vector.shape_cast %get3A_724 : vector<1x1x16xf32> to vector<16xf32>
        %mul3A_726 = arith.mulf %get3A_725, %get3A_725 : vector<16xf32>
        %add3A_727 = arith.addf %add3A_719, %mul3A_726 : vector<16xf32>
        %get3A_728 = arith.constant 1 : i32
        %get3A_729 = arith.index_cast %get3A_728 : i32 to index
        %get3A_730 = arith.index_cast %scan3A_669 : i32 to index
        %get3A_731 = arith.constant 112 : index
        %get3A_732 = tpu.vector_load %arg6[%get3A_729, %get3A_730, %get3A_731] {strides = array<i32>} : memref<5x128x128xf32, #tpu.memory_space<vmem>>, vector<1x1x16xf32>,
        %get3A_733 = vector.shape_cast %get3A_732 : vector<1x1x16xf32> to vector<16xf32>
        %mul3A_734 = arith.mulf %get3A_733, %get3A_733 : vector<16xf32>
        %add3A_735 = arith.addf %add3A_727, %mul3A_734 : vector<16xf32>
        %iota3A_736 = tpu.iota {dimensions = array<i32: 0>} : vector<16xi32>
        %xor3A_737 = arith.constant 8 : i32
        %xor3A_738 = vector.broadcast %xor3A_737 : i32 to vector<16xi32>
        %xor3A_739 = arith.xori %iota3A_736, %xor3A_738 : vector<16xi32>
        %reshape3A_740 = vector.shape_cast %xor3A_739 : vector<16xi32> to vector<16x1xi32>
        %gather3A_741 = vector.shape_cast %reshape3A_740 : vector<16x1xi32> to vector<16xi32>
        %gather3A_742 = tpu.dynamic_gather %add3A_735[%gather3A_741] in [0] : vector<16xf32>, vector<16xi32> -> vector<16xf32>
        %add3A_743 = arith.addf %add3A_735, %gather3A_742 : vector<16xf32>
        %xor3A_744 = arith.constant 4 : i32
        %xor3A_745 = vector.broadcast %xor3A_744 : i32 to vector<16xi32>
        %xor3A_746 = arith.xori %iota3A_736, %xor3A_745 : vector<16xi32>
        %reshape3A_747 = vector.shape_cast %xor3A_746 : vector<16xi32> to vector<16x1xi32>
        %gather3A_748 = vector.shape_cast %reshape3A_747 : vector<16x1xi32> to vector<16xi32>
        %gather3A_749 = tpu.dynamic_gather %add3A_743[%gather3A_748] in [0] : vector<16xf32>, vector<16xi32> -> vector<16xf32>
        %add3A_750 = arith.addf %add3A_743, %gather3A_749 : vector<16xf32>
        %xor3A_751 = arith.constant 2 : i32
        %xor3A_752 = vector.broadcast %xor3A_751 : i32 to vector<16xi32>
        %xor3A_753 = arith.xori %iota3A_736, %xor3A_752 : vector<16xi32>
        %reshape3A_754 = vector.shape_cast %xor3A_753 : vector<16xi32> to vector<16x1xi32>
        %gather3A_755 = vector.shape_cast %reshape3A_754 : vector<16x1xi32> to vector<16xi32>
        %gather3A_756 = tpu.dynamic_gather %add3A_750[%gather3A_755] in [0] : vector<16xf32>, vector<16xi32> -> vector<16xf32>
        %add3A_757 = arith.addf %add3A_750, %gather3A_756 : vector<16xf32>
        %xor3A_758 = arith.constant 1 : i32
        %xor3A_759 = vector.broadcast %xor3A_758 : i32 to vector<16xi32>
        %xor3A_760 = arith.xori %iota3A_736, %xor3A_759 : vector<16xi32>
        %reshape3A_761 = vector.shape_cast %xor3A_760 : vector<16xi32> to vector<16x1xi32>
        %gather3A_762 = vector.shape_cast %reshape3A_761 : vector<16x1xi32> to vector<16xi32>
        %gather3A_763 = tpu.dynamic_gather %add3A_757[%gather3A_762] in [0] : vector<16xf32>, vector<16xi32> -> vector<16xf32>
        %add3A_764 = arith.addf %add3A_757, %gather3A_763 : vector<16xf32>
        %bitcast_convert_type3A_765 = tpu.bitcast %add3A_764 : vector<16xf32> -> vector<16xi32>
        %shift_right_logical3A_766 = arith.constant 1 : i32
        %shift_right_logical3A_767 = vector.broadcast %shift_right_logical3A_766 : i32 to vector<16xi32>
        %shift_right_logical3A_768 = arith.shrui %bitcast_convert_type3A_765, %shift_right_logical3A_767 : vector<16xi32>
        %sub3A_769 = arith.constant 1597463007 : i32
        %sub3A_770 = vector.broadcast %sub3A_769 : i32 to vector<16xi32>
        %sub3A_771 = arith.subi %sub3A_770, %shift_right_logical3A_768 : vector<16xi32>
        %bitcast_convert_type3A_772 = tpu.bitcast %sub3A_771 : vector<16xi32> -> vector<16xf32>
        %mul3A_773 = arith.constant 5.000000e-01 : f32
        %mul3A_774 = vector.broadcast %mul3A_773 : f32 to vector<16xf32>
        %mul3A_775 = arith.mulf %add3A_764, %mul3A_774 : vector<16xf32>
        %mul3A_776 = arith.mulf %mul3A_775, %bitcast_convert_type3A_772 : vector<16xf32>
        %mul3A_777 = arith.mulf %mul3A_776, %bitcast_convert_type3A_772 : vector<16xf32>
        %sub3A_778 = arith.constant 1.500000e+00 : f32
        %sub3A_779 = vector.broadcast %sub3A_778 : f32 to vector<16xf32>
        %sub3A_780 = arith.subf %sub3A_779, %mul3A_777 : vector<16xf32>
        %mul3A_781 = arith.mulf %bitcast_convert_type3A_772, %sub3A_780 : vector<16xf32>
        %mul3A_782 = arith.mulf %get3A_677, %mul3A_781 : vector<16xf32>
        %swap3A_783 = arith.constant 1 : i32
        %swap3A_784 = arith.index_cast %swap3A_783 : i32 to index
        %swap3A_785 = arith.index_cast %scan3A_669 : i32 to index
        %swap3A_786 = arith.constant 0 : index
        %swap3A_787 = tpu.vector_load %arg6[%swap3A_784, %swap3A_785, %swap3A_786] {strides = array<i32>} : memref<5x128x128xf32, #tpu.memory_space<vmem>>, vector<1x1x16xf32>,
        %swap3A_788 = vector.shape_cast %swap3A_787 : vector<1x1x16xf32> to vector<16xf32>
        %swap3A_789 = vector.shape_cast %mul3A_782 : vector<16xf32> to vector<1x1x16xf32>
        tpu.vector_store %arg6[%swap3A_784, %swap3A_785, %swap3A_786], %swap3A_789 {strides = array<i32>} : memref<5x128x128xf32, #tpu.memory_space<vmem>>, vector<1x1x16xf32>,
        %mul3A_790 = arith.mulf %get3A_685, %mul3A_781 : vector<16xf32>
        %swap3A_791 = arith.constant 1 : i32
        %swap3A_792 = arith.index_cast %swap3A_791 : i32 to index
        %swap3A_793 = arith.index_cast %scan3A_669 : i32 to index
        %swap3A_794 = arith.constant 16 : index
        %swap3A_795 = tpu.vector_load %arg6[%swap3A_792, %swap3A_793, %swap3A_794] {strides = array<i32>} : memref<5x128x128xf32, #tpu.memory_space<vmem>>, vector<1x1x16xf32>,
        %swap3A_796 = vector.shape_cast %swap3A_795 : vector<1x1x16xf32> to vector<16xf32>
        %swap3A_797 = vector.shape_cast %mul3A_790 : vector<16xf32> to vector<1x1x16xf32>
        tpu.vector_store %arg6[%swap3A_792, %swap3A_793, %swap3A_794], %swap3A_797 {strides = array<i32>} : memref<5x128x128xf32, #tpu.memory_space<vmem>>, vector<1x1x16xf32>,
        %mul3A_798 = arith.mulf %get3A_693, %mul3A_781 : vector<16xf32>
        %swap3A_799 = arith.constant 1 : i32
        %swap3A_800 = arith.index_cast %swap3A_799 : i32 to index
        %swap3A_801 = arith.index_cast %scan3A_669 : i32 to index
        %swap3A_802 = arith.constant 32 : index
        %swap3A_803 = tpu.vector_load %arg6[%swap3A_800, %swap3A_801, %swap3A_802] {strides = array<i32>} : memref<5x128x128xf32, #tpu.memory_space<vmem>>, vector<1x1x16xf32>,
        %swap3A_804 = vector.shape_cast %swap3A_803 : vector<1x1x16xf32> to vector<16xf32>
        %swap3A_805 = vector.shape_cast %mul3A_798 : vector<16xf32> to vector<1x1x16xf32>
        tpu.vector_store %arg6[%swap3A_800, %swap3A_801, %swap3A_802], %swap3A_805 {strides = array<i32>} : memref<5x128x128xf32, #tpu.memory_space<vmem>>, vector<1x1x16xf32>,
        %mul3A_806 = arith.mulf %get3A_701, %mul3A_781 : vector<16xf32>
        %swap3A_807 = arith.constant 1 : i32
        %swap3A_808 = arith.index_cast %swap3A_807 : i32 to index
        %swap3A_809 = arith.index_cast %scan3A_669 : i32 to index
        %swap3A_810 = arith.constant 48 : index
        %swap3A_811 = tpu.vector_load %arg6[%swap3A_808, %swap3A_809, %swap3A_810] {strides = array<i32>} : memref<5x128x128xf32, #tpu.memory_space<vmem>>, vector<1x1x16xf32>,
        %swap3A_812 = vector.shape_cast %swap3A_811 : vector<1x1x16xf32> to vector<16xf32>
        %swap3A_813 = vector.shape_cast %mul3A_806 : vector<16xf32> to vector<1x1x16xf32>
        tpu.vector_store %arg6[%swap3A_808, %swap3A_809, %swap3A_810], %swap3A_813 {strides = array<i32>} : memref<5x128x128xf32, #tpu.memory_space<vmem>>, vector<1x1x16xf32>,
        %mul3A_814 = arith.mulf %get3A_709, %mul3A_781 : vector<16xf32>
        %swap3A_815 = arith.constant 1 : i32
        %swap3A_816 = arith.index_cast %swap3A_815 : i32 to index
        %swap3A_817 = arith.index_cast %scan3A_669 : i32 to index
        %swap3A_818 = arith.constant 64 : index
        %swap3A_819 = tpu.vector_load %arg6[%swap3A_816, %swap3A_817, %swap3A_818] {strides = array<i32>} : memref<5x128x128xf32, #tpu.memory_space<vmem>>, vector<1x1x16xf32>,
        %swap3A_820 = vector.shape_cast %swap3A_819 : vector<1x1x16xf32> to vector<16xf32>
        %swap3A_821 = vector.shape_cast %mul3A_814 : vector<16xf32> to vector<1x1x16xf32>
        tpu.vector_store %arg6[%swap3A_816, %swap3A_817, %swap3A_818], %swap3A_821 {strides = array<i32>} : memref<5x128x128xf32, #tpu.memory_space<vmem>>, vector<1x1x16xf32>,
        %mul3A_822 = arith.mulf %get3A_717, %mul3A_781 : vector<16xf32>
        %swap3A_823 = arith.constant 1 : i32
        %swap3A_824 = arith.index_cast %swap3A_823 : i32 to index
        %swap3A_825 = arith.index_cast %scan3A_669 : i32 to index
        %swap3A_826 = arith.constant 80 : index
        %swap3A_827 = tpu.vector_load %arg6[%swap3A_824, %swap3A_825, %swap3A_826] {strides = array<i32>} : memref<5x128x128xf32, #tpu.memory_space<vmem>>, vector<1x1x16xf32>,
        %swap3A_828 = vector.shape_cast %swap3A_827 : vector<1x1x16xf32> to vector<16xf32>
        %swap3A_829 = vector.shape_cast %mul3A_822 : vector<16xf32> to vector<1x1x16xf32>
        tpu.vector_store %arg6[%swap3A_824, %swap3A_825, %swap3A_826], %swap3A_829 {strides = array<i32>} : memref<5x128x128xf32, #tpu.memory_space<vmem>>, vector<1x1x16xf32>,
        %mul3A_830 = arith.mulf %get3A_725, %mul3A_781 : vector<16xf32>
        %swap3A_831 = arith.constant 1 : i32
        %swap3A_832 = arith.index_cast %swap3A_831 : i32 to index
        %swap3A_833 = arith.index_cast %scan3A_669 : i32 to index
        %swap3A_834 = arith.constant 96 : index
        %swap3A_835 = tpu.vector_load %arg6[%swap3A_832, %swap3A_833, %swap3A_834] {strides = array<i32>} : memref<5x128x128xf32, #tpu.memory_space<vmem>>, vector<1x1x16xf32>,
        %swap3A_836 = vector.shape_cast %swap3A_835 : vector<1x1x16xf32> to vector<16xf32>
        %swap3A_837 = vector.shape_cast %mul3A_830 : vector<16xf32> to vector<1x1x16xf32>
        tpu.vector_store %arg6[%swap3A_832, %swap3A_833, %swap3A_834], %swap3A_837 {strides = array<i32>} : memref<5x128x128xf32, #tpu.memory_space<vmem>>, vector<1x1x16xf32>,
        %mul3A_838 = arith.mulf %get3A_733, %mul3A_781 : vector<16xf32>
        %swap3A_839 = arith.constant 1 : i32
        %swap3A_840 = arith.index_cast %swap3A_839 : i32 to index
        %swap3A_841 = arith.index_cast %scan3A_669 : i32 to index
        %swap3A_842 = arith.constant 112 : index
        %swap3A_843 = tpu.vector_load %arg6[%swap3A_840, %swap3A_841, %swap3A_842] {strides = array<i32>} : memref<5x128x128xf32, #tpu.memory_space<vmem>>, vector<1x1x16xf32>,
        %swap3A_844 = vector.shape_cast %swap3A_843 : vector<1x1x16xf32> to vector<16xf32>
        %swap3A_845 = vector.shape_cast %mul3A_838 : vector<16xf32> to vector<1x1x16xf32>
        tpu.vector_store %arg6[%swap3A_840, %swap3A_841, %swap3A_842], %swap3A_845 {strides = array<i32>} : memref<5x128x128xf32, #tpu.memory_space<vmem>>, vector<1x1x16xf32>,
        %scan3A_846 = arith.constant 3 : i32
        %scan3A_847 = arith.addi %scan3A_323, %scan3A_846 : i32
        %broadcast_in_dim3A_848 = arith.constant 0.000000e+00 : f32
        %broadcast_in_dim3A_849 = vector.broadcast %broadcast_in_dim3A_848 : f32 to vector<16xf32>
        %get3A_850 = arith.constant 1 : i32
        %get3A_851 = arith.index_cast %get3A_850 : i32 to index
        %get3A_852 = arith.index_cast %scan3A_847 : i32 to index
        %get3A_853 = arith.constant 0 : index
        %get3A_854 = tpu.vector_load %arg6[%get3A_851, %get3A_852, %get3A_853] {strides = array<i32>} : memref<5x128x128xf32, #tpu.memory_space<vmem>>, vector<1x1x16xf32>,
        %get3A_855 = vector.shape_cast %get3A_854 : vector<1x1x16xf32> to vector<16xf32>
        %mul3A_856 = arith.mulf %get3A_855, %get3A_855 : vector<16xf32>
        %add3A_857 = arith.addf %broadcast_in_dim3A_849, %mul3A_856 : vector<16xf32>
        %get3A_858 = arith.constant 1 : i32
        %get3A_859 = arith.index_cast %get3A_858 : i32 to index
        %get3A_860 = arith.index_cast %scan3A_847 : i32 to index
        %get3A_861 = arith.constant 16 : index
        %get3A_862 = tpu.vector_load %arg6[%get3A_859, %get3A_860, %get3A_861] {strides = array<i32>} : memref<5x128x128xf32, #tpu.memory_space<vmem>>, vector<1x1x16xf32>,
        %get3A_863 = vector.shape_cast %get3A_862 : vector<1x1x16xf32> to vector<16xf32>
        %mul3A_864 = arith.mulf %get3A_863, %get3A_863 : vector<16xf32>
        %add3A_865 = arith.addf %add3A_857, %mul3A_864 : vector<16xf32>
        %get3A_866 = arith.constant 1 : i32
        %get3A_867 = arith.index_cast %get3A_866 : i32 to index
        %get3A_868 = arith.index_cast %scan3A_847 : i32 to index
        %get3A_869 = arith.constant 32 : index
        %get3A_870 = tpu.vector_load %arg6[%get3A_867, %get3A_868, %get3A_869] {strides = array<i32>} : memref<5x128x128xf32, #tpu.memory_space<vmem>>, vector<1x1x16xf32>,
        %get3A_871 = vector.shape_cast %get3A_870 : vector<1x1x16xf32> to vector<16xf32>
        %mul3A_872 = arith.mulf %get3A_871, %get3A_871 : vector<16xf32>
        %add3A_873 = arith.addf %add3A_865, %mul3A_872 : vector<16xf32>
        %get3A_874 = arith.constant 1 : i32
        %get3A_875 = arith.index_cast %get3A_874 : i32 to index
        %get3A_876 = arith.index_cast %scan3A_847 : i32 to index
        %get3A_877 = arith.constant 48 : index
        %get3A_878 = tpu.vector_load %arg6[%get3A_875, %get3A_876, %get3A_877] {strides = array<i32>} : memref<5x128x128xf32, #tpu.memory_space<vmem>>, vector<1x1x16xf32>,
        %get3A_879 = vector.shape_cast %get3A_878 : vector<1x1x16xf32> to vector<16xf32>
        %mul3A_880 = arith.mulf %get3A_879, %get3A_879 : vector<16xf32>
        %add3A_881 = arith.addf %add3A_873, %mul3A_880 : vector<16xf32>
        %get3A_882 = arith.constant 1 : i32
        %get3A_883 = arith.index_cast %get3A_882 : i32 to index
        %get3A_884 = arith.index_cast %scan3A_847 : i32 to index
        %get3A_885 = arith.constant 64 : index
        %get3A_886 = tpu.vector_load %arg6[%get3A_883, %get3A_884, %get3A_885] {strides = array<i32>} : memref<5x128x128xf32, #tpu.memory_space<vmem>>, vector<1x1x16xf32>,
        %get3A_887 = vector.shape_cast %get3A_886 : vector<1x1x16xf32> to vector<16xf32>
        %mul3A_888 = arith.mulf %get3A_887, %get3A_887 : vector<16xf32>
        %add3A_889 = arith.addf %add3A_881, %mul3A_888 : vector<16xf32>
        %get3A_890 = arith.constant 1 : i32
        %get3A_891 = arith.index_cast %get3A_890 : i32 to index
        %get3A_892 = arith.index_cast %scan3A_847 : i32 to index
        %get3A_893 = arith.constant 80 : index
        %get3A_894 = tpu.vector_load %arg6[%get3A_891, %get3A_892, %get3A_893] {strides = array<i32>} : memref<5x128x128xf32, #tpu.memory_space<vmem>>, vector<1x1x16xf32>,
        %get3A_895 = vector.shape_cast %get3A_894 : vector<1x1x16xf32> to vector<16xf32>
        %mul3A_896 = arith.mulf %get3A_895, %get3A_895 : vector<16xf32>
        %add3A_897 = arith.addf %add3A_889, %mul3A_896 : vector<16xf32>
        %get3A_898 = arith.constant 1 : i32
        %get3A_899 = arith.index_cast %get3A_898 : i32 to index
        %get3A_900 = arith.index_cast %scan3A_847 : i32 to index
        %get3A_901 = arith.constant 96 : index
        %get3A_902 = tpu.vector_load %arg6[%get3A_899, %get3A_900, %get3A_901] {strides = array<i32>} : memref<5x128x128xf32, #tpu.memory_space<vmem>>, vector<1x1x16xf32>,
        %get3A_903 = vector.shape_cast %get3A_902 : vector<1x1x16xf32> to vector<16xf32>
        %mul3A_904 = arith.mulf %get3A_903, %get3A_903 : vector<16xf32>
        %add3A_905 = arith.addf %add3A_897, %mul3A_904 : vector<16xf32>
        %get3A_906 = arith.constant 1 : i32
        %get3A_907 = arith.index_cast %get3A_906 : i32 to index
        %get3A_908 = arith.index_cast %scan3A_847 : i32 to index
        %get3A_909 = arith.constant 112 : index
        %get3A_910 = tpu.vector_load %arg6[%get3A_907, %get3A_908, %get3A_909] {strides = array<i32>} : memref<5x128x128xf32, #tpu.memory_space<vmem>>, vector<1x1x16xf32>,
        %get3A_911 = vector.shape_cast %get3A_910 : vector<1x1x16xf32> to vector<16xf32>
        %mul3A_912 = arith.mulf %get3A_911, %get3A_911 : vector<16xf32>
        %add3A_913 = arith.addf %add3A_905, %mul3A_912 : vector<16xf32>
        %iota3A_914 = tpu.iota {dimensions = array<i32: 0>} : vector<16xi32>
        %xor3A_915 = arith.constant 8 : i32
        %xor3A_916 = vector.broadcast %xor3A_915 : i32 to vector<16xi32>
        %xor3A_917 = arith.xori %iota3A_914, %xor3A_916 : vector<16xi32>
        %reshape3A_918 = vector.shape_cast %xor3A_917 : vector<16xi32> to vector<16x1xi32>
        %gather3A_919 = vector.shape_cast %reshape3A_918 : vector<16x1xi32> to vector<16xi32>
        %gather3A_920 = tpu.dynamic_gather %add3A_913[%gather3A_919] in [0] : vector<16xf32>, vector<16xi32> -> vector<16xf32>
        %add3A_921 = arith.addf %add3A_913, %gather3A_920 : vector<16xf32>
        %xor3A_922 = arith.constant 4 : i32
        %xor3A_923 = vector.broadcast %xor3A_922 : i32 to vector<16xi32>
        %xor3A_924 = arith.xori %iota3A_914, %xor3A_923 : vector<16xi32>
        %reshape3A_925 = vector.shape_cast %xor3A_924 : vector<16xi32> to vector<16x1xi32>
        %gather3A_926 = vector.shape_cast %reshape3A_925 : vector<16x1xi32> to vector<16xi32>
        %gather3A_927 = tpu.dynamic_gather %add3A_921[%gather3A_926] in [0] : vector<16xf32>, vector<16xi32> -> vector<16xf32>
        %add3A_928 = arith.addf %add3A_921, %gather3A_927 : vector<16xf32>
        %xor3A_929 = arith.constant 2 : i32
        %xor3A_930 = vector.broadcast %xor3A_929 : i32 to vector<16xi32>
        %xor3A_931 = arith.xori %iota3A_914, %xor3A_930 : vector<16xi32>
        %reshape3A_932 = vector.shape_cast %xor3A_931 : vector<16xi32> to vector<16x1xi32>
        %gather3A_933 = vector.shape_cast %reshape3A_932 : vector<16x1xi32> to vector<16xi32>
        %gather3A_934 = tpu.dynamic_gather %add3A_928[%gather3A_933] in [0] : vector<16xf32>, vector<16xi32> -> vector<16xf32>
        %add3A_935 = arith.addf %add3A_928, %gather3A_934 : vector<16xf32>
        %xor3A_936 = arith.constant 1 : i32
        %xor3A_937 = vector.broadcast %xor3A_936 : i32 to vector<16xi32>
        %xor3A_938 = arith.xori %iota3A_914, %xor3A_937 : vector<16xi32>
        %reshape3A_939 = vector.shape_cast %xor3A_938 : vector<16xi32> to vector<16x1xi32>
        %gather3A_940 = vector.shape_cast %reshape3A_939 : vector<16x1xi32> to vector<16xi32>
        %gather3A_941 = tpu.dynamic_gather %add3A_935[%gather3A_940] in [0] : vector<16xf32>, vector<16xi32> -> vector<16xf32>
        %add3A_942 = arith.addf %add3A_935, %gather3A_941 : vector<16xf32>
        %bitcast_convert_type3A_943 = tpu.bitcast %add3A_942 : vector<16xf32> -> vector<16xi32>
        %shift_right_logical3A_944 = arith.constant 1 : i32
        %shift_right_logical3A_945 = vector.broadcast %shift_right_logical3A_944 : i32 to vector<16xi32>
        %shift_right_logical3A_946 = arith.shrui %bitcast_convert_type3A_943, %shift_right_logical3A_945 : vector<16xi32>
        %sub3A_947 = arith.constant 1597463007 : i32
        %sub3A_948 = vector.broadcast %sub3A_947 : i32 to vector<16xi32>
        %sub3A_949 = arith.subi %sub3A_948, %shift_right_logical3A_946 : vector<16xi32>
        %bitcast_convert_type3A_950 = tpu.bitcast %sub3A_949 : vector<16xi32> -> vector<16xf32>
        %mul3A_951 = arith.constant 5.000000e-01 : f32
        %mul3A_952 = vector.broadcast %mul3A_951 : f32 to vector<16xf32>
        %mul3A_953 = arith.mulf %add3A_942, %mul3A_952 : vector<16xf32>
        %mul3A_954 = arith.mulf %mul3A_953, %bitcast_convert_type3A_950 : vector<16xf32>
        %mul3A_955 = arith.mulf %mul3A_954, %bitcast_convert_type3A_950 : vector<16xf32>
        %sub3A_956 = arith.constant 1.500000e+00 : f32
        %sub3A_957 = vector.broadcast %sub3A_956 : f32 to vector<16xf32>
        %sub3A_958 = arith.subf %sub3A_957, %mul3A_955 : vector<16xf32>
        %mul3A_959 = arith.mulf %bitcast_convert_type3A_950, %sub3A_958 : vector<16xf32>
        %mul3A_960 = arith.mulf %get3A_855, %mul3A_959 : vector<16xf32>
        %swap3A_961 = arith.constant 1 : i32
        %swap3A_962 = arith.index_cast %swap3A_961 : i32 to index
        %swap3A_963 = arith.index_cast %scan3A_847 : i32 to index
        %swap3A_964 = arith.constant 0 : index
        %swap3A_965 = tpu.vector_load %arg6[%swap3A_962, %swap3A_963, %swap3A_964] {strides = array<i32>} : memref<5x128x128xf32, #tpu.memory_space<vmem>>, vector<1x1x16xf32>,
        %swap3A_966 = vector.shape_cast %swap3A_965 : vector<1x1x16xf32> to vector<16xf32>
        %swap3A_967 = vector.shape_cast %mul3A_960 : vector<16xf32> to vector<1x1x16xf32>
        tpu.vector_store %arg6[%swap3A_962, %swap3A_963, %swap3A_964], %swap3A_967 {strides = array<i32>} : memref<5x128x128xf32, #tpu.memory_space<vmem>>, vector<1x1x16xf32>,
        %mul3A_968 = arith.mulf %get3A_863, %mul3A_959 : vector<16xf32>
        %swap3A_969 = arith.constant 1 : i32
        %swap3A_970 = arith.index_cast %swap3A_969 : i32 to index
        %swap3A_971 = arith.index_cast %scan3A_847 : i32 to index
        %swap3A_972 = arith.constant 16 : index
        %swap3A_973 = tpu.vector_load %arg6[%swap3A_970, %swap3A_971, %swap3A_972] {strides = array<i32>} : memref<5x128x128xf32, #tpu.memory_space<vmem>>, vector<1x1x16xf32>,
        %swap3A_974 = vector.shape_cast %swap3A_973 : vector<1x1x16xf32> to vector<16xf32>
        %swap3A_975 = vector.shape_cast %mul3A_968 : vector<16xf32> to vector<1x1x16xf32>
        tpu.vector_store %arg6[%swap3A_970, %swap3A_971, %swap3A_972], %swap3A_975 {strides = array<i32>} : memref<5x128x128xf32, #tpu.memory_space<vmem>>, vector<1x1x16xf32>,
        %mul3A_976 = arith.mulf %get3A_871, %mul3A_959 : vector<16xf32>
        %swap3A_977 = arith.constant 1 : i32
        %swap3A_978 = arith.index_cast %swap3A_977 : i32 to index
        %swap3A_979 = arith.index_cast %scan3A_847 : i32 to index
        %swap3A_980 = arith.constant 32 : index
        %swap3A_981 = tpu.vector_load %arg6[%swap3A_978, %swap3A_979, %swap3A_980] {strides = array<i32>} : memref<5x128x128xf32, #tpu.memory_space<vmem>>, vector<1x1x16xf32>,
        %swap3A_982 = vector.shape_cast %swap3A_981 : vector<1x1x16xf32> to vector<16xf32>
        %swap3A_983 = vector.shape_cast %mul3A_976 : vector<16xf32> to vector<1x1x16xf32>
        tpu.vector_store %arg6[%swap3A_978, %swap3A_979, %swap3A_980], %swap3A_983 {strides = array<i32>} : memref<5x128x128xf32, #tpu.memory_space<vmem>>, vector<1x1x16xf32>,
        %mul3A_984 = arith.mulf %get3A_879, %mul3A_959 : vector<16xf32>
        %swap3A_985 = arith.constant 1 : i32
        %swap3A_986 = arith.index_cast %swap3A_985 : i32 to index
        %swap3A_987 = arith.index_cast %scan3A_847 : i32 to index
        %swap3A_988 = arith.constant 48 : index
        %swap3A_989 = tpu.vector_load %arg6[%swap3A_986, %swap3A_987, %swap3A_988] {strides = array<i32>} : memref<5x128x128xf32, #tpu.memory_space<vmem>>, vector<1x1x16xf32>,
        %swap3A_990 = vector.shape_cast %swap3A_989 : vector<1x1x16xf32> to vector<16xf32>
        %swap3A_991 = vector.shape_cast %mul3A_984 : vector<16xf32> to vector<1x1x16xf32>
        tpu.vector_store %arg6[%swap3A_986, %swap3A_987, %swap3A_988], %swap3A_991 {strides = array<i32>} : memref<5x128x128xf32, #tpu.memory_space<vmem>>, vector<1x1x16xf32>,
        %mul3A_992 = arith.mulf %get3A_887, %mul3A_959 : vector<16xf32>
        %swap3A_993 = arith.constant 1 : i32
        %swap3A_994 = arith.index_cast %swap3A_993 : i32 to index
        %swap3A_995 = arith.index_cast %scan3A_847 : i32 to index
        %swap3A_996 = arith.constant 64 : index
        %swap3A_997 = tpu.vector_load %arg6[%swap3A_994, %swap3A_995, %swap3A_996] {strides = array<i32>} : memref<5x128x128xf32, #tpu.memory_space<vmem>>, vector<1x1x16xf32>,
        %swap3A_998 = vector.shape_cast %swap3A_997 : vector<1x1x16xf32> to vector<16xf32>
        %swap3A_999 = vector.shape_cast %mul3A_992 : vector<16xf32> to vector<1x1x16xf32>
        tpu.vector_store %arg6[%swap3A_994, %swap3A_995, %swap3A_996], %swap3A_999 {strides = array<i32>} : memref<5x128x128xf32, #tpu.memory_space<vmem>>, vector<1x1x16xf32>,
        %mul3A_1000 = arith.mulf %get3A_895, %mul3A_959 : vector<16xf32>
        %swap3A_1001 = arith.constant 1 : i32
        %swap3A_1002 = arith.index_cast %swap3A_1001 : i32 to index
        %swap3A_1003 = arith.index_cast %scan3A_847 : i32 to index
        %swap3A_1004 = arith.constant 80 : index
        %swap3A_1005 = tpu.vector_load %arg6[%swap3A_1002, %swap3A_1003, %swap3A_1004] {strides = array<i32>} : memref<5x128x128xf32, #tpu.memory_space<vmem>>, vector<1x1x16xf32>,
        %swap3A_1006 = vector.shape_cast %swap3A_1005 : vector<1x1x16xf32> to vector<16xf32>
        %swap3A_1007 = vector.shape_cast %mul3A_1000 : vector<16xf32> to vector<1x1x16xf32>
        tpu.vector_store %arg6[%swap3A_1002, %swap3A_1003, %swap3A_1004], %swap3A_1007 {strides = array<i32>} : memref<5x128x128xf32, #tpu.memory_space<vmem>>, vector<1x1x16xf32>,
        %mul3A_1008 = arith.mulf %get3A_903, %mul3A_959 : vector<16xf32>
        %swap3A_1009 = arith.constant 1 : i32
        %swap3A_1010 = arith.index_cast %swap3A_1009 : i32 to index
        %swap3A_1011 = arith.index_cast %scan3A_847 : i32 to index
        %swap3A_1012 = arith.constant 96 : index
        %swap3A_1013 = tpu.vector_load %arg6[%swap3A_1010, %swap3A_1011, %swap3A_1012] {strides = array<i32>} : memref<5x128x128xf32, #tpu.memory_space<vmem>>, vector<1x1x16xf32>,
        %swap3A_1014 = vector.shape_cast %swap3A_1013 : vector<1x1x16xf32> to vector<16xf32>
        %swap3A_1015 = vector.shape_cast %mul3A_1008 : vector<16xf32> to vector<1x1x16xf32>
        tpu.vector_store %arg6[%swap3A_1010, %swap3A_1011, %swap3A_1012], %swap3A_1015 {strides = array<i32>} : memref<5x128x128xf32, #tpu.memory_space<vmem>>, vector<1x1x16xf32>,
        %mul3A_1016 = arith.mulf %get3A_911, %mul3A_959 : vector<16xf32>
        %swap3A_1017 = arith.constant 1 : i32
        %swap3A_1018 = arith.index_cast %swap3A_1017 : i32 to index
        %swap3A_1019 = arith.index_cast %scan3A_847 : i32 to index
        %swap3A_1020 = arith.constant 112 : index
        %swap3A_1021 = tpu.vector_load %arg6[%swap3A_1018, %swap3A_1019, %swap3A_1020] {strides = array<i32>} : memref<5x128x128xf32, #tpu.memory_space<vmem>>, vector<1x1x16xf32>,
        %swap3A_1022 = vector.shape_cast %swap3A_1021 : vector<1x1x16xf32> to vector<16xf32>
        %swap3A_1023 = vector.shape_cast %mul3A_1016 : vector<16xf32> to vector<1x1x16xf32>
        tpu.vector_store %arg6[%swap3A_1018, %swap3A_1019, %swap3A_1020], %swap3A_1023 {strides = array<i32>} : memref<5x128x128xf32, #tpu.memory_space<vmem>>, vector<1x1x16xf32>,
      }
      %scan3A_174 = arith.constant 128 : i32
      %mul3A_175 = arith.constant 128 : i32
      %mul3A_176 = arith.muli %add3A_150, %mul3A_175 : i32
      %add3A_177 = arith.addi %mul3A_2, %mul3A_176 : i32
      %dma_start3A_178 = arith.constant 1 : i32
      %dma_start3A_179 = arith.constant 0 : i32
      %dma_start3A_180 = arith.constant 0 : i32
      %dma_start3A_181 = tpu.memref_slice %arg6[%dma_start3A_178, %dma_start3A_179, %dma_start3A_180] : memref<5x128x128xf32, #tpu.memory_space<vmem>> -> memref<1x128x128xf32, #tpu.memory_space<vmem>>
      %dma_start3A_182 = tpu.memref_squeeze %dma_start3A_181 : memref<1x128x128xf32, #tpu.memory_space<vmem>> -> memref<128x128xf32, #tpu.memory_space<vmem>>
      %dma_start3A_183 = arith.constant 0 : i32
      %dma_start3A_184 = tpu.memref_slice %arg4[%add3A_177, %dma_start3A_183] : memref<204800x128xf32, #tpu.memory_space<hbm>> -> memref<128x128xf32, #tpu.memory_space<hbm>>
      %dma_start3A_185 = arith.constant 0 : i32
      %dma_start3A_186 = tpu.memref_slice %arg4[%add3A_177, %dma_start3A_185] : memref<204800x128xf32, #tpu.memory_space<hbm>> -> memref<128x128xf32, #tpu.memory_space<hbm>>
      %dma_start3A_187 = arith.constant 0 : i32
      %dma_start3A_188 = arith.constant 0 : i32
      %dma_start3A_189 = tpu.memref_slice %arg6[%dma_start3A_178, %dma_start3A_187, %dma_start3A_188] : memref<5x128x128xf32, #tpu.memory_space<vmem>> -> memref<1x128x128xf32, #tpu.memory_space<vmem>>
      %dma_start3A_190 = tpu.memref_squeeze %dma_start3A_189 : memref<1x128x128xf32, #tpu.memory_space<vmem>> -> memref<128x128xf32, #tpu.memory_space<vmem>>
      tpu.enqueue_dma source(%dma_start3A_190 : memref<128x128xf32, #tpu.memory_space<vmem>>) target(%dma_start3A_186 : memref<128x128xf32, #tpu.memory_space<hbm>>) target_semaphore(%arg13 : memref<!tpu.dma_semaphore, #tpu.memory_space<semaphore_mem>>)
      %mul3A_191 = arith.constant 5 : i32
      %mul3A_192 = arith.muli %scan3A_105, %mul3A_191 : i32
      %add3A_193 = arith.constant 2 : i32
      %add3A_194 = arith.addi %mul3A_192, %add3A_193 : i32
      %add3A_195 = arith.constant 2 : i32
      %add3A_196 = arith.addi %add3A_194, %add3A_195 : i32
      %lt3A_197 = arith.constant 50 : i32
      %lt3A_198 = arith.cmpi slt, %add3A_196, %lt3A_197 : i32
      %convert_element_type3A_199 = arith.extui %lt3A_198 : i1 to i32
      %cond3A_200 = arith.constant 0 : i32
      %cond3A_201 = arith.cmpi ne, %convert_element_type3A_199, %cond3A_200 : i32
      scf.if %cond3A_201 {
        %add3A_323 = arith.constant 2 : i32
        %add3A_324 = arith.addi %add3A_194, %add3A_323 : i32
        %sub3A = arith.constant 5 : i32
        %sub3A_325 = arith.subi %add3A_324, %sub3A : i32
        %ge3A = arith.constant 0 : i32
        %ge3A_326 = arith.cmpi sge, %sub3A_325, %ge3A : i32
        %convert_element_type3A_327 = arith.extui %ge3A_326 : i1 to i32
        %cond3A_328 = arith.constant 0 : i32
        %cond3A_329 = arith.cmpi ne, %convert_element_type3A_327, %cond3A_328 : i32
        scf.if %cond3A_329 {
          %add3A_343 = arith.constant 2 : i32
          %add3A_344 = arith.addi %add3A_194, %add3A_343 : i32
          %sub3A_345 = arith.constant 5 : i32
          %sub3A_346 = arith.subi %add3A_344, %sub3A_345 : i32
          %mul3A_347 = arith.constant 128 : i32
          %mul3A_348 = arith.muli %sub3A_346, %mul3A_347 : i32
          %add3A_349 = arith.addi %mul3A_2, %mul3A_348 : i32
          %dma_wait3A_350 = arith.constant 4 : i32
          %dma_wait3A_351 = arith.constant 0 : i32
          %dma_wait3A_352 = arith.constant 0 : i32
          %dma_wait3A_353 = tpu.memref_slice %arg6[%dma_wait3A_350, %dma_wait3A_351, %dma_wait3A_352] : memref<5x128x128xf32, #tpu.memory_space<vmem>> -> memref<1x128x128xf32, #tpu.memory_space<vmem>>
          %dma_wait3A_354 = tpu.memref_squeeze %dma_wait3A_353 : memref<1x128x128xf32, #tpu.memory_space<vmem>> -> memref<128x128xf32, #tpu.memory_space<vmem>>
          %dma_wait3A_355 = arith.constant 0 : i32
          %dma_wait3A_356 = tpu.memref_slice %arg4[%add3A_349, %dma_wait3A_355] : memref<204800x128xf32, #tpu.memory_space<hbm>> -> memref<128x128xf32, #tpu.memory_space<hbm>>
          %dma_wait3A_357 = arith.constant 0 : i32
          %dma_wait3A_358 = tpu.memref_slice %arg4[%add3A_349, %dma_wait3A_357] : memref<204800x128xf32, #tpu.memory_space<hbm>> -> memref<128x128xf32, #tpu.memory_space<hbm>>
          %dma_wait3A_359 = arith.constant 0 : i32
          %dma_wait3A_360 = arith.constant 0 : i32
          %dma_wait3A_361 = tpu.memref_slice %arg6[%dma_wait3A_350, %dma_wait3A_359, %dma_wait3A_360] : memref<5x128x128xf32, #tpu.memory_space<vmem>> -> memref<1x128x128xf32, #tpu.memory_space<vmem>>
          %dma_wait3A_362 = tpu.memref_squeeze %dma_wait3A_361 : memref<1x128x128xf32, #tpu.memory_space<vmem>> -> memref<128x128xf32, #tpu.memory_space<vmem>>
          tpu.wait_dma2 semaphore(%arg16 : memref<!tpu.dma_semaphore, #tpu.memory_space<semaphore_mem>>) src(%dma_wait3A_362 : memref<128x128xf32, #tpu.memory_space<vmem>>) dst(%dma_wait3A_358 : memref<128x128xf32, #tpu.memory_space<hbm>>)
        } else {
        }
        %add3A_330 = arith.constant 2 : i32
        %add3A_331 = arith.addi %add3A_194, %add3A_330 : i32
        %dma_start3A_332 = arith.constant 4 : i32
        %dma_start3A_333 = arith.constant 0 : i32
        %dma_start3A_334 = arith.constant 0 : i32
        %dma_start3A_335 = tpu.memref_slice %arg6[%dma_start3A_332, %dma_start3A_333, %dma_start3A_334] : memref<5x128x128xf32, #tpu.memory_space<vmem>> -> memref<1x128x128xf32, #tpu.memory_space<vmem>>
        %dma_start3A_336 = tpu.memref_squeeze %dma_start3A_335 : memref<1x128x128xf32, #tpu.memory_space<vmem>> -> memref<128x128xf32, #tpu.memory_space<vmem>>
        %dma_start3A_337 = arith.constant 0 : i32
        %dma_start3A_338 = tpu.memref_slice %arg5[%add3A_331, %dma_start3A_337] : memref<50x128xi32, #tpu.memory_space<vmem>> -> memref<1x128xi32, #tpu.memory_space<vmem>>
        %dma_start3A_339 = tpu.memref_squeeze %dma_start3A_338 : memref<1x128xi32, #tpu.memory_space<vmem>> -> memref<128xi32, #tpu.memory_space<vmem>>
        %dma_start3A_340 = arith.constant 0 : i32
        %dma_start3A_341 = arith.constant 0 : i32
        %dma_start3A_342 = tpu.memref_slice %arg3[%dma_start3A_340, %dma_start3A_341] : memref<100000x128xf32, #tpu.memory_space<hbm>> -> memref<100000x128xf32, #tpu.memory_space<hbm>>
        tpu.enqueue_indirect_dma source(%dma_start3A_342 : memref<100000x128xf32, #tpu.memory_space<hbm>>) target(%dma_start3A_336 : memref<128x128xf32, #tpu.memory_space<vmem>>) offsets(%dma_start3A_339 : memref<128xi32, #tpu.memory_space<vmem>>) semaphore(%arg11 : memref<!tpu.dma_semaphore, #tpu.memory_space<semaphore_mem>>)
      } else {
      }
      %dma_wait3A_202 = arith.constant 2 : i32
      %dma_wait3A_203 = arith.constant 0 : i32
      %dma_wait3A_204 = arith.constant 0 : i32
      %dma_wait3A_205 = tpu.memref_slice %arg6[%dma_wait3A_202, %dma_wait3A_203, %dma_wait3A_204] : memref<5x128x128xf32, #tpu.memory_space<vmem>> -> memref<1x128x128xf32, #tpu.memory_space<vmem>>
      %dma_wait3A_206 = tpu.memref_squeeze %dma_wait3A_205 : memref<1x128x128xf32, #tpu.memory_space<vmem>> -> memref<128x128xf32, #tpu.memory_space<vmem>>
      %dma_wait3A_207 = arith.constant 0 : i32
      %dma_wait3A_208 = tpu.memref_slice %arg5[%add3A_194, %dma_wait3A_207] : memref<50x128xi32, #tpu.memory_space<vmem>> -> memref<1x128xi32, #tpu.memory_space<vmem>>
      %dma_wait3A_209 = tpu.memref_squeeze %dma_wait3A_208 : memref<1x128xi32, #tpu.memory_space<vmem>> -> memref<128xi32, #tpu.memory_space<vmem>>
      %dma_wait3A_210 = arith.constant 0 : i32
      %dma_wait3A_211 = arith.constant 0 : i32
      %dma_wait3A_212 = tpu.memref_slice %arg3[%dma_wait3A_210, %dma_wait3A_211] : memref<100000x128xf32, #tpu.memory_space<hbm>> -> memref<100000x128xf32, #tpu.memory_space<hbm>>
      tpu.wait_indirect_dma semaphore(%arg9 : memref<!tpu.dma_semaphore, #tpu.memory_space<semaphore_mem>>) src(%dma_wait3A_212 : memref<100000x128xf32, #tpu.memory_space<hbm>>) dst(%dma_wait3A_206 : memref<128x128xf32, #tpu.memory_space<vmem>>)
      %scan3A_213 = arith.constant 0 : i32
      %scan3A_214 = arith.constant 0 : i32
      %scan3A_215 = arith.constant 128 : i32
      %scan3A_216 = arith.addi %scan3A_214, %scan3A_215 : i32
      %scan3A_217 = arith.constant 4 : i32
      scf.for %scan3A_323 = %scan3A_214 to %scan3A_216 step %scan3A_217  : i32 {
        %broadcast_in_dim3A = arith.constant 0.000000e+00 : f32
        %broadcast_in_dim3A_324 = vector.broadcast %broadcast_in_dim3A : f32 to vector<16xf32>
        %get3A = arith.constant 2 : i32
        %get3A_325 = arith.index_cast %get3A : i32 to index
        %get3A_326 = arith.index_cast %scan3A_323 : i32 to index
        %get3A_327 = arith.constant 0 : index
        %get3A_328 = tpu.vector_load %arg6[%get3A_325, %get3A_326, %get3A_327] {strides = array<i32>} : memref<5x128x128xf32, #tpu.memory_space<vmem>>, vector<1x1x16xf32>,
        %get3A_329 = vector.shape_cast %get3A_328 : vector<1x1x16xf32> to vector<16xf32>
        %mul3A_330 = arith.mulf %get3A_329, %get3A_329 : vector<16xf32>
        %add3A_331 = arith.addf %broadcast_in_dim3A_324, %mul3A_330 : vector<16xf32>
        %get3A_332 = arith.constant 2 : i32
        %get3A_333 = arith.index_cast %get3A_332 : i32 to index
        %get3A_334 = arith.index_cast %scan3A_323 : i32 to index
        %get3A_335 = arith.constant 16 : index
        %get3A_336 = tpu.vector_load %arg6[%get3A_333, %get3A_334, %get3A_335] {strides = array<i32>} : memref<5x128x128xf32, #tpu.memory_space<vmem>>, vector<1x1x16xf32>,
        %get3A_337 = vector.shape_cast %get3A_336 : vector<1x1x16xf32> to vector<16xf32>
        %mul3A_338 = arith.mulf %get3A_337, %get3A_337 : vector<16xf32>
        %add3A_339 = arith.addf %add3A_331, %mul3A_338 : vector<16xf32>
        %get3A_340 = arith.constant 2 : i32
        %get3A_341 = arith.index_cast %get3A_340 : i32 to index
        %get3A_342 = arith.index_cast %scan3A_323 : i32 to index
        %get3A_343 = arith.constant 32 : index
        %get3A_344 = tpu.vector_load %arg6[%get3A_341, %get3A_342, %get3A_343] {strides = array<i32>} : memref<5x128x128xf32, #tpu.memory_space<vmem>>, vector<1x1x16xf32>,
        %get3A_345 = vector.shape_cast %get3A_344 : vector<1x1x16xf32> to vector<16xf32>
        %mul3A_346 = arith.mulf %get3A_345, %get3A_345 : vector<16xf32>
        %add3A_347 = arith.addf %add3A_339, %mul3A_346 : vector<16xf32>
        %get3A_348 = arith.constant 2 : i32
        %get3A_349 = arith.index_cast %get3A_348 : i32 to index
        %get3A_350 = arith.index_cast %scan3A_323 : i32 to index
        %get3A_351 = arith.constant 48 : index
        %get3A_352 = tpu.vector_load %arg6[%get3A_349, %get3A_350, %get3A_351] {strides = array<i32>} : memref<5x128x128xf32, #tpu.memory_space<vmem>>, vector<1x1x16xf32>,
        %get3A_353 = vector.shape_cast %get3A_352 : vector<1x1x16xf32> to vector<16xf32>
        %mul3A_354 = arith.mulf %get3A_353, %get3A_353 : vector<16xf32>
        %add3A_355 = arith.addf %add3A_347, %mul3A_354 : vector<16xf32>
        %get3A_356 = arith.constant 2 : i32
        %get3A_357 = arith.index_cast %get3A_356 : i32 to index
        %get3A_358 = arith.index_cast %scan3A_323 : i32 to index
        %get3A_359 = arith.constant 64 : index
        %get3A_360 = tpu.vector_load %arg6[%get3A_357, %get3A_358, %get3A_359] {strides = array<i32>} : memref<5x128x128xf32, #tpu.memory_space<vmem>>, vector<1x1x16xf32>,
        %get3A_361 = vector.shape_cast %get3A_360 : vector<1x1x16xf32> to vector<16xf32>
        %mul3A_362 = arith.mulf %get3A_361, %get3A_361 : vector<16xf32>
        %add3A_363 = arith.addf %add3A_355, %mul3A_362 : vector<16xf32>
        %get3A_364 = arith.constant 2 : i32
        %get3A_365 = arith.index_cast %get3A_364 : i32 to index
        %get3A_366 = arith.index_cast %scan3A_323 : i32 to index
        %get3A_367 = arith.constant 80 : index
        %get3A_368 = tpu.vector_load %arg6[%get3A_365, %get3A_366, %get3A_367] {strides = array<i32>} : memref<5x128x128xf32, #tpu.memory_space<vmem>>, vector<1x1x16xf32>,
        %get3A_369 = vector.shape_cast %get3A_368 : vector<1x1x16xf32> to vector<16xf32>
        %mul3A_370 = arith.mulf %get3A_369, %get3A_369 : vector<16xf32>
        %add3A_371 = arith.addf %add3A_363, %mul3A_370 : vector<16xf32>
        %get3A_372 = arith.constant 2 : i32
        %get3A_373 = arith.index_cast %get3A_372 : i32 to index
        %get3A_374 = arith.index_cast %scan3A_323 : i32 to index
        %get3A_375 = arith.constant 96 : index
        %get3A_376 = tpu.vector_load %arg6[%get3A_373, %get3A_374, %get3A_375] {strides = array<i32>} : memref<5x128x128xf32, #tpu.memory_space<vmem>>, vector<1x1x16xf32>,
        %get3A_377 = vector.shape_cast %get3A_376 : vector<1x1x16xf32> to vector<16xf32>
        %mul3A_378 = arith.mulf %get3A_377, %get3A_377 : vector<16xf32>
        %add3A_379 = arith.addf %add3A_371, %mul3A_378 : vector<16xf32>
        %get3A_380 = arith.constant 2 : i32
        %get3A_381 = arith.index_cast %get3A_380 : i32 to index
        %get3A_382 = arith.index_cast %scan3A_323 : i32 to index
        %get3A_383 = arith.constant 112 : index
        %get3A_384 = tpu.vector_load %arg6[%get3A_381, %get3A_382, %get3A_383] {strides = array<i32>} : memref<5x128x128xf32, #tpu.memory_space<vmem>>, vector<1x1x16xf32>,
        %get3A_385 = vector.shape_cast %get3A_384 : vector<1x1x16xf32> to vector<16xf32>
        %mul3A_386 = arith.mulf %get3A_385, %get3A_385 : vector<16xf32>
        %add3A_387 = arith.addf %add3A_379, %mul3A_386 : vector<16xf32>
        %iota3A = tpu.iota {dimensions = array<i32: 0>} : vector<16xi32>
        %xor3A = arith.constant 8 : i32
        %xor3A_388 = vector.broadcast %xor3A : i32 to vector<16xi32>
        %xor3A_389 = arith.xori %iota3A, %xor3A_388 : vector<16xi32>
        %reshape3A = vector.shape_cast %xor3A_389 : vector<16xi32> to vector<16x1xi32>
        %gather3A = vector.shape_cast %reshape3A : vector<16x1xi32> to vector<16xi32>
        %gather3A_390 = tpu.dynamic_gather %add3A_387[%gather3A] in [0] : vector<16xf32>, vector<16xi32> -> vector<16xf32>
        %add3A_391 = arith.addf %add3A_387, %gather3A_390 : vector<16xf32>
        %xor3A_392 = arith.constant 4 : i32
        %xor3A_393 = vector.broadcast %xor3A_392 : i32 to vector<16xi32>
        %xor3A_394 = arith.xori %iota3A, %xor3A_393 : vector<16xi32>
        %reshape3A_395 = vector.shape_cast %xor3A_394 : vector<16xi32> to vector<16x1xi32>
        %gather3A_396 = vector.shape_cast %reshape3A_395 : vector<16x1xi32> to vector<16xi32>
        %gather3A_397 = tpu.dynamic_gather %add3A_391[%gather3A_396] in [0] : vector<16xf32>, vector<16xi32> -> vector<16xf32>
        %add3A_398 = arith.addf %add3A_391, %gather3A_397 : vector<16xf32>
        %xor3A_399 = arith.constant 2 : i32
        %xor3A_400 = vector.broadcast %xor3A_399 : i32 to vector<16xi32>
        %xor3A_401 = arith.xori %iota3A, %xor3A_400 : vector<16xi32>
        %reshape3A_402 = vector.shape_cast %xor3A_401 : vector<16xi32> to vector<16x1xi32>
        %gather3A_403 = vector.shape_cast %reshape3A_402 : vector<16x1xi32> to vector<16xi32>
        %gather3A_404 = tpu.dynamic_gather %add3A_398[%gather3A_403] in [0] : vector<16xf32>, vector<16xi32> -> vector<16xf32>
        %add3A_405 = arith.addf %add3A_398, %gather3A_404 : vector<16xf32>
        %xor3A_406 = arith.constant 1 : i32
        %xor3A_407 = vector.broadcast %xor3A_406 : i32 to vector<16xi32>
        %xor3A_408 = arith.xori %iota3A, %xor3A_407 : vector<16xi32>
        %reshape3A_409 = vector.shape_cast %xor3A_408 : vector<16xi32> to vector<16x1xi32>
        %gather3A_410 = vector.shape_cast %reshape3A_409 : vector<16x1xi32> to vector<16xi32>
        %gather3A_411 = tpu.dynamic_gather %add3A_405[%gather3A_410] in [0] : vector<16xf32>, vector<16xi32> -> vector<16xf32>
        %add3A_412 = arith.addf %add3A_405, %gather3A_411 : vector<16xf32>
        %bitcast_convert_type3A = tpu.bitcast %add3A_412 : vector<16xf32> -> vector<16xi32>
        %shift_right_logical3A = arith.constant 1 : i32
        %shift_right_logical3A_413 = vector.broadcast %shift_right_logical3A : i32 to vector<16xi32>
        %shift_right_logical3A_414 = arith.shrui %bitcast_convert_type3A, %shift_right_logical3A_413 : vector<16xi32>
        %sub3A = arith.constant 1597463007 : i32
        %sub3A_415 = vector.broadcast %sub3A : i32 to vector<16xi32>
        %sub3A_416 = arith.subi %sub3A_415, %shift_right_logical3A_414 : vector<16xi32>
        %bitcast_convert_type3A_417 = tpu.bitcast %sub3A_416 : vector<16xi32> -> vector<16xf32>
        %mul3A_418 = arith.constant 5.000000e-01 : f32
        %mul3A_419 = vector.broadcast %mul3A_418 : f32 to vector<16xf32>
        %mul3A_420 = arith.mulf %add3A_412, %mul3A_419 : vector<16xf32>
        %mul3A_421 = arith.mulf %mul3A_420, %bitcast_convert_type3A_417 : vector<16xf32>
        %mul3A_422 = arith.mulf %mul3A_421, %bitcast_convert_type3A_417 : vector<16xf32>
        %sub3A_423 = arith.constant 1.500000e+00 : f32
        %sub3A_424 = vector.broadcast %sub3A_423 : f32 to vector<16xf32>
        %sub3A_425 = arith.subf %sub3A_424, %mul3A_422 : vector<16xf32>
        %mul3A_426 = arith.mulf %bitcast_convert_type3A_417, %sub3A_425 : vector<16xf32>
        %mul3A_427 = arith.mulf %get3A_329, %mul3A_426 : vector<16xf32>
        %swap3A = arith.constant 2 : i32
        %swap3A_428 = arith.index_cast %swap3A : i32 to index
        %swap3A_429 = arith.index_cast %scan3A_323 : i32 to index
        %swap3A_430 = arith.constant 0 : index
        %swap3A_431 = tpu.vector_load %arg6[%swap3A_428, %swap3A_429, %swap3A_430] {strides = array<i32>} : memref<5x128x128xf32, #tpu.memory_space<vmem>>, vector<1x1x16xf32>,
        %swap3A_432 = vector.shape_cast %swap3A_431 : vector<1x1x16xf32> to vector<16xf32>
        %swap3A_433 = vector.shape_cast %mul3A_427 : vector<16xf32> to vector<1x1x16xf32>
        tpu.vector_store %arg6[%swap3A_428, %swap3A_429, %swap3A_430], %swap3A_433 {strides = array<i32>} : memref<5x128x128xf32, #tpu.memory_space<vmem>>, vector<1x1x16xf32>,
        %mul3A_434 = arith.mulf %get3A_337, %mul3A_426 : vector<16xf32>
        %swap3A_435 = arith.constant 2 : i32
        %swap3A_436 = arith.index_cast %swap3A_435 : i32 to index
        %swap3A_437 = arith.index_cast %scan3A_323 : i32 to index
        %swap3A_438 = arith.constant 16 : index
        %swap3A_439 = tpu.vector_load %arg6[%swap3A_436, %swap3A_437, %swap3A_438] {strides = array<i32>} : memref<5x128x128xf32, #tpu.memory_space<vmem>>, vector<1x1x16xf32>,
        %swap3A_440 = vector.shape_cast %swap3A_439 : vector<1x1x16xf32> to vector<16xf32>
        %swap3A_441 = vector.shape_cast %mul3A_434 : vector<16xf32> to vector<1x1x16xf32>
        tpu.vector_store %arg6[%swap3A_436, %swap3A_437, %swap3A_438], %swap3A_441 {strides = array<i32>} : memref<5x128x128xf32, #tpu.memory_space<vmem>>, vector<1x1x16xf32>,
        %mul3A_442 = arith.mulf %get3A_345, %mul3A_426 : vector<16xf32>
        %swap3A_443 = arith.constant 2 : i32
        %swap3A_444 = arith.index_cast %swap3A_443 : i32 to index
        %swap3A_445 = arith.index_cast %scan3A_323 : i32 to index
        %swap3A_446 = arith.constant 32 : index
        %swap3A_447 = tpu.vector_load %arg6[%swap3A_444, %swap3A_445, %swap3A_446] {strides = array<i32>} : memref<5x128x128xf32, #tpu.memory_space<vmem>>, vector<1x1x16xf32>,
        %swap3A_448 = vector.shape_cast %swap3A_447 : vector<1x1x16xf32> to vector<16xf32>
        %swap3A_449 = vector.shape_cast %mul3A_442 : vector<16xf32> to vector<1x1x16xf32>
        tpu.vector_store %arg6[%swap3A_444, %swap3A_445, %swap3A_446], %swap3A_449 {strides = array<i32>} : memref<5x128x128xf32, #tpu.memory_space<vmem>>, vector<1x1x16xf32>,
        %mul3A_450 = arith.mulf %get3A_353, %mul3A_426 : vector<16xf32>
        %swap3A_451 = arith.constant 2 : i32
        %swap3A_452 = arith.index_cast %swap3A_451 : i32 to index
        %swap3A_453 = arith.index_cast %scan3A_323 : i32 to index
        %swap3A_454 = arith.constant 48 : index
        %swap3A_455 = tpu.vector_load %arg6[%swap3A_452, %swap3A_453, %swap3A_454] {strides = array<i32>} : memref<5x128x128xf32, #tpu.memory_space<vmem>>, vector<1x1x16xf32>,
        %swap3A_456 = vector.shape_cast %swap3A_455 : vector<1x1x16xf32> to vector<16xf32>
        %swap3A_457 = vector.shape_cast %mul3A_450 : vector<16xf32> to vector<1x1x16xf32>
        tpu.vector_store %arg6[%swap3A_452, %swap3A_453, %swap3A_454], %swap3A_457 {strides = array<i32>} : memref<5x128x128xf32, #tpu.memory_space<vmem>>, vector<1x1x16xf32>,
        %mul3A_458 = arith.mulf %get3A_361, %mul3A_426 : vector<16xf32>
        %swap3A_459 = arith.constant 2 : i32
        %swap3A_460 = arith.index_cast %swap3A_459 : i32 to index
        %swap3A_461 = arith.index_cast %scan3A_323 : i32 to index
        %swap3A_462 = arith.constant 64 : index
        %swap3A_463 = tpu.vector_load %arg6[%swap3A_460, %swap3A_461, %swap3A_462] {strides = array<i32>} : memref<5x128x128xf32, #tpu.memory_space<vmem>>, vector<1x1x16xf32>,
        %swap3A_464 = vector.shape_cast %swap3A_463 : vector<1x1x16xf32> to vector<16xf32>
        %swap3A_465 = vector.shape_cast %mul3A_458 : vector<16xf32> to vector<1x1x16xf32>
        tpu.vector_store %arg6[%swap3A_460, %swap3A_461, %swap3A_462], %swap3A_465 {strides = array<i32>} : memref<5x128x128xf32, #tpu.memory_space<vmem>>, vector<1x1x16xf32>,
        %mul3A_466 = arith.mulf %get3A_369, %mul3A_426 : vector<16xf32>
        %swap3A_467 = arith.constant 2 : i32
        %swap3A_468 = arith.index_cast %swap3A_467 : i32 to index
        %swap3A_469 = arith.index_cast %scan3A_323 : i32 to index
        %swap3A_470 = arith.constant 80 : index
        %swap3A_471 = tpu.vector_load %arg6[%swap3A_468, %swap3A_469, %swap3A_470] {strides = array<i32>} : memref<5x128x128xf32, #tpu.memory_space<vmem>>, vector<1x1x16xf32>,
        %swap3A_472 = vector.shape_cast %swap3A_471 : vector<1x1x16xf32> to vector<16xf32>
        %swap3A_473 = vector.shape_cast %mul3A_466 : vector<16xf32> to vector<1x1x16xf32>
        tpu.vector_store %arg6[%swap3A_468, %swap3A_469, %swap3A_470], %swap3A_473 {strides = array<i32>} : memref<5x128x128xf32, #tpu.memory_space<vmem>>, vector<1x1x16xf32>,
        %mul3A_474 = arith.mulf %get3A_377, %mul3A_426 : vector<16xf32>
        %swap3A_475 = arith.constant 2 : i32
        %swap3A_476 = arith.index_cast %swap3A_475 : i32 to index
        %swap3A_477 = arith.index_cast %scan3A_323 : i32 to index
        %swap3A_478 = arith.constant 96 : index
        %swap3A_479 = tpu.vector_load %arg6[%swap3A_476, %swap3A_477, %swap3A_478] {strides = array<i32>} : memref<5x128x128xf32, #tpu.memory_space<vmem>>, vector<1x1x16xf32>,
        %swap3A_480 = vector.shape_cast %swap3A_479 : vector<1x1x16xf32> to vector<16xf32>
        %swap3A_481 = vector.shape_cast %mul3A_474 : vector<16xf32> to vector<1x1x16xf32>
        tpu.vector_store %arg6[%swap3A_476, %swap3A_477, %swap3A_478], %swap3A_481 {strides = array<i32>} : memref<5x128x128xf32, #tpu.memory_space<vmem>>, vector<1x1x16xf32>,
        %mul3A_482 = arith.mulf %get3A_385, %mul3A_426 : vector<16xf32>
        %swap3A_483 = arith.constant 2 : i32
        %swap3A_484 = arith.index_cast %swap3A_483 : i32 to index
        %swap3A_485 = arith.index_cast %scan3A_323 : i32 to index
        %swap3A_486 = arith.constant 112 : index
        %swap3A_487 = tpu.vector_load %arg6[%swap3A_484, %swap3A_485, %swap3A_486] {strides = array<i32>} : memref<5x128x128xf32, #tpu.memory_space<vmem>>, vector<1x1x16xf32>,
        %swap3A_488 = vector.shape_cast %swap3A_487 : vector<1x1x16xf32> to vector<16xf32>
        %swap3A_489 = vector.shape_cast %mul3A_482 : vector<16xf32> to vector<1x1x16xf32>
        tpu.vector_store %arg6[%swap3A_484, %swap3A_485, %swap3A_486], %swap3A_489 {strides = array<i32>} : memref<5x128x128xf32, #tpu.memory_space<vmem>>, vector<1x1x16xf32>,
        %scan3A_490 = arith.constant 1 : i32
        %scan3A_491 = arith.addi %scan3A_323, %scan3A_490 : i32
        %broadcast_in_dim3A_492 = arith.constant 0.000000e+00 : f32
        %broadcast_in_dim3A_493 = vector.broadcast %broadcast_in_dim3A_492 : f32 to vector<16xf32>
        %get3A_494 = arith.constant 2 : i32
        %get3A_495 = arith.index_cast %get3A_494 : i32 to index
        %get3A_496 = arith.index_cast %scan3A_491 : i32 to index
        %get3A_497 = arith.constant 0 : index
        %get3A_498 = tpu.vector_load %arg6[%get3A_495, %get3A_496, %get3A_497] {strides = array<i32>} : memref<5x128x128xf32, #tpu.memory_space<vmem>>, vector<1x1x16xf32>,
        %get3A_499 = vector.shape_cast %get3A_498 : vector<1x1x16xf32> to vector<16xf32>
        %mul3A_500 = arith.mulf %get3A_499, %get3A_499 : vector<16xf32>
        %add3A_501 = arith.addf %broadcast_in_dim3A_493, %mul3A_500 : vector<16xf32>
        %get3A_502 = arith.constant 2 : i32
        %get3A_503 = arith.index_cast %get3A_502 : i32 to index
        %get3A_504 = arith.index_cast %scan3A_491 : i32 to index
        %get3A_505 = arith.constant 16 : index
        %get3A_506 = tpu.vector_load %arg6[%get3A_503, %get3A_504, %get3A_505] {strides = array<i32>} : memref<5x128x128xf32, #tpu.memory_space<vmem>>, vector<1x1x16xf32>,
        %get3A_507 = vector.shape_cast %get3A_506 : vector<1x1x16xf32> to vector<16xf32>
        %mul3A_508 = arith.mulf %get3A_507, %get3A_507 : vector<16xf32>
        %add3A_509 = arith.addf %add3A_501, %mul3A_508 : vector<16xf32>
        %get3A_510 = arith.constant 2 : i32
        %get3A_511 = arith.index_cast %get3A_510 : i32 to index
        %get3A_512 = arith.index_cast %scan3A_491 : i32 to index
        %get3A_513 = arith.constant 32 : index
        %get3A_514 = tpu.vector_load %arg6[%get3A_511, %get3A_512, %get3A_513] {strides = array<i32>} : memref<5x128x128xf32, #tpu.memory_space<vmem>>, vector<1x1x16xf32>,
        %get3A_515 = vector.shape_cast %get3A_514 : vector<1x1x16xf32> to vector<16xf32>
        %mul3A_516 = arith.mulf %get3A_515, %get3A_515 : vector<16xf32>
        %add3A_517 = arith.addf %add3A_509, %mul3A_516 : vector<16xf32>
        %get3A_518 = arith.constant 2 : i32
        %get3A_519 = arith.index_cast %get3A_518 : i32 to index
        %get3A_520 = arith.index_cast %scan3A_491 : i32 to index
        %get3A_521 = arith.constant 48 : index
        %get3A_522 = tpu.vector_load %arg6[%get3A_519, %get3A_520, %get3A_521] {strides = array<i32>} : memref<5x128x128xf32, #tpu.memory_space<vmem>>, vector<1x1x16xf32>,
        %get3A_523 = vector.shape_cast %get3A_522 : vector<1x1x16xf32> to vector<16xf32>
        %mul3A_524 = arith.mulf %get3A_523, %get3A_523 : vector<16xf32>
        %add3A_525 = arith.addf %add3A_517, %mul3A_524 : vector<16xf32>
        %get3A_526 = arith.constant 2 : i32
        %get3A_527 = arith.index_cast %get3A_526 : i32 to index
        %get3A_528 = arith.index_cast %scan3A_491 : i32 to index
        %get3A_529 = arith.constant 64 : index
        %get3A_530 = tpu.vector_load %arg6[%get3A_527, %get3A_528, %get3A_529] {strides = array<i32>} : memref<5x128x128xf32, #tpu.memory_space<vmem>>, vector<1x1x16xf32>,
        %get3A_531 = vector.shape_cast %get3A_530 : vector<1x1x16xf32> to vector<16xf32>
        %mul3A_532 = arith.mulf %get3A_531, %get3A_531 : vector<16xf32>
        %add3A_533 = arith.addf %add3A_525, %mul3A_532 : vector<16xf32>
        %get3A_534 = arith.constant 2 : i32
        %get3A_535 = arith.index_cast %get3A_534 : i32 to index
        %get3A_536 = arith.index_cast %scan3A_491 : i32 to index
        %get3A_537 = arith.constant 80 : index
        %get3A_538 = tpu.vector_load %arg6[%get3A_535, %get3A_536, %get3A_537] {strides = array<i32>} : memref<5x128x128xf32, #tpu.memory_space<vmem>>, vector<1x1x16xf32>,
        %get3A_539 = vector.shape_cast %get3A_538 : vector<1x1x16xf32> to vector<16xf32>
        %mul3A_540 = arith.mulf %get3A_539, %get3A_539 : vector<16xf32>
        %add3A_541 = arith.addf %add3A_533, %mul3A_540 : vector<16xf32>
        %get3A_542 = arith.constant 2 : i32
        %get3A_543 = arith.index_cast %get3A_542 : i32 to index
        %get3A_544 = arith.index_cast %scan3A_491 : i32 to index
        %get3A_545 = arith.constant 96 : index
        %get3A_546 = tpu.vector_load %arg6[%get3A_543, %get3A_544, %get3A_545] {strides = array<i32>} : memref<5x128x128xf32, #tpu.memory_space<vmem>>, vector<1x1x16xf32>,
        %get3A_547 = vector.shape_cast %get3A_546 : vector<1x1x16xf32> to vector<16xf32>
        %mul3A_548 = arith.mulf %get3A_547, %get3A_547 : vector<16xf32>
        %add3A_549 = arith.addf %add3A_541, %mul3A_548 : vector<16xf32>
        %get3A_550 = arith.constant 2 : i32
        %get3A_551 = arith.index_cast %get3A_550 : i32 to index
        %get3A_552 = arith.index_cast %scan3A_491 : i32 to index
        %get3A_553 = arith.constant 112 : index
        %get3A_554 = tpu.vector_load %arg6[%get3A_551, %get3A_552, %get3A_553] {strides = array<i32>} : memref<5x128x128xf32, #tpu.memory_space<vmem>>, vector<1x1x16xf32>,
        %get3A_555 = vector.shape_cast %get3A_554 : vector<1x1x16xf32> to vector<16xf32>
        %mul3A_556 = arith.mulf %get3A_555, %get3A_555 : vector<16xf32>
        %add3A_557 = arith.addf %add3A_549, %mul3A_556 : vector<16xf32>
        %iota3A_558 = tpu.iota {dimensions = array<i32: 0>} : vector<16xi32>
        %xor3A_559 = arith.constant 8 : i32
        %xor3A_560 = vector.broadcast %xor3A_559 : i32 to vector<16xi32>
        %xor3A_561 = arith.xori %iota3A_558, %xor3A_560 : vector<16xi32>
        %reshape3A_562 = vector.shape_cast %xor3A_561 : vector<16xi32> to vector<16x1xi32>
        %gather3A_563 = vector.shape_cast %reshape3A_562 : vector<16x1xi32> to vector<16xi32>
        %gather3A_564 = tpu.dynamic_gather %add3A_557[%gather3A_563] in [0] : vector<16xf32>, vector<16xi32> -> vector<16xf32>
        %add3A_565 = arith.addf %add3A_557, %gather3A_564 : vector<16xf32>
        %xor3A_566 = arith.constant 4 : i32
        %xor3A_567 = vector.broadcast %xor3A_566 : i32 to vector<16xi32>
        %xor3A_568 = arith.xori %iota3A_558, %xor3A_567 : vector<16xi32>
        %reshape3A_569 = vector.shape_cast %xor3A_568 : vector<16xi32> to vector<16x1xi32>
        %gather3A_570 = vector.shape_cast %reshape3A_569 : vector<16x1xi32> to vector<16xi32>
        %gather3A_571 = tpu.dynamic_gather %add3A_565[%gather3A_570] in [0] : vector<16xf32>, vector<16xi32> -> vector<16xf32>
        %add3A_572 = arith.addf %add3A_565, %gather3A_571 : vector<16xf32>
        %xor3A_573 = arith.constant 2 : i32
        %xor3A_574 = vector.broadcast %xor3A_573 : i32 to vector<16xi32>
        %xor3A_575 = arith.xori %iota3A_558, %xor3A_574 : vector<16xi32>
        %reshape3A_576 = vector.shape_cast %xor3A_575 : vector<16xi32> to vector<16x1xi32>
        %gather3A_577 = vector.shape_cast %reshape3A_576 : vector<16x1xi32> to vector<16xi32>
        %gather3A_578 = tpu.dynamic_gather %add3A_572[%gather3A_577] in [0] : vector<16xf32>, vector<16xi32> -> vector<16xf32>
        %add3A_579 = arith.addf %add3A_572, %gather3A_578 : vector<16xf32>
        %xor3A_580 = arith.constant 1 : i32
        %xor3A_581 = vector.broadcast %xor3A_580 : i32 to vector<16xi32>
        %xor3A_582 = arith.xori %iota3A_558, %xor3A_581 : vector<16xi32>
        %reshape3A_583 = vector.shape_cast %xor3A_582 : vector<16xi32> to vector<16x1xi32>
        %gather3A_584 = vector.shape_cast %reshape3A_583 : vector<16x1xi32> to vector<16xi32>
        %gather3A_585 = tpu.dynamic_gather %add3A_579[%gather3A_584] in [0] : vector<16xf32>, vector<16xi32> -> vector<16xf32>
        %add3A_586 = arith.addf %add3A_579, %gather3A_585 : vector<16xf32>
        %bitcast_convert_type3A_587 = tpu.bitcast %add3A_586 : vector<16xf32> -> vector<16xi32>
        %shift_right_logical3A_588 = arith.constant 1 : i32
        %shift_right_logical3A_589 = vector.broadcast %shift_right_logical3A_588 : i32 to vector<16xi32>
        %shift_right_logical3A_590 = arith.shrui %bitcast_convert_type3A_587, %shift_right_logical3A_589 : vector<16xi32>
        %sub3A_591 = arith.constant 1597463007 : i32
        %sub3A_592 = vector.broadcast %sub3A_591 : i32 to vector<16xi32>
        %sub3A_593 = arith.subi %sub3A_592, %shift_right_logical3A_590 : vector<16xi32>
        %bitcast_convert_type3A_594 = tpu.bitcast %sub3A_593 : vector<16xi32> -> vector<16xf32>
        %mul3A_595 = arith.constant 5.000000e-01 : f32
        %mul3A_596 = vector.broadcast %mul3A_595 : f32 to vector<16xf32>
        %mul3A_597 = arith.mulf %add3A_586, %mul3A_596 : vector<16xf32>
        %mul3A_598 = arith.mulf %mul3A_597, %bitcast_convert_type3A_594 : vector<16xf32>
        %mul3A_599 = arith.mulf %mul3A_598, %bitcast_convert_type3A_594 : vector<16xf32>
        %sub3A_600 = arith.constant 1.500000e+00 : f32
        %sub3A_601 = vector.broadcast %sub3A_600 : f32 to vector<16xf32>
        %sub3A_602 = arith.subf %sub3A_601, %mul3A_599 : vector<16xf32>
        %mul3A_603 = arith.mulf %bitcast_convert_type3A_594, %sub3A_602 : vector<16xf32>
        %mul3A_604 = arith.mulf %get3A_499, %mul3A_603 : vector<16xf32>
        %swap3A_605 = arith.constant 2 : i32
        %swap3A_606 = arith.index_cast %swap3A_605 : i32 to index
        %swap3A_607 = arith.index_cast %scan3A_491 : i32 to index
        %swap3A_608 = arith.constant 0 : index
        %swap3A_609 = tpu.vector_load %arg6[%swap3A_606, %swap3A_607, %swap3A_608] {strides = array<i32>} : memref<5x128x128xf32, #tpu.memory_space<vmem>>, vector<1x1x16xf32>,
        %swap3A_610 = vector.shape_cast %swap3A_609 : vector<1x1x16xf32> to vector<16xf32>
        %swap3A_611 = vector.shape_cast %mul3A_604 : vector<16xf32> to vector<1x1x16xf32>
        tpu.vector_store %arg6[%swap3A_606, %swap3A_607, %swap3A_608], %swap3A_611 {strides = array<i32>} : memref<5x128x128xf32, #tpu.memory_space<vmem>>, vector<1x1x16xf32>,
        %mul3A_612 = arith.mulf %get3A_507, %mul3A_603 : vector<16xf32>
        %swap3A_613 = arith.constant 2 : i32
        %swap3A_614 = arith.index_cast %swap3A_613 : i32 to index
        %swap3A_615 = arith.index_cast %scan3A_491 : i32 to index
        %swap3A_616 = arith.constant 16 : index
        %swap3A_617 = tpu.vector_load %arg6[%swap3A_614, %swap3A_615, %swap3A_616] {strides = array<i32>} : memref<5x128x128xf32, #tpu.memory_space<vmem>>, vector<1x1x16xf32>,
        %swap3A_618 = vector.shape_cast %swap3A_617 : vector<1x1x16xf32> to vector<16xf32>
        %swap3A_619 = vector.shape_cast %mul3A_612 : vector<16xf32> to vector<1x1x16xf32>
        tpu.vector_store %arg6[%swap3A_614, %swap3A_615, %swap3A_616], %swap3A_619 {strides = array<i32>} : memref<5x128x128xf32, #tpu.memory_space<vmem>>, vector<1x1x16xf32>,
        %mul3A_620 = arith.mulf %get3A_515, %mul3A_603 : vector<16xf32>
        %swap3A_621 = arith.constant 2 : i32
        %swap3A_622 = arith.index_cast %swap3A_621 : i32 to index
        %swap3A_623 = arith.index_cast %scan3A_491 : i32 to index
        %swap3A_624 = arith.constant 32 : index
        %swap3A_625 = tpu.vector_load %arg6[%swap3A_622, %swap3A_623, %swap3A_624] {strides = array<i32>} : memref<5x128x128xf32, #tpu.memory_space<vmem>>, vector<1x1x16xf32>,
        %swap3A_626 = vector.shape_cast %swap3A_625 : vector<1x1x16xf32> to vector<16xf32>
        %swap3A_627 = vector.shape_cast %mul3A_620 : vector<16xf32> to vector<1x1x16xf32>
        tpu.vector_store %arg6[%swap3A_622, %swap3A_623, %swap3A_624], %swap3A_627 {strides = array<i32>} : memref<5x128x128xf32, #tpu.memory_space<vmem>>, vector<1x1x16xf32>,
        %mul3A_628 = arith.mulf %get3A_523, %mul3A_603 : vector<16xf32>
        %swap3A_629 = arith.constant 2 : i32
        %swap3A_630 = arith.index_cast %swap3A_629 : i32 to index
        %swap3A_631 = arith.index_cast %scan3A_491 : i32 to index
        %swap3A_632 = arith.constant 48 : index
        %swap3A_633 = tpu.vector_load %arg6[%swap3A_630, %swap3A_631, %swap3A_632] {strides = array<i32>} : memref<5x128x128xf32, #tpu.memory_space<vmem>>, vector<1x1x16xf32>,
        %swap3A_634 = vector.shape_cast %swap3A_633 : vector<1x1x16xf32> to vector<16xf32>
        %swap3A_635 = vector.shape_cast %mul3A_628 : vector<16xf32> to vector<1x1x16xf32>
        tpu.vector_store %arg6[%swap3A_630, %swap3A_631, %swap3A_632], %swap3A_635 {strides = array<i32>} : memref<5x128x128xf32, #tpu.memory_space<vmem>>, vector<1x1x16xf32>,
        %mul3A_636 = arith.mulf %get3A_531, %mul3A_603 : vector<16xf32>
        %swap3A_637 = arith.constant 2 : i32
        %swap3A_638 = arith.index_cast %swap3A_637 : i32 to index
        %swap3A_639 = arith.index_cast %scan3A_491 : i32 to index
        %swap3A_640 = arith.constant 64 : index
        %swap3A_641 = tpu.vector_load %arg6[%swap3A_638, %swap3A_639, %swap3A_640] {strides = array<i32>} : memref<5x128x128xf32, #tpu.memory_space<vmem>>, vector<1x1x16xf32>,
        %swap3A_642 = vector.shape_cast %swap3A_641 : vector<1x1x16xf32> to vector<16xf32>
        %swap3A_643 = vector.shape_cast %mul3A_636 : vector<16xf32> to vector<1x1x16xf32>
        tpu.vector_store %arg6[%swap3A_638, %swap3A_639, %swap3A_640], %swap3A_643 {strides = array<i32>} : memref<5x128x128xf32, #tpu.memory_space<vmem>>, vector<1x1x16xf32>,
        %mul3A_644 = arith.mulf %get3A_539, %mul3A_603 : vector<16xf32>
        %swap3A_645 = arith.constant 2 : i32
        %swap3A_646 = arith.index_cast %swap3A_645 : i32 to index
        %swap3A_647 = arith.index_cast %scan3A_491 : i32 to index
        %swap3A_648 = arith.constant 80 : index
        %swap3A_649 = tpu.vector_load %arg6[%swap3A_646, %swap3A_647, %swap3A_648] {strides = array<i32>} : memref<5x128x128xf32, #tpu.memory_space<vmem>>, vector<1x1x16xf32>,
        %swap3A_650 = vector.shape_cast %swap3A_649 : vector<1x1x16xf32> to vector<16xf32>
        %swap3A_651 = vector.shape_cast %mul3A_644 : vector<16xf32> to vector<1x1x16xf32>
        tpu.vector_store %arg6[%swap3A_646, %swap3A_647, %swap3A_648], %swap3A_651 {strides = array<i32>} : memref<5x128x128xf32, #tpu.memory_space<vmem>>, vector<1x1x16xf32>,
        %mul3A_652 = arith.mulf %get3A_547, %mul3A_603 : vector<16xf32>
        %swap3A_653 = arith.constant 2 : i32
        %swap3A_654 = arith.index_cast %swap3A_653 : i32 to index
        %swap3A_655 = arith.index_cast %scan3A_491 : i32 to index
        %swap3A_656 = arith.constant 96 : index
        %swap3A_657 = tpu.vector_load %arg6[%swap3A_654, %swap3A_655, %swap3A_656] {strides = array<i32>} : memref<5x128x128xf32, #tpu.memory_space<vmem>>, vector<1x1x16xf32>,
        %swap3A_658 = vector.shape_cast %swap3A_657 : vector<1x1x16xf32> to vector<16xf32>
        %swap3A_659 = vector.shape_cast %mul3A_652 : vector<16xf32> to vector<1x1x16xf32>
        tpu.vector_store %arg6[%swap3A_654, %swap3A_655, %swap3A_656], %swap3A_659 {strides = array<i32>} : memref<5x128x128xf32, #tpu.memory_space<vmem>>, vector<1x1x16xf32>,
        %mul3A_660 = arith.mulf %get3A_555, %mul3A_603 : vector<16xf32>
        %swap3A_661 = arith.constant 2 : i32
        %swap3A_662 = arith.index_cast %swap3A_661 : i32 to index
        %swap3A_663 = arith.index_cast %scan3A_491 : i32 to index
        %swap3A_664 = arith.constant 112 : index
        %swap3A_665 = tpu.vector_load %arg6[%swap3A_662, %swap3A_663, %swap3A_664] {strides = array<i32>} : memref<5x128x128xf32, #tpu.memory_space<vmem>>, vector<1x1x16xf32>,
        %swap3A_666 = vector.shape_cast %swap3A_665 : vector<1x1x16xf32> to vector<16xf32>
        %swap3A_667 = vector.shape_cast %mul3A_660 : vector<16xf32> to vector<1x1x16xf32>
        tpu.vector_store %arg6[%swap3A_662, %swap3A_663, %swap3A_664], %swap3A_667 {strides = array<i32>} : memref<5x128x128xf32, #tpu.memory_space<vmem>>, vector<1x1x16xf32>,
        %scan3A_668 = arith.constant 2 : i32
        %scan3A_669 = arith.addi %scan3A_323, %scan3A_668 : i32
        %broadcast_in_dim3A_670 = arith.constant 0.000000e+00 : f32
        %broadcast_in_dim3A_671 = vector.broadcast %broadcast_in_dim3A_670 : f32 to vector<16xf32>
        %get3A_672 = arith.constant 2 : i32
        %get3A_673 = arith.index_cast %get3A_672 : i32 to index
        %get3A_674 = arith.index_cast %scan3A_669 : i32 to index
        %get3A_675 = arith.constant 0 : index
        %get3A_676 = tpu.vector_load %arg6[%get3A_673, %get3A_674, %get3A_675] {strides = array<i32>} : memref<5x128x128xf32, #tpu.memory_space<vmem>>, vector<1x1x16xf32>,
        %get3A_677 = vector.shape_cast %get3A_676 : vector<1x1x16xf32> to vector<16xf32>
        %mul3A_678 = arith.mulf %get3A_677, %get3A_677 : vector<16xf32>
        %add3A_679 = arith.addf %broadcast_in_dim3A_671, %mul3A_678 : vector<16xf32>
        %get3A_680 = arith.constant 2 : i32
        %get3A_681 = arith.index_cast %get3A_680 : i32 to index
        %get3A_682 = arith.index_cast %scan3A_669 : i32 to index
        %get3A_683 = arith.constant 16 : index
        %get3A_684 = tpu.vector_load %arg6[%get3A_681, %get3A_682, %get3A_683] {strides = array<i32>} : memref<5x128x128xf32, #tpu.memory_space<vmem>>, vector<1x1x16xf32>,
        %get3A_685 = vector.shape_cast %get3A_684 : vector<1x1x16xf32> to vector<16xf32>
        %mul3A_686 = arith.mulf %get3A_685, %get3A_685 : vector<16xf32>
        %add3A_687 = arith.addf %add3A_679, %mul3A_686 : vector<16xf32>
        %get3A_688 = arith.constant 2 : i32
        %get3A_689 = arith.index_cast %get3A_688 : i32 to index
        %get3A_690 = arith.index_cast %scan3A_669 : i32 to index
        %get3A_691 = arith.constant 32 : index
        %get3A_692 = tpu.vector_load %arg6[%get3A_689, %get3A_690, %get3A_691] {strides = array<i32>} : memref<5x128x128xf32, #tpu.memory_space<vmem>>, vector<1x1x16xf32>,
        %get3A_693 = vector.shape_cast %get3A_692 : vector<1x1x16xf32> to vector<16xf32>
        %mul3A_694 = arith.mulf %get3A_693, %get3A_693 : vector<16xf32>
        %add3A_695 = arith.addf %add3A_687, %mul3A_694 : vector<16xf32>
        %get3A_696 = arith.constant 2 : i32
        %get3A_697 = arith.index_cast %get3A_696 : i32 to index
        %get3A_698 = arith.index_cast %scan3A_669 : i32 to index
        %get3A_699 = arith.constant 48 : index
        %get3A_700 = tpu.vector_load %arg6[%get3A_697, %get3A_698, %get3A_699] {strides = array<i32>} : memref<5x128x128xf32, #tpu.memory_space<vmem>>, vector<1x1x16xf32>,
        %get3A_701 = vector.shape_cast %get3A_700 : vector<1x1x16xf32> to vector<16xf32>
        %mul3A_702 = arith.mulf %get3A_701, %get3A_701 : vector<16xf32>
        %add3A_703 = arith.addf %add3A_695, %mul3A_702 : vector<16xf32>
        %get3A_704 = arith.constant 2 : i32
        %get3A_705 = arith.index_cast %get3A_704 : i32 to index
        %get3A_706 = arith.index_cast %scan3A_669 : i32 to index
        %get3A_707 = arith.constant 64 : index
        %get3A_708 = tpu.vector_load %arg6[%get3A_705, %get3A_706, %get3A_707] {strides = array<i32>} : memref<5x128x128xf32, #tpu.memory_space<vmem>>, vector<1x1x16xf32>,
        %get3A_709 = vector.shape_cast %get3A_708 : vector<1x1x16xf32> to vector<16xf32>
        %mul3A_710 = arith.mulf %get3A_709, %get3A_709 : vector<16xf32>
        %add3A_711 = arith.addf %add3A_703, %mul3A_710 : vector<16xf32>
        %get3A_712 = arith.constant 2 : i32
        %get3A_713 = arith.index_cast %get3A_712 : i32 to index
        %get3A_714 = arith.index_cast %scan3A_669 : i32 to index
        %get3A_715 = arith.constant 80 : index
        %get3A_716 = tpu.vector_load %arg6[%get3A_713, %get3A_714, %get3A_715] {strides = array<i32>} : memref<5x128x128xf32, #tpu.memory_space<vmem>>, vector<1x1x16xf32>,
        %get3A_717 = vector.shape_cast %get3A_716 : vector<1x1x16xf32> to vector<16xf32>
        %mul3A_718 = arith.mulf %get3A_717, %get3A_717 : vector<16xf32>
        %add3A_719 = arith.addf %add3A_711, %mul3A_718 : vector<16xf32>
        %get3A_720 = arith.constant 2 : i32
        %get3A_721 = arith.index_cast %get3A_720 : i32 to index
        %get3A_722 = arith.index_cast %scan3A_669 : i32 to index
        %get3A_723 = arith.constant 96 : index
        %get3A_724 = tpu.vector_load %arg6[%get3A_721, %get3A_722, %get3A_723] {strides = array<i32>} : memref<5x128x128xf32, #tpu.memory_space<vmem>>, vector<1x1x16xf32>,
        %get3A_725 = vector.shape_cast %get3A_724 : vector<1x1x16xf32> to vector<16xf32>
        %mul3A_726 = arith.mulf %get3A_725, %get3A_725 : vector<16xf32>
        %add3A_727 = arith.addf %add3A_719, %mul3A_726 : vector<16xf32>
        %get3A_728 = arith.constant 2 : i32
        %get3A_729 = arith.index_cast %get3A_728 : i32 to index
        %get3A_730 = arith.index_cast %scan3A_669 : i32 to index
        %get3A_731 = arith.constant 112 : index
        %get3A_732 = tpu.vector_load %arg6[%get3A_729, %get3A_730, %get3A_731] {strides = array<i32>} : memref<5x128x128xf32, #tpu.memory_space<vmem>>, vector<1x1x16xf32>,
        %get3A_733 = vector.shape_cast %get3A_732 : vector<1x1x16xf32> to vector<16xf32>
        %mul3A_734 = arith.mulf %get3A_733, %get3A_733 : vector<16xf32>
        %add3A_735 = arith.addf %add3A_727, %mul3A_734 : vector<16xf32>
        %iota3A_736 = tpu.iota {dimensions = array<i32: 0>} : vector<16xi32>
        %xor3A_737 = arith.constant 8 : i32
        %xor3A_738 = vector.broadcast %xor3A_737 : i32 to vector<16xi32>
        %xor3A_739 = arith.xori %iota3A_736, %xor3A_738 : vector<16xi32>
        %reshape3A_740 = vector.shape_cast %xor3A_739 : vector<16xi32> to vector<16x1xi32>
        %gather3A_741 = vector.shape_cast %reshape3A_740 : vector<16x1xi32> to vector<16xi32>
        %gather3A_742 = tpu.dynamic_gather %add3A_735[%gather3A_741] in [0] : vector<16xf32>, vector<16xi32> -> vector<16xf32>
        %add3A_743 = arith.addf %add3A_735, %gather3A_742 : vector<16xf32>
        %xor3A_744 = arith.constant 4 : i32
        %xor3A_745 = vector.broadcast %xor3A_744 : i32 to vector<16xi32>
        %xor3A_746 = arith.xori %iota3A_736, %xor3A_745 : vector<16xi32>
        %reshape3A_747 = vector.shape_cast %xor3A_746 : vector<16xi32> to vector<16x1xi32>
        %gather3A_748 = vector.shape_cast %reshape3A_747 : vector<16x1xi32> to vector<16xi32>
        %gather3A_749 = tpu.dynamic_gather %add3A_743[%gather3A_748] in [0] : vector<16xf32>, vector<16xi32> -> vector<16xf32>
        %add3A_750 = arith.addf %add3A_743, %gather3A_749 : vector<16xf32>
        %xor3A_751 = arith.constant 2 : i32
        %xor3A_752 = vector.broadcast %xor3A_751 : i32 to vector<16xi32>
        %xor3A_753 = arith.xori %iota3A_736, %xor3A_752 : vector<16xi32>
        %reshape3A_754 = vector.shape_cast %xor3A_753 : vector<16xi32> to vector<16x1xi32>
        %gather3A_755 = vector.shape_cast %reshape3A_754 : vector<16x1xi32> to vector<16xi32>
        %gather3A_756 = tpu.dynamic_gather %add3A_750[%gather3A_755] in [0] : vector<16xf32>, vector<16xi32> -> vector<16xf32>
        %add3A_757 = arith.addf %add3A_750, %gather3A_756 : vector<16xf32>
        %xor3A_758 = arith.constant 1 : i32
        %xor3A_759 = vector.broadcast %xor3A_758 : i32 to vector<16xi32>
        %xor3A_760 = arith.xori %iota3A_736, %xor3A_759 : vector<16xi32>
        %reshape3A_761 = vector.shape_cast %xor3A_760 : vector<16xi32> to vector<16x1xi32>
        %gather3A_762 = vector.shape_cast %reshape3A_761 : vector<16x1xi32> to vector<16xi32>
        %gather3A_763 = tpu.dynamic_gather %add3A_757[%gather3A_762] in [0] : vector<16xf32>, vector<16xi32> -> vector<16xf32>
        %add3A_764 = arith.addf %add3A_757, %gather3A_763 : vector<16xf32>
        %bitcast_convert_type3A_765 = tpu.bitcast %add3A_764 : vector<16xf32> -> vector<16xi32>
        %shift_right_logical3A_766 = arith.constant 1 : i32
        %shift_right_logical3A_767 = vector.broadcast %shift_right_logical3A_766 : i32 to vector<16xi32>
        %shift_right_logical3A_768 = arith.shrui %bitcast_convert_type3A_765, %shift_right_logical3A_767 : vector<16xi32>
        %sub3A_769 = arith.constant 1597463007 : i32
        %sub3A_770 = vector.broadcast %sub3A_769 : i32 to vector<16xi32>
        %sub3A_771 = arith.subi %sub3A_770, %shift_right_logical3A_768 : vector<16xi32>
        %bitcast_convert_type3A_772 = tpu.bitcast %sub3A_771 : vector<16xi32> -> vector<16xf32>
        %mul3A_773 = arith.constant 5.000000e-01 : f32
        %mul3A_774 = vector.broadcast %mul3A_773 : f32 to vector<16xf32>
        %mul3A_775 = arith.mulf %add3A_764, %mul3A_774 : vector<16xf32>
        %mul3A_776 = arith.mulf %mul3A_775, %bitcast_convert_type3A_772 : vector<16xf32>
        %mul3A_777 = arith.mulf %mul3A_776, %bitcast_convert_type3A_772 : vector<16xf32>
        %sub3A_778 = arith.constant 1.500000e+00 : f32
        %sub3A_779 = vector.broadcast %sub3A_778 : f32 to vector<16xf32>
        %sub3A_780 = arith.subf %sub3A_779, %mul3A_777 : vector<16xf32>
        %mul3A_781 = arith.mulf %bitcast_convert_type3A_772, %sub3A_780 : vector<16xf32>
        %mul3A_782 = arith.mulf %get3A_677, %mul3A_781 : vector<16xf32>
        %swap3A_783 = arith.constant 2 : i32
        %swap3A_784 = arith.index_cast %swap3A_783 : i32 to index
        %swap3A_785 = arith.index_cast %scan3A_669 : i32 to index
        %swap3A_786 = arith.constant 0 : index
        %swap3A_787 = tpu.vector_load %arg6[%swap3A_784, %swap3A_785, %swap3A_786] {strides = array<i32>} : memref<5x128x128xf32, #tpu.memory_space<vmem>>, vector<1x1x16xf32>,
        %swap3A_788 = vector.shape_cast %swap3A_787 : vector<1x1x16xf32> to vector<16xf32>
        %swap3A_789 = vector.shape_cast %mul3A_782 : vector<16xf32> to vector<1x1x16xf32>
        tpu.vector_store %arg6[%swap3A_784, %swap3A_785, %swap3A_786], %swap3A_789 {strides = array<i32>} : memref<5x128x128xf32, #tpu.memory_space<vmem>>, vector<1x1x16xf32>,
        %mul3A_790 = arith.mulf %get3A_685, %mul3A_781 : vector<16xf32>
        %swap3A_791 = arith.constant 2 : i32
        %swap3A_792 = arith.index_cast %swap3A_791 : i32 to index
        %swap3A_793 = arith.index_cast %scan3A_669 : i32 to index
        %swap3A_794 = arith.constant 16 : index
        %swap3A_795 = tpu.vector_load %arg6[%swap3A_792, %swap3A_793, %swap3A_794] {strides = array<i32>} : memref<5x128x128xf32, #tpu.memory_space<vmem>>, vector<1x1x16xf32>,
        %swap3A_796 = vector.shape_cast %swap3A_795 : vector<1x1x16xf32> to vector<16xf32>
        %swap3A_797 = vector.shape_cast %mul3A_790 : vector<16xf32> to vector<1x1x16xf32>
        tpu.vector_store %arg6[%swap3A_792, %swap3A_793, %swap3A_794], %swap3A_797 {strides = array<i32>} : memref<5x128x128xf32, #tpu.memory_space<vmem>>, vector<1x1x16xf32>,
        %mul3A_798 = arith.mulf %get3A_693, %mul3A_781 : vector<16xf32>
        %swap3A_799 = arith.constant 2 : i32
        %swap3A_800 = arith.index_cast %swap3A_799 : i32 to index
        %swap3A_801 = arith.index_cast %scan3A_669 : i32 to index
        %swap3A_802 = arith.constant 32 : index
        %swap3A_803 = tpu.vector_load %arg6[%swap3A_800, %swap3A_801, %swap3A_802] {strides = array<i32>} : memref<5x128x128xf32, #tpu.memory_space<vmem>>, vector<1x1x16xf32>,
        %swap3A_804 = vector.shape_cast %swap3A_803 : vector<1x1x16xf32> to vector<16xf32>
        %swap3A_805 = vector.shape_cast %mul3A_798 : vector<16xf32> to vector<1x1x16xf32>
        tpu.vector_store %arg6[%swap3A_800, %swap3A_801, %swap3A_802], %swap3A_805 {strides = array<i32>} : memref<5x128x128xf32, #tpu.memory_space<vmem>>, vector<1x1x16xf32>,
        %mul3A_806 = arith.mulf %get3A_701, %mul3A_781 : vector<16xf32>
        %swap3A_807 = arith.constant 2 : i32
        %swap3A_808 = arith.index_cast %swap3A_807 : i32 to index
        %swap3A_809 = arith.index_cast %scan3A_669 : i32 to index
        %swap3A_810 = arith.constant 48 : index
        %swap3A_811 = tpu.vector_load %arg6[%swap3A_808, %swap3A_809, %swap3A_810] {strides = array<i32>} : memref<5x128x128xf32, #tpu.memory_space<vmem>>, vector<1x1x16xf32>,
        %swap3A_812 = vector.shape_cast %swap3A_811 : vector<1x1x16xf32> to vector<16xf32>
        %swap3A_813 = vector.shape_cast %mul3A_806 : vector<16xf32> to vector<1x1x16xf32>
        tpu.vector_store %arg6[%swap3A_808, %swap3A_809, %swap3A_810], %swap3A_813 {strides = array<i32>} : memref<5x128x128xf32, #tpu.memory_space<vmem>>, vector<1x1x16xf32>,
        %mul3A_814 = arith.mulf %get3A_709, %mul3A_781 : vector<16xf32>
        %swap3A_815 = arith.constant 2 : i32
        %swap3A_816 = arith.index_cast %swap3A_815 : i32 to index
        %swap3A_817 = arith.index_cast %scan3A_669 : i32 to index
        %swap3A_818 = arith.constant 64 : index
        %swap3A_819 = tpu.vector_load %arg6[%swap3A_816, %swap3A_817, %swap3A_818] {strides = array<i32>} : memref<5x128x128xf32, #tpu.memory_space<vmem>>, vector<1x1x16xf32>,
        %swap3A_820 = vector.shape_cast %swap3A_819 : vector<1x1x16xf32> to vector<16xf32>
        %swap3A_821 = vector.shape_cast %mul3A_814 : vector<16xf32> to vector<1x1x16xf32>
        tpu.vector_store %arg6[%swap3A_816, %swap3A_817, %swap3A_818], %swap3A_821 {strides = array<i32>} : memref<5x128x128xf32, #tpu.memory_space<vmem>>, vector<1x1x16xf32>,
        %mul3A_822 = arith.mulf %get3A_717, %mul3A_781 : vector<16xf32>
        %swap3A_823 = arith.constant 2 : i32
        %swap3A_824 = arith.index_cast %swap3A_823 : i32 to index
        %swap3A_825 = arith.index_cast %scan3A_669 : i32 to index
        %swap3A_826 = arith.constant 80 : index
        %swap3A_827 = tpu.vector_load %arg6[%swap3A_824, %swap3A_825, %swap3A_826] {strides = array<i32>} : memref<5x128x128xf32, #tpu.memory_space<vmem>>, vector<1x1x16xf32>,
        %swap3A_828 = vector.shape_cast %swap3A_827 : vector<1x1x16xf32> to vector<16xf32>
        %swap3A_829 = vector.shape_cast %mul3A_822 : vector<16xf32> to vector<1x1x16xf32>
        tpu.vector_store %arg6[%swap3A_824, %swap3A_825, %swap3A_826], %swap3A_829 {strides = array<i32>} : memref<5x128x128xf32, #tpu.memory_space<vmem>>, vector<1x1x16xf32>,
        %mul3A_830 = arith.mulf %get3A_725, %mul3A_781 : vector<16xf32>
        %swap3A_831 = arith.constant 2 : i32
        %swap3A_832 = arith.index_cast %swap3A_831 : i32 to index
        %swap3A_833 = arith.index_cast %scan3A_669 : i32 to index
        %swap3A_834 = arith.constant 96 : index
        %swap3A_835 = tpu.vector_load %arg6[%swap3A_832, %swap3A_833, %swap3A_834] {strides = array<i32>} : memref<5x128x128xf32, #tpu.memory_space<vmem>>, vector<1x1x16xf32>,
        %swap3A_836 = vector.shape_cast %swap3A_835 : vector<1x1x16xf32> to vector<16xf32>
        %swap3A_837 = vector.shape_cast %mul3A_830 : vector<16xf32> to vector<1x1x16xf32>
        tpu.vector_store %arg6[%swap3A_832, %swap3A_833, %swap3A_834], %swap3A_837 {strides = array<i32>} : memref<5x128x128xf32, #tpu.memory_space<vmem>>, vector<1x1x16xf32>,
        %mul3A_838 = arith.mulf %get3A_733, %mul3A_781 : vector<16xf32>
        %swap3A_839 = arith.constant 2 : i32
        %swap3A_840 = arith.index_cast %swap3A_839 : i32 to index
        %swap3A_841 = arith.index_cast %scan3A_669 : i32 to index
        %swap3A_842 = arith.constant 112 : index
        %swap3A_843 = tpu.vector_load %arg6[%swap3A_840, %swap3A_841, %swap3A_842] {strides = array<i32>} : memref<5x128x128xf32, #tpu.memory_space<vmem>>, vector<1x1x16xf32>,
        %swap3A_844 = vector.shape_cast %swap3A_843 : vector<1x1x16xf32> to vector<16xf32>
        %swap3A_845 = vector.shape_cast %mul3A_838 : vector<16xf32> to vector<1x1x16xf32>
        tpu.vector_store %arg6[%swap3A_840, %swap3A_841, %swap3A_842], %swap3A_845 {strides = array<i32>} : memref<5x128x128xf32, #tpu.memory_space<vmem>>, vector<1x1x16xf32>,
        %scan3A_846 = arith.constant 3 : i32
        %scan3A_847 = arith.addi %scan3A_323, %scan3A_846 : i32
        %broadcast_in_dim3A_848 = arith.constant 0.000000e+00 : f32
        %broadcast_in_dim3A_849 = vector.broadcast %broadcast_in_dim3A_848 : f32 to vector<16xf32>
        %get3A_850 = arith.constant 2 : i32
        %get3A_851 = arith.index_cast %get3A_850 : i32 to index
        %get3A_852 = arith.index_cast %scan3A_847 : i32 to index
        %get3A_853 = arith.constant 0 : index
        %get3A_854 = tpu.vector_load %arg6[%get3A_851, %get3A_852, %get3A_853] {strides = array<i32>} : memref<5x128x128xf32, #tpu.memory_space<vmem>>, vector<1x1x16xf32>,
        %get3A_855 = vector.shape_cast %get3A_854 : vector<1x1x16xf32> to vector<16xf32>
        %mul3A_856 = arith.mulf %get3A_855, %get3A_855 : vector<16xf32>
        %add3A_857 = arith.addf %broadcast_in_dim3A_849, %mul3A_856 : vector<16xf32>
        %get3A_858 = arith.constant 2 : i32
        %get3A_859 = arith.index_cast %get3A_858 : i32 to index
        %get3A_860 = arith.index_cast %scan3A_847 : i32 to index
        %get3A_861 = arith.constant 16 : index
        %get3A_862 = tpu.vector_load %arg6[%get3A_859, %get3A_860, %get3A_861] {strides = array<i32>} : memref<5x128x128xf32, #tpu.memory_space<vmem>>, vector<1x1x16xf32>,
        %get3A_863 = vector.shape_cast %get3A_862 : vector<1x1x16xf32> to vector<16xf32>
        %mul3A_864 = arith.mulf %get3A_863, %get3A_863 : vector<16xf32>
        %add3A_865 = arith.addf %add3A_857, %mul3A_864 : vector<16xf32>
        %get3A_866 = arith.constant 2 : i32
        %get3A_867 = arith.index_cast %get3A_866 : i32 to index
        %get3A_868 = arith.index_cast %scan3A_847 : i32 to index
        %get3A_869 = arith.constant 32 : index
        %get3A_870 = tpu.vector_load %arg6[%get3A_867, %get3A_868, %get3A_869] {strides = array<i32>} : memref<5x128x128xf32, #tpu.memory_space<vmem>>, vector<1x1x16xf32>,
        %get3A_871 = vector.shape_cast %get3A_870 : vector<1x1x16xf32> to vector<16xf32>
        %mul3A_872 = arith.mulf %get3A_871, %get3A_871 : vector<16xf32>
        %add3A_873 = arith.addf %add3A_865, %mul3A_872 : vector<16xf32>
        %get3A_874 = arith.constant 2 : i32
        %get3A_875 = arith.index_cast %get3A_874 : i32 to index
        %get3A_876 = arith.index_cast %scan3A_847 : i32 to index
        %get3A_877 = arith.constant 48 : index
        %get3A_878 = tpu.vector_load %arg6[%get3A_875, %get3A_876, %get3A_877] {strides = array<i32>} : memref<5x128x128xf32, #tpu.memory_space<vmem>>, vector<1x1x16xf32>,
        %get3A_879 = vector.shape_cast %get3A_878 : vector<1x1x16xf32> to vector<16xf32>
        %mul3A_880 = arith.mulf %get3A_879, %get3A_879 : vector<16xf32>
        %add3A_881 = arith.addf %add3A_873, %mul3A_880 : vector<16xf32>
        %get3A_882 = arith.constant 2 : i32
        %get3A_883 = arith.index_cast %get3A_882 : i32 to index
        %get3A_884 = arith.index_cast %scan3A_847 : i32 to index
        %get3A_885 = arith.constant 64 : index
        %get3A_886 = tpu.vector_load %arg6[%get3A_883, %get3A_884, %get3A_885] {strides = array<i32>} : memref<5x128x128xf32, #tpu.memory_space<vmem>>, vector<1x1x16xf32>,
        %get3A_887 = vector.shape_cast %get3A_886 : vector<1x1x16xf32> to vector<16xf32>
        %mul3A_888 = arith.mulf %get3A_887, %get3A_887 : vector<16xf32>
        %add3A_889 = arith.addf %add3A_881, %mul3A_888 : vector<16xf32>
        %get3A_890 = arith.constant 2 : i32
        %get3A_891 = arith.index_cast %get3A_890 : i32 to index
        %get3A_892 = arith.index_cast %scan3A_847 : i32 to index
        %get3A_893 = arith.constant 80 : index
        %get3A_894 = tpu.vector_load %arg6[%get3A_891, %get3A_892, %get3A_893] {strides = array<i32>} : memref<5x128x128xf32, #tpu.memory_space<vmem>>, vector<1x1x16xf32>,
        %get3A_895 = vector.shape_cast %get3A_894 : vector<1x1x16xf32> to vector<16xf32>
        %mul3A_896 = arith.mulf %get3A_895, %get3A_895 : vector<16xf32>
        %add3A_897 = arith.addf %add3A_889, %mul3A_896 : vector<16xf32>
        %get3A_898 = arith.constant 2 : i32
        %get3A_899 = arith.index_cast %get3A_898 : i32 to index
        %get3A_900 = arith.index_cast %scan3A_847 : i32 to index
        %get3A_901 = arith.constant 96 : index
        %get3A_902 = tpu.vector_load %arg6[%get3A_899, %get3A_900, %get3A_901] {strides = array<i32>} : memref<5x128x128xf32, #tpu.memory_space<vmem>>, vector<1x1x16xf32>,
        %get3A_903 = vector.shape_cast %get3A_902 : vector<1x1x16xf32> to vector<16xf32>
        %mul3A_904 = arith.mulf %get3A_903, %get3A_903 : vector<16xf32>
        %add3A_905 = arith.addf %add3A_897, %mul3A_904 : vector<16xf32>
        %get3A_906 = arith.constant 2 : i32
        %get3A_907 = arith.index_cast %get3A_906 : i32 to index
        %get3A_908 = arith.index_cast %scan3A_847 : i32 to index
        %get3A_909 = arith.constant 112 : index
        %get3A_910 = tpu.vector_load %arg6[%get3A_907, %get3A_908, %get3A_909] {strides = array<i32>} : memref<5x128x128xf32, #tpu.memory_space<vmem>>, vector<1x1x16xf32>,
        %get3A_911 = vector.shape_cast %get3A_910 : vector<1x1x16xf32> to vector<16xf32>
        %mul3A_912 = arith.mulf %get3A_911, %get3A_911 : vector<16xf32>
        %add3A_913 = arith.addf %add3A_905, %mul3A_912 : vector<16xf32>
        %iota3A_914 = tpu.iota {dimensions = array<i32: 0>} : vector<16xi32>
        %xor3A_915 = arith.constant 8 : i32
        %xor3A_916 = vector.broadcast %xor3A_915 : i32 to vector<16xi32>
        %xor3A_917 = arith.xori %iota3A_914, %xor3A_916 : vector<16xi32>
        %reshape3A_918 = vector.shape_cast %xor3A_917 : vector<16xi32> to vector<16x1xi32>
        %gather3A_919 = vector.shape_cast %reshape3A_918 : vector<16x1xi32> to vector<16xi32>
        %gather3A_920 = tpu.dynamic_gather %add3A_913[%gather3A_919] in [0] : vector<16xf32>, vector<16xi32> -> vector<16xf32>
        %add3A_921 = arith.addf %add3A_913, %gather3A_920 : vector<16xf32>
        %xor3A_922 = arith.constant 4 : i32
        %xor3A_923 = vector.broadcast %xor3A_922 : i32 to vector<16xi32>
        %xor3A_924 = arith.xori %iota3A_914, %xor3A_923 : vector<16xi32>
        %reshape3A_925 = vector.shape_cast %xor3A_924 : vector<16xi32> to vector<16x1xi32>
        %gather3A_926 = vector.shape_cast %reshape3A_925 : vector<16x1xi32> to vector<16xi32>
        %gather3A_927 = tpu.dynamic_gather %add3A_921[%gather3A_926] in [0] : vector<16xf32>, vector<16xi32> -> vector<16xf32>
        %add3A_928 = arith.addf %add3A_921, %gather3A_927 : vector<16xf32>
        %xor3A_929 = arith.constant 2 : i32
        %xor3A_930 = vector.broadcast %xor3A_929 : i32 to vector<16xi32>
        %xor3A_931 = arith.xori %iota3A_914, %xor3A_930 : vector<16xi32>
        %reshape3A_932 = vector.shape_cast %xor3A_931 : vector<16xi32> to vector<16x1xi32>
        %gather3A_933 = vector.shape_cast %reshape3A_932 : vector<16x1xi32> to vector<16xi32>
        %gather3A_934 = tpu.dynamic_gather %add3A_928[%gather3A_933] in [0] : vector<16xf32>, vector<16xi32> -> vector<16xf32>
        %add3A_935 = arith.addf %add3A_928, %gather3A_934 : vector<16xf32>
        %xor3A_936 = arith.constant 1 : i32
        %xor3A_937 = vector.broadcast %xor3A_936 : i32 to vector<16xi32>
        %xor3A_938 = arith.xori %iota3A_914, %xor3A_937 : vector<16xi32>
        %reshape3A_939 = vector.shape_cast %xor3A_938 : vector<16xi32> to vector<16x1xi32>
        %gather3A_940 = vector.shape_cast %reshape3A_939 : vector<16x1xi32> to vector<16xi32>
        %gather3A_941 = tpu.dynamic_gather %add3A_935[%gather3A_940] in [0] : vector<16xf32>, vector<16xi32> -> vector<16xf32>
        %add3A_942 = arith.addf %add3A_935, %gather3A_941 : vector<16xf32>
        %bitcast_convert_type3A_943 = tpu.bitcast %add3A_942 : vector<16xf32> -> vector<16xi32>
        %shift_right_logical3A_944 = arith.constant 1 : i32
        %shift_right_logical3A_945 = vector.broadcast %shift_right_logical3A_944 : i32 to vector<16xi32>
        %shift_right_logical3A_946 = arith.shrui %bitcast_convert_type3A_943, %shift_right_logical3A_945 : vector<16xi32>
        %sub3A_947 = arith.constant 1597463007 : i32
        %sub3A_948 = vector.broadcast %sub3A_947 : i32 to vector<16xi32>
        %sub3A_949 = arith.subi %sub3A_948, %shift_right_logical3A_946 : vector<16xi32>
        %bitcast_convert_type3A_950 = tpu.bitcast %sub3A_949 : vector<16xi32> -> vector<16xf32>
        %mul3A_951 = arith.constant 5.000000e-01 : f32
        %mul3A_952 = vector.broadcast %mul3A_951 : f32 to vector<16xf32>
        %mul3A_953 = arith.mulf %add3A_942, %mul3A_952 : vector<16xf32>
        %mul3A_954 = arith.mulf %mul3A_953, %bitcast_convert_type3A_950 : vector<16xf32>
        %mul3A_955 = arith.mulf %mul3A_954, %bitcast_convert_type3A_950 : vector<16xf32>
        %sub3A_956 = arith.constant 1.500000e+00 : f32
        %sub3A_957 = vector.broadcast %sub3A_956 : f32 to vector<16xf32>
        %sub3A_958 = arith.subf %sub3A_957, %mul3A_955 : vector<16xf32>
        %mul3A_959 = arith.mulf %bitcast_convert_type3A_950, %sub3A_958 : vector<16xf32>
        %mul3A_960 = arith.mulf %get3A_855, %mul3A_959 : vector<16xf32>
        %swap3A_961 = arith.constant 2 : i32
        %swap3A_962 = arith.index_cast %swap3A_961 : i32 to index
        %swap3A_963 = arith.index_cast %scan3A_847 : i32 to index
        %swap3A_964 = arith.constant 0 : index
        %swap3A_965 = tpu.vector_load %arg6[%swap3A_962, %swap3A_963, %swap3A_964] {strides = array<i32>} : memref<5x128x128xf32, #tpu.memory_space<vmem>>, vector<1x1x16xf32>,
        %swap3A_966 = vector.shape_cast %swap3A_965 : vector<1x1x16xf32> to vector<16xf32>
        %swap3A_967 = vector.shape_cast %mul3A_960 : vector<16xf32> to vector<1x1x16xf32>
        tpu.vector_store %arg6[%swap3A_962, %swap3A_963, %swap3A_964], %swap3A_967 {strides = array<i32>} : memref<5x128x128xf32, #tpu.memory_space<vmem>>, vector<1x1x16xf32>,
        %mul3A_968 = arith.mulf %get3A_863, %mul3A_959 : vector<16xf32>
        %swap3A_969 = arith.constant 2 : i32
        %swap3A_970 = arith.index_cast %swap3A_969 : i32 to index
        %swap3A_971 = arith.index_cast %scan3A_847 : i32 to index
        %swap3A_972 = arith.constant 16 : index
        %swap3A_973 = tpu.vector_load %arg6[%swap3A_970, %swap3A_971, %swap3A_972] {strides = array<i32>} : memref<5x128x128xf32, #tpu.memory_space<vmem>>, vector<1x1x16xf32>,
        %swap3A_974 = vector.shape_cast %swap3A_973 : vector<1x1x16xf32> to vector<16xf32>
        %swap3A_975 = vector.shape_cast %mul3A_968 : vector<16xf32> to vector<1x1x16xf32>
        tpu.vector_store %arg6[%swap3A_970, %swap3A_971, %swap3A_972], %swap3A_975 {strides = array<i32>} : memref<5x128x128xf32, #tpu.memory_space<vmem>>, vector<1x1x16xf32>,
        %mul3A_976 = arith.mulf %get3A_871, %mul3A_959 : vector<16xf32>
        %swap3A_977 = arith.constant 2 : i32
        %swap3A_978 = arith.index_cast %swap3A_977 : i32 to index
        %swap3A_979 = arith.index_cast %scan3A_847 : i32 to index
        %swap3A_980 = arith.constant 32 : index
        %swap3A_981 = tpu.vector_load %arg6[%swap3A_978, %swap3A_979, %swap3A_980] {strides = array<i32>} : memref<5x128x128xf32, #tpu.memory_space<vmem>>, vector<1x1x16xf32>,
        %swap3A_982 = vector.shape_cast %swap3A_981 : vector<1x1x16xf32> to vector<16xf32>
        %swap3A_983 = vector.shape_cast %mul3A_976 : vector<16xf32> to vector<1x1x16xf32>
        tpu.vector_store %arg6[%swap3A_978, %swap3A_979, %swap3A_980], %swap3A_983 {strides = array<i32>} : memref<5x128x128xf32, #tpu.memory_space<vmem>>, vector<1x1x16xf32>,
        %mul3A_984 = arith.mulf %get3A_879, %mul3A_959 : vector<16xf32>
        %swap3A_985 = arith.constant 2 : i32
        %swap3A_986 = arith.index_cast %swap3A_985 : i32 to index
        %swap3A_987 = arith.index_cast %scan3A_847 : i32 to index
        %swap3A_988 = arith.constant 48 : index
        %swap3A_989 = tpu.vector_load %arg6[%swap3A_986, %swap3A_987, %swap3A_988] {strides = array<i32>} : memref<5x128x128xf32, #tpu.memory_space<vmem>>, vector<1x1x16xf32>,
        %swap3A_990 = vector.shape_cast %swap3A_989 : vector<1x1x16xf32> to vector<16xf32>
        %swap3A_991 = vector.shape_cast %mul3A_984 : vector<16xf32> to vector<1x1x16xf32>
        tpu.vector_store %arg6[%swap3A_986, %swap3A_987, %swap3A_988], %swap3A_991 {strides = array<i32>} : memref<5x128x128xf32, #tpu.memory_space<vmem>>, vector<1x1x16xf32>,
        %mul3A_992 = arith.mulf %get3A_887, %mul3A_959 : vector<16xf32>
        %swap3A_993 = arith.constant 2 : i32
        %swap3A_994 = arith.index_cast %swap3A_993 : i32 to index
        %swap3A_995 = arith.index_cast %scan3A_847 : i32 to index
        %swap3A_996 = arith.constant 64 : index
        %swap3A_997 = tpu.vector_load %arg6[%swap3A_994, %swap3A_995, %swap3A_996] {strides = array<i32>} : memref<5x128x128xf32, #tpu.memory_space<vmem>>, vector<1x1x16xf32>,
        %swap3A_998 = vector.shape_cast %swap3A_997 : vector<1x1x16xf32> to vector<16xf32>
        %swap3A_999 = vector.shape_cast %mul3A_992 : vector<16xf32> to vector<1x1x16xf32>
        tpu.vector_store %arg6[%swap3A_994, %swap3A_995, %swap3A_996], %swap3A_999 {strides = array<i32>} : memref<5x128x128xf32, #tpu.memory_space<vmem>>, vector<1x1x16xf32>,
        %mul3A_1000 = arith.mulf %get3A_895, %mul3A_959 : vector<16xf32>
        %swap3A_1001 = arith.constant 2 : i32
        %swap3A_1002 = arith.index_cast %swap3A_1001 : i32 to index
        %swap3A_1003 = arith.index_cast %scan3A_847 : i32 to index
        %swap3A_1004 = arith.constant 80 : index
        %swap3A_1005 = tpu.vector_load %arg6[%swap3A_1002, %swap3A_1003, %swap3A_1004] {strides = array<i32>} : memref<5x128x128xf32, #tpu.memory_space<vmem>>, vector<1x1x16xf32>,
        %swap3A_1006 = vector.shape_cast %swap3A_1005 : vector<1x1x16xf32> to vector<16xf32>
        %swap3A_1007 = vector.shape_cast %mul3A_1000 : vector<16xf32> to vector<1x1x16xf32>
        tpu.vector_store %arg6[%swap3A_1002, %swap3A_1003, %swap3A_1004], %swap3A_1007 {strides = array<i32>} : memref<5x128x128xf32, #tpu.memory_space<vmem>>, vector<1x1x16xf32>,
        %mul3A_1008 = arith.mulf %get3A_903, %mul3A_959 : vector<16xf32>
        %swap3A_1009 = arith.constant 2 : i32
        %swap3A_1010 = arith.index_cast %swap3A_1009 : i32 to index
        %swap3A_1011 = arith.index_cast %scan3A_847 : i32 to index
        %swap3A_1012 = arith.constant 96 : index
        %swap3A_1013 = tpu.vector_load %arg6[%swap3A_1010, %swap3A_1011, %swap3A_1012] {strides = array<i32>} : memref<5x128x128xf32, #tpu.memory_space<vmem>>, vector<1x1x16xf32>,
        %swap3A_1014 = vector.shape_cast %swap3A_1013 : vector<1x1x16xf32> to vector<16xf32>
        %swap3A_1015 = vector.shape_cast %mul3A_1008 : vector<16xf32> to vector<1x1x16xf32>
        tpu.vector_store %arg6[%swap3A_1010, %swap3A_1011, %swap3A_1012], %swap3A_1015 {strides = array<i32>} : memref<5x128x128xf32, #tpu.memory_space<vmem>>, vector<1x1x16xf32>,
        %mul3A_1016 = arith.mulf %get3A_911, %mul3A_959 : vector<16xf32>
        %swap3A_1017 = arith.constant 2 : i32
        %swap3A_1018 = arith.index_cast %swap3A_1017 : i32 to index
        %swap3A_1019 = arith.index_cast %scan3A_847 : i32 to index
        %swap3A_1020 = arith.constant 112 : index
        %swap3A_1021 = tpu.vector_load %arg6[%swap3A_1018, %swap3A_1019, %swap3A_1020] {strides = array<i32>} : memref<5x128x128xf32, #tpu.memory_space<vmem>>, vector<1x1x16xf32>,
        %swap3A_1022 = vector.shape_cast %swap3A_1021 : vector<1x1x16xf32> to vector<16xf32>
        %swap3A_1023 = vector.shape_cast %mul3A_1016 : vector<16xf32> to vector<1x1x16xf32>
        tpu.vector_store %arg6[%swap3A_1018, %swap3A_1019, %swap3A_1020], %swap3A_1023 {strides = array<i32>} : memref<5x128x128xf32, #tpu.memory_space<vmem>>, vector<1x1x16xf32>,
      }
      %scan3A_218 = arith.constant 128 : i32
      %mul3A_219 = arith.constant 128 : i32
      %mul3A_220 = arith.muli %add3A_194, %mul3A_219 : i32
      %add3A_221 = arith.addi %mul3A_2, %mul3A_220 : i32
      %dma_start3A_222 = arith.constant 2 : i32
      %dma_start3A_223 = arith.constant 0 : i32
      %dma_start3A_224 = arith.constant 0 : i32
      %dma_start3A_225 = tpu.memref_slice %arg6[%dma_start3A_222, %dma_start3A_223, %dma_start3A_224] : memref<5x128x128xf32, #tpu.memory_space<vmem>> -> memref<1x128x128xf32, #tpu.memory_space<vmem>>
      %dma_start3A_226 = tpu.memref_squeeze %dma_start3A_225 : memref<1x128x128xf32, #tpu.memory_space<vmem>> -> memref<128x128xf32, #tpu.memory_space<vmem>>
      %dma_start3A_227 = arith.constant 0 : i32
      %dma_start3A_228 = tpu.memref_slice %arg4[%add3A_221, %dma_start3A_227] : memref<204800x128xf32, #tpu.memory_space<hbm>> -> memref<128x128xf32, #tpu.memory_space<hbm>>
      %dma_start3A_229 = arith.constant 0 : i32
      %dma_start3A_230 = tpu.memref_slice %arg4[%add3A_221, %dma_start3A_229] : memref<204800x128xf32, #tpu.memory_space<hbm>> -> memref<128x128xf32, #tpu.memory_space<hbm>>
      %dma_start3A_231 = arith.constant 0 : i32
      %dma_start3A_232 = arith.constant 0 : i32
      %dma_start3A_233 = tpu.memref_slice %arg6[%dma_start3A_222, %dma_start3A_231, %dma_start3A_232] : memref<5x128x128xf32, #tpu.memory_space<vmem>> -> memref<1x128x128xf32, #tpu.memory_space<vmem>>
      %dma_start3A_234 = tpu.memref_squeeze %dma_start3A_233 : memref<1x128x128xf32, #tpu.memory_space<vmem>> -> memref<128x128xf32, #tpu.memory_space<vmem>>
      tpu.enqueue_dma source(%dma_start3A_234 : memref<128x128xf32, #tpu.memory_space<vmem>>) target(%dma_start3A_230 : memref<128x128xf32, #tpu.memory_space<hbm>>) target_semaphore(%arg14 : memref<!tpu.dma_semaphore, #tpu.memory_space<semaphore_mem>>)
      %mul3A_235 = arith.constant 5 : i32
      %mul3A_236 = arith.muli %scan3A_105, %mul3A_235 : i32
      %add3A_237 = arith.constant 3 : i32
      %add3A_238 = arith.addi %mul3A_236, %add3A_237 : i32
      %add3A_239 = arith.constant 2 : i32
      %add3A_240 = arith.addi %add3A_238, %add3A_239 : i32
      %lt3A_241 = arith.constant 50 : i32
      %lt3A_242 = arith.cmpi slt, %add3A_240, %lt3A_241 : i32
      %convert_element_type3A_243 = arith.extui %lt3A_242 : i1 to i32
      %cond3A_244 = arith.constant 0 : i32
      %cond3A_245 = arith.cmpi ne, %convert_element_type3A_243, %cond3A_244 : i32
      scf.if %cond3A_245 {
        %add3A_323 = arith.constant 2 : i32
        %add3A_324 = arith.addi %add3A_238, %add3A_323 : i32
        %sub3A = arith.constant 5 : i32
        %sub3A_325 = arith.subi %add3A_324, %sub3A : i32
        %ge3A = arith.constant 0 : i32
        %ge3A_326 = arith.cmpi sge, %sub3A_325, %ge3A : i32
        %convert_element_type3A_327 = arith.extui %ge3A_326 : i1 to i32
        %cond3A_328 = arith.constant 0 : i32
        %cond3A_329 = arith.cmpi ne, %convert_element_type3A_327, %cond3A_328 : i32
        scf.if %cond3A_329 {
          %add3A_343 = arith.constant 2 : i32
          %add3A_344 = arith.addi %add3A_238, %add3A_343 : i32
          %sub3A_345 = arith.constant 5 : i32
          %sub3A_346 = arith.subi %add3A_344, %sub3A_345 : i32
          %mul3A_347 = arith.constant 128 : i32
          %mul3A_348 = arith.muli %sub3A_346, %mul3A_347 : i32
          %add3A_349 = arith.addi %mul3A_2, %mul3A_348 : i32
          %dma_wait3A_350 = arith.constant 0 : i32
          %dma_wait3A_351 = arith.constant 0 : i32
          %dma_wait3A_352 = arith.constant 0 : i32
          %dma_wait3A_353 = tpu.memref_slice %arg6[%dma_wait3A_350, %dma_wait3A_351, %dma_wait3A_352] : memref<5x128x128xf32, #tpu.memory_space<vmem>> -> memref<1x128x128xf32, #tpu.memory_space<vmem>>
          %dma_wait3A_354 = tpu.memref_squeeze %dma_wait3A_353 : memref<1x128x128xf32, #tpu.memory_space<vmem>> -> memref<128x128xf32, #tpu.memory_space<vmem>>
          %dma_wait3A_355 = arith.constant 0 : i32
          %dma_wait3A_356 = tpu.memref_slice %arg4[%add3A_349, %dma_wait3A_355] : memref<204800x128xf32, #tpu.memory_space<hbm>> -> memref<128x128xf32, #tpu.memory_space<hbm>>
          %dma_wait3A_357 = arith.constant 0 : i32
          %dma_wait3A_358 = tpu.memref_slice %arg4[%add3A_349, %dma_wait3A_357] : memref<204800x128xf32, #tpu.memory_space<hbm>> -> memref<128x128xf32, #tpu.memory_space<hbm>>
          %dma_wait3A_359 = arith.constant 0 : i32
          %dma_wait3A_360 = arith.constant 0 : i32
          %dma_wait3A_361 = tpu.memref_slice %arg6[%dma_wait3A_350, %dma_wait3A_359, %dma_wait3A_360] : memref<5x128x128xf32, #tpu.memory_space<vmem>> -> memref<1x128x128xf32, #tpu.memory_space<vmem>>
          %dma_wait3A_362 = tpu.memref_squeeze %dma_wait3A_361 : memref<1x128x128xf32, #tpu.memory_space<vmem>> -> memref<128x128xf32, #tpu.memory_space<vmem>>
          tpu.wait_dma2 semaphore(%arg12 : memref<!tpu.dma_semaphore, #tpu.memory_space<semaphore_mem>>) src(%dma_wait3A_362 : memref<128x128xf32, #tpu.memory_space<vmem>>) dst(%dma_wait3A_358 : memref<128x128xf32, #tpu.memory_space<hbm>>)
        } else {
        }
        %add3A_330 = arith.constant 2 : i32
        %add3A_331 = arith.addi %add3A_238, %add3A_330 : i32
        %dma_start3A_332 = arith.constant 0 : i32
        %dma_start3A_333 = arith.constant 0 : i32
        %dma_start3A_334 = arith.constant 0 : i32
        %dma_start3A_335 = tpu.memref_slice %arg6[%dma_start3A_332, %dma_start3A_333, %dma_start3A_334] : memref<5x128x128xf32, #tpu.memory_space<vmem>> -> memref<1x128x128xf32, #tpu.memory_space<vmem>>
        %dma_start3A_336 = tpu.memref_squeeze %dma_start3A_335 : memref<1x128x128xf32, #tpu.memory_space<vmem>> -> memref<128x128xf32, #tpu.memory_space<vmem>>
        %dma_start3A_337 = arith.constant 0 : i32
        %dma_start3A_338 = tpu.memref_slice %arg5[%add3A_331, %dma_start3A_337] : memref<50x128xi32, #tpu.memory_space<vmem>> -> memref<1x128xi32, #tpu.memory_space<vmem>>
        %dma_start3A_339 = tpu.memref_squeeze %dma_start3A_338 : memref<1x128xi32, #tpu.memory_space<vmem>> -> memref<128xi32, #tpu.memory_space<vmem>>
        %dma_start3A_340 = arith.constant 0 : i32
        %dma_start3A_341 = arith.constant 0 : i32
        %dma_start3A_342 = tpu.memref_slice %arg3[%dma_start3A_340, %dma_start3A_341] : memref<100000x128xf32, #tpu.memory_space<hbm>> -> memref<100000x128xf32, #tpu.memory_space<hbm>>
        tpu.enqueue_indirect_dma source(%dma_start3A_342 : memref<100000x128xf32, #tpu.memory_space<hbm>>) target(%dma_start3A_336 : memref<128x128xf32, #tpu.memory_space<vmem>>) offsets(%dma_start3A_339 : memref<128xi32, #tpu.memory_space<vmem>>) semaphore(%arg7 : memref<!tpu.dma_semaphore, #tpu.memory_space<semaphore_mem>>)
      } else {
      }
      %dma_wait3A_246 = arith.constant 3 : i32
      %dma_wait3A_247 = arith.constant 0 : i32
      %dma_wait3A_248 = arith.constant 0 : i32
      %dma_wait3A_249 = tpu.memref_slice %arg6[%dma_wait3A_246, %dma_wait3A_247, %dma_wait3A_248] : memref<5x128x128xf32, #tpu.memory_space<vmem>> -> memref<1x128x128xf32, #tpu.memory_space<vmem>>
      %dma_wait3A_250 = tpu.memref_squeeze %dma_wait3A_249 : memref<1x128x128xf32, #tpu.memory_space<vmem>> -> memref<128x128xf32, #tpu.memory_space<vmem>>
      %dma_wait3A_251 = arith.constant 0 : i32
      %dma_wait3A_252 = tpu.memref_slice %arg5[%add3A_238, %dma_wait3A_251] : memref<50x128xi32, #tpu.memory_space<vmem>> -> memref<1x128xi32, #tpu.memory_space<vmem>>
      %dma_wait3A_253 = tpu.memref_squeeze %dma_wait3A_252 : memref<1x128xi32, #tpu.memory_space<vmem>> -> memref<128xi32, #tpu.memory_space<vmem>>
      %dma_wait3A_254 = arith.constant 0 : i32
      %dma_wait3A_255 = arith.constant 0 : i32
      %dma_wait3A_256 = tpu.memref_slice %arg3[%dma_wait3A_254, %dma_wait3A_255] : memref<100000x128xf32, #tpu.memory_space<hbm>> -> memref<100000x128xf32, #tpu.memory_space<hbm>>
      tpu.wait_indirect_dma semaphore(%arg10 : memref<!tpu.dma_semaphore, #tpu.memory_space<semaphore_mem>>) src(%dma_wait3A_256 : memref<100000x128xf32, #tpu.memory_space<hbm>>) dst(%dma_wait3A_250 : memref<128x128xf32, #tpu.memory_space<vmem>>)
      %scan3A_257 = arith.constant 0 : i32
      %scan3A_258 = arith.constant 0 : i32
      %scan3A_259 = arith.constant 128 : i32
      %scan3A_260 = arith.addi %scan3A_258, %scan3A_259 : i32
      %scan3A_261 = arith.constant 4 : i32
      scf.for %scan3A_323 = %scan3A_258 to %scan3A_260 step %scan3A_261  : i32 {
        %broadcast_in_dim3A = arith.constant 0.000000e+00 : f32
        %broadcast_in_dim3A_324 = vector.broadcast %broadcast_in_dim3A : f32 to vector<16xf32>
        %get3A = arith.constant 3 : i32
        %get3A_325 = arith.index_cast %get3A : i32 to index
        %get3A_326 = arith.index_cast %scan3A_323 : i32 to index
        %get3A_327 = arith.constant 0 : index
        %get3A_328 = tpu.vector_load %arg6[%get3A_325, %get3A_326, %get3A_327] {strides = array<i32>} : memref<5x128x128xf32, #tpu.memory_space<vmem>>, vector<1x1x16xf32>,
        %get3A_329 = vector.shape_cast %get3A_328 : vector<1x1x16xf32> to vector<16xf32>
        %mul3A_330 = arith.mulf %get3A_329, %get3A_329 : vector<16xf32>
        %add3A_331 = arith.addf %broadcast_in_dim3A_324, %mul3A_330 : vector<16xf32>
        %get3A_332 = arith.constant 3 : i32
        %get3A_333 = arith.index_cast %get3A_332 : i32 to index
        %get3A_334 = arith.index_cast %scan3A_323 : i32 to index
        %get3A_335 = arith.constant 16 : index
        %get3A_336 = tpu.vector_load %arg6[%get3A_333, %get3A_334, %get3A_335] {strides = array<i32>} : memref<5x128x128xf32, #tpu.memory_space<vmem>>, vector<1x1x16xf32>,
        %get3A_337 = vector.shape_cast %get3A_336 : vector<1x1x16xf32> to vector<16xf32>
        %mul3A_338 = arith.mulf %get3A_337, %get3A_337 : vector<16xf32>
        %add3A_339 = arith.addf %add3A_331, %mul3A_338 : vector<16xf32>
        %get3A_340 = arith.constant 3 : i32
        %get3A_341 = arith.index_cast %get3A_340 : i32 to index
        %get3A_342 = arith.index_cast %scan3A_323 : i32 to index
        %get3A_343 = arith.constant 32 : index
        %get3A_344 = tpu.vector_load %arg6[%get3A_341, %get3A_342, %get3A_343] {strides = array<i32>} : memref<5x128x128xf32, #tpu.memory_space<vmem>>, vector<1x1x16xf32>,
        %get3A_345 = vector.shape_cast %get3A_344 : vector<1x1x16xf32> to vector<16xf32>
        %mul3A_346 = arith.mulf %get3A_345, %get3A_345 : vector<16xf32>
        %add3A_347 = arith.addf %add3A_339, %mul3A_346 : vector<16xf32>
        %get3A_348 = arith.constant 3 : i32
        %get3A_349 = arith.index_cast %get3A_348 : i32 to index
        %get3A_350 = arith.index_cast %scan3A_323 : i32 to index
        %get3A_351 = arith.constant 48 : index
        %get3A_352 = tpu.vector_load %arg6[%get3A_349, %get3A_350, %get3A_351] {strides = array<i32>} : memref<5x128x128xf32, #tpu.memory_space<vmem>>, vector<1x1x16xf32>,
        %get3A_353 = vector.shape_cast %get3A_352 : vector<1x1x16xf32> to vector<16xf32>
        %mul3A_354 = arith.mulf %get3A_353, %get3A_353 : vector<16xf32>
        %add3A_355 = arith.addf %add3A_347, %mul3A_354 : vector<16xf32>
        %get3A_356 = arith.constant 3 : i32
        %get3A_357 = arith.index_cast %get3A_356 : i32 to index
        %get3A_358 = arith.index_cast %scan3A_323 : i32 to index
        %get3A_359 = arith.constant 64 : index
        %get3A_360 = tpu.vector_load %arg6[%get3A_357, %get3A_358, %get3A_359] {strides = array<i32>} : memref<5x128x128xf32, #tpu.memory_space<vmem>>, vector<1x1x16xf32>,
        %get3A_361 = vector.shape_cast %get3A_360 : vector<1x1x16xf32> to vector<16xf32>
        %mul3A_362 = arith.mulf %get3A_361, %get3A_361 : vector<16xf32>
        %add3A_363 = arith.addf %add3A_355, %mul3A_362 : vector<16xf32>
        %get3A_364 = arith.constant 3 : i32
        %get3A_365 = arith.index_cast %get3A_364 : i32 to index
        %get3A_366 = arith.index_cast %scan3A_323 : i32 to index
        %get3A_367 = arith.constant 80 : index
        %get3A_368 = tpu.vector_load %arg6[%get3A_365, %get3A_366, %get3A_367] {strides = array<i32>} : memref<5x128x128xf32, #tpu.memory_space<vmem>>, vector<1x1x16xf32>,
        %get3A_369 = vector.shape_cast %get3A_368 : vector<1x1x16xf32> to vector<16xf32>
        %mul3A_370 = arith.mulf %get3A_369, %get3A_369 : vector<16xf32>
        %add3A_371 = arith.addf %add3A_363, %mul3A_370 : vector<16xf32>
        %get3A_372 = arith.constant 3 : i32
        %get3A_373 = arith.index_cast %get3A_372 : i32 to index
        %get3A_374 = arith.index_cast %scan3A_323 : i32 to index
        %get3A_375 = arith.constant 96 : index
        %get3A_376 = tpu.vector_load %arg6[%get3A_373, %get3A_374, %get3A_375] {strides = array<i32>} : memref<5x128x128xf32, #tpu.memory_space<vmem>>, vector<1x1x16xf32>,
        %get3A_377 = vector.shape_cast %get3A_376 : vector<1x1x16xf32> to vector<16xf32>
        %mul3A_378 = arith.mulf %get3A_377, %get3A_377 : vector<16xf32>
        %add3A_379 = arith.addf %add3A_371, %mul3A_378 : vector<16xf32>
        %get3A_380 = arith.constant 3 : i32
        %get3A_381 = arith.index_cast %get3A_380 : i32 to index
        %get3A_382 = arith.index_cast %scan3A_323 : i32 to index
        %get3A_383 = arith.constant 112 : index
        %get3A_384 = tpu.vector_load %arg6[%get3A_381, %get3A_382, %get3A_383] {strides = array<i32>} : memref<5x128x128xf32, #tpu.memory_space<vmem>>, vector<1x1x16xf32>,
        %get3A_385 = vector.shape_cast %get3A_384 : vector<1x1x16xf32> to vector<16xf32>
        %mul3A_386 = arith.mulf %get3A_385, %get3A_385 : vector<16xf32>
        %add3A_387 = arith.addf %add3A_379, %mul3A_386 : vector<16xf32>
        %iota3A = tpu.iota {dimensions = array<i32: 0>} : vector<16xi32>
        %xor3A = arith.constant 8 : i32
        %xor3A_388 = vector.broadcast %xor3A : i32 to vector<16xi32>
        %xor3A_389 = arith.xori %iota3A, %xor3A_388 : vector<16xi32>
        %reshape3A = vector.shape_cast %xor3A_389 : vector<16xi32> to vector<16x1xi32>
        %gather3A = vector.shape_cast %reshape3A : vector<16x1xi32> to vector<16xi32>
        %gather3A_390 = tpu.dynamic_gather %add3A_387[%gather3A] in [0] : vector<16xf32>, vector<16xi32> -> vector<16xf32>
        %add3A_391 = arith.addf %add3A_387, %gather3A_390 : vector<16xf32>
        %xor3A_392 = arith.constant 4 : i32
        %xor3A_393 = vector.broadcast %xor3A_392 : i32 to vector<16xi32>
        %xor3A_394 = arith.xori %iota3A, %xor3A_393 : vector<16xi32>
        %reshape3A_395 = vector.shape_cast %xor3A_394 : vector<16xi32> to vector<16x1xi32>
        %gather3A_396 = vector.shape_cast %reshape3A_395 : vector<16x1xi32> to vector<16xi32>
        %gather3A_397 = tpu.dynamic_gather %add3A_391[%gather3A_396] in [0] : vector<16xf32>, vector<16xi32> -> vector<16xf32>
        %add3A_398 = arith.addf %add3A_391, %gather3A_397 : vector<16xf32>
        %xor3A_399 = arith.constant 2 : i32
        %xor3A_400 = vector.broadcast %xor3A_399 : i32 to vector<16xi32>
        %xor3A_401 = arith.xori %iota3A, %xor3A_400 : vector<16xi32>
        %reshape3A_402 = vector.shape_cast %xor3A_401 : vector<16xi32> to vector<16x1xi32>
        %gather3A_403 = vector.shape_cast %reshape3A_402 : vector<16x1xi32> to vector<16xi32>
        %gather3A_404 = tpu.dynamic_gather %add3A_398[%gather3A_403] in [0] : vector<16xf32>, vector<16xi32> -> vector<16xf32>
        %add3A_405 = arith.addf %add3A_398, %gather3A_404 : vector<16xf32>
        %xor3A_406 = arith.constant 1 : i32
        %xor3A_407 = vector.broadcast %xor3A_406 : i32 to vector<16xi32>
        %xor3A_408 = arith.xori %iota3A, %xor3A_407 : vector<16xi32>
        %reshape3A_409 = vector.shape_cast %xor3A_408 : vector<16xi32> to vector<16x1xi32>
        %gather3A_410 = vector.shape_cast %reshape3A_409 : vector<16x1xi32> to vector<16xi32>
        %gather3A_411 = tpu.dynamic_gather %add3A_405[%gather3A_410] in [0] : vector<16xf32>, vector<16xi32> -> vector<16xf32>
        %add3A_412 = arith.addf %add3A_405, %gather3A_411 : vector<16xf32>
        %bitcast_convert_type3A = tpu.bitcast %add3A_412 : vector<16xf32> -> vector<16xi32>
        %shift_right_logical3A = arith.constant 1 : i32
        %shift_right_logical3A_413 = vector.broadcast %shift_right_logical3A : i32 to vector<16xi32>
        %shift_right_logical3A_414 = arith.shrui %bitcast_convert_type3A, %shift_right_logical3A_413 : vector<16xi32>
        %sub3A = arith.constant 1597463007 : i32
        %sub3A_415 = vector.broadcast %sub3A : i32 to vector<16xi32>
        %sub3A_416 = arith.subi %sub3A_415, %shift_right_logical3A_414 : vector<16xi32>
        %bitcast_convert_type3A_417 = tpu.bitcast %sub3A_416 : vector<16xi32> -> vector<16xf32>
        %mul3A_418 = arith.constant 5.000000e-01 : f32
        %mul3A_419 = vector.broadcast %mul3A_418 : f32 to vector<16xf32>
        %mul3A_420 = arith.mulf %add3A_412, %mul3A_419 : vector<16xf32>
        %mul3A_421 = arith.mulf %mul3A_420, %bitcast_convert_type3A_417 : vector<16xf32>
        %mul3A_422 = arith.mulf %mul3A_421, %bitcast_convert_type3A_417 : vector<16xf32>
        %sub3A_423 = arith.constant 1.500000e+00 : f32
        %sub3A_424 = vector.broadcast %sub3A_423 : f32 to vector<16xf32>
        %sub3A_425 = arith.subf %sub3A_424, %mul3A_422 : vector<16xf32>
        %mul3A_426 = arith.mulf %bitcast_convert_type3A_417, %sub3A_425 : vector<16xf32>
        %mul3A_427 = arith.mulf %get3A_329, %mul3A_426 : vector<16xf32>
        %swap3A = arith.constant 3 : i32
        %swap3A_428 = arith.index_cast %swap3A : i32 to index
        %swap3A_429 = arith.index_cast %scan3A_323 : i32 to index
        %swap3A_430 = arith.constant 0 : index
        %swap3A_431 = tpu.vector_load %arg6[%swap3A_428, %swap3A_429, %swap3A_430] {strides = array<i32>} : memref<5x128x128xf32, #tpu.memory_space<vmem>>, vector<1x1x16xf32>,
        %swap3A_432 = vector.shape_cast %swap3A_431 : vector<1x1x16xf32> to vector<16xf32>
        %swap3A_433 = vector.shape_cast %mul3A_427 : vector<16xf32> to vector<1x1x16xf32>
        tpu.vector_store %arg6[%swap3A_428, %swap3A_429, %swap3A_430], %swap3A_433 {strides = array<i32>} : memref<5x128x128xf32, #tpu.memory_space<vmem>>, vector<1x1x16xf32>,
        %mul3A_434 = arith.mulf %get3A_337, %mul3A_426 : vector<16xf32>
        %swap3A_435 = arith.constant 3 : i32
        %swap3A_436 = arith.index_cast %swap3A_435 : i32 to index
        %swap3A_437 = arith.index_cast %scan3A_323 : i32 to index
        %swap3A_438 = arith.constant 16 : index
        %swap3A_439 = tpu.vector_load %arg6[%swap3A_436, %swap3A_437, %swap3A_438] {strides = array<i32>} : memref<5x128x128xf32, #tpu.memory_space<vmem>>, vector<1x1x16xf32>,
        %swap3A_440 = vector.shape_cast %swap3A_439 : vector<1x1x16xf32> to vector<16xf32>
        %swap3A_441 = vector.shape_cast %mul3A_434 : vector<16xf32> to vector<1x1x16xf32>
        tpu.vector_store %arg6[%swap3A_436, %swap3A_437, %swap3A_438], %swap3A_441 {strides = array<i32>} : memref<5x128x128xf32, #tpu.memory_space<vmem>>, vector<1x1x16xf32>,
        %mul3A_442 = arith.mulf %get3A_345, %mul3A_426 : vector<16xf32>
        %swap3A_443 = arith.constant 3 : i32
        %swap3A_444 = arith.index_cast %swap3A_443 : i32 to index
        %swap3A_445 = arith.index_cast %scan3A_323 : i32 to index
        %swap3A_446 = arith.constant 32 : index
        %swap3A_447 = tpu.vector_load %arg6[%swap3A_444, %swap3A_445, %swap3A_446] {strides = array<i32>} : memref<5x128x128xf32, #tpu.memory_space<vmem>>, vector<1x1x16xf32>,
        %swap3A_448 = vector.shape_cast %swap3A_447 : vector<1x1x16xf32> to vector<16xf32>
        %swap3A_449 = vector.shape_cast %mul3A_442 : vector<16xf32> to vector<1x1x16xf32>
        tpu.vector_store %arg6[%swap3A_444, %swap3A_445, %swap3A_446], %swap3A_449 {strides = array<i32>} : memref<5x128x128xf32, #tpu.memory_space<vmem>>, vector<1x1x16xf32>,
        %mul3A_450 = arith.mulf %get3A_353, %mul3A_426 : vector<16xf32>
        %swap3A_451 = arith.constant 3 : i32
        %swap3A_452 = arith.index_cast %swap3A_451 : i32 to index
        %swap3A_453 = arith.index_cast %scan3A_323 : i32 to index
        %swap3A_454 = arith.constant 48 : index
        %swap3A_455 = tpu.vector_load %arg6[%swap3A_452, %swap3A_453, %swap3A_454] {strides = array<i32>} : memref<5x128x128xf32, #tpu.memory_space<vmem>>, vector<1x1x16xf32>,
        %swap3A_456 = vector.shape_cast %swap3A_455 : vector<1x1x16xf32> to vector<16xf32>
        %swap3A_457 = vector.shape_cast %mul3A_450 : vector<16xf32> to vector<1x1x16xf32>
        tpu.vector_store %arg6[%swap3A_452, %swap3A_453, %swap3A_454], %swap3A_457 {strides = array<i32>} : memref<5x128x128xf32, #tpu.memory_space<vmem>>, vector<1x1x16xf32>,
        %mul3A_458 = arith.mulf %get3A_361, %mul3A_426 : vector<16xf32>
        %swap3A_459 = arith.constant 3 : i32
        %swap3A_460 = arith.index_cast %swap3A_459 : i32 to index
        %swap3A_461 = arith.index_cast %scan3A_323 : i32 to index
        %swap3A_462 = arith.constant 64 : index
        %swap3A_463 = tpu.vector_load %arg6[%swap3A_460, %swap3A_461, %swap3A_462] {strides = array<i32>} : memref<5x128x128xf32, #tpu.memory_space<vmem>>, vector<1x1x16xf32>,
        %swap3A_464 = vector.shape_cast %swap3A_463 : vector<1x1x16xf32> to vector<16xf32>
        %swap3A_465 = vector.shape_cast %mul3A_458 : vector<16xf32> to vector<1x1x16xf32>
        tpu.vector_store %arg6[%swap3A_460, %swap3A_461, %swap3A_462], %swap3A_465 {strides = array<i32>} : memref<5x128x128xf32, #tpu.memory_space<vmem>>, vector<1x1x16xf32>,
        %mul3A_466 = arith.mulf %get3A_369, %mul3A_426 : vector<16xf32>
        %swap3A_467 = arith.constant 3 : i32
        %swap3A_468 = arith.index_cast %swap3A_467 : i32 to index
        %swap3A_469 = arith.index_cast %scan3A_323 : i32 to index
        %swap3A_470 = arith.constant 80 : index
        %swap3A_471 = tpu.vector_load %arg6[%swap3A_468, %swap3A_469, %swap3A_470] {strides = array<i32>} : memref<5x128x128xf32, #tpu.memory_space<vmem>>, vector<1x1x16xf32>,
        %swap3A_472 = vector.shape_cast %swap3A_471 : vector<1x1x16xf32> to vector<16xf32>
        %swap3A_473 = vector.shape_cast %mul3A_466 : vector<16xf32> to vector<1x1x16xf32>
        tpu.vector_store %arg6[%swap3A_468, %swap3A_469, %swap3A_470], %swap3A_473 {strides = array<i32>} : memref<5x128x128xf32, #tpu.memory_space<vmem>>, vector<1x1x16xf32>,
        %mul3A_474 = arith.mulf %get3A_377, %mul3A_426 : vector<16xf32>
        %swap3A_475 = arith.constant 3 : i32
        %swap3A_476 = arith.index_cast %swap3A_475 : i32 to index
        %swap3A_477 = arith.index_cast %scan3A_323 : i32 to index
        %swap3A_478 = arith.constant 96 : index
        %swap3A_479 = tpu.vector_load %arg6[%swap3A_476, %swap3A_477, %swap3A_478] {strides = array<i32>} : memref<5x128x128xf32, #tpu.memory_space<vmem>>, vector<1x1x16xf32>,
        %swap3A_480 = vector.shape_cast %swap3A_479 : vector<1x1x16xf32> to vector<16xf32>
        %swap3A_481 = vector.shape_cast %mul3A_474 : vector<16xf32> to vector<1x1x16xf32>
        tpu.vector_store %arg6[%swap3A_476, %swap3A_477, %swap3A_478], %swap3A_481 {strides = array<i32>} : memref<5x128x128xf32, #tpu.memory_space<vmem>>, vector<1x1x16xf32>,
        %mul3A_482 = arith.mulf %get3A_385, %mul3A_426 : vector<16xf32>
        %swap3A_483 = arith.constant 3 : i32
        %swap3A_484 = arith.index_cast %swap3A_483 : i32 to index
        %swap3A_485 = arith.index_cast %scan3A_323 : i32 to index
        %swap3A_486 = arith.constant 112 : index
        %swap3A_487 = tpu.vector_load %arg6[%swap3A_484, %swap3A_485, %swap3A_486] {strides = array<i32>} : memref<5x128x128xf32, #tpu.memory_space<vmem>>, vector<1x1x16xf32>,
        %swap3A_488 = vector.shape_cast %swap3A_487 : vector<1x1x16xf32> to vector<16xf32>
        %swap3A_489 = vector.shape_cast %mul3A_482 : vector<16xf32> to vector<1x1x16xf32>
        tpu.vector_store %arg6[%swap3A_484, %swap3A_485, %swap3A_486], %swap3A_489 {strides = array<i32>} : memref<5x128x128xf32, #tpu.memory_space<vmem>>, vector<1x1x16xf32>,
        %scan3A_490 = arith.constant 1 : i32
        %scan3A_491 = arith.addi %scan3A_323, %scan3A_490 : i32
        %broadcast_in_dim3A_492 = arith.constant 0.000000e+00 : f32
        %broadcast_in_dim3A_493 = vector.broadcast %broadcast_in_dim3A_492 : f32 to vector<16xf32>
        %get3A_494 = arith.constant 3 : i32
        %get3A_495 = arith.index_cast %get3A_494 : i32 to index
        %get3A_496 = arith.index_cast %scan3A_491 : i32 to index
        %get3A_497 = arith.constant 0 : index
        %get3A_498 = tpu.vector_load %arg6[%get3A_495, %get3A_496, %get3A_497] {strides = array<i32>} : memref<5x128x128xf32, #tpu.memory_space<vmem>>, vector<1x1x16xf32>,
        %get3A_499 = vector.shape_cast %get3A_498 : vector<1x1x16xf32> to vector<16xf32>
        %mul3A_500 = arith.mulf %get3A_499, %get3A_499 : vector<16xf32>
        %add3A_501 = arith.addf %broadcast_in_dim3A_493, %mul3A_500 : vector<16xf32>
        %get3A_502 = arith.constant 3 : i32
        %get3A_503 = arith.index_cast %get3A_502 : i32 to index
        %get3A_504 = arith.index_cast %scan3A_491 : i32 to index
        %get3A_505 = arith.constant 16 : index
        %get3A_506 = tpu.vector_load %arg6[%get3A_503, %get3A_504, %get3A_505] {strides = array<i32>} : memref<5x128x128xf32, #tpu.memory_space<vmem>>, vector<1x1x16xf32>,
        %get3A_507 = vector.shape_cast %get3A_506 : vector<1x1x16xf32> to vector<16xf32>
        %mul3A_508 = arith.mulf %get3A_507, %get3A_507 : vector<16xf32>
        %add3A_509 = arith.addf %add3A_501, %mul3A_508 : vector<16xf32>
        %get3A_510 = arith.constant 3 : i32
        %get3A_511 = arith.index_cast %get3A_510 : i32 to index
        %get3A_512 = arith.index_cast %scan3A_491 : i32 to index
        %get3A_513 = arith.constant 32 : index
        %get3A_514 = tpu.vector_load %arg6[%get3A_511, %get3A_512, %get3A_513] {strides = array<i32>} : memref<5x128x128xf32, #tpu.memory_space<vmem>>, vector<1x1x16xf32>,
        %get3A_515 = vector.shape_cast %get3A_514 : vector<1x1x16xf32> to vector<16xf32>
        %mul3A_516 = arith.mulf %get3A_515, %get3A_515 : vector<16xf32>
        %add3A_517 = arith.addf %add3A_509, %mul3A_516 : vector<16xf32>
        %get3A_518 = arith.constant 3 : i32
        %get3A_519 = arith.index_cast %get3A_518 : i32 to index
        %get3A_520 = arith.index_cast %scan3A_491 : i32 to index
        %get3A_521 = arith.constant 48 : index
        %get3A_522 = tpu.vector_load %arg6[%get3A_519, %get3A_520, %get3A_521] {strides = array<i32>} : memref<5x128x128xf32, #tpu.memory_space<vmem>>, vector<1x1x16xf32>,
        %get3A_523 = vector.shape_cast %get3A_522 : vector<1x1x16xf32> to vector<16xf32>
        %mul3A_524 = arith.mulf %get3A_523, %get3A_523 : vector<16xf32>
        %add3A_525 = arith.addf %add3A_517, %mul3A_524 : vector<16xf32>
        %get3A_526 = arith.constant 3 : i32
        %get3A_527 = arith.index_cast %get3A_526 : i32 to index
        %get3A_528 = arith.index_cast %scan3A_491 : i32 to index
        %get3A_529 = arith.constant 64 : index
        %get3A_530 = tpu.vector_load %arg6[%get3A_527, %get3A_528, %get3A_529] {strides = array<i32>} : memref<5x128x128xf32, #tpu.memory_space<vmem>>, vector<1x1x16xf32>,
        %get3A_531 = vector.shape_cast %get3A_530 : vector<1x1x16xf32> to vector<16xf32>
        %mul3A_532 = arith.mulf %get3A_531, %get3A_531 : vector<16xf32>
        %add3A_533 = arith.addf %add3A_525, %mul3A_532 : vector<16xf32>
        %get3A_534 = arith.constant 3 : i32
        %get3A_535 = arith.index_cast %get3A_534 : i32 to index
        %get3A_536 = arith.index_cast %scan3A_491 : i32 to index
        %get3A_537 = arith.constant 80 : index
        %get3A_538 = tpu.vector_load %arg6[%get3A_535, %get3A_536, %get3A_537] {strides = array<i32>} : memref<5x128x128xf32, #tpu.memory_space<vmem>>, vector<1x1x16xf32>,
        %get3A_539 = vector.shape_cast %get3A_538 : vector<1x1x16xf32> to vector<16xf32>
        %mul3A_540 = arith.mulf %get3A_539, %get3A_539 : vector<16xf32>
        %add3A_541 = arith.addf %add3A_533, %mul3A_540 : vector<16xf32>
        %get3A_542 = arith.constant 3 : i32
        %get3A_543 = arith.index_cast %get3A_542 : i32 to index
        %get3A_544 = arith.index_cast %scan3A_491 : i32 to index
        %get3A_545 = arith.constant 96 : index
        %get3A_546 = tpu.vector_load %arg6[%get3A_543, %get3A_544, %get3A_545] {strides = array<i32>} : memref<5x128x128xf32, #tpu.memory_space<vmem>>, vector<1x1x16xf32>,
        %get3A_547 = vector.shape_cast %get3A_546 : vector<1x1x16xf32> to vector<16xf32>
        %mul3A_548 = arith.mulf %get3A_547, %get3A_547 : vector<16xf32>
        %add3A_549 = arith.addf %add3A_541, %mul3A_548 : vector<16xf32>
        %get3A_550 = arith.constant 3 : i32
        %get3A_551 = arith.index_cast %get3A_550 : i32 to index
        %get3A_552 = arith.index_cast %scan3A_491 : i32 to index
        %get3A_553 = arith.constant 112 : index
        %get3A_554 = tpu.vector_load %arg6[%get3A_551, %get3A_552, %get3A_553] {strides = array<i32>} : memref<5x128x128xf32, #tpu.memory_space<vmem>>, vector<1x1x16xf32>,
        %get3A_555 = vector.shape_cast %get3A_554 : vector<1x1x16xf32> to vector<16xf32>
        %mul3A_556 = arith.mulf %get3A_555, %get3A_555 : vector<16xf32>
        %add3A_557 = arith.addf %add3A_549, %mul3A_556 : vector<16xf32>
        %iota3A_558 = tpu.iota {dimensions = array<i32: 0>} : vector<16xi32>
        %xor3A_559 = arith.constant 8 : i32
        %xor3A_560 = vector.broadcast %xor3A_559 : i32 to vector<16xi32>
        %xor3A_561 = arith.xori %iota3A_558, %xor3A_560 : vector<16xi32>
        %reshape3A_562 = vector.shape_cast %xor3A_561 : vector<16xi32> to vector<16x1xi32>
        %gather3A_563 = vector.shape_cast %reshape3A_562 : vector<16x1xi32> to vector<16xi32>
        %gather3A_564 = tpu.dynamic_gather %add3A_557[%gather3A_563] in [0] : vector<16xf32>, vector<16xi32> -> vector<16xf32>
        %add3A_565 = arith.addf %add3A_557, %gather3A_564 : vector<16xf32>
        %xor3A_566 = arith.constant 4 : i32
        %xor3A_567 = vector.broadcast %xor3A_566 : i32 to vector<16xi32>
        %xor3A_568 = arith.xori %iota3A_558, %xor3A_567 : vector<16xi32>
        %reshape3A_569 = vector.shape_cast %xor3A_568 : vector<16xi32> to vector<16x1xi32>
        %gather3A_570 = vector.shape_cast %reshape3A_569 : vector<16x1xi32> to vector<16xi32>
        %gather3A_571 = tpu.dynamic_gather %add3A_565[%gather3A_570] in [0] : vector<16xf32>, vector<16xi32> -> vector<16xf32>
        %add3A_572 = arith.addf %add3A_565, %gather3A_571 : vector<16xf32>
        %xor3A_573 = arith.constant 2 : i32
        %xor3A_574 = vector.broadcast %xor3A_573 : i32 to vector<16xi32>
        %xor3A_575 = arith.xori %iota3A_558, %xor3A_574 : vector<16xi32>
        %reshape3A_576 = vector.shape_cast %xor3A_575 : vector<16xi32> to vector<16x1xi32>
        %gather3A_577 = vector.shape_cast %reshape3A_576 : vector<16x1xi32> to vector<16xi32>
        %gather3A_578 = tpu.dynamic_gather %add3A_572[%gather3A_577] in [0] : vector<16xf32>, vector<16xi32> -> vector<16xf32>
        %add3A_579 = arith.addf %add3A_572, %gather3A_578 : vector<16xf32>
        %xor3A_580 = arith.constant 1 : i32
        %xor3A_581 = vector.broadcast %xor3A_580 : i32 to vector<16xi32>
        %xor3A_582 = arith.xori %iota3A_558, %xor3A_581 : vector<16xi32>
        %reshape3A_583 = vector.shape_cast %xor3A_582 : vector<16xi32> to vector<16x1xi32>
        %gather3A_584 = vector.shape_cast %reshape3A_583 : vector<16x1xi32> to vector<16xi32>
        %gather3A_585 = tpu.dynamic_gather %add3A_579[%gather3A_584] in [0] : vector<16xf32>, vector<16xi32> -> vector<16xf32>
        %add3A_586 = arith.addf %add3A_579, %gather3A_585 : vector<16xf32>
        %bitcast_convert_type3A_587 = tpu.bitcast %add3A_586 : vector<16xf32> -> vector<16xi32>
        %shift_right_logical3A_588 = arith.constant 1 : i32
        %shift_right_logical3A_589 = vector.broadcast %shift_right_logical3A_588 : i32 to vector<16xi32>
        %shift_right_logical3A_590 = arith.shrui %bitcast_convert_type3A_587, %shift_right_logical3A_589 : vector<16xi32>
        %sub3A_591 = arith.constant 1597463007 : i32
        %sub3A_592 = vector.broadcast %sub3A_591 : i32 to vector<16xi32>
        %sub3A_593 = arith.subi %sub3A_592, %shift_right_logical3A_590 : vector<16xi32>
        %bitcast_convert_type3A_594 = tpu.bitcast %sub3A_593 : vector<16xi32> -> vector<16xf32>
        %mul3A_595 = arith.constant 5.000000e-01 : f32
        %mul3A_596 = vector.broadcast %mul3A_595 : f32 to vector<16xf32>
        %mul3A_597 = arith.mulf %add3A_586, %mul3A_596 : vector<16xf32>
        %mul3A_598 = arith.mulf %mul3A_597, %bitcast_convert_type3A_594 : vector<16xf32>
        %mul3A_599 = arith.mulf %mul3A_598, %bitcast_convert_type3A_594 : vector<16xf32>
        %sub3A_600 = arith.constant 1.500000e+00 : f32
        %sub3A_601 = vector.broadcast %sub3A_600 : f32 to vector<16xf32>
        %sub3A_602 = arith.subf %sub3A_601, %mul3A_599 : vector<16xf32>
        %mul3A_603 = arith.mulf %bitcast_convert_type3A_594, %sub3A_602 : vector<16xf32>
        %mul3A_604 = arith.mulf %get3A_499, %mul3A_603 : vector<16xf32>
        %swap3A_605 = arith.constant 3 : i32
        %swap3A_606 = arith.index_cast %swap3A_605 : i32 to index
        %swap3A_607 = arith.index_cast %scan3A_491 : i32 to index
        %swap3A_608 = arith.constant 0 : index
        %swap3A_609 = tpu.vector_load %arg6[%swap3A_606, %swap3A_607, %swap3A_608] {strides = array<i32>} : memref<5x128x128xf32, #tpu.memory_space<vmem>>, vector<1x1x16xf32>,
        %swap3A_610 = vector.shape_cast %swap3A_609 : vector<1x1x16xf32> to vector<16xf32>
        %swap3A_611 = vector.shape_cast %mul3A_604 : vector<16xf32> to vector<1x1x16xf32>
        tpu.vector_store %arg6[%swap3A_606, %swap3A_607, %swap3A_608], %swap3A_611 {strides = array<i32>} : memref<5x128x128xf32, #tpu.memory_space<vmem>>, vector<1x1x16xf32>,
        %mul3A_612 = arith.mulf %get3A_507, %mul3A_603 : vector<16xf32>
        %swap3A_613 = arith.constant 3 : i32
        %swap3A_614 = arith.index_cast %swap3A_613 : i32 to index
        %swap3A_615 = arith.index_cast %scan3A_491 : i32 to index
        %swap3A_616 = arith.constant 16 : index
        %swap3A_617 = tpu.vector_load %arg6[%swap3A_614, %swap3A_615, %swap3A_616] {strides = array<i32>} : memref<5x128x128xf32, #tpu.memory_space<vmem>>, vector<1x1x16xf32>,
        %swap3A_618 = vector.shape_cast %swap3A_617 : vector<1x1x16xf32> to vector<16xf32>
        %swap3A_619 = vector.shape_cast %mul3A_612 : vector<16xf32> to vector<1x1x16xf32>
        tpu.vector_store %arg6[%swap3A_614, %swap3A_615, %swap3A_616], %swap3A_619 {strides = array<i32>} : memref<5x128x128xf32, #tpu.memory_space<vmem>>, vector<1x1x16xf32>,
        %mul3A_620 = arith.mulf %get3A_515, %mul3A_603 : vector<16xf32>
        %swap3A_621 = arith.constant 3 : i32
        %swap3A_622 = arith.index_cast %swap3A_621 : i32 to index
        %swap3A_623 = arith.index_cast %scan3A_491 : i32 to index
        %swap3A_624 = arith.constant 32 : index
        %swap3A_625 = tpu.vector_load %arg6[%swap3A_622, %swap3A_623, %swap3A_624] {strides = array<i32>} : memref<5x128x128xf32, #tpu.memory_space<vmem>>, vector<1x1x16xf32>,
        %swap3A_626 = vector.shape_cast %swap3A_625 : vector<1x1x16xf32> to vector<16xf32>
        %swap3A_627 = vector.shape_cast %mul3A_620 : vector<16xf32> to vector<1x1x16xf32>
        tpu.vector_store %arg6[%swap3A_622, %swap3A_623, %swap3A_624], %swap3A_627 {strides = array<i32>} : memref<5x128x128xf32, #tpu.memory_space<vmem>>, vector<1x1x16xf32>,
        %mul3A_628 = arith.mulf %get3A_523, %mul3A_603 : vector<16xf32>
        %swap3A_629 = arith.constant 3 : i32
        %swap3A_630 = arith.index_cast %swap3A_629 : i32 to index
        %swap3A_631 = arith.index_cast %scan3A_491 : i32 to index
        %swap3A_632 = arith.constant 48 : index
        %swap3A_633 = tpu.vector_load %arg6[%swap3A_630, %swap3A_631, %swap3A_632] {strides = array<i32>} : memref<5x128x128xf32, #tpu.memory_space<vmem>>, vector<1x1x16xf32>,
        %swap3A_634 = vector.shape_cast %swap3A_633 : vector<1x1x16xf32> to vector<16xf32>
        %swap3A_635 = vector.shape_cast %mul3A_628 : vector<16xf32> to vector<1x1x16xf32>
        tpu.vector_store %arg6[%swap3A_630, %swap3A_631, %swap3A_632], %swap3A_635 {strides = array<i32>} : memref<5x128x128xf32, #tpu.memory_space<vmem>>, vector<1x1x16xf32>,
        %mul3A_636 = arith.mulf %get3A_531, %mul3A_603 : vector<16xf32>
        %swap3A_637 = arith.constant 3 : i32
        %swap3A_638 = arith.index_cast %swap3A_637 : i32 to index
        %swap3A_639 = arith.index_cast %scan3A_491 : i32 to index
        %swap3A_640 = arith.constant 64 : index
        %swap3A_641 = tpu.vector_load %arg6[%swap3A_638, %swap3A_639, %swap3A_640] {strides = array<i32>} : memref<5x128x128xf32, #tpu.memory_space<vmem>>, vector<1x1x16xf32>,
        %swap3A_642 = vector.shape_cast %swap3A_641 : vector<1x1x16xf32> to vector<16xf32>
        %swap3A_643 = vector.shape_cast %mul3A_636 : vector<16xf32> to vector<1x1x16xf32>
        tpu.vector_store %arg6[%swap3A_638, %swap3A_639, %swap3A_640], %swap3A_643 {strides = array<i32>} : memref<5x128x128xf32, #tpu.memory_space<vmem>>, vector<1x1x16xf32>,
        %mul3A_644 = arith.mulf %get3A_539, %mul3A_603 : vector<16xf32>
        %swap3A_645 = arith.constant 3 : i32
        %swap3A_646 = arith.index_cast %swap3A_645 : i32 to index
        %swap3A_647 = arith.index_cast %scan3A_491 : i32 to index
        %swap3A_648 = arith.constant 80 : index
        %swap3A_649 = tpu.vector_load %arg6[%swap3A_646, %swap3A_647, %swap3A_648] {strides = array<i32>} : memref<5x128x128xf32, #tpu.memory_space<vmem>>, vector<1x1x16xf32>,
        %swap3A_650 = vector.shape_cast %swap3A_649 : vector<1x1x16xf32> to vector<16xf32>
        %swap3A_651 = vector.shape_cast %mul3A_644 : vector<16xf32> to vector<1x1x16xf32>
        tpu.vector_store %arg6[%swap3A_646, %swap3A_647, %swap3A_648], %swap3A_651 {strides = array<i32>} : memref<5x128x128xf32, #tpu.memory_space<vmem>>, vector<1x1x16xf32>,
        %mul3A_652 = arith.mulf %get3A_547, %mul3A_603 : vector<16xf32>
        %swap3A_653 = arith.constant 3 : i32
        %swap3A_654 = arith.index_cast %swap3A_653 : i32 to index
        %swap3A_655 = arith.index_cast %scan3A_491 : i32 to index
        %swap3A_656 = arith.constant 96 : index
        %swap3A_657 = tpu.vector_load %arg6[%swap3A_654, %swap3A_655, %swap3A_656] {strides = array<i32>} : memref<5x128x128xf32, #tpu.memory_space<vmem>>, vector<1x1x16xf32>,
        %swap3A_658 = vector.shape_cast %swap3A_657 : vector<1x1x16xf32> to vector<16xf32>
        %swap3A_659 = vector.shape_cast %mul3A_652 : vector<16xf32> to vector<1x1x16xf32>
        tpu.vector_store %arg6[%swap3A_654, %swap3A_655, %swap3A_656], %swap3A_659 {strides = array<i32>} : memref<5x128x128xf32, #tpu.memory_space<vmem>>, vector<1x1x16xf32>,
        %mul3A_660 = arith.mulf %get3A_555, %mul3A_603 : vector<16xf32>
        %swap3A_661 = arith.constant 3 : i32
        %swap3A_662 = arith.index_cast %swap3A_661 : i32 to index
        %swap3A_663 = arith.index_cast %scan3A_491 : i32 to index
        %swap3A_664 = arith.constant 112 : index
        %swap3A_665 = tpu.vector_load %arg6[%swap3A_662, %swap3A_663, %swap3A_664] {strides = array<i32>} : memref<5x128x128xf32, #tpu.memory_space<vmem>>, vector<1x1x16xf32>,
        %swap3A_666 = vector.shape_cast %swap3A_665 : vector<1x1x16xf32> to vector<16xf32>
        %swap3A_667 = vector.shape_cast %mul3A_660 : vector<16xf32> to vector<1x1x16xf32>
        tpu.vector_store %arg6[%swap3A_662, %swap3A_663, %swap3A_664], %swap3A_667 {strides = array<i32>} : memref<5x128x128xf32, #tpu.memory_space<vmem>>, vector<1x1x16xf32>,
        %scan3A_668 = arith.constant 2 : i32
        %scan3A_669 = arith.addi %scan3A_323, %scan3A_668 : i32
        %broadcast_in_dim3A_670 = arith.constant 0.000000e+00 : f32
        %broadcast_in_dim3A_671 = vector.broadcast %broadcast_in_dim3A_670 : f32 to vector<16xf32>
        %get3A_672 = arith.constant 3 : i32
        %get3A_673 = arith.index_cast %get3A_672 : i32 to index
        %get3A_674 = arith.index_cast %scan3A_669 : i32 to index
        %get3A_675 = arith.constant 0 : index
        %get3A_676 = tpu.vector_load %arg6[%get3A_673, %get3A_674, %get3A_675] {strides = array<i32>} : memref<5x128x128xf32, #tpu.memory_space<vmem>>, vector<1x1x16xf32>,
        %get3A_677 = vector.shape_cast %get3A_676 : vector<1x1x16xf32> to vector<16xf32>
        %mul3A_678 = arith.mulf %get3A_677, %get3A_677 : vector<16xf32>
        %add3A_679 = arith.addf %broadcast_in_dim3A_671, %mul3A_678 : vector<16xf32>
        %get3A_680 = arith.constant 3 : i32
        %get3A_681 = arith.index_cast %get3A_680 : i32 to index
        %get3A_682 = arith.index_cast %scan3A_669 : i32 to index
        %get3A_683 = arith.constant 16 : index
        %get3A_684 = tpu.vector_load %arg6[%get3A_681, %get3A_682, %get3A_683] {strides = array<i32>} : memref<5x128x128xf32, #tpu.memory_space<vmem>>, vector<1x1x16xf32>,
        %get3A_685 = vector.shape_cast %get3A_684 : vector<1x1x16xf32> to vector<16xf32>
        %mul3A_686 = arith.mulf %get3A_685, %get3A_685 : vector<16xf32>
        %add3A_687 = arith.addf %add3A_679, %mul3A_686 : vector<16xf32>
        %get3A_688 = arith.constant 3 : i32
        %get3A_689 = arith.index_cast %get3A_688 : i32 to index
        %get3A_690 = arith.index_cast %scan3A_669 : i32 to index
        %get3A_691 = arith.constant 32 : index
        %get3A_692 = tpu.vector_load %arg6[%get3A_689, %get3A_690, %get3A_691] {strides = array<i32>} : memref<5x128x128xf32, #tpu.memory_space<vmem>>, vector<1x1x16xf32>,
        %get3A_693 = vector.shape_cast %get3A_692 : vector<1x1x16xf32> to vector<16xf32>
        %mul3A_694 = arith.mulf %get3A_693, %get3A_693 : vector<16xf32>
        %add3A_695 = arith.addf %add3A_687, %mul3A_694 : vector<16xf32>
        %get3A_696 = arith.constant 3 : i32
        %get3A_697 = arith.index_cast %get3A_696 : i32 to index
        %get3A_698 = arith.index_cast %scan3A_669 : i32 to index
        %get3A_699 = arith.constant 48 : index
        %get3A_700 = tpu.vector_load %arg6[%get3A_697, %get3A_698, %get3A_699] {strides = array<i32>} : memref<5x128x128xf32, #tpu.memory_space<vmem>>, vector<1x1x16xf32>,
        %get3A_701 = vector.shape_cast %get3A_700 : vector<1x1x16xf32> to vector<16xf32>
        %mul3A_702 = arith.mulf %get3A_701, %get3A_701 : vector<16xf32>
        %add3A_703 = arith.addf %add3A_695, %mul3A_702 : vector<16xf32>
        %get3A_704 = arith.constant 3 : i32
        %get3A_705 = arith.index_cast %get3A_704 : i32 to index
        %get3A_706 = arith.index_cast %scan3A_669 : i32 to index
        %get3A_707 = arith.constant 64 : index
        %get3A_708 = tpu.vector_load %arg6[%get3A_705, %get3A_706, %get3A_707] {strides = array<i32>} : memref<5x128x128xf32, #tpu.memory_space<vmem>>, vector<1x1x16xf32>,
        %get3A_709 = vector.shape_cast %get3A_708 : vector<1x1x16xf32> to vector<16xf32>
        %mul3A_710 = arith.mulf %get3A_709, %get3A_709 : vector<16xf32>
        %add3A_711 = arith.addf %add3A_703, %mul3A_710 : vector<16xf32>
        %get3A_712 = arith.constant 3 : i32
        %get3A_713 = arith.index_cast %get3A_712 : i32 to index
        %get3A_714 = arith.index_cast %scan3A_669 : i32 to index
        %get3A_715 = arith.constant 80 : index
        %get3A_716 = tpu.vector_load %arg6[%get3A_713, %get3A_714, %get3A_715] {strides = array<i32>} : memref<5x128x128xf32, #tpu.memory_space<vmem>>, vector<1x1x16xf32>,
        %get3A_717 = vector.shape_cast %get3A_716 : vector<1x1x16xf32> to vector<16xf32>
        %mul3A_718 = arith.mulf %get3A_717, %get3A_717 : vector<16xf32>
        %add3A_719 = arith.addf %add3A_711, %mul3A_718 : vector<16xf32>
        %get3A_720 = arith.constant 3 : i32
        %get3A_721 = arith.index_cast %get3A_720 : i32 to index
        %get3A_722 = arith.index_cast %scan3A_669 : i32 to index
        %get3A_723 = arith.constant 96 : index
        %get3A_724 = tpu.vector_load %arg6[%get3A_721, %get3A_722, %get3A_723] {strides = array<i32>} : memref<5x128x128xf32, #tpu.memory_space<vmem>>, vector<1x1x16xf32>,
        %get3A_725 = vector.shape_cast %get3A_724 : vector<1x1x16xf32> to vector<16xf32>
        %mul3A_726 = arith.mulf %get3A_725, %get3A_725 : vector<16xf32>
        %add3A_727 = arith.addf %add3A_719, %mul3A_726 : vector<16xf32>
        %get3A_728 = arith.constant 3 : i32
        %get3A_729 = arith.index_cast %get3A_728 : i32 to index
        %get3A_730 = arith.index_cast %scan3A_669 : i32 to index
        %get3A_731 = arith.constant 112 : index
        %get3A_732 = tpu.vector_load %arg6[%get3A_729, %get3A_730, %get3A_731] {strides = array<i32>} : memref<5x128x128xf32, #tpu.memory_space<vmem>>, vector<1x1x16xf32>,
        %get3A_733 = vector.shape_cast %get3A_732 : vector<1x1x16xf32> to vector<16xf32>
        %mul3A_734 = arith.mulf %get3A_733, %get3A_733 : vector<16xf32>
        %add3A_735 = arith.addf %add3A_727, %mul3A_734 : vector<16xf32>
        %iota3A_736 = tpu.iota {dimensions = array<i32: 0>} : vector<16xi32>
        %xor3A_737 = arith.constant 8 : i32
        %xor3A_738 = vector.broadcast %xor3A_737 : i32 to vector<16xi32>
        %xor3A_739 = arith.xori %iota3A_736, %xor3A_738 : vector<16xi32>
        %reshape3A_740 = vector.shape_cast %xor3A_739 : vector<16xi32> to vector<16x1xi32>
        %gather3A_741 = vector.shape_cast %reshape3A_740 : vector<16x1xi32> to vector<16xi32>
        %gather3A_742 = tpu.dynamic_gather %add3A_735[%gather3A_741] in [0] : vector<16xf32>, vector<16xi32> -> vector<16xf32>
        %add3A_743 = arith.addf %add3A_735, %gather3A_742 : vector<16xf32>
        %xor3A_744 = arith.constant 4 : i32
        %xor3A_745 = vector.broadcast %xor3A_744 : i32 to vector<16xi32>
        %xor3A_746 = arith.xori %iota3A_736, %xor3A_745 : vector<16xi32>
        %reshape3A_747 = vector.shape_cast %xor3A_746 : vector<16xi32> to vector<16x1xi32>
        %gather3A_748 = vector.shape_cast %reshape3A_747 : vector<16x1xi32> to vector<16xi32>
        %gather3A_749 = tpu.dynamic_gather %add3A_743[%gather3A_748] in [0] : vector<16xf32>, vector<16xi32> -> vector<16xf32>
        %add3A_750 = arith.addf %add3A_743, %gather3A_749 : vector<16xf32>
        %xor3A_751 = arith.constant 2 : i32
        %xor3A_752 = vector.broadcast %xor3A_751 : i32 to vector<16xi32>
        %xor3A_753 = arith.xori %iota3A_736, %xor3A_752 : vector<16xi32>
        %reshape3A_754 = vector.shape_cast %xor3A_753 : vector<16xi32> to vector<16x1xi32>
        %gather3A_755 = vector.shape_cast %reshape3A_754 : vector<16x1xi32> to vector<16xi32>
        %gather3A_756 = tpu.dynamic_gather %add3A_750[%gather3A_755] in [0] : vector<16xf32>, vector<16xi32> -> vector<16xf32>
        %add3A_757 = arith.addf %add3A_750, %gather3A_756 : vector<16xf32>
        %xor3A_758 = arith.constant 1 : i32
        %xor3A_759 = vector.broadcast %xor3A_758 : i32 to vector<16xi32>
        %xor3A_760 = arith.xori %iota3A_736, %xor3A_759 : vector<16xi32>
        %reshape3A_761 = vector.shape_cast %xor3A_760 : vector<16xi32> to vector<16x1xi32>
        %gather3A_762 = vector.shape_cast %reshape3A_761 : vector<16x1xi32> to vector<16xi32>
        %gather3A_763 = tpu.dynamic_gather %add3A_757[%gather3A_762] in [0] : vector<16xf32>, vector<16xi32> -> vector<16xf32>
        %add3A_764 = arith.addf %add3A_757, %gather3A_763 : vector<16xf32>
        %bitcast_convert_type3A_765 = tpu.bitcast %add3A_764 : vector<16xf32> -> vector<16xi32>
        %shift_right_logical3A_766 = arith.constant 1 : i32
        %shift_right_logical3A_767 = vector.broadcast %shift_right_logical3A_766 : i32 to vector<16xi32>
        %shift_right_logical3A_768 = arith.shrui %bitcast_convert_type3A_765, %shift_right_logical3A_767 : vector<16xi32>
        %sub3A_769 = arith.constant 1597463007 : i32
        %sub3A_770 = vector.broadcast %sub3A_769 : i32 to vector<16xi32>
        %sub3A_771 = arith.subi %sub3A_770, %shift_right_logical3A_768 : vector<16xi32>
        %bitcast_convert_type3A_772 = tpu.bitcast %sub3A_771 : vector<16xi32> -> vector<16xf32>
        %mul3A_773 = arith.constant 5.000000e-01 : f32
        %mul3A_774 = vector.broadcast %mul3A_773 : f32 to vector<16xf32>
        %mul3A_775 = arith.mulf %add3A_764, %mul3A_774 : vector<16xf32>
        %mul3A_776 = arith.mulf %mul3A_775, %bitcast_convert_type3A_772 : vector<16xf32>
        %mul3A_777 = arith.mulf %mul3A_776, %bitcast_convert_type3A_772 : vector<16xf32>
        %sub3A_778 = arith.constant 1.500000e+00 : f32
        %sub3A_779 = vector.broadcast %sub3A_778 : f32 to vector<16xf32>
        %sub3A_780 = arith.subf %sub3A_779, %mul3A_777 : vector<16xf32>
        %mul3A_781 = arith.mulf %bitcast_convert_type3A_772, %sub3A_780 : vector<16xf32>
        %mul3A_782 = arith.mulf %get3A_677, %mul3A_781 : vector<16xf32>
        %swap3A_783 = arith.constant 3 : i32
        %swap3A_784 = arith.index_cast %swap3A_783 : i32 to index
        %swap3A_785 = arith.index_cast %scan3A_669 : i32 to index
        %swap3A_786 = arith.constant 0 : index
        %swap3A_787 = tpu.vector_load %arg6[%swap3A_784, %swap3A_785, %swap3A_786] {strides = array<i32>} : memref<5x128x128xf32, #tpu.memory_space<vmem>>, vector<1x1x16xf32>,
        %swap3A_788 = vector.shape_cast %swap3A_787 : vector<1x1x16xf32> to vector<16xf32>
        %swap3A_789 = vector.shape_cast %mul3A_782 : vector<16xf32> to vector<1x1x16xf32>
        tpu.vector_store %arg6[%swap3A_784, %swap3A_785, %swap3A_786], %swap3A_789 {strides = array<i32>} : memref<5x128x128xf32, #tpu.memory_space<vmem>>, vector<1x1x16xf32>,
        %mul3A_790 = arith.mulf %get3A_685, %mul3A_781 : vector<16xf32>
        %swap3A_791 = arith.constant 3 : i32
        %swap3A_792 = arith.index_cast %swap3A_791 : i32 to index
        %swap3A_793 = arith.index_cast %scan3A_669 : i32 to index
        %swap3A_794 = arith.constant 16 : index
        %swap3A_795 = tpu.vector_load %arg6[%swap3A_792, %swap3A_793, %swap3A_794] {strides = array<i32>} : memref<5x128x128xf32, #tpu.memory_space<vmem>>, vector<1x1x16xf32>,
        %swap3A_796 = vector.shape_cast %swap3A_795 : vector<1x1x16xf32> to vector<16xf32>
        %swap3A_797 = vector.shape_cast %mul3A_790 : vector<16xf32> to vector<1x1x16xf32>
        tpu.vector_store %arg6[%swap3A_792, %swap3A_793, %swap3A_794], %swap3A_797 {strides = array<i32>} : memref<5x128x128xf32, #tpu.memory_space<vmem>>, vector<1x1x16xf32>,
        %mul3A_798 = arith.mulf %get3A_693, %mul3A_781 : vector<16xf32>
        %swap3A_799 = arith.constant 3 : i32
        %swap3A_800 = arith.index_cast %swap3A_799 : i32 to index
        %swap3A_801 = arith.index_cast %scan3A_669 : i32 to index
        %swap3A_802 = arith.constant 32 : index
        %swap3A_803 = tpu.vector_load %arg6[%swap3A_800, %swap3A_801, %swap3A_802] {strides = array<i32>} : memref<5x128x128xf32, #tpu.memory_space<vmem>>, vector<1x1x16xf32>,
        %swap3A_804 = vector.shape_cast %swap3A_803 : vector<1x1x16xf32> to vector<16xf32>
        %swap3A_805 = vector.shape_cast %mul3A_798 : vector<16xf32> to vector<1x1x16xf32>
        tpu.vector_store %arg6[%swap3A_800, %swap3A_801, %swap3A_802], %swap3A_805 {strides = array<i32>} : memref<5x128x128xf32, #tpu.memory_space<vmem>>, vector<1x1x16xf32>,
        %mul3A_806 = arith.mulf %get3A_701, %mul3A_781 : vector<16xf32>
        %swap3A_807 = arith.constant 3 : i32
        %swap3A_808 = arith.index_cast %swap3A_807 : i32 to index
        %swap3A_809 = arith.index_cast %scan3A_669 : i32 to index
        %swap3A_810 = arith.constant 48 : index
        %swap3A_811 = tpu.vector_load %arg6[%swap3A_808, %swap3A_809, %swap3A_810] {strides = array<i32>} : memref<5x128x128xf32, #tpu.memory_space<vmem>>, vector<1x1x16xf32>,
        %swap3A_812 = vector.shape_cast %swap3A_811 : vector<1x1x16xf32> to vector<16xf32>
        %swap3A_813 = vector.shape_cast %mul3A_806 : vector<16xf32> to vector<1x1x16xf32>
        tpu.vector_store %arg6[%swap3A_808, %swap3A_809, %swap3A_810], %swap3A_813 {strides = array<i32>} : memref<5x128x128xf32, #tpu.memory_space<vmem>>, vector<1x1x16xf32>,
        %mul3A_814 = arith.mulf %get3A_709, %mul3A_781 : vector<16xf32>
        %swap3A_815 = arith.constant 3 : i32
        %swap3A_816 = arith.index_cast %swap3A_815 : i32 to index
        %swap3A_817 = arith.index_cast %scan3A_669 : i32 to index
        %swap3A_818 = arith.constant 64 : index
        %swap3A_819 = tpu.vector_load %arg6[%swap3A_816, %swap3A_817, %swap3A_818] {strides = array<i32>} : memref<5x128x128xf32, #tpu.memory_space<vmem>>, vector<1x1x16xf32>,
        %swap3A_820 = vector.shape_cast %swap3A_819 : vector<1x1x16xf32> to vector<16xf32>
        %swap3A_821 = vector.shape_cast %mul3A_814 : vector<16xf32> to vector<1x1x16xf32>
        tpu.vector_store %arg6[%swap3A_816, %swap3A_817, %swap3A_818], %swap3A_821 {strides = array<i32>} : memref<5x128x128xf32, #tpu.memory_space<vmem>>, vector<1x1x16xf32>,
        %mul3A_822 = arith.mulf %get3A_717, %mul3A_781 : vector<16xf32>
        %swap3A_823 = arith.constant 3 : i32
        %swap3A_824 = arith.index_cast %swap3A_823 : i32 to index
        %swap3A_825 = arith.index_cast %scan3A_669 : i32 to index
        %swap3A_826 = arith.constant 80 : index
        %swap3A_827 = tpu.vector_load %arg6[%swap3A_824, %swap3A_825, %swap3A_826] {strides = array<i32>} : memref<5x128x128xf32, #tpu.memory_space<vmem>>, vector<1x1x16xf32>,
        %swap3A_828 = vector.shape_cast %swap3A_827 : vector<1x1x16xf32> to vector<16xf32>
        %swap3A_829 = vector.shape_cast %mul3A_822 : vector<16xf32> to vector<1x1x16xf32>
        tpu.vector_store %arg6[%swap3A_824, %swap3A_825, %swap3A_826], %swap3A_829 {strides = array<i32>} : memref<5x128x128xf32, #tpu.memory_space<vmem>>, vector<1x1x16xf32>,
        %mul3A_830 = arith.mulf %get3A_725, %mul3A_781 : vector<16xf32>
        %swap3A_831 = arith.constant 3 : i32
        %swap3A_832 = arith.index_cast %swap3A_831 : i32 to index
        %swap3A_833 = arith.index_cast %scan3A_669 : i32 to index
        %swap3A_834 = arith.constant 96 : index
        %swap3A_835 = tpu.vector_load %arg6[%swap3A_832, %swap3A_833, %swap3A_834] {strides = array<i32>} : memref<5x128x128xf32, #tpu.memory_space<vmem>>, vector<1x1x16xf32>,
        %swap3A_836 = vector.shape_cast %swap3A_835 : vector<1x1x16xf32> to vector<16xf32>
        %swap3A_837 = vector.shape_cast %mul3A_830 : vector<16xf32> to vector<1x1x16xf32>
        tpu.vector_store %arg6[%swap3A_832, %swap3A_833, %swap3A_834], %swap3A_837 {strides = array<i32>} : memref<5x128x128xf32, #tpu.memory_space<vmem>>, vector<1x1x16xf32>,
        %mul3A_838 = arith.mulf %get3A_733, %mul3A_781 : vector<16xf32>
        %swap3A_839 = arith.constant 3 : i32
        %swap3A_840 = arith.index_cast %swap3A_839 : i32 to index
        %swap3A_841 = arith.index_cast %scan3A_669 : i32 to index
        %swap3A_842 = arith.constant 112 : index
        %swap3A_843 = tpu.vector_load %arg6[%swap3A_840, %swap3A_841, %swap3A_842] {strides = array<i32>} : memref<5x128x128xf32, #tpu.memory_space<vmem>>, vector<1x1x16xf32>,
        %swap3A_844 = vector.shape_cast %swap3A_843 : vector<1x1x16xf32> to vector<16xf32>
        %swap3A_845 = vector.shape_cast %mul3A_838 : vector<16xf32> to vector<1x1x16xf32>
        tpu.vector_store %arg6[%swap3A_840, %swap3A_841, %swap3A_842], %swap3A_845 {strides = array<i32>} : memref<5x128x128xf32, #tpu.memory_space<vmem>>, vector<1x1x16xf32>,
        %scan3A_846 = arith.constant 3 : i32
        %scan3A_847 = arith.addi %scan3A_323, %scan3A_846 : i32
        %broadcast_in_dim3A_848 = arith.constant 0.000000e+00 : f32
        %broadcast_in_dim3A_849 = vector.broadcast %broadcast_in_dim3A_848 : f32 to vector<16xf32>
        %get3A_850 = arith.constant 3 : i32
        %get3A_851 = arith.index_cast %get3A_850 : i32 to index
        %get3A_852 = arith.index_cast %scan3A_847 : i32 to index
        %get3A_853 = arith.constant 0 : index
        %get3A_854 = tpu.vector_load %arg6[%get3A_851, %get3A_852, %get3A_853] {strides = array<i32>} : memref<5x128x128xf32, #tpu.memory_space<vmem>>, vector<1x1x16xf32>,
        %get3A_855 = vector.shape_cast %get3A_854 : vector<1x1x16xf32> to vector<16xf32>
        %mul3A_856 = arith.mulf %get3A_855, %get3A_855 : vector<16xf32>
        %add3A_857 = arith.addf %broadcast_in_dim3A_849, %mul3A_856 : vector<16xf32>
        %get3A_858 = arith.constant 3 : i32
        %get3A_859 = arith.index_cast %get3A_858 : i32 to index
        %get3A_860 = arith.index_cast %scan3A_847 : i32 to index
        %get3A_861 = arith.constant 16 : index
        %get3A_862 = tpu.vector_load %arg6[%get3A_859, %get3A_860, %get3A_861] {strides = array<i32>} : memref<5x128x128xf32, #tpu.memory_space<vmem>>, vector<1x1x16xf32>,
        %get3A_863 = vector.shape_cast %get3A_862 : vector<1x1x16xf32> to vector<16xf32>
        %mul3A_864 = arith.mulf %get3A_863, %get3A_863 : vector<16xf32>
        %add3A_865 = arith.addf %add3A_857, %mul3A_864 : vector<16xf32>
        %get3A_866 = arith.constant 3 : i32
        %get3A_867 = arith.index_cast %get3A_866 : i32 to index
        %get3A_868 = arith.index_cast %scan3A_847 : i32 to index
        %get3A_869 = arith.constant 32 : index
        %get3A_870 = tpu.vector_load %arg6[%get3A_867, %get3A_868, %get3A_869] {strides = array<i32>} : memref<5x128x128xf32, #tpu.memory_space<vmem>>, vector<1x1x16xf32>,
        %get3A_871 = vector.shape_cast %get3A_870 : vector<1x1x16xf32> to vector<16xf32>
        %mul3A_872 = arith.mulf %get3A_871, %get3A_871 : vector<16xf32>
        %add3A_873 = arith.addf %add3A_865, %mul3A_872 : vector<16xf32>
        %get3A_874 = arith.constant 3 : i32
        %get3A_875 = arith.index_cast %get3A_874 : i32 to index
        %get3A_876 = arith.index_cast %scan3A_847 : i32 to index
        %get3A_877 = arith.constant 48 : index
        %get3A_878 = tpu.vector_load %arg6[%get3A_875, %get3A_876, %get3A_877] {strides = array<i32>} : memref<5x128x128xf32, #tpu.memory_space<vmem>>, vector<1x1x16xf32>,
        %get3A_879 = vector.shape_cast %get3A_878 : vector<1x1x16xf32> to vector<16xf32>
        %mul3A_880 = arith.mulf %get3A_879, %get3A_879 : vector<16xf32>
        %add3A_881 = arith.addf %add3A_873, %mul3A_880 : vector<16xf32>
        %get3A_882 = arith.constant 3 : i32
        %get3A_883 = arith.index_cast %get3A_882 : i32 to index
        %get3A_884 = arith.index_cast %scan3A_847 : i32 to index
        %get3A_885 = arith.constant 64 : index
        %get3A_886 = tpu.vector_load %arg6[%get3A_883, %get3A_884, %get3A_885] {strides = array<i32>} : memref<5x128x128xf32, #tpu.memory_space<vmem>>, vector<1x1x16xf32>,
        %get3A_887 = vector.shape_cast %get3A_886 : vector<1x1x16xf32> to vector<16xf32>
        %mul3A_888 = arith.mulf %get3A_887, %get3A_887 : vector<16xf32>
        %add3A_889 = arith.addf %add3A_881, %mul3A_888 : vector<16xf32>
        %get3A_890 = arith.constant 3 : i32
        %get3A_891 = arith.index_cast %get3A_890 : i32 to index
        %get3A_892 = arith.index_cast %scan3A_847 : i32 to index
        %get3A_893 = arith.constant 80 : index
        %get3A_894 = tpu.vector_load %arg6[%get3A_891, %get3A_892, %get3A_893] {strides = array<i32>} : memref<5x128x128xf32, #tpu.memory_space<vmem>>, vector<1x1x16xf32>,
        %get3A_895 = vector.shape_cast %get3A_894 : vector<1x1x16xf32> to vector<16xf32>
        %mul3A_896 = arith.mulf %get3A_895, %get3A_895 : vector<16xf32>
        %add3A_897 = arith.addf %add3A_889, %mul3A_896 : vector<16xf32>
        %get3A_898 = arith.constant 3 : i32
        %get3A_899 = arith.index_cast %get3A_898 : i32 to index
        %get3A_900 = arith.index_cast %scan3A_847 : i32 to index
        %get3A_901 = arith.constant 96 : index
        %get3A_902 = tpu.vector_load %arg6[%get3A_899, %get3A_900, %get3A_901] {strides = array<i32>} : memref<5x128x128xf32, #tpu.memory_space<vmem>>, vector<1x1x16xf32>,
        %get3A_903 = vector.shape_cast %get3A_902 : vector<1x1x16xf32> to vector<16xf32>
        %mul3A_904 = arith.mulf %get3A_903, %get3A_903 : vector<16xf32>
        %add3A_905 = arith.addf %add3A_897, %mul3A_904 : vector<16xf32>
        %get3A_906 = arith.constant 3 : i32
        %get3A_907 = arith.index_cast %get3A_906 : i32 to index
        %get3A_908 = arith.index_cast %scan3A_847 : i32 to index
        %get3A_909 = arith.constant 112 : index
        %get3A_910 = tpu.vector_load %arg6[%get3A_907, %get3A_908, %get3A_909] {strides = array<i32>} : memref<5x128x128xf32, #tpu.memory_space<vmem>>, vector<1x1x16xf32>,
        %get3A_911 = vector.shape_cast %get3A_910 : vector<1x1x16xf32> to vector<16xf32>
        %mul3A_912 = arith.mulf %get3A_911, %get3A_911 : vector<16xf32>
        %add3A_913 = arith.addf %add3A_905, %mul3A_912 : vector<16xf32>
        %iota3A_914 = tpu.iota {dimensions = array<i32: 0>} : vector<16xi32>
        %xor3A_915 = arith.constant 8 : i32
        %xor3A_916 = vector.broadcast %xor3A_915 : i32 to vector<16xi32>
        %xor3A_917 = arith.xori %iota3A_914, %xor3A_916 : vector<16xi32>
        %reshape3A_918 = vector.shape_cast %xor3A_917 : vector<16xi32> to vector<16x1xi32>
        %gather3A_919 = vector.shape_cast %reshape3A_918 : vector<16x1xi32> to vector<16xi32>
        %gather3A_920 = tpu.dynamic_gather %add3A_913[%gather3A_919] in [0] : vector<16xf32>, vector<16xi32> -> vector<16xf32>
        %add3A_921 = arith.addf %add3A_913, %gather3A_920 : vector<16xf32>
        %xor3A_922 = arith.constant 4 : i32
        %xor3A_923 = vector.broadcast %xor3A_922 : i32 to vector<16xi32>
        %xor3A_924 = arith.xori %iota3A_914, %xor3A_923 : vector<16xi32>
        %reshape3A_925 = vector.shape_cast %xor3A_924 : vector<16xi32> to vector<16x1xi32>
        %gather3A_926 = vector.shape_cast %reshape3A_925 : vector<16x1xi32> to vector<16xi32>
        %gather3A_927 = tpu.dynamic_gather %add3A_921[%gather3A_926] in [0] : vector<16xf32>, vector<16xi32> -> vector<16xf32>
        %add3A_928 = arith.addf %add3A_921, %gather3A_927 : vector<16xf32>
        %xor3A_929 = arith.constant 2 : i32
        %xor3A_930 = vector.broadcast %xor3A_929 : i32 to vector<16xi32>
        %xor3A_931 = arith.xori %iota3A_914, %xor3A_930 : vector<16xi32>
        %reshape3A_932 = vector.shape_cast %xor3A_931 : vector<16xi32> to vector<16x1xi32>
        %gather3A_933 = vector.shape_cast %reshape3A_932 : vector<16x1xi32> to vector<16xi32>
        %gather3A_934 = tpu.dynamic_gather %add3A_928[%gather3A_933] in [0] : vector<16xf32>, vector<16xi32> -> vector<16xf32>
        %add3A_935 = arith.addf %add3A_928, %gather3A_934 : vector<16xf32>
        %xor3A_936 = arith.constant 1 : i32
        %xor3A_937 = vector.broadcast %xor3A_936 : i32 to vector<16xi32>
        %xor3A_938 = arith.xori %iota3A_914, %xor3A_937 : vector<16xi32>
        %reshape3A_939 = vector.shape_cast %xor3A_938 : vector<16xi32> to vector<16x1xi32>
        %gather3A_940 = vector.shape_cast %reshape3A_939 : vector<16x1xi32> to vector<16xi32>
        %gather3A_941 = tpu.dynamic_gather %add3A_935[%gather3A_940] in [0] : vector<16xf32>, vector<16xi32> -> vector<16xf32>
        %add3A_942 = arith.addf %add3A_935, %gather3A_941 : vector<16xf32>
        %bitcast_convert_type3A_943 = tpu.bitcast %add3A_942 : vector<16xf32> -> vector<16xi32>
        %shift_right_logical3A_944 = arith.constant 1 : i32
        %shift_right_logical3A_945 = vector.broadcast %shift_right_logical3A_944 : i32 to vector<16xi32>
        %shift_right_logical3A_946 = arith.shrui %bitcast_convert_type3A_943, %shift_right_logical3A_945 : vector<16xi32>
        %sub3A_947 = arith.constant 1597463007 : i32
        %sub3A_948 = vector.broadcast %sub3A_947 : i32 to vector<16xi32>
        %sub3A_949 = arith.subi %sub3A_948, %shift_right_logical3A_946 : vector<16xi32>
        %bitcast_convert_type3A_950 = tpu.bitcast %sub3A_949 : vector<16xi32> -> vector<16xf32>
        %mul3A_951 = arith.constant 5.000000e-01 : f32
        %mul3A_952 = vector.broadcast %mul3A_951 : f32 to vector<16xf32>
        %mul3A_953 = arith.mulf %add3A_942, %mul3A_952 : vector<16xf32>
        %mul3A_954 = arith.mulf %mul3A_953, %bitcast_convert_type3A_950 : vector<16xf32>
        %mul3A_955 = arith.mulf %mul3A_954, %bitcast_convert_type3A_950 : vector<16xf32>
        %sub3A_956 = arith.constant 1.500000e+00 : f32
        %sub3A_957 = vector.broadcast %sub3A_956 : f32 to vector<16xf32>
        %sub3A_958 = arith.subf %sub3A_957, %mul3A_955 : vector<16xf32>
        %mul3A_959 = arith.mulf %bitcast_convert_type3A_950, %sub3A_958 : vector<16xf32>
        %mul3A_960 = arith.mulf %get3A_855, %mul3A_959 : vector<16xf32>
        %swap3A_961 = arith.constant 3 : i32
        %swap3A_962 = arith.index_cast %swap3A_961 : i32 to index
        %swap3A_963 = arith.index_cast %scan3A_847 : i32 to index
        %swap3A_964 = arith.constant 0 : index
        %swap3A_965 = tpu.vector_load %arg6[%swap3A_962, %swap3A_963, %swap3A_964] {strides = array<i32>} : memref<5x128x128xf32, #tpu.memory_space<vmem>>, vector<1x1x16xf32>,
        %swap3A_966 = vector.shape_cast %swap3A_965 : vector<1x1x16xf32> to vector<16xf32>
        %swap3A_967 = vector.shape_cast %mul3A_960 : vector<16xf32> to vector<1x1x16xf32>
        tpu.vector_store %arg6[%swap3A_962, %swap3A_963, %swap3A_964], %swap3A_967 {strides = array<i32>} : memref<5x128x128xf32, #tpu.memory_space<vmem>>, vector<1x1x16xf32>,
        %mul3A_968 = arith.mulf %get3A_863, %mul3A_959 : vector<16xf32>
        %swap3A_969 = arith.constant 3 : i32
        %swap3A_970 = arith.index_cast %swap3A_969 : i32 to index
        %swap3A_971 = arith.index_cast %scan3A_847 : i32 to index
        %swap3A_972 = arith.constant 16 : index
        %swap3A_973 = tpu.vector_load %arg6[%swap3A_970, %swap3A_971, %swap3A_972] {strides = array<i32>} : memref<5x128x128xf32, #tpu.memory_space<vmem>>, vector<1x1x16xf32>,
        %swap3A_974 = vector.shape_cast %swap3A_973 : vector<1x1x16xf32> to vector<16xf32>
        %swap3A_975 = vector.shape_cast %mul3A_968 : vector<16xf32> to vector<1x1x16xf32>
        tpu.vector_store %arg6[%swap3A_970, %swap3A_971, %swap3A_972], %swap3A_975 {strides = array<i32>} : memref<5x128x128xf32, #tpu.memory_space<vmem>>, vector<1x1x16xf32>,
        %mul3A_976 = arith.mulf %get3A_871, %mul3A_959 : vector<16xf32>
        %swap3A_977 = arith.constant 3 : i32
        %swap3A_978 = arith.index_cast %swap3A_977 : i32 to index
        %swap3A_979 = arith.index_cast %scan3A_847 : i32 to index
        %swap3A_980 = arith.constant 32 : index
        %swap3A_981 = tpu.vector_load %arg6[%swap3A_978, %swap3A_979, %swap3A_980] {strides = array<i32>} : memref<5x128x128xf32, #tpu.memory_space<vmem>>, vector<1x1x16xf32>,
        %swap3A_982 = vector.shape_cast %swap3A_981 : vector<1x1x16xf32> to vector<16xf32>
        %swap3A_983 = vector.shape_cast %mul3A_976 : vector<16xf32> to vector<1x1x16xf32>
        tpu.vector_store %arg6[%swap3A_978, %swap3A_979, %swap3A_980], %swap3A_983 {strides = array<i32>} : memref<5x128x128xf32, #tpu.memory_space<vmem>>, vector<1x1x16xf32>,
        %mul3A_984 = arith.mulf %get3A_879, %mul3A_959 : vector<16xf32>
        %swap3A_985 = arith.constant 3 : i32
        %swap3A_986 = arith.index_cast %swap3A_985 : i32 to index
        %swap3A_987 = arith.index_cast %scan3A_847 : i32 to index
        %swap3A_988 = arith.constant 48 : index
        %swap3A_989 = tpu.vector_load %arg6[%swap3A_986, %swap3A_987, %swap3A_988] {strides = array<i32>} : memref<5x128x128xf32, #tpu.memory_space<vmem>>, vector<1x1x16xf32>,
        %swap3A_990 = vector.shape_cast %swap3A_989 : vector<1x1x16xf32> to vector<16xf32>
        %swap3A_991 = vector.shape_cast %mul3A_984 : vector<16xf32> to vector<1x1x16xf32>
        tpu.vector_store %arg6[%swap3A_986, %swap3A_987, %swap3A_988], %swap3A_991 {strides = array<i32>} : memref<5x128x128xf32, #tpu.memory_space<vmem>>, vector<1x1x16xf32>,
        %mul3A_992 = arith.mulf %get3A_887, %mul3A_959 : vector<16xf32>
        %swap3A_993 = arith.constant 3 : i32
        %swap3A_994 = arith.index_cast %swap3A_993 : i32 to index
        %swap3A_995 = arith.index_cast %scan3A_847 : i32 to index
        %swap3A_996 = arith.constant 64 : index
        %swap3A_997 = tpu.vector_load %arg6[%swap3A_994, %swap3A_995, %swap3A_996] {strides = array<i32>} : memref<5x128x128xf32, #tpu.memory_space<vmem>>, vector<1x1x16xf32>,
        %swap3A_998 = vector.shape_cast %swap3A_997 : vector<1x1x16xf32> to vector<16xf32>
        %swap3A_999 = vector.shape_cast %mul3A_992 : vector<16xf32> to vector<1x1x16xf32>
        tpu.vector_store %arg6[%swap3A_994, %swap3A_995, %swap3A_996], %swap3A_999 {strides = array<i32>} : memref<5x128x128xf32, #tpu.memory_space<vmem>>, vector<1x1x16xf32>,
        %mul3A_1000 = arith.mulf %get3A_895, %mul3A_959 : vector<16xf32>
        %swap3A_1001 = arith.constant 3 : i32
        %swap3A_1002 = arith.index_cast %swap3A_1001 : i32 to index
        %swap3A_1003 = arith.index_cast %scan3A_847 : i32 to index
        %swap3A_1004 = arith.constant 80 : index
        %swap3A_1005 = tpu.vector_load %arg6[%swap3A_1002, %swap3A_1003, %swap3A_1004] {strides = array<i32>} : memref<5x128x128xf32, #tpu.memory_space<vmem>>, vector<1x1x16xf32>,
        %swap3A_1006 = vector.shape_cast %swap3A_1005 : vector<1x1x16xf32> to vector<16xf32>
        %swap3A_1007 = vector.shape_cast %mul3A_1000 : vector<16xf32> to vector<1x1x16xf32>
        tpu.vector_store %arg6[%swap3A_1002, %swap3A_1003, %swap3A_1004], %swap3A_1007 {strides = array<i32>} : memref<5x128x128xf32, #tpu.memory_space<vmem>>, vector<1x1x16xf32>,
        %mul3A_1008 = arith.mulf %get3A_903, %mul3A_959 : vector<16xf32>
        %swap3A_1009 = arith.constant 3 : i32
        %swap3A_1010 = arith.index_cast %swap3A_1009 : i32 to index
        %swap3A_1011 = arith.index_cast %scan3A_847 : i32 to index
        %swap3A_1012 = arith.constant 96 : index
        %swap3A_1013 = tpu.vector_load %arg6[%swap3A_1010, %swap3A_1011, %swap3A_1012] {strides = array<i32>} : memref<5x128x128xf32, #tpu.memory_space<vmem>>, vector<1x1x16xf32>,
        %swap3A_1014 = vector.shape_cast %swap3A_1013 : vector<1x1x16xf32> to vector<16xf32>
        %swap3A_1015 = vector.shape_cast %mul3A_1008 : vector<16xf32> to vector<1x1x16xf32>
        tpu.vector_store %arg6[%swap3A_1010, %swap3A_1011, %swap3A_1012], %swap3A_1015 {strides = array<i32>} : memref<5x128x128xf32, #tpu.memory_space<vmem>>, vector<1x1x16xf32>,
        %mul3A_1016 = arith.mulf %get3A_911, %mul3A_959 : vector<16xf32>
        %swap3A_1017 = arith.constant 3 : i32
        %swap3A_1018 = arith.index_cast %swap3A_1017 : i32 to index
        %swap3A_1019 = arith.index_cast %scan3A_847 : i32 to index
        %swap3A_1020 = arith.constant 112 : index
        %swap3A_1021 = tpu.vector_load %arg6[%swap3A_1018, %swap3A_1019, %swap3A_1020] {strides = array<i32>} : memref<5x128x128xf32, #tpu.memory_space<vmem>>, vector<1x1x16xf32>,
        %swap3A_1022 = vector.shape_cast %swap3A_1021 : vector<1x1x16xf32> to vector<16xf32>
        %swap3A_1023 = vector.shape_cast %mul3A_1016 : vector<16xf32> to vector<1x1x16xf32>
        tpu.vector_store %arg6[%swap3A_1018, %swap3A_1019, %swap3A_1020], %swap3A_1023 {strides = array<i32>} : memref<5x128x128xf32, #tpu.memory_space<vmem>>, vector<1x1x16xf32>,
      }
      %scan3A_262 = arith.constant 128 : i32
      %mul3A_263 = arith.constant 128 : i32
      %mul3A_264 = arith.muli %add3A_238, %mul3A_263 : i32
      %add3A_265 = arith.addi %mul3A_2, %mul3A_264 : i32
      %dma_start3A_266 = arith.constant 3 : i32
      %dma_start3A_267 = arith.constant 0 : i32
      %dma_start3A_268 = arith.constant 0 : i32
      %dma_start3A_269 = tpu.memref_slice %arg6[%dma_start3A_266, %dma_start3A_267, %dma_start3A_268] : memref<5x128x128xf32, #tpu.memory_space<vmem>> -> memref<1x128x128xf32, #tpu.memory_space<vmem>>
      %dma_start3A_270 = tpu.memref_squeeze %dma_start3A_269 : memref<1x128x128xf32, #tpu.memory_space<vmem>> -> memref<128x128xf32, #tpu.memory_space<vmem>>
      %dma_start3A_271 = arith.constant 0 : i32
      %dma_start3A_272 = tpu.memref_slice %arg4[%add3A_265, %dma_start3A_271] : memref<204800x128xf32, #tpu.memory_space<hbm>> -> memref<128x128xf32, #tpu.memory_space<hbm>>
      %dma_start3A_273 = arith.constant 0 : i32
      %dma_start3A_274 = tpu.memref_slice %arg4[%add3A_265, %dma_start3A_273] : memref<204800x128xf32, #tpu.memory_space<hbm>> -> memref<128x128xf32, #tpu.memory_space<hbm>>
      %dma_start3A_275 = arith.constant 0 : i32
      %dma_start3A_276 = arith.constant 0 : i32
      %dma_start3A_277 = tpu.memref_slice %arg6[%dma_start3A_266, %dma_start3A_275, %dma_start3A_276] : memref<5x128x128xf32, #tpu.memory_space<vmem>> -> memref<1x128x128xf32, #tpu.memory_space<vmem>>
      %dma_start3A_278 = tpu.memref_squeeze %dma_start3A_277 : memref<1x128x128xf32, #tpu.memory_space<vmem>> -> memref<128x128xf32, #tpu.memory_space<vmem>>
      tpu.enqueue_dma source(%dma_start3A_278 : memref<128x128xf32, #tpu.memory_space<vmem>>) target(%dma_start3A_274 : memref<128x128xf32, #tpu.memory_space<hbm>>) target_semaphore(%arg15 : memref<!tpu.dma_semaphore, #tpu.memory_space<semaphore_mem>>)
      %mul3A_279 = arith.constant 5 : i32
      %mul3A_280 = arith.muli %scan3A_105, %mul3A_279 : i32
      %add3A_281 = arith.constant 4 : i32
      %add3A_282 = arith.addi %mul3A_280, %add3A_281 : i32
      %add3A_283 = arith.constant 2 : i32
      %add3A_284 = arith.addi %add3A_282, %add3A_283 : i32
      %lt3A_285 = arith.constant 50 : i32
      %lt3A_286 = arith.cmpi slt, %add3A_284, %lt3A_285 : i32
      %convert_element_type3A_287 = arith.extui %lt3A_286 : i1 to i32
      %cond3A_288 = arith.constant 0 : i32
      %cond3A_289 = arith.cmpi ne, %convert_element_type3A_287, %cond3A_288 : i32
      scf.if %cond3A_289 {
        %add3A_323 = arith.constant 2 : i32
        %add3A_324 = arith.addi %add3A_282, %add3A_323 : i32
        %sub3A = arith.constant 5 : i32
        %sub3A_325 = arith.subi %add3A_324, %sub3A : i32
        %ge3A = arith.constant 0 : i32
        %ge3A_326 = arith.cmpi sge, %sub3A_325, %ge3A : i32
        %convert_element_type3A_327 = arith.extui %ge3A_326 : i1 to i32
        %cond3A_328 = arith.constant 0 : i32
        %cond3A_329 = arith.cmpi ne, %convert_element_type3A_327, %cond3A_328 : i32
        scf.if %cond3A_329 {
          %add3A_343 = arith.constant 2 : i32
          %add3A_344 = arith.addi %add3A_282, %add3A_343 : i32
          %sub3A_345 = arith.constant 5 : i32
          %sub3A_346 = arith.subi %add3A_344, %sub3A_345 : i32
          %mul3A_347 = arith.constant 128 : i32
          %mul3A_348 = arith.muli %sub3A_346, %mul3A_347 : i32
          %add3A_349 = arith.addi %mul3A_2, %mul3A_348 : i32
          %dma_wait3A_350 = arith.constant 1 : i32
          %dma_wait3A_351 = arith.constant 0 : i32
          %dma_wait3A_352 = arith.constant 0 : i32
          %dma_wait3A_353 = tpu.memref_slice %arg6[%dma_wait3A_350, %dma_wait3A_351, %dma_wait3A_352] : memref<5x128x128xf32, #tpu.memory_space<vmem>> -> memref<1x128x128xf32, #tpu.memory_space<vmem>>
          %dma_wait3A_354 = tpu.memref_squeeze %dma_wait3A_353 : memref<1x128x128xf32, #tpu.memory_space<vmem>> -> memref<128x128xf32, #tpu.memory_space<vmem>>
          %dma_wait3A_355 = arith.constant 0 : i32
          %dma_wait3A_356 = tpu.memref_slice %arg4[%add3A_349, %dma_wait3A_355] : memref<204800x128xf32, #tpu.memory_space<hbm>> -> memref<128x128xf32, #tpu.memory_space<hbm>>
          %dma_wait3A_357 = arith.constant 0 : i32
          %dma_wait3A_358 = tpu.memref_slice %arg4[%add3A_349, %dma_wait3A_357] : memref<204800x128xf32, #tpu.memory_space<hbm>> -> memref<128x128xf32, #tpu.memory_space<hbm>>
          %dma_wait3A_359 = arith.constant 0 : i32
          %dma_wait3A_360 = arith.constant 0 : i32
          %dma_wait3A_361 = tpu.memref_slice %arg6[%dma_wait3A_350, %dma_wait3A_359, %dma_wait3A_360] : memref<5x128x128xf32, #tpu.memory_space<vmem>> -> memref<1x128x128xf32, #tpu.memory_space<vmem>>
          %dma_wait3A_362 = tpu.memref_squeeze %dma_wait3A_361 : memref<1x128x128xf32, #tpu.memory_space<vmem>> -> memref<128x128xf32, #tpu.memory_space<vmem>>
          tpu.wait_dma2 semaphore(%arg13 : memref<!tpu.dma_semaphore, #tpu.memory_space<semaphore_mem>>) src(%dma_wait3A_362 : memref<128x128xf32, #tpu.memory_space<vmem>>) dst(%dma_wait3A_358 : memref<128x128xf32, #tpu.memory_space<hbm>>)
        } else {
        }
        %add3A_330 = arith.constant 2 : i32
        %add3A_331 = arith.addi %add3A_282, %add3A_330 : i32
        %dma_start3A_332 = arith.constant 1 : i32
        %dma_start3A_333 = arith.constant 0 : i32
        %dma_start3A_334 = arith.constant 0 : i32
        %dma_start3A_335 = tpu.memref_slice %arg6[%dma_start3A_332, %dma_start3A_333, %dma_start3A_334] : memref<5x128x128xf32, #tpu.memory_space<vmem>> -> memref<1x128x128xf32, #tpu.memory_space<vmem>>
        %dma_start3A_336 = tpu.memref_squeeze %dma_start3A_335 : memref<1x128x128xf32, #tpu.memory_space<vmem>> -> memref<128x128xf32, #tpu.memory_space<vmem>>
        %dma_start3A_337 = arith.constant 0 : i32
        %dma_start3A_338 = tpu.memref_slice %arg5[%add3A_331, %dma_start3A_337] : memref<50x128xi32, #tpu.memory_space<vmem>> -> memref<1x128xi32, #tpu.memory_space<vmem>>
        %dma_start3A_339 = tpu.memref_squeeze %dma_start3A_338 : memref<1x128xi32, #tpu.memory_space<vmem>> -> memref<128xi32, #tpu.memory_space<vmem>>
        %dma_start3A_340 = arith.constant 0 : i32
        %dma_start3A_341 = arith.constant 0 : i32
        %dma_start3A_342 = tpu.memref_slice %arg3[%dma_start3A_340, %dma_start3A_341] : memref<100000x128xf32, #tpu.memory_space<hbm>> -> memref<100000x128xf32, #tpu.memory_space<hbm>>
        tpu.enqueue_indirect_dma source(%dma_start3A_342 : memref<100000x128xf32, #tpu.memory_space<hbm>>) target(%dma_start3A_336 : memref<128x128xf32, #tpu.memory_space<vmem>>) offsets(%dma_start3A_339 : memref<128xi32, #tpu.memory_space<vmem>>) semaphore(%arg8 : memref<!tpu.dma_semaphore, #tpu.memory_space<semaphore_mem>>)
      } else {
      }
      %dma_wait3A_290 = arith.constant 4 : i32
      %dma_wait3A_291 = arith.constant 0 : i32
      %dma_wait3A_292 = arith.constant 0 : i32
      %dma_wait3A_293 = tpu.memref_slice %arg6[%dma_wait3A_290, %dma_wait3A_291, %dma_wait3A_292] : memref<5x128x128xf32, #tpu.memory_space<vmem>> -> memref<1x128x128xf32, #tpu.memory_space<vmem>>
      %dma_wait3A_294 = tpu.memref_squeeze %dma_wait3A_293 : memref<1x128x128xf32, #tpu.memory_space<vmem>> -> memref<128x128xf32, #tpu.memory_space<vmem>>
      %dma_wait3A_295 = arith.constant 0 : i32
      %dma_wait3A_296 = tpu.memref_slice %arg5[%add3A_282, %dma_wait3A_295] : memref<50x128xi32, #tpu.memory_space<vmem>> -> memref<1x128xi32, #tpu.memory_space<vmem>>
      %dma_wait3A_297 = tpu.memref_squeeze %dma_wait3A_296 : memref<1x128xi32, #tpu.memory_space<vmem>> -> memref<128xi32, #tpu.memory_space<vmem>>
      %dma_wait3A_298 = arith.constant 0 : i32
      %dma_wait3A_299 = arith.constant 0 : i32
      %dma_wait3A_300 = tpu.memref_slice %arg3[%dma_wait3A_298, %dma_wait3A_299] : memref<100000x128xf32, #tpu.memory_space<hbm>> -> memref<100000x128xf32, #tpu.memory_space<hbm>>
      tpu.wait_indirect_dma semaphore(%arg11 : memref<!tpu.dma_semaphore, #tpu.memory_space<semaphore_mem>>) src(%dma_wait3A_300 : memref<100000x128xf32, #tpu.memory_space<hbm>>) dst(%dma_wait3A_294 : memref<128x128xf32, #tpu.memory_space<vmem>>)
      %scan3A_301 = arith.constant 0 : i32
      %scan3A_302 = arith.constant 0 : i32
      %scan3A_303 = arith.constant 128 : i32
      %scan3A_304 = arith.addi %scan3A_302, %scan3A_303 : i32
      %scan3A_305 = arith.constant 4 : i32
      scf.for %scan3A_323 = %scan3A_302 to %scan3A_304 step %scan3A_305  : i32 {
        %broadcast_in_dim3A = arith.constant 0.000000e+00 : f32
        %broadcast_in_dim3A_324 = vector.broadcast %broadcast_in_dim3A : f32 to vector<16xf32>
        %get3A = arith.constant 4 : i32
        %get3A_325 = arith.index_cast %get3A : i32 to index
        %get3A_326 = arith.index_cast %scan3A_323 : i32 to index
        %get3A_327 = arith.constant 0 : index
        %get3A_328 = tpu.vector_load %arg6[%get3A_325, %get3A_326, %get3A_327] {strides = array<i32>} : memref<5x128x128xf32, #tpu.memory_space<vmem>>, vector<1x1x16xf32>,
        %get3A_329 = vector.shape_cast %get3A_328 : vector<1x1x16xf32> to vector<16xf32>
        %mul3A_330 = arith.mulf %get3A_329, %get3A_329 : vector<16xf32>
        %add3A_331 = arith.addf %broadcast_in_dim3A_324, %mul3A_330 : vector<16xf32>
        %get3A_332 = arith.constant 4 : i32
        %get3A_333 = arith.index_cast %get3A_332 : i32 to index
        %get3A_334 = arith.index_cast %scan3A_323 : i32 to index
        %get3A_335 = arith.constant 16 : index
        %get3A_336 = tpu.vector_load %arg6[%get3A_333, %get3A_334, %get3A_335] {strides = array<i32>} : memref<5x128x128xf32, #tpu.memory_space<vmem>>, vector<1x1x16xf32>,
        %get3A_337 = vector.shape_cast %get3A_336 : vector<1x1x16xf32> to vector<16xf32>
        %mul3A_338 = arith.mulf %get3A_337, %get3A_337 : vector<16xf32>
        %add3A_339 = arith.addf %add3A_331, %mul3A_338 : vector<16xf32>
        %get3A_340 = arith.constant 4 : i32
        %get3A_341 = arith.index_cast %get3A_340 : i32 to index
        %get3A_342 = arith.index_cast %scan3A_323 : i32 to index
        %get3A_343 = arith.constant 32 : index
        %get3A_344 = tpu.vector_load %arg6[%get3A_341, %get3A_342, %get3A_343] {strides = array<i32>} : memref<5x128x128xf32, #tpu.memory_space<vmem>>, vector<1x1x16xf32>,
        %get3A_345 = vector.shape_cast %get3A_344 : vector<1x1x16xf32> to vector<16xf32>
        %mul3A_346 = arith.mulf %get3A_345, %get3A_345 : vector<16xf32>
        %add3A_347 = arith.addf %add3A_339, %mul3A_346 : vector<16xf32>
        %get3A_348 = arith.constant 4 : i32
        %get3A_349 = arith.index_cast %get3A_348 : i32 to index
        %get3A_350 = arith.index_cast %scan3A_323 : i32 to index
        %get3A_351 = arith.constant 48 : index
        %get3A_352 = tpu.vector_load %arg6[%get3A_349, %get3A_350, %get3A_351] {strides = array<i32>} : memref<5x128x128xf32, #tpu.memory_space<vmem>>, vector<1x1x16xf32>,
        %get3A_353 = vector.shape_cast %get3A_352 : vector<1x1x16xf32> to vector<16xf32>
        %mul3A_354 = arith.mulf %get3A_353, %get3A_353 : vector<16xf32>
        %add3A_355 = arith.addf %add3A_347, %mul3A_354 : vector<16xf32>
        %get3A_356 = arith.constant 4 : i32
        %get3A_357 = arith.index_cast %get3A_356 : i32 to index
        %get3A_358 = arith.index_cast %scan3A_323 : i32 to index
        %get3A_359 = arith.constant 64 : index
        %get3A_360 = tpu.vector_load %arg6[%get3A_357, %get3A_358, %get3A_359] {strides = array<i32>} : memref<5x128x128xf32, #tpu.memory_space<vmem>>, vector<1x1x16xf32>,
        %get3A_361 = vector.shape_cast %get3A_360 : vector<1x1x16xf32> to vector<16xf32>
        %mul3A_362 = arith.mulf %get3A_361, %get3A_361 : vector<16xf32>
        %add3A_363 = arith.addf %add3A_355, %mul3A_362 : vector<16xf32>
        %get3A_364 = arith.constant 4 : i32
        %get3A_365 = arith.index_cast %get3A_364 : i32 to index
        %get3A_366 = arith.index_cast %scan3A_323 : i32 to index
        %get3A_367 = arith.constant 80 : index
        %get3A_368 = tpu.vector_load %arg6[%get3A_365, %get3A_366, %get3A_367] {strides = array<i32>} : memref<5x128x128xf32, #tpu.memory_space<vmem>>, vector<1x1x16xf32>,
        %get3A_369 = vector.shape_cast %get3A_368 : vector<1x1x16xf32> to vector<16xf32>
        %mul3A_370 = arith.mulf %get3A_369, %get3A_369 : vector<16xf32>
        %add3A_371 = arith.addf %add3A_363, %mul3A_370 : vector<16xf32>
        %get3A_372 = arith.constant 4 : i32
        %get3A_373 = arith.index_cast %get3A_372 : i32 to index
        %get3A_374 = arith.index_cast %scan3A_323 : i32 to index
        %get3A_375 = arith.constant 96 : index
        %get3A_376 = tpu.vector_load %arg6[%get3A_373, %get3A_374, %get3A_375] {strides = array<i32>} : memref<5x128x128xf32, #tpu.memory_space<vmem>>, vector<1x1x16xf32>,
        %get3A_377 = vector.shape_cast %get3A_376 : vector<1x1x16xf32> to vector<16xf32>
        %mul3A_378 = arith.mulf %get3A_377, %get3A_377 : vector<16xf32>
        %add3A_379 = arith.addf %add3A_371, %mul3A_378 : vector<16xf32>
        %get3A_380 = arith.constant 4 : i32
        %get3A_381 = arith.index_cast %get3A_380 : i32 to index
        %get3A_382 = arith.index_cast %scan3A_323 : i32 to index
        %get3A_383 = arith.constant 112 : index
        %get3A_384 = tpu.vector_load %arg6[%get3A_381, %get3A_382, %get3A_383] {strides = array<i32>} : memref<5x128x128xf32, #tpu.memory_space<vmem>>, vector<1x1x16xf32>,
        %get3A_385 = vector.shape_cast %get3A_384 : vector<1x1x16xf32> to vector<16xf32>
        %mul3A_386 = arith.mulf %get3A_385, %get3A_385 : vector<16xf32>
        %add3A_387 = arith.addf %add3A_379, %mul3A_386 : vector<16xf32>
        %iota3A = tpu.iota {dimensions = array<i32: 0>} : vector<16xi32>
        %xor3A = arith.constant 8 : i32
        %xor3A_388 = vector.broadcast %xor3A : i32 to vector<16xi32>
        %xor3A_389 = arith.xori %iota3A, %xor3A_388 : vector<16xi32>
        %reshape3A = vector.shape_cast %xor3A_389 : vector<16xi32> to vector<16x1xi32>
        %gather3A = vector.shape_cast %reshape3A : vector<16x1xi32> to vector<16xi32>
        %gather3A_390 = tpu.dynamic_gather %add3A_387[%gather3A] in [0] : vector<16xf32>, vector<16xi32> -> vector<16xf32>
        %add3A_391 = arith.addf %add3A_387, %gather3A_390 : vector<16xf32>
        %xor3A_392 = arith.constant 4 : i32
        %xor3A_393 = vector.broadcast %xor3A_392 : i32 to vector<16xi32>
        %xor3A_394 = arith.xori %iota3A, %xor3A_393 : vector<16xi32>
        %reshape3A_395 = vector.shape_cast %xor3A_394 : vector<16xi32> to vector<16x1xi32>
        %gather3A_396 = vector.shape_cast %reshape3A_395 : vector<16x1xi32> to vector<16xi32>
        %gather3A_397 = tpu.dynamic_gather %add3A_391[%gather3A_396] in [0] : vector<16xf32>, vector<16xi32> -> vector<16xf32>
        %add3A_398 = arith.addf %add3A_391, %gather3A_397 : vector<16xf32>
        %xor3A_399 = arith.constant 2 : i32
        %xor3A_400 = vector.broadcast %xor3A_399 : i32 to vector<16xi32>
        %xor3A_401 = arith.xori %iota3A, %xor3A_400 : vector<16xi32>
        %reshape3A_402 = vector.shape_cast %xor3A_401 : vector<16xi32> to vector<16x1xi32>
        %gather3A_403 = vector.shape_cast %reshape3A_402 : vector<16x1xi32> to vector<16xi32>
        %gather3A_404 = tpu.dynamic_gather %add3A_398[%gather3A_403] in [0] : vector<16xf32>, vector<16xi32> -> vector<16xf32>
        %add3A_405 = arith.addf %add3A_398, %gather3A_404 : vector<16xf32>
        %xor3A_406 = arith.constant 1 : i32
        %xor3A_407 = vector.broadcast %xor3A_406 : i32 to vector<16xi32>
        %xor3A_408 = arith.xori %iota3A, %xor3A_407 : vector<16xi32>
        %reshape3A_409 = vector.shape_cast %xor3A_408 : vector<16xi32> to vector<16x1xi32>
        %gather3A_410 = vector.shape_cast %reshape3A_409 : vector<16x1xi32> to vector<16xi32>
        %gather3A_411 = tpu.dynamic_gather %add3A_405[%gather3A_410] in [0] : vector<16xf32>, vector<16xi32> -> vector<16xf32>
        %add3A_412 = arith.addf %add3A_405, %gather3A_411 : vector<16xf32>
        %bitcast_convert_type3A = tpu.bitcast %add3A_412 : vector<16xf32> -> vector<16xi32>
        %shift_right_logical3A = arith.constant 1 : i32
        %shift_right_logical3A_413 = vector.broadcast %shift_right_logical3A : i32 to vector<16xi32>
        %shift_right_logical3A_414 = arith.shrui %bitcast_convert_type3A, %shift_right_logical3A_413 : vector<16xi32>
        %sub3A = arith.constant 1597463007 : i32
        %sub3A_415 = vector.broadcast %sub3A : i32 to vector<16xi32>
        %sub3A_416 = arith.subi %sub3A_415, %shift_right_logical3A_414 : vector<16xi32>
        %bitcast_convert_type3A_417 = tpu.bitcast %sub3A_416 : vector<16xi32> -> vector<16xf32>
        %mul3A_418 = arith.constant 5.000000e-01 : f32
        %mul3A_419 = vector.broadcast %mul3A_418 : f32 to vector<16xf32>
        %mul3A_420 = arith.mulf %add3A_412, %mul3A_419 : vector<16xf32>
        %mul3A_421 = arith.mulf %mul3A_420, %bitcast_convert_type3A_417 : vector<16xf32>
        %mul3A_422 = arith.mulf %mul3A_421, %bitcast_convert_type3A_417 : vector<16xf32>
        %sub3A_423 = arith.constant 1.500000e+00 : f32
        %sub3A_424 = vector.broadcast %sub3A_423 : f32 to vector<16xf32>
        %sub3A_425 = arith.subf %sub3A_424, %mul3A_422 : vector<16xf32>
        %mul3A_426 = arith.mulf %bitcast_convert_type3A_417, %sub3A_425 : vector<16xf32>
        %mul3A_427 = arith.mulf %get3A_329, %mul3A_426 : vector<16xf32>
        %swap3A = arith.constant 4 : i32
        %swap3A_428 = arith.index_cast %swap3A : i32 to index
        %swap3A_429 = arith.index_cast %scan3A_323 : i32 to index
        %swap3A_430 = arith.constant 0 : index
        %swap3A_431 = tpu.vector_load %arg6[%swap3A_428, %swap3A_429, %swap3A_430] {strides = array<i32>} : memref<5x128x128xf32, #tpu.memory_space<vmem>>, vector<1x1x16xf32>,
        %swap3A_432 = vector.shape_cast %swap3A_431 : vector<1x1x16xf32> to vector<16xf32>
        %swap3A_433 = vector.shape_cast %mul3A_427 : vector<16xf32> to vector<1x1x16xf32>
        tpu.vector_store %arg6[%swap3A_428, %swap3A_429, %swap3A_430], %swap3A_433 {strides = array<i32>} : memref<5x128x128xf32, #tpu.memory_space<vmem>>, vector<1x1x16xf32>,
        %mul3A_434 = arith.mulf %get3A_337, %mul3A_426 : vector<16xf32>
        %swap3A_435 = arith.constant 4 : i32
        %swap3A_436 = arith.index_cast %swap3A_435 : i32 to index
        %swap3A_437 = arith.index_cast %scan3A_323 : i32 to index
        %swap3A_438 = arith.constant 16 : index
        %swap3A_439 = tpu.vector_load %arg6[%swap3A_436, %swap3A_437, %swap3A_438] {strides = array<i32>} : memref<5x128x128xf32, #tpu.memory_space<vmem>>, vector<1x1x16xf32>,
        %swap3A_440 = vector.shape_cast %swap3A_439 : vector<1x1x16xf32> to vector<16xf32>
        %swap3A_441 = vector.shape_cast %mul3A_434 : vector<16xf32> to vector<1x1x16xf32>
        tpu.vector_store %arg6[%swap3A_436, %swap3A_437, %swap3A_438], %swap3A_441 {strides = array<i32>} : memref<5x128x128xf32, #tpu.memory_space<vmem>>, vector<1x1x16xf32>,
        %mul3A_442 = arith.mulf %get3A_345, %mul3A_426 : vector<16xf32>
        %swap3A_443 = arith.constant 4 : i32
        %swap3A_444 = arith.index_cast %swap3A_443 : i32 to index
        %swap3A_445 = arith.index_cast %scan3A_323 : i32 to index
        %swap3A_446 = arith.constant 32 : index
        %swap3A_447 = tpu.vector_load %arg6[%swap3A_444, %swap3A_445, %swap3A_446] {strides = array<i32>} : memref<5x128x128xf32, #tpu.memory_space<vmem>>, vector<1x1x16xf32>,
        %swap3A_448 = vector.shape_cast %swap3A_447 : vector<1x1x16xf32> to vector<16xf32>
        %swap3A_449 = vector.shape_cast %mul3A_442 : vector<16xf32> to vector<1x1x16xf32>
        tpu.vector_store %arg6[%swap3A_444, %swap3A_445, %swap3A_446], %swap3A_449 {strides = array<i32>} : memref<5x128x128xf32, #tpu.memory_space<vmem>>, vector<1x1x16xf32>,
        %mul3A_450 = arith.mulf %get3A_353, %mul3A_426 : vector<16xf32>
        %swap3A_451 = arith.constant 4 : i32
        %swap3A_452 = arith.index_cast %swap3A_451 : i32 to index
        %swap3A_453 = arith.index_cast %scan3A_323 : i32 to index
        %swap3A_454 = arith.constant 48 : index
        %swap3A_455 = tpu.vector_load %arg6[%swap3A_452, %swap3A_453, %swap3A_454] {strides = array<i32>} : memref<5x128x128xf32, #tpu.memory_space<vmem>>, vector<1x1x16xf32>,
        %swap3A_456 = vector.shape_cast %swap3A_455 : vector<1x1x16xf32> to vector<16xf32>
        %swap3A_457 = vector.shape_cast %mul3A_450 : vector<16xf32> to vector<1x1x16xf32>
        tpu.vector_store %arg6[%swap3A_452, %swap3A_453, %swap3A_454], %swap3A_457 {strides = array<i32>} : memref<5x128x128xf32, #tpu.memory_space<vmem>>, vector<1x1x16xf32>,
        %mul3A_458 = arith.mulf %get3A_361, %mul3A_426 : vector<16xf32>
        %swap3A_459 = arith.constant 4 : i32
        %swap3A_460 = arith.index_cast %swap3A_459 : i32 to index
        %swap3A_461 = arith.index_cast %scan3A_323 : i32 to index
        %swap3A_462 = arith.constant 64 : index
        %swap3A_463 = tpu.vector_load %arg6[%swap3A_460, %swap3A_461, %swap3A_462] {strides = array<i32>} : memref<5x128x128xf32, #tpu.memory_space<vmem>>, vector<1x1x16xf32>,
        %swap3A_464 = vector.shape_cast %swap3A_463 : vector<1x1x16xf32> to vector<16xf32>
        %swap3A_465 = vector.shape_cast %mul3A_458 : vector<16xf32> to vector<1x1x16xf32>
        tpu.vector_store %arg6[%swap3A_460, %swap3A_461, %swap3A_462], %swap3A_465 {strides = array<i32>} : memref<5x128x128xf32, #tpu.memory_space<vmem>>, vector<1x1x16xf32>,
        %mul3A_466 = arith.mulf %get3A_369, %mul3A_426 : vector<16xf32>
        %swap3A_467 = arith.constant 4 : i32
        %swap3A_468 = arith.index_cast %swap3A_467 : i32 to index
        %swap3A_469 = arith.index_cast %scan3A_323 : i32 to index
        %swap3A_470 = arith.constant 80 : index
        %swap3A_471 = tpu.vector_load %arg6[%swap3A_468, %swap3A_469, %swap3A_470] {strides = array<i32>} : memref<5x128x128xf32, #tpu.memory_space<vmem>>, vector<1x1x16xf32>,
        %swap3A_472 = vector.shape_cast %swap3A_471 : vector<1x1x16xf32> to vector<16xf32>
        %swap3A_473 = vector.shape_cast %mul3A_466 : vector<16xf32> to vector<1x1x16xf32>
        tpu.vector_store %arg6[%swap3A_468, %swap3A_469, %swap3A_470], %swap3A_473 {strides = array<i32>} : memref<5x128x128xf32, #tpu.memory_space<vmem>>, vector<1x1x16xf32>,
        %mul3A_474 = arith.mulf %get3A_377, %mul3A_426 : vector<16xf32>
        %swap3A_475 = arith.constant 4 : i32
        %swap3A_476 = arith.index_cast %swap3A_475 : i32 to index
        %swap3A_477 = arith.index_cast %scan3A_323 : i32 to index
        %swap3A_478 = arith.constant 96 : index
        %swap3A_479 = tpu.vector_load %arg6[%swap3A_476, %swap3A_477, %swap3A_478] {strides = array<i32>} : memref<5x128x128xf32, #tpu.memory_space<vmem>>, vector<1x1x16xf32>,
        %swap3A_480 = vector.shape_cast %swap3A_479 : vector<1x1x16xf32> to vector<16xf32>
        %swap3A_481 = vector.shape_cast %mul3A_474 : vector<16xf32> to vector<1x1x16xf32>
        tpu.vector_store %arg6[%swap3A_476, %swap3A_477, %swap3A_478], %swap3A_481 {strides = array<i32>} : memref<5x128x128xf32, #tpu.memory_space<vmem>>, vector<1x1x16xf32>,
        %mul3A_482 = arith.mulf %get3A_385, %mul3A_426 : vector<16xf32>
        %swap3A_483 = arith.constant 4 : i32
        %swap3A_484 = arith.index_cast %swap3A_483 : i32 to index
        %swap3A_485 = arith.index_cast %scan3A_323 : i32 to index
        %swap3A_486 = arith.constant 112 : index
        %swap3A_487 = tpu.vector_load %arg6[%swap3A_484, %swap3A_485, %swap3A_486] {strides = array<i32>} : memref<5x128x128xf32, #tpu.memory_space<vmem>>, vector<1x1x16xf32>,
        %swap3A_488 = vector.shape_cast %swap3A_487 : vector<1x1x16xf32> to vector<16xf32>
        %swap3A_489 = vector.shape_cast %mul3A_482 : vector<16xf32> to vector<1x1x16xf32>
        tpu.vector_store %arg6[%swap3A_484, %swap3A_485, %swap3A_486], %swap3A_489 {strides = array<i32>} : memref<5x128x128xf32, #tpu.memory_space<vmem>>, vector<1x1x16xf32>,
        %scan3A_490 = arith.constant 1 : i32
        %scan3A_491 = arith.addi %scan3A_323, %scan3A_490 : i32
        %broadcast_in_dim3A_492 = arith.constant 0.000000e+00 : f32
        %broadcast_in_dim3A_493 = vector.broadcast %broadcast_in_dim3A_492 : f32 to vector<16xf32>
        %get3A_494 = arith.constant 4 : i32
        %get3A_495 = arith.index_cast %get3A_494 : i32 to index
        %get3A_496 = arith.index_cast %scan3A_491 : i32 to index
        %get3A_497 = arith.constant 0 : index
        %get3A_498 = tpu.vector_load %arg6[%get3A_495, %get3A_496, %get3A_497] {strides = array<i32>} : memref<5x128x128xf32, #tpu.memory_space<vmem>>, vector<1x1x16xf32>,
        %get3A_499 = vector.shape_cast %get3A_498 : vector<1x1x16xf32> to vector<16xf32>
        %mul3A_500 = arith.mulf %get3A_499, %get3A_499 : vector<16xf32>
        %add3A_501 = arith.addf %broadcast_in_dim3A_493, %mul3A_500 : vector<16xf32>
        %get3A_502 = arith.constant 4 : i32
        %get3A_503 = arith.index_cast %get3A_502 : i32 to index
        %get3A_504 = arith.index_cast %scan3A_491 : i32 to index
        %get3A_505 = arith.constant 16 : index
        %get3A_506 = tpu.vector_load %arg6[%get3A_503, %get3A_504, %get3A_505] {strides = array<i32>} : memref<5x128x128xf32, #tpu.memory_space<vmem>>, vector<1x1x16xf32>,
        %get3A_507 = vector.shape_cast %get3A_506 : vector<1x1x16xf32> to vector<16xf32>
        %mul3A_508 = arith.mulf %get3A_507, %get3A_507 : vector<16xf32>
        %add3A_509 = arith.addf %add3A_501, %mul3A_508 : vector<16xf32>
        %get3A_510 = arith.constant 4 : i32
        %get3A_511 = arith.index_cast %get3A_510 : i32 to index
        %get3A_512 = arith.index_cast %scan3A_491 : i32 to index
        %get3A_513 = arith.constant 32 : index
        %get3A_514 = tpu.vector_load %arg6[%get3A_511, %get3A_512, %get3A_513] {strides = array<i32>} : memref<5x128x128xf32, #tpu.memory_space<vmem>>, vector<1x1x16xf32>,
        %get3A_515 = vector.shape_cast %get3A_514 : vector<1x1x16xf32> to vector<16xf32>
        %mul3A_516 = arith.mulf %get3A_515, %get3A_515 : vector<16xf32>
        %add3A_517 = arith.addf %add3A_509, %mul3A_516 : vector<16xf32>
        %get3A_518 = arith.constant 4 : i32
        %get3A_519 = arith.index_cast %get3A_518 : i32 to index
        %get3A_520 = arith.index_cast %scan3A_491 : i32 to index
        %get3A_521 = arith.constant 48 : index
        %get3A_522 = tpu.vector_load %arg6[%get3A_519, %get3A_520, %get3A_521] {strides = array<i32>} : memref<5x128x128xf32, #tpu.memory_space<vmem>>, vector<1x1x16xf32>,
        %get3A_523 = vector.shape_cast %get3A_522 : vector<1x1x16xf32> to vector<16xf32>
        %mul3A_524 = arith.mulf %get3A_523, %get3A_523 : vector<16xf32>
        %add3A_525 = arith.addf %add3A_517, %mul3A_524 : vector<16xf32>
        %get3A_526 = arith.constant 4 : i32
        %get3A_527 = arith.index_cast %get3A_526 : i32 to index
        %get3A_528 = arith.index_cast %scan3A_491 : i32 to index
        %get3A_529 = arith.constant 64 : index
        %get3A_530 = tpu.vector_load %arg6[%get3A_527, %get3A_528, %get3A_529] {strides = array<i32>} : memref<5x128x128xf32, #tpu.memory_space<vmem>>, vector<1x1x16xf32>,
        %get3A_531 = vector.shape_cast %get3A_530 : vector<1x1x16xf32> to vector<16xf32>
        %mul3A_532 = arith.mulf %get3A_531, %get3A_531 : vector<16xf32>
        %add3A_533 = arith.addf %add3A_525, %mul3A_532 : vector<16xf32>
        %get3A_534 = arith.constant 4 : i32
        %get3A_535 = arith.index_cast %get3A_534 : i32 to index
        %get3A_536 = arith.index_cast %scan3A_491 : i32 to index
        %get3A_537 = arith.constant 80 : index
        %get3A_538 = tpu.vector_load %arg6[%get3A_535, %get3A_536, %get3A_537] {strides = array<i32>} : memref<5x128x128xf32, #tpu.memory_space<vmem>>, vector<1x1x16xf32>,
        %get3A_539 = vector.shape_cast %get3A_538 : vector<1x1x16xf32> to vector<16xf32>
        %mul3A_540 = arith.mulf %get3A_539, %get3A_539 : vector<16xf32>
        %add3A_541 = arith.addf %add3A_533, %mul3A_540 : vector<16xf32>
        %get3A_542 = arith.constant 4 : i32
        %get3A_543 = arith.index_cast %get3A_542 : i32 to index
        %get3A_544 = arith.index_cast %scan3A_491 : i32 to index
        %get3A_545 = arith.constant 96 : index
        %get3A_546 = tpu.vector_load %arg6[%get3A_543, %get3A_544, %get3A_545] {strides = array<i32>} : memref<5x128x128xf32, #tpu.memory_space<vmem>>, vector<1x1x16xf32>,
        %get3A_547 = vector.shape_cast %get3A_546 : vector<1x1x16xf32> to vector<16xf32>
        %mul3A_548 = arith.mulf %get3A_547, %get3A_547 : vector<16xf32>
        %add3A_549 = arith.addf %add3A_541, %mul3A_548 : vector<16xf32>
        %get3A_550 = arith.constant 4 : i32
        %get3A_551 = arith.index_cast %get3A_550 : i32 to index
        %get3A_552 = arith.index_cast %scan3A_491 : i32 to index
        %get3A_553 = arith.constant 112 : index
        %get3A_554 = tpu.vector_load %arg6[%get3A_551, %get3A_552, %get3A_553] {strides = array<i32>} : memref<5x128x128xf32, #tpu.memory_space<vmem>>, vector<1x1x16xf32>,
        %get3A_555 = vector.shape_cast %get3A_554 : vector<1x1x16xf32> to vector<16xf32>
        %mul3A_556 = arith.mulf %get3A_555, %get3A_555 : vector<16xf32>
        %add3A_557 = arith.addf %add3A_549, %mul3A_556 : vector<16xf32>
        %iota3A_558 = tpu.iota {dimensions = array<i32: 0>} : vector<16xi32>
        %xor3A_559 = arith.constant 8 : i32
        %xor3A_560 = vector.broadcast %xor3A_559 : i32 to vector<16xi32>
        %xor3A_561 = arith.xori %iota3A_558, %xor3A_560 : vector<16xi32>
        %reshape3A_562 = vector.shape_cast %xor3A_561 : vector<16xi32> to vector<16x1xi32>
        %gather3A_563 = vector.shape_cast %reshape3A_562 : vector<16x1xi32> to vector<16xi32>
        %gather3A_564 = tpu.dynamic_gather %add3A_557[%gather3A_563] in [0] : vector<16xf32>, vector<16xi32> -> vector<16xf32>
        %add3A_565 = arith.addf %add3A_557, %gather3A_564 : vector<16xf32>
        %xor3A_566 = arith.constant 4 : i32
        %xor3A_567 = vector.broadcast %xor3A_566 : i32 to vector<16xi32>
        %xor3A_568 = arith.xori %iota3A_558, %xor3A_567 : vector<16xi32>
        %reshape3A_569 = vector.shape_cast %xor3A_568 : vector<16xi32> to vector<16x1xi32>
        %gather3A_570 = vector.shape_cast %reshape3A_569 : vector<16x1xi32> to vector<16xi32>
        %gather3A_571 = tpu.dynamic_gather %add3A_565[%gather3A_570] in [0] : vector<16xf32>, vector<16xi32> -> vector<16xf32>
        %add3A_572 = arith.addf %add3A_565, %gather3A_571 : vector<16xf32>
        %xor3A_573 = arith.constant 2 : i32
        %xor3A_574 = vector.broadcast %xor3A_573 : i32 to vector<16xi32>
        %xor3A_575 = arith.xori %iota3A_558, %xor3A_574 : vector<16xi32>
        %reshape3A_576 = vector.shape_cast %xor3A_575 : vector<16xi32> to vector<16x1xi32>
        %gather3A_577 = vector.shape_cast %reshape3A_576 : vector<16x1xi32> to vector<16xi32>
        %gather3A_578 = tpu.dynamic_gather %add3A_572[%gather3A_577] in [0] : vector<16xf32>, vector<16xi32> -> vector<16xf32>
        %add3A_579 = arith.addf %add3A_572, %gather3A_578 : vector<16xf32>
        %xor3A_580 = arith.constant 1 : i32
        %xor3A_581 = vector.broadcast %xor3A_580 : i32 to vector<16xi32>
        %xor3A_582 = arith.xori %iota3A_558, %xor3A_581 : vector<16xi32>
        %reshape3A_583 = vector.shape_cast %xor3A_582 : vector<16xi32> to vector<16x1xi32>
        %gather3A_584 = vector.shape_cast %reshape3A_583 : vector<16x1xi32> to vector<16xi32>
        %gather3A_585 = tpu.dynamic_gather %add3A_579[%gather3A_584] in [0] : vector<16xf32>, vector<16xi32> -> vector<16xf32>
        %add3A_586 = arith.addf %add3A_579, %gather3A_585 : vector<16xf32>
        %bitcast_convert_type3A_587 = tpu.bitcast %add3A_586 : vector<16xf32> -> vector<16xi32>
        %shift_right_logical3A_588 = arith.constant 1 : i32
        %shift_right_logical3A_589 = vector.broadcast %shift_right_logical3A_588 : i32 to vector<16xi32>
        %shift_right_logical3A_590 = arith.shrui %bitcast_convert_type3A_587, %shift_right_logical3A_589 : vector<16xi32>
        %sub3A_591 = arith.constant 1597463007 : i32
        %sub3A_592 = vector.broadcast %sub3A_591 : i32 to vector<16xi32>
        %sub3A_593 = arith.subi %sub3A_592, %shift_right_logical3A_590 : vector<16xi32>
        %bitcast_convert_type3A_594 = tpu.bitcast %sub3A_593 : vector<16xi32> -> vector<16xf32>
        %mul3A_595 = arith.constant 5.000000e-01 : f32
        %mul3A_596 = vector.broadcast %mul3A_595 : f32 to vector<16xf32>
        %mul3A_597 = arith.mulf %add3A_586, %mul3A_596 : vector<16xf32>
        %mul3A_598 = arith.mulf %mul3A_597, %bitcast_convert_type3A_594 : vector<16xf32>
        %mul3A_599 = arith.mulf %mul3A_598, %bitcast_convert_type3A_594 : vector<16xf32>
        %sub3A_600 = arith.constant 1.500000e+00 : f32
        %sub3A_601 = vector.broadcast %sub3A_600 : f32 to vector<16xf32>
        %sub3A_602 = arith.subf %sub3A_601, %mul3A_599 : vector<16xf32>
        %mul3A_603 = arith.mulf %bitcast_convert_type3A_594, %sub3A_602 : vector<16xf32>
        %mul3A_604 = arith.mulf %get3A_499, %mul3A_603 : vector<16xf32>
        %swap3A_605 = arith.constant 4 : i32
        %swap3A_606 = arith.index_cast %swap3A_605 : i32 to index
        %swap3A_607 = arith.index_cast %scan3A_491 : i32 to index
        %swap3A_608 = arith.constant 0 : index
        %swap3A_609 = tpu.vector_load %arg6[%swap3A_606, %swap3A_607, %swap3A_608] {strides = array<i32>} : memref<5x128x128xf32, #tpu.memory_space<vmem>>, vector<1x1x16xf32>,
        %swap3A_610 = vector.shape_cast %swap3A_609 : vector<1x1x16xf32> to vector<16xf32>
        %swap3A_611 = vector.shape_cast %mul3A_604 : vector<16xf32> to vector<1x1x16xf32>
        tpu.vector_store %arg6[%swap3A_606, %swap3A_607, %swap3A_608], %swap3A_611 {strides = array<i32>} : memref<5x128x128xf32, #tpu.memory_space<vmem>>, vector<1x1x16xf32>,
        %mul3A_612 = arith.mulf %get3A_507, %mul3A_603 : vector<16xf32>
        %swap3A_613 = arith.constant 4 : i32
        %swap3A_614 = arith.index_cast %swap3A_613 : i32 to index
        %swap3A_615 = arith.index_cast %scan3A_491 : i32 to index
        %swap3A_616 = arith.constant 16 : index
        %swap3A_617 = tpu.vector_load %arg6[%swap3A_614, %swap3A_615, %swap3A_616] {strides = array<i32>} : memref<5x128x128xf32, #tpu.memory_space<vmem>>, vector<1x1x16xf32>,
        %swap3A_618 = vector.shape_cast %swap3A_617 : vector<1x1x16xf32> to vector<16xf32>
        %swap3A_619 = vector.shape_cast %mul3A_612 : vector<16xf32> to vector<1x1x16xf32>
        tpu.vector_store %arg6[%swap3A_614, %swap3A_615, %swap3A_616], %swap3A_619 {strides = array<i32>} : memref<5x128x128xf32, #tpu.memory_space<vmem>>, vector<1x1x16xf32>,
        %mul3A_620 = arith.mulf %get3A_515, %mul3A_603 : vector<16xf32>
        %swap3A_621 = arith.constant 4 : i32
        %swap3A_622 = arith.index_cast %swap3A_621 : i32 to index
        %swap3A_623 = arith.index_cast %scan3A_491 : i32 to index
        %swap3A_624 = arith.constant 32 : index
        %swap3A_625 = tpu.vector_load %arg6[%swap3A_622, %swap3A_623, %swap3A_624] {strides = array<i32>} : memref<5x128x128xf32, #tpu.memory_space<vmem>>, vector<1x1x16xf32>,
        %swap3A_626 = vector.shape_cast %swap3A_625 : vector<1x1x16xf32> to vector<16xf32>
        %swap3A_627 = vector.shape_cast %mul3A_620 : vector<16xf32> to vector<1x1x16xf32>
        tpu.vector_store %arg6[%swap3A_622, %swap3A_623, %swap3A_624], %swap3A_627 {strides = array<i32>} : memref<5x128x128xf32, #tpu.memory_space<vmem>>, vector<1x1x16xf32>,
        %mul3A_628 = arith.mulf %get3A_523, %mul3A_603 : vector<16xf32>
        %swap3A_629 = arith.constant 4 : i32
        %swap3A_630 = arith.index_cast %swap3A_629 : i32 to index
        %swap3A_631 = arith.index_cast %scan3A_491 : i32 to index
        %swap3A_632 = arith.constant 48 : index
        %swap3A_633 = tpu.vector_load %arg6[%swap3A_630, %swap3A_631, %swap3A_632] {strides = array<i32>} : memref<5x128x128xf32, #tpu.memory_space<vmem>>, vector<1x1x16xf32>,
        %swap3A_634 = vector.shape_cast %swap3A_633 : vector<1x1x16xf32> to vector<16xf32>
        %swap3A_635 = vector.shape_cast %mul3A_628 : vector<16xf32> to vector<1x1x16xf32>
        tpu.vector_store %arg6[%swap3A_630, %swap3A_631, %swap3A_632], %swap3A_635 {strides = array<i32>} : memref<5x128x128xf32, #tpu.memory_space<vmem>>, vector<1x1x16xf32>,
        %mul3A_636 = arith.mulf %get3A_531, %mul3A_603 : vector<16xf32>
        %swap3A_637 = arith.constant 4 : i32
        %swap3A_638 = arith.index_cast %swap3A_637 : i32 to index
        %swap3A_639 = arith.index_cast %scan3A_491 : i32 to index
        %swap3A_640 = arith.constant 64 : index
        %swap3A_641 = tpu.vector_load %arg6[%swap3A_638, %swap3A_639, %swap3A_640] {strides = array<i32>} : memref<5x128x128xf32, #tpu.memory_space<vmem>>, vector<1x1x16xf32>,
        %swap3A_642 = vector.shape_cast %swap3A_641 : vector<1x1x16xf32> to vector<16xf32>
        %swap3A_643 = vector.shape_cast %mul3A_636 : vector<16xf32> to vector<1x1x16xf32>
        tpu.vector_store %arg6[%swap3A_638, %swap3A_639, %swap3A_640], %swap3A_643 {strides = array<i32>} : memref<5x128x128xf32, #tpu.memory_space<vmem>>, vector<1x1x16xf32>,
        %mul3A_644 = arith.mulf %get3A_539, %mul3A_603 : vector<16xf32>
        %swap3A_645 = arith.constant 4 : i32
        %swap3A_646 = arith.index_cast %swap3A_645 : i32 to index
        %swap3A_647 = arith.index_cast %scan3A_491 : i32 to index
        %swap3A_648 = arith.constant 80 : index
        %swap3A_649 = tpu.vector_load %arg6[%swap3A_646, %swap3A_647, %swap3A_648] {strides = array<i32>} : memref<5x128x128xf32, #tpu.memory_space<vmem>>, vector<1x1x16xf32>,
        %swap3A_650 = vector.shape_cast %swap3A_649 : vector<1x1x16xf32> to vector<16xf32>
        %swap3A_651 = vector.shape_cast %mul3A_644 : vector<16xf32> to vector<1x1x16xf32>
        tpu.vector_store %arg6[%swap3A_646, %swap3A_647, %swap3A_648], %swap3A_651 {strides = array<i32>} : memref<5x128x128xf32, #tpu.memory_space<vmem>>, vector<1x1x16xf32>,
        %mul3A_652 = arith.mulf %get3A_547, %mul3A_603 : vector<16xf32>
        %swap3A_653 = arith.constant 4 : i32
        %swap3A_654 = arith.index_cast %swap3A_653 : i32 to index
        %swap3A_655 = arith.index_cast %scan3A_491 : i32 to index
        %swap3A_656 = arith.constant 96 : index
        %swap3A_657 = tpu.vector_load %arg6[%swap3A_654, %swap3A_655, %swap3A_656] {strides = array<i32>} : memref<5x128x128xf32, #tpu.memory_space<vmem>>, vector<1x1x16xf32>,
        %swap3A_658 = vector.shape_cast %swap3A_657 : vector<1x1x16xf32> to vector<16xf32>
        %swap3A_659 = vector.shape_cast %mul3A_652 : vector<16xf32> to vector<1x1x16xf32>
        tpu.vector_store %arg6[%swap3A_654, %swap3A_655, %swap3A_656], %swap3A_659 {strides = array<i32>} : memref<5x128x128xf32, #tpu.memory_space<vmem>>, vector<1x1x16xf32>,
        %mul3A_660 = arith.mulf %get3A_555, %mul3A_603 : vector<16xf32>
        %swap3A_661 = arith.constant 4 : i32
        %swap3A_662 = arith.index_cast %swap3A_661 : i32 to index
        %swap3A_663 = arith.index_cast %scan3A_491 : i32 to index
        %swap3A_664 = arith.constant 112 : index
        %swap3A_665 = tpu.vector_load %arg6[%swap3A_662, %swap3A_663, %swap3A_664] {strides = array<i32>} : memref<5x128x128xf32, #tpu.memory_space<vmem>>, vector<1x1x16xf32>,
        %swap3A_666 = vector.shape_cast %swap3A_665 : vector<1x1x16xf32> to vector<16xf32>
        %swap3A_667 = vector.shape_cast %mul3A_660 : vector<16xf32> to vector<1x1x16xf32>
        tpu.vector_store %arg6[%swap3A_662, %swap3A_663, %swap3A_664], %swap3A_667 {strides = array<i32>} : memref<5x128x128xf32, #tpu.memory_space<vmem>>, vector<1x1x16xf32>,
        %scan3A_668 = arith.constant 2 : i32
        %scan3A_669 = arith.addi %scan3A_323, %scan3A_668 : i32
        %broadcast_in_dim3A_670 = arith.constant 0.000000e+00 : f32
        %broadcast_in_dim3A_671 = vector.broadcast %broadcast_in_dim3A_670 : f32 to vector<16xf32>
        %get3A_672 = arith.constant 4 : i32
        %get3A_673 = arith.index_cast %get3A_672 : i32 to index
        %get3A_674 = arith.index_cast %scan3A_669 : i32 to index
        %get3A_675 = arith.constant 0 : index
        %get3A_676 = tpu.vector_load %arg6[%get3A_673, %get3A_674, %get3A_675] {strides = array<i32>} : memref<5x128x128xf32, #tpu.memory_space<vmem>>, vector<1x1x16xf32>,
        %get3A_677 = vector.shape_cast %get3A_676 : vector<1x1x16xf32> to vector<16xf32>
        %mul3A_678 = arith.mulf %get3A_677, %get3A_677 : vector<16xf32>
        %add3A_679 = arith.addf %broadcast_in_dim3A_671, %mul3A_678 : vector<16xf32>
        %get3A_680 = arith.constant 4 : i32
        %get3A_681 = arith.index_cast %get3A_680 : i32 to index
        %get3A_682 = arith.index_cast %scan3A_669 : i32 to index
        %get3A_683 = arith.constant 16 : index
        %get3A_684 = tpu.vector_load %arg6[%get3A_681, %get3A_682, %get3A_683] {strides = array<i32>} : memref<5x128x128xf32, #tpu.memory_space<vmem>>, vector<1x1x16xf32>,
        %get3A_685 = vector.shape_cast %get3A_684 : vector<1x1x16xf32> to vector<16xf32>
        %mul3A_686 = arith.mulf %get3A_685, %get3A_685 : vector<16xf32>
        %add3A_687 = arith.addf %add3A_679, %mul3A_686 : vector<16xf32>
        %get3A_688 = arith.constant 4 : i32
        %get3A_689 = arith.index_cast %get3A_688 : i32 to index
        %get3A_690 = arith.index_cast %scan3A_669 : i32 to index
        %get3A_691 = arith.constant 32 : index
        %get3A_692 = tpu.vector_load %arg6[%get3A_689, %get3A_690, %get3A_691] {strides = array<i32>} : memref<5x128x128xf32, #tpu.memory_space<vmem>>, vector<1x1x16xf32>,
        %get3A_693 = vector.shape_cast %get3A_692 : vector<1x1x16xf32> to vector<16xf32>
        %mul3A_694 = arith.mulf %get3A_693, %get3A_693 : vector<16xf32>
        %add3A_695 = arith.addf %add3A_687, %mul3A_694 : vector<16xf32>
        %get3A_696 = arith.constant 4 : i32
        %get3A_697 = arith.index_cast %get3A_696 : i32 to index
        %get3A_698 = arith.index_cast %scan3A_669 : i32 to index
        %get3A_699 = arith.constant 48 : index
        %get3A_700 = tpu.vector_load %arg6[%get3A_697, %get3A_698, %get3A_699] {strides = array<i32>} : memref<5x128x128xf32, #tpu.memory_space<vmem>>, vector<1x1x16xf32>,
        %get3A_701 = vector.shape_cast %get3A_700 : vector<1x1x16xf32> to vector<16xf32>
        %mul3A_702 = arith.mulf %get3A_701, %get3A_701 : vector<16xf32>
        %add3A_703 = arith.addf %add3A_695, %mul3A_702 : vector<16xf32>
        %get3A_704 = arith.constant 4 : i32
        %get3A_705 = arith.index_cast %get3A_704 : i32 to index
        %get3A_706 = arith.index_cast %scan3A_669 : i32 to index
        %get3A_707 = arith.constant 64 : index
        %get3A_708 = tpu.vector_load %arg6[%get3A_705, %get3A_706, %get3A_707] {strides = array<i32>} : memref<5x128x128xf32, #tpu.memory_space<vmem>>, vector<1x1x16xf32>,
        %get3A_709 = vector.shape_cast %get3A_708 : vector<1x1x16xf32> to vector<16xf32>
        %mul3A_710 = arith.mulf %get3A_709, %get3A_709 : vector<16xf32>
        %add3A_711 = arith.addf %add3A_703, %mul3A_710 : vector<16xf32>
        %get3A_712 = arith.constant 4 : i32
        %get3A_713 = arith.index_cast %get3A_712 : i32 to index
        %get3A_714 = arith.index_cast %scan3A_669 : i32 to index
        %get3A_715 = arith.constant 80 : index
        %get3A_716 = tpu.vector_load %arg6[%get3A_713, %get3A_714, %get3A_715] {strides = array<i32>} : memref<5x128x128xf32, #tpu.memory_space<vmem>>, vector<1x1x16xf32>,
        %get3A_717 = vector.shape_cast %get3A_716 : vector<1x1x16xf32> to vector<16xf32>
        %mul3A_718 = arith.mulf %get3A_717, %get3A_717 : vector<16xf32>
        %add3A_719 = arith.addf %add3A_711, %mul3A_718 : vector<16xf32>
        %get3A_720 = arith.constant 4 : i32
        %get3A_721 = arith.index_cast %get3A_720 : i32 to index
        %get3A_722 = arith.index_cast %scan3A_669 : i32 to index
        %get3A_723 = arith.constant 96 : index
        %get3A_724 = tpu.vector_load %arg6[%get3A_721, %get3A_722, %get3A_723] {strides = array<i32>} : memref<5x128x128xf32, #tpu.memory_space<vmem>>, vector<1x1x16xf32>,
        %get3A_725 = vector.shape_cast %get3A_724 : vector<1x1x16xf32> to vector<16xf32>
        %mul3A_726 = arith.mulf %get3A_725, %get3A_725 : vector<16xf32>
        %add3A_727 = arith.addf %add3A_719, %mul3A_726 : vector<16xf32>
        %get3A_728 = arith.constant 4 : i32
        %get3A_729 = arith.index_cast %get3A_728 : i32 to index
        %get3A_730 = arith.index_cast %scan3A_669 : i32 to index
        %get3A_731 = arith.constant 112 : index
        %get3A_732 = tpu.vector_load %arg6[%get3A_729, %get3A_730, %get3A_731] {strides = array<i32>} : memref<5x128x128xf32, #tpu.memory_space<vmem>>, vector<1x1x16xf32>,
        %get3A_733 = vector.shape_cast %get3A_732 : vector<1x1x16xf32> to vector<16xf32>
        %mul3A_734 = arith.mulf %get3A_733, %get3A_733 : vector<16xf32>
        %add3A_735 = arith.addf %add3A_727, %mul3A_734 : vector<16xf32>
        %iota3A_736 = tpu.iota {dimensions = array<i32: 0>} : vector<16xi32>
        %xor3A_737 = arith.constant 8 : i32
        %xor3A_738 = vector.broadcast %xor3A_737 : i32 to vector<16xi32>
        %xor3A_739 = arith.xori %iota3A_736, %xor3A_738 : vector<16xi32>
        %reshape3A_740 = vector.shape_cast %xor3A_739 : vector<16xi32> to vector<16x1xi32>
        %gather3A_741 = vector.shape_cast %reshape3A_740 : vector<16x1xi32> to vector<16xi32>
        %gather3A_742 = tpu.dynamic_gather %add3A_735[%gather3A_741] in [0] : vector<16xf32>, vector<16xi32> -> vector<16xf32>
        %add3A_743 = arith.addf %add3A_735, %gather3A_742 : vector<16xf32>
        %xor3A_744 = arith.constant 4 : i32
        %xor3A_745 = vector.broadcast %xor3A_744 : i32 to vector<16xi32>
        %xor3A_746 = arith.xori %iota3A_736, %xor3A_745 : vector<16xi32>
        %reshape3A_747 = vector.shape_cast %xor3A_746 : vector<16xi32> to vector<16x1xi32>
        %gather3A_748 = vector.shape_cast %reshape3A_747 : vector<16x1xi32> to vector<16xi32>
        %gather3A_749 = tpu.dynamic_gather %add3A_743[%gather3A_748] in [0] : vector<16xf32>, vector<16xi32> -> vector<16xf32>
        %add3A_750 = arith.addf %add3A_743, %gather3A_749 : vector<16xf32>
        %xor3A_751 = arith.constant 2 : i32
        %xor3A_752 = vector.broadcast %xor3A_751 : i32 to vector<16xi32>
        %xor3A_753 = arith.xori %iota3A_736, %xor3A_752 : vector<16xi32>
        %reshape3A_754 = vector.shape_cast %xor3A_753 : vector<16xi32> to vector<16x1xi32>
        %gather3A_755 = vector.shape_cast %reshape3A_754 : vector<16x1xi32> to vector<16xi32>
        %gather3A_756 = tpu.dynamic_gather %add3A_750[%gather3A_755] in [0] : vector<16xf32>, vector<16xi32> -> vector<16xf32>
        %add3A_757 = arith.addf %add3A_750, %gather3A_756 : vector<16xf32>
        %xor3A_758 = arith.constant 1 : i32
        %xor3A_759 = vector.broadcast %xor3A_758 : i32 to vector<16xi32>
        %xor3A_760 = arith.xori %iota3A_736, %xor3A_759 : vector<16xi32>
        %reshape3A_761 = vector.shape_cast %xor3A_760 : vector<16xi32> to vector<16x1xi32>
        %gather3A_762 = vector.shape_cast %reshape3A_761 : vector<16x1xi32> to vector<16xi32>
        %gather3A_763 = tpu.dynamic_gather %add3A_757[%gather3A_762] in [0] : vector<16xf32>, vector<16xi32> -> vector<16xf32>
        %add3A_764 = arith.addf %add3A_757, %gather3A_763 : vector<16xf32>
        %bitcast_convert_type3A_765 = tpu.bitcast %add3A_764 : vector<16xf32> -> vector<16xi32>
        %shift_right_logical3A_766 = arith.constant 1 : i32
        %shift_right_logical3A_767 = vector.broadcast %shift_right_logical3A_766 : i32 to vector<16xi32>
        %shift_right_logical3A_768 = arith.shrui %bitcast_convert_type3A_765, %shift_right_logical3A_767 : vector<16xi32>
        %sub3A_769 = arith.constant 1597463007 : i32
        %sub3A_770 = vector.broadcast %sub3A_769 : i32 to vector<16xi32>
        %sub3A_771 = arith.subi %sub3A_770, %shift_right_logical3A_768 : vector<16xi32>
        %bitcast_convert_type3A_772 = tpu.bitcast %sub3A_771 : vector<16xi32> -> vector<16xf32>
        %mul3A_773 = arith.constant 5.000000e-01 : f32
        %mul3A_774 = vector.broadcast %mul3A_773 : f32 to vector<16xf32>
        %mul3A_775 = arith.mulf %add3A_764, %mul3A_774 : vector<16xf32>
        %mul3A_776 = arith.mulf %mul3A_775, %bitcast_convert_type3A_772 : vector<16xf32>
        %mul3A_777 = arith.mulf %mul3A_776, %bitcast_convert_type3A_772 : vector<16xf32>
        %sub3A_778 = arith.constant 1.500000e+00 : f32
        %sub3A_779 = vector.broadcast %sub3A_778 : f32 to vector<16xf32>
        %sub3A_780 = arith.subf %sub3A_779, %mul3A_777 : vector<16xf32>
        %mul3A_781 = arith.mulf %bitcast_convert_type3A_772, %sub3A_780 : vector<16xf32>
        %mul3A_782 = arith.mulf %get3A_677, %mul3A_781 : vector<16xf32>
        %swap3A_783 = arith.constant 4 : i32
        %swap3A_784 = arith.index_cast %swap3A_783 : i32 to index
        %swap3A_785 = arith.index_cast %scan3A_669 : i32 to index
        %swap3A_786 = arith.constant 0 : index
        %swap3A_787 = tpu.vector_load %arg6[%swap3A_784, %swap3A_785, %swap3A_786] {strides = array<i32>} : memref<5x128x128xf32, #tpu.memory_space<vmem>>, vector<1x1x16xf32>,
        %swap3A_788 = vector.shape_cast %swap3A_787 : vector<1x1x16xf32> to vector<16xf32>
        %swap3A_789 = vector.shape_cast %mul3A_782 : vector<16xf32> to vector<1x1x16xf32>
        tpu.vector_store %arg6[%swap3A_784, %swap3A_785, %swap3A_786], %swap3A_789 {strides = array<i32>} : memref<5x128x128xf32, #tpu.memory_space<vmem>>, vector<1x1x16xf32>,
        %mul3A_790 = arith.mulf %get3A_685, %mul3A_781 : vector<16xf32>
        %swap3A_791 = arith.constant 4 : i32
        %swap3A_792 = arith.index_cast %swap3A_791 : i32 to index
        %swap3A_793 = arith.index_cast %scan3A_669 : i32 to index
        %swap3A_794 = arith.constant 16 : index
        %swap3A_795 = tpu.vector_load %arg6[%swap3A_792, %swap3A_793, %swap3A_794] {strides = array<i32>} : memref<5x128x128xf32, #tpu.memory_space<vmem>>, vector<1x1x16xf32>,
        %swap3A_796 = vector.shape_cast %swap3A_795 : vector<1x1x16xf32> to vector<16xf32>
        %swap3A_797 = vector.shape_cast %mul3A_790 : vector<16xf32> to vector<1x1x16xf32>
        tpu.vector_store %arg6[%swap3A_792, %swap3A_793, %swap3A_794], %swap3A_797 {strides = array<i32>} : memref<5x128x128xf32, #tpu.memory_space<vmem>>, vector<1x1x16xf32>,
        %mul3A_798 = arith.mulf %get3A_693, %mul3A_781 : vector<16xf32>
        %swap3A_799 = arith.constant 4 : i32
        %swap3A_800 = arith.index_cast %swap3A_799 : i32 to index
        %swap3A_801 = arith.index_cast %scan3A_669 : i32 to index
        %swap3A_802 = arith.constant 32 : index
        %swap3A_803 = tpu.vector_load %arg6[%swap3A_800, %swap3A_801, %swap3A_802] {strides = array<i32>} : memref<5x128x128xf32, #tpu.memory_space<vmem>>, vector<1x1x16xf32>,
        %swap3A_804 = vector.shape_cast %swap3A_803 : vector<1x1x16xf32> to vector<16xf32>
        %swap3A_805 = vector.shape_cast %mul3A_798 : vector<16xf32> to vector<1x1x16xf32>
        tpu.vector_store %arg6[%swap3A_800, %swap3A_801, %swap3A_802], %swap3A_805 {strides = array<i32>} : memref<5x128x128xf32, #tpu.memory_space<vmem>>, vector<1x1x16xf32>,
        %mul3A_806 = arith.mulf %get3A_701, %mul3A_781 : vector<16xf32>
        %swap3A_807 = arith.constant 4 : i32
        %swap3A_808 = arith.index_cast %swap3A_807 : i32 to index
        %swap3A_809 = arith.index_cast %scan3A_669 : i32 to index
        %swap3A_810 = arith.constant 48 : index
        %swap3A_811 = tpu.vector_load %arg6[%swap3A_808, %swap3A_809, %swap3A_810] {strides = array<i32>} : memref<5x128x128xf32, #tpu.memory_space<vmem>>, vector<1x1x16xf32>,
        %swap3A_812 = vector.shape_cast %swap3A_811 : vector<1x1x16xf32> to vector<16xf32>
        %swap3A_813 = vector.shape_cast %mul3A_806 : vector<16xf32> to vector<1x1x16xf32>
        tpu.vector_store %arg6[%swap3A_808, %swap3A_809, %swap3A_810], %swap3A_813 {strides = array<i32>} : memref<5x128x128xf32, #tpu.memory_space<vmem>>, vector<1x1x16xf32>,
        %mul3A_814 = arith.mulf %get3A_709, %mul3A_781 : vector<16xf32>
        %swap3A_815 = arith.constant 4 : i32
        %swap3A_816 = arith.index_cast %swap3A_815 : i32 to index
        %swap3A_817 = arith.index_cast %scan3A_669 : i32 to index
        %swap3A_818 = arith.constant 64 : index
        %swap3A_819 = tpu.vector_load %arg6[%swap3A_816, %swap3A_817, %swap3A_818] {strides = array<i32>} : memref<5x128x128xf32, #tpu.memory_space<vmem>>, vector<1x1x16xf32>,
        %swap3A_820 = vector.shape_cast %swap3A_819 : vector<1x1x16xf32> to vector<16xf32>
        %swap3A_821 = vector.shape_cast %mul3A_814 : vector<16xf32> to vector<1x1x16xf32>
        tpu.vector_store %arg6[%swap3A_816, %swap3A_817, %swap3A_818], %swap3A_821 {strides = array<i32>} : memref<5x128x128xf32, #tpu.memory_space<vmem>>, vector<1x1x16xf32>,
        %mul3A_822 = arith.mulf %get3A_717, %mul3A_781 : vector<16xf32>
        %swap3A_823 = arith.constant 4 : i32
        %swap3A_824 = arith.index_cast %swap3A_823 : i32 to index
        %swap3A_825 = arith.index_cast %scan3A_669 : i32 to index
        %swap3A_826 = arith.constant 80 : index
        %swap3A_827 = tpu.vector_load %arg6[%swap3A_824, %swap3A_825, %swap3A_826] {strides = array<i32>} : memref<5x128x128xf32, #tpu.memory_space<vmem>>, vector<1x1x16xf32>,
        %swap3A_828 = vector.shape_cast %swap3A_827 : vector<1x1x16xf32> to vector<16xf32>
        %swap3A_829 = vector.shape_cast %mul3A_822 : vector<16xf32> to vector<1x1x16xf32>
        tpu.vector_store %arg6[%swap3A_824, %swap3A_825, %swap3A_826], %swap3A_829 {strides = array<i32>} : memref<5x128x128xf32, #tpu.memory_space<vmem>>, vector<1x1x16xf32>,
        %mul3A_830 = arith.mulf %get3A_725, %mul3A_781 : vector<16xf32>
        %swap3A_831 = arith.constant 4 : i32
        %swap3A_832 = arith.index_cast %swap3A_831 : i32 to index
        %swap3A_833 = arith.index_cast %scan3A_669 : i32 to index
        %swap3A_834 = arith.constant 96 : index
        %swap3A_835 = tpu.vector_load %arg6[%swap3A_832, %swap3A_833, %swap3A_834] {strides = array<i32>} : memref<5x128x128xf32, #tpu.memory_space<vmem>>, vector<1x1x16xf32>,
        %swap3A_836 = vector.shape_cast %swap3A_835 : vector<1x1x16xf32> to vector<16xf32>
        %swap3A_837 = vector.shape_cast %mul3A_830 : vector<16xf32> to vector<1x1x16xf32>
        tpu.vector_store %arg6[%swap3A_832, %swap3A_833, %swap3A_834], %swap3A_837 {strides = array<i32>} : memref<5x128x128xf32, #tpu.memory_space<vmem>>, vector<1x1x16xf32>,
        %mul3A_838 = arith.mulf %get3A_733, %mul3A_781 : vector<16xf32>
        %swap3A_839 = arith.constant 4 : i32
        %swap3A_840 = arith.index_cast %swap3A_839 : i32 to index
        %swap3A_841 = arith.index_cast %scan3A_669 : i32 to index
        %swap3A_842 = arith.constant 112 : index
        %swap3A_843 = tpu.vector_load %arg6[%swap3A_840, %swap3A_841, %swap3A_842] {strides = array<i32>} : memref<5x128x128xf32, #tpu.memory_space<vmem>>, vector<1x1x16xf32>,
        %swap3A_844 = vector.shape_cast %swap3A_843 : vector<1x1x16xf32> to vector<16xf32>
        %swap3A_845 = vector.shape_cast %mul3A_838 : vector<16xf32> to vector<1x1x16xf32>
        tpu.vector_store %arg6[%swap3A_840, %swap3A_841, %swap3A_842], %swap3A_845 {strides = array<i32>} : memref<5x128x128xf32, #tpu.memory_space<vmem>>, vector<1x1x16xf32>,
        %scan3A_846 = arith.constant 3 : i32
        %scan3A_847 = arith.addi %scan3A_323, %scan3A_846 : i32
        %broadcast_in_dim3A_848 = arith.constant 0.000000e+00 : f32
        %broadcast_in_dim3A_849 = vector.broadcast %broadcast_in_dim3A_848 : f32 to vector<16xf32>
        %get3A_850 = arith.constant 4 : i32
        %get3A_851 = arith.index_cast %get3A_850 : i32 to index
        %get3A_852 = arith.index_cast %scan3A_847 : i32 to index
        %get3A_853 = arith.constant 0 : index
        %get3A_854 = tpu.vector_load %arg6[%get3A_851, %get3A_852, %get3A_853] {strides = array<i32>} : memref<5x128x128xf32, #tpu.memory_space<vmem>>, vector<1x1x16xf32>,
        %get3A_855 = vector.shape_cast %get3A_854 : vector<1x1x16xf32> to vector<16xf32>
        %mul3A_856 = arith.mulf %get3A_855, %get3A_855 : vector<16xf32>
        %add3A_857 = arith.addf %broadcast_in_dim3A_849, %mul3A_856 : vector<16xf32>
        %get3A_858 = arith.constant 4 : i32
        %get3A_859 = arith.index_cast %get3A_858 : i32 to index
        %get3A_860 = arith.index_cast %scan3A_847 : i32 to index
        %get3A_861 = arith.constant 16 : index
        %get3A_862 = tpu.vector_load %arg6[%get3A_859, %get3A_860, %get3A_861] {strides = array<i32>} : memref<5x128x128xf32, #tpu.memory_space<vmem>>, vector<1x1x16xf32>,
        %get3A_863 = vector.shape_cast %get3A_862 : vector<1x1x16xf32> to vector<16xf32>
        %mul3A_864 = arith.mulf %get3A_863, %get3A_863 : vector<16xf32>
        %add3A_865 = arith.addf %add3A_857, %mul3A_864 : vector<16xf32>
        %get3A_866 = arith.constant 4 : i32
        %get3A_867 = arith.index_cast %get3A_866 : i32 to index
        %get3A_868 = arith.index_cast %scan3A_847 : i32 to index
        %get3A_869 = arith.constant 32 : index
        %get3A_870 = tpu.vector_load %arg6[%get3A_867, %get3A_868, %get3A_869] {strides = array<i32>} : memref<5x128x128xf32, #tpu.memory_space<vmem>>, vector<1x1x16xf32>,
        %get3A_871 = vector.shape_cast %get3A_870 : vector<1x1x16xf32> to vector<16xf32>
        %mul3A_872 = arith.mulf %get3A_871, %get3A_871 : vector<16xf32>
        %add3A_873 = arith.addf %add3A_865, %mul3A_872 : vector<16xf32>
        %get3A_874 = arith.constant 4 : i32
        %get3A_875 = arith.index_cast %get3A_874 : i32 to index
        %get3A_876 = arith.index_cast %scan3A_847 : i32 to index
        %get3A_877 = arith.constant 48 : index
        %get3A_878 = tpu.vector_load %arg6[%get3A_875, %get3A_876, %get3A_877] {strides = array<i32>} : memref<5x128x128xf32, #tpu.memory_space<vmem>>, vector<1x1x16xf32>,
        %get3A_879 = vector.shape_cast %get3A_878 : vector<1x1x16xf32> to vector<16xf32>
        %mul3A_880 = arith.mulf %get3A_879, %get3A_879 : vector<16xf32>
        %add3A_881 = arith.addf %add3A_873, %mul3A_880 : vector<16xf32>
        %get3A_882 = arith.constant 4 : i32
        %get3A_883 = arith.index_cast %get3A_882 : i32 to index
        %get3A_884 = arith.index_cast %scan3A_847 : i32 to index
        %get3A_885 = arith.constant 64 : index
        %get3A_886 = tpu.vector_load %arg6[%get3A_883, %get3A_884, %get3A_885] {strides = array<i32>} : memref<5x128x128xf32, #tpu.memory_space<vmem>>, vector<1x1x16xf32>,
        %get3A_887 = vector.shape_cast %get3A_886 : vector<1x1x16xf32> to vector<16xf32>
        %mul3A_888 = arith.mulf %get3A_887, %get3A_887 : vector<16xf32>
        %add3A_889 = arith.addf %add3A_881, %mul3A_888 : vector<16xf32>
        %get3A_890 = arith.constant 4 : i32
        %get3A_891 = arith.index_cast %get3A_890 : i32 to index
        %get3A_892 = arith.index_cast %scan3A_847 : i32 to index
        %get3A_893 = arith.constant 80 : index
        %get3A_894 = tpu.vector_load %arg6[%get3A_891, %get3A_892, %get3A_893] {strides = array<i32>} : memref<5x128x128xf32, #tpu.memory_space<vmem>>, vector<1x1x16xf32>,
        %get3A_895 = vector.shape_cast %get3A_894 : vector<1x1x16xf32> to vector<16xf32>
        %mul3A_896 = arith.mulf %get3A_895, %get3A_895 : vector<16xf32>
        %add3A_897 = arith.addf %add3A_889, %mul3A_896 : vector<16xf32>
        %get3A_898 = arith.constant 4 : i32
        %get3A_899 = arith.index_cast %get3A_898 : i32 to index
        %get3A_900 = arith.index_cast %scan3A_847 : i32 to index
        %get3A_901 = arith.constant 96 : index
        %get3A_902 = tpu.vector_load %arg6[%get3A_899, %get3A_900, %get3A_901] {strides = array<i32>} : memref<5x128x128xf32, #tpu.memory_space<vmem>>, vector<1x1x16xf32>,
        %get3A_903 = vector.shape_cast %get3A_902 : vector<1x1x16xf32> to vector<16xf32>
        %mul3A_904 = arith.mulf %get3A_903, %get3A_903 : vector<16xf32>
        %add3A_905 = arith.addf %add3A_897, %mul3A_904 : vector<16xf32>
        %get3A_906 = arith.constant 4 : i32
        %get3A_907 = arith.index_cast %get3A_906 : i32 to index
        %get3A_908 = arith.index_cast %scan3A_847 : i32 to index
        %get3A_909 = arith.constant 112 : index
        %get3A_910 = tpu.vector_load %arg6[%get3A_907, %get3A_908, %get3A_909] {strides = array<i32>} : memref<5x128x128xf32, #tpu.memory_space<vmem>>, vector<1x1x16xf32>,
        %get3A_911 = vector.shape_cast %get3A_910 : vector<1x1x16xf32> to vector<16xf32>
        %mul3A_912 = arith.mulf %get3A_911, %get3A_911 : vector<16xf32>
        %add3A_913 = arith.addf %add3A_905, %mul3A_912 : vector<16xf32>
        %iota3A_914 = tpu.iota {dimensions = array<i32: 0>} : vector<16xi32>
        %xor3A_915 = arith.constant 8 : i32
        %xor3A_916 = vector.broadcast %xor3A_915 : i32 to vector<16xi32>
        %xor3A_917 = arith.xori %iota3A_914, %xor3A_916 : vector<16xi32>
        %reshape3A_918 = vector.shape_cast %xor3A_917 : vector<16xi32> to vector<16x1xi32>
        %gather3A_919 = vector.shape_cast %reshape3A_918 : vector<16x1xi32> to vector<16xi32>
        %gather3A_920 = tpu.dynamic_gather %add3A_913[%gather3A_919] in [0] : vector<16xf32>, vector<16xi32> -> vector<16xf32>
        %add3A_921 = arith.addf %add3A_913, %gather3A_920 : vector<16xf32>
        %xor3A_922 = arith.constant 4 : i32
        %xor3A_923 = vector.broadcast %xor3A_922 : i32 to vector<16xi32>
        %xor3A_924 = arith.xori %iota3A_914, %xor3A_923 : vector<16xi32>
        %reshape3A_925 = vector.shape_cast %xor3A_924 : vector<16xi32> to vector<16x1xi32>
        %gather3A_926 = vector.shape_cast %reshape3A_925 : vector<16x1xi32> to vector<16xi32>
        %gather3A_927 = tpu.dynamic_gather %add3A_921[%gather3A_926] in [0] : vector<16xf32>, vector<16xi32> -> vector<16xf32>
        %add3A_928 = arith.addf %add3A_921, %gather3A_927 : vector<16xf32>
        %xor3A_929 = arith.constant 2 : i32
        %xor3A_930 = vector.broadcast %xor3A_929 : i32 to vector<16xi32>
        %xor3A_931 = arith.xori %iota3A_914, %xor3A_930 : vector<16xi32>
        %reshape3A_932 = vector.shape_cast %xor3A_931 : vector<16xi32> to vector<16x1xi32>
        %gather3A_933 = vector.shape_cast %reshape3A_932 : vector<16x1xi32> to vector<16xi32>
        %gather3A_934 = tpu.dynamic_gather %add3A_928[%gather3A_933] in [0] : vector<16xf32>, vector<16xi32> -> vector<16xf32>
        %add3A_935 = arith.addf %add3A_928, %gather3A_934 : vector<16xf32>
        %xor3A_936 = arith.constant 1 : i32
        %xor3A_937 = vector.broadcast %xor3A_936 : i32 to vector<16xi32>
        %xor3A_938 = arith.xori %iota3A_914, %xor3A_937 : vector<16xi32>
        %reshape3A_939 = vector.shape_cast %xor3A_938 : vector<16xi32> to vector<16x1xi32>
        %gather3A_940 = vector.shape_cast %reshape3A_939 : vector<16x1xi32> to vector<16xi32>
        %gather3A_941 = tpu.dynamic_gather %add3A_935[%gather3A_940] in [0] : vector<16xf32>, vector<16xi32> -> vector<16xf32>
        %add3A_942 = arith.addf %add3A_935, %gather3A_941 : vector<16xf32>
        %bitcast_convert_type3A_943 = tpu.bitcast %add3A_942 : vector<16xf32> -> vector<16xi32>
        %shift_right_logical3A_944 = arith.constant 1 : i32
        %shift_right_logical3A_945 = vector.broadcast %shift_right_logical3A_944 : i32 to vector<16xi32>
        %shift_right_logical3A_946 = arith.shrui %bitcast_convert_type3A_943, %shift_right_logical3A_945 : vector<16xi32>
        %sub3A_947 = arith.constant 1597463007 : i32
        %sub3A_948 = vector.broadcast %sub3A_947 : i32 to vector<16xi32>
        %sub3A_949 = arith.subi %sub3A_948, %shift_right_logical3A_946 : vector<16xi32>
        %bitcast_convert_type3A_950 = tpu.bitcast %sub3A_949 : vector<16xi32> -> vector<16xf32>
        %mul3A_951 = arith.constant 5.000000e-01 : f32
        %mul3A_952 = vector.broadcast %mul3A_951 : f32 to vector<16xf32>
        %mul3A_953 = arith.mulf %add3A_942, %mul3A_952 : vector<16xf32>
        %mul3A_954 = arith.mulf %mul3A_953, %bitcast_convert_type3A_950 : vector<16xf32>
        %mul3A_955 = arith.mulf %mul3A_954, %bitcast_convert_type3A_950 : vector<16xf32>
        %sub3A_956 = arith.constant 1.500000e+00 : f32
        %sub3A_957 = vector.broadcast %sub3A_956 : f32 to vector<16xf32>
        %sub3A_958 = arith.subf %sub3A_957, %mul3A_955 : vector<16xf32>
        %mul3A_959 = arith.mulf %bitcast_convert_type3A_950, %sub3A_958 : vector<16xf32>
        %mul3A_960 = arith.mulf %get3A_855, %mul3A_959 : vector<16xf32>
        %swap3A_961 = arith.constant 4 : i32
        %swap3A_962 = arith.index_cast %swap3A_961 : i32 to index
        %swap3A_963 = arith.index_cast %scan3A_847 : i32 to index
        %swap3A_964 = arith.constant 0 : index
        %swap3A_965 = tpu.vector_load %arg6[%swap3A_962, %swap3A_963, %swap3A_964] {strides = array<i32>} : memref<5x128x128xf32, #tpu.memory_space<vmem>>, vector<1x1x16xf32>,
        %swap3A_966 = vector.shape_cast %swap3A_965 : vector<1x1x16xf32> to vector<16xf32>
        %swap3A_967 = vector.shape_cast %mul3A_960 : vector<16xf32> to vector<1x1x16xf32>
        tpu.vector_store %arg6[%swap3A_962, %swap3A_963, %swap3A_964], %swap3A_967 {strides = array<i32>} : memref<5x128x128xf32, #tpu.memory_space<vmem>>, vector<1x1x16xf32>,
        %mul3A_968 = arith.mulf %get3A_863, %mul3A_959 : vector<16xf32>
        %swap3A_969 = arith.constant 4 : i32
        %swap3A_970 = arith.index_cast %swap3A_969 : i32 to index
        %swap3A_971 = arith.index_cast %scan3A_847 : i32 to index
        %swap3A_972 = arith.constant 16 : index
        %swap3A_973 = tpu.vector_load %arg6[%swap3A_970, %swap3A_971, %swap3A_972] {strides = array<i32>} : memref<5x128x128xf32, #tpu.memory_space<vmem>>, vector<1x1x16xf32>,
        %swap3A_974 = vector.shape_cast %swap3A_973 : vector<1x1x16xf32> to vector<16xf32>
        %swap3A_975 = vector.shape_cast %mul3A_968 : vector<16xf32> to vector<1x1x16xf32>
        tpu.vector_store %arg6[%swap3A_970, %swap3A_971, %swap3A_972], %swap3A_975 {strides = array<i32>} : memref<5x128x128xf32, #tpu.memory_space<vmem>>, vector<1x1x16xf32>,
        %mul3A_976 = arith.mulf %get3A_871, %mul3A_959 : vector<16xf32>
        %swap3A_977 = arith.constant 4 : i32
        %swap3A_978 = arith.index_cast %swap3A_977 : i32 to index
        %swap3A_979 = arith.index_cast %scan3A_847 : i32 to index
        %swap3A_980 = arith.constant 32 : index
        %swap3A_981 = tpu.vector_load %arg6[%swap3A_978, %swap3A_979, %swap3A_980] {strides = array<i32>} : memref<5x128x128xf32, #tpu.memory_space<vmem>>, vector<1x1x16xf32>,
        %swap3A_982 = vector.shape_cast %swap3A_981 : vector<1x1x16xf32> to vector<16xf32>
        %swap3A_983 = vector.shape_cast %mul3A_976 : vector<16xf32> to vector<1x1x16xf32>
        tpu.vector_store %arg6[%swap3A_978, %swap3A_979, %swap3A_980], %swap3A_983 {strides = array<i32>} : memref<5x128x128xf32, #tpu.memory_space<vmem>>, vector<1x1x16xf32>,
        %mul3A_984 = arith.mulf %get3A_879, %mul3A_959 : vector<16xf32>
        %swap3A_985 = arith.constant 4 : i32
        %swap3A_986 = arith.index_cast %swap3A_985 : i32 to index
        %swap3A_987 = arith.index_cast %scan3A_847 : i32 to index
        %swap3A_988 = arith.constant 48 : index
        %swap3A_989 = tpu.vector_load %arg6[%swap3A_986, %swap3A_987, %swap3A_988] {strides = array<i32>} : memref<5x128x128xf32, #tpu.memory_space<vmem>>, vector<1x1x16xf32>,
        %swap3A_990 = vector.shape_cast %swap3A_989 : vector<1x1x16xf32> to vector<16xf32>
        %swap3A_991 = vector.shape_cast %mul3A_984 : vector<16xf32> to vector<1x1x16xf32>
        tpu.vector_store %arg6[%swap3A_986, %swap3A_987, %swap3A_988], %swap3A_991 {strides = array<i32>} : memref<5x128x128xf32, #tpu.memory_space<vmem>>, vector<1x1x16xf32>,
        %mul3A_992 = arith.mulf %get3A_887, %mul3A_959 : vector<16xf32>
        %swap3A_993 = arith.constant 4 : i32
        %swap3A_994 = arith.index_cast %swap3A_993 : i32 to index
        %swap3A_995 = arith.index_cast %scan3A_847 : i32 to index
        %swap3A_996 = arith.constant 64 : index
        %swap3A_997 = tpu.vector_load %arg6[%swap3A_994, %swap3A_995, %swap3A_996] {strides = array<i32>} : memref<5x128x128xf32, #tpu.memory_space<vmem>>, vector<1x1x16xf32>,
        %swap3A_998 = vector.shape_cast %swap3A_997 : vector<1x1x16xf32> to vector<16xf32>
        %swap3A_999 = vector.shape_cast %mul3A_992 : vector<16xf32> to vector<1x1x16xf32>
        tpu.vector_store %arg6[%swap3A_994, %swap3A_995, %swap3A_996], %swap3A_999 {strides = array<i32>} : memref<5x128x128xf32, #tpu.memory_space<vmem>>, vector<1x1x16xf32>,
        %mul3A_1000 = arith.mulf %get3A_895, %mul3A_959 : vector<16xf32>
        %swap3A_1001 = arith.constant 4 : i32
        %swap3A_1002 = arith.index_cast %swap3A_1001 : i32 to index
        %swap3A_1003 = arith.index_cast %scan3A_847 : i32 to index
        %swap3A_1004 = arith.constant 80 : index
        %swap3A_1005 = tpu.vector_load %arg6[%swap3A_1002, %swap3A_1003, %swap3A_1004] {strides = array<i32>} : memref<5x128x128xf32, #tpu.memory_space<vmem>>, vector<1x1x16xf32>,
        %swap3A_1006 = vector.shape_cast %swap3A_1005 : vector<1x1x16xf32> to vector<16xf32>
        %swap3A_1007 = vector.shape_cast %mul3A_1000 : vector<16xf32> to vector<1x1x16xf32>
        tpu.vector_store %arg6[%swap3A_1002, %swap3A_1003, %swap3A_1004], %swap3A_1007 {strides = array<i32>} : memref<5x128x128xf32, #tpu.memory_space<vmem>>, vector<1x1x16xf32>,
        %mul3A_1008 = arith.mulf %get3A_903, %mul3A_959 : vector<16xf32>
        %swap3A_1009 = arith.constant 4 : i32
        %swap3A_1010 = arith.index_cast %swap3A_1009 : i32 to index
        %swap3A_1011 = arith.index_cast %scan3A_847 : i32 to index
        %swap3A_1012 = arith.constant 96 : index
        %swap3A_1013 = tpu.vector_load %arg6[%swap3A_1010, %swap3A_1011, %swap3A_1012] {strides = array<i32>} : memref<5x128x128xf32, #tpu.memory_space<vmem>>, vector<1x1x16xf32>,
        %swap3A_1014 = vector.shape_cast %swap3A_1013 : vector<1x1x16xf32> to vector<16xf32>
        %swap3A_1015 = vector.shape_cast %mul3A_1008 : vector<16xf32> to vector<1x1x16xf32>
        tpu.vector_store %arg6[%swap3A_1010, %swap3A_1011, %swap3A_1012], %swap3A_1015 {strides = array<i32>} : memref<5x128x128xf32, #tpu.memory_space<vmem>>, vector<1x1x16xf32>,
        %mul3A_1016 = arith.mulf %get3A_911, %mul3A_959 : vector<16xf32>
        %swap3A_1017 = arith.constant 4 : i32
        %swap3A_1018 = arith.index_cast %swap3A_1017 : i32 to index
        %swap3A_1019 = arith.index_cast %scan3A_847 : i32 to index
        %swap3A_1020 = arith.constant 112 : index
        %swap3A_1021 = tpu.vector_load %arg6[%swap3A_1018, %swap3A_1019, %swap3A_1020] {strides = array<i32>} : memref<5x128x128xf32, #tpu.memory_space<vmem>>, vector<1x1x16xf32>,
        %swap3A_1022 = vector.shape_cast %swap3A_1021 : vector<1x1x16xf32> to vector<16xf32>
        %swap3A_1023 = vector.shape_cast %mul3A_1016 : vector<16xf32> to vector<1x1x16xf32>
        tpu.vector_store %arg6[%swap3A_1018, %swap3A_1019, %swap3A_1020], %swap3A_1023 {strides = array<i32>} : memref<5x128x128xf32, #tpu.memory_space<vmem>>, vector<1x1x16xf32>,
      }
      %scan3A_306 = arith.constant 128 : i32
      %mul3A_307 = arith.constant 128 : i32
      %mul3A_308 = arith.muli %add3A_282, %mul3A_307 : i32
      %add3A_309 = arith.addi %mul3A_2, %mul3A_308 : i32
      %dma_start3A_310 = arith.constant 4 : i32
      %dma_start3A_311 = arith.constant 0 : i32
      %dma_start3A_312 = arith.constant 0 : i32
      %dma_start3A_313 = tpu.memref_slice %arg6[%dma_start3A_310, %dma_start3A_311, %dma_start3A_312] : memref<5x128x128xf32, #tpu.memory_space<vmem>> -> memref<1x128x128xf32, #tpu.memory_space<vmem>>
      %dma_start3A_314 = tpu.memref_squeeze %dma_start3A_313 : memref<1x128x128xf32, #tpu.memory_space<vmem>> -> memref<128x128xf32, #tpu.memory_space<vmem>>
      %dma_start3A_315 = arith.constant 0 : i32
      %dma_start3A_316 = tpu.memref_slice %arg4[%add3A_309, %dma_start3A_315] : memref<204800x128xf32, #tpu.memory_space<hbm>> -> memref<128x128xf32, #tpu.memory_space<hbm>>
      %dma_start3A_317 = arith.constant 0 : i32
      %dma_start3A_318 = tpu.memref_slice %arg4[%add3A_309, %dma_start3A_317] : memref<204800x128xf32, #tpu.memory_space<hbm>> -> memref<128x128xf32, #tpu.memory_space<hbm>>
      %dma_start3A_319 = arith.constant 0 : i32
      %dma_start3A_320 = arith.constant 0 : i32
      %dma_start3A_321 = tpu.memref_slice %arg6[%dma_start3A_310, %dma_start3A_319, %dma_start3A_320] : memref<5x128x128xf32, #tpu.memory_space<vmem>> -> memref<1x128x128xf32, #tpu.memory_space<vmem>>
      %dma_start3A_322 = tpu.memref_squeeze %dma_start3A_321 : memref<1x128x128xf32, #tpu.memory_space<vmem>> -> memref<128x128xf32, #tpu.memory_space<vmem>>
      tpu.enqueue_dma source(%dma_start3A_322 : memref<128x128xf32, #tpu.memory_space<vmem>>) target(%dma_start3A_318 : memref<128x128xf32, #tpu.memory_space<hbm>>) target_semaphore(%arg16 : memref<!tpu.dma_semaphore, #tpu.memory_space<semaphore_mem>>)
    }
    %scan3A_30 = arith.constant 10 : i32
    %add3A_31 = arith.constant 5760 : i32
    %add3A_32 = arith.addi %mul3A_2, %add3A_31 : i32
    %dma_wait3A = arith.constant 0 : i32
    %dma_wait3A_33 = arith.constant 0 : i32
    %dma_wait3A_34 = arith.constant 0 : i32
    %dma_wait3A_35 = tpu.memref_slice %arg6[%dma_wait3A, %dma_wait3A_33, %dma_wait3A_34] : memref<5x128x128xf32, #tpu.memory_space<vmem>> -> memref<1x128x128xf32, #tpu.memory_space<vmem>>
    %dma_wait3A_36 = tpu.memref_squeeze %dma_wait3A_35 : memref<1x128x128xf32, #tpu.memory_space<vmem>> -> memref<128x128xf32, #tpu.memory_space<vmem>>
    %dma_wait3A_37 = arith.constant 0 : i32
    %dma_wait3A_38 = tpu.memref_slice %arg4[%add3A_32, %dma_wait3A_37] : memref<204800x128xf32, #tpu.memory_space<hbm>> -> memref<128x128xf32, #tpu.memory_space<hbm>>
    %dma_wait3A_39 = arith.constant 0 : i32
    %dma_wait3A_40 = tpu.memref_slice %arg4[%add3A_32, %dma_wait3A_39] : memref<204800x128xf32, #tpu.memory_space<hbm>> -> memref<128x128xf32, #tpu.memory_space<hbm>>
    %dma_wait3A_41 = arith.constant 0 : i32
    %dma_wait3A_42 = arith.constant 0 : i32
    %dma_wait3A_43 = tpu.memref_slice %arg6[%dma_wait3A, %dma_wait3A_41, %dma_wait3A_42] : memref<5x128x128xf32, #tpu.memory_space<vmem>> -> memref<1x128x128xf32, #tpu.memory_space<vmem>>
    %dma_wait3A_44 = tpu.memref_squeeze %dma_wait3A_43 : memref<1x128x128xf32, #tpu.memory_space<vmem>> -> memref<128x128xf32, #tpu.memory_space<vmem>>
    tpu.wait_dma2 semaphore(%arg12 : memref<!tpu.dma_semaphore, #tpu.memory_space<semaphore_mem>>) src(%dma_wait3A_44 : memref<128x128xf32, #tpu.memory_space<vmem>>) dst(%dma_wait3A_40 : memref<128x128xf32, #tpu.memory_space<hbm>>)
    %add3A_45 = arith.constant 5888 : i32
    %add3A_46 = arith.addi %mul3A_2, %add3A_45 : i32
    %dma_wait3A_47 = arith.constant 1 : i32
    %dma_wait3A_48 = arith.constant 0 : i32
    %dma_wait3A_49 = arith.constant 0 : i32
    %dma_wait3A_50 = tpu.memref_slice %arg6[%dma_wait3A_47, %dma_wait3A_48, %dma_wait3A_49] : memref<5x128x128xf32, #tpu.memory_space<vmem>> -> memref<1x128x128xf32, #tpu.memory_space<vmem>>
    %dma_wait3A_51 = tpu.memref_squeeze %dma_wait3A_50 : memref<1x128x128xf32, #tpu.memory_space<vmem>> -> memref<128x128xf32, #tpu.memory_space<vmem>>
    %dma_wait3A_52 = arith.constant 0 : i32
    %dma_wait3A_53 = tpu.memref_slice %arg4[%add3A_46, %dma_wait3A_52] : memref<204800x128xf32, #tpu.memory_space<hbm>> -> memref<128x128xf32, #tpu.memory_space<hbm>>
    %dma_wait3A_54 = arith.constant 0 : i32
    %dma_wait3A_55 = tpu.memref_slice %arg4[%add3A_46, %dma_wait3A_54] : memref<204800x128xf32, #tpu.memory_space<hbm>> -> memref<128x128xf32, #tpu.memory_space<hbm>>
    %dma_wait3A_56 = arith.constant 0 : i32
    %dma_wait3A_57 = arith.constant 0 : i32
    %dma_wait3A_58 = tpu.memref_slice %arg6[%dma_wait3A_47, %dma_wait3A_56, %dma_wait3A_57] : memref<5x128x128xf32, #tpu.memory_space<vmem>> -> memref<1x128x128xf32, #tpu.memory_space<vmem>>
    %dma_wait3A_59 = tpu.memref_squeeze %dma_wait3A_58 : memref<1x128x128xf32, #tpu.memory_space<vmem>> -> memref<128x128xf32, #tpu.memory_space<vmem>>
    tpu.wait_dma2 semaphore(%arg13 : memref<!tpu.dma_semaphore, #tpu.memory_space<semaphore_mem>>) src(%dma_wait3A_59 : memref<128x128xf32, #tpu.memory_space<vmem>>) dst(%dma_wait3A_55 : memref<128x128xf32, #tpu.memory_space<hbm>>)
    %add3A_60 = arith.constant 6016 : i32
    %add3A_61 = arith.addi %mul3A_2, %add3A_60 : i32
    %dma_wait3A_62 = arith.constant 2 : i32
    %dma_wait3A_63 = arith.constant 0 : i32
    %dma_wait3A_64 = arith.constant 0 : i32
    %dma_wait3A_65 = tpu.memref_slice %arg6[%dma_wait3A_62, %dma_wait3A_63, %dma_wait3A_64] : memref<5x128x128xf32, #tpu.memory_space<vmem>> -> memref<1x128x128xf32, #tpu.memory_space<vmem>>
    %dma_wait3A_66 = tpu.memref_squeeze %dma_wait3A_65 : memref<1x128x128xf32, #tpu.memory_space<vmem>> -> memref<128x128xf32, #tpu.memory_space<vmem>>
    %dma_wait3A_67 = arith.constant 0 : i32
    %dma_wait3A_68 = tpu.memref_slice %arg4[%add3A_61, %dma_wait3A_67] : memref<204800x128xf32, #tpu.memory_space<hbm>> -> memref<128x128xf32, #tpu.memory_space<hbm>>
    %dma_wait3A_69 = arith.constant 0 : i32
    %dma_wait3A_70 = tpu.memref_slice %arg4[%add3A_61, %dma_wait3A_69] : memref<204800x128xf32, #tpu.memory_space<hbm>> -> memref<128x128xf32, #tpu.memory_space<hbm>>
    %dma_wait3A_71 = arith.constant 0 : i32
    %dma_wait3A_72 = arith.constant 0 : i32
    %dma_wait3A_73 = tpu.memref_slice %arg6[%dma_wait3A_62, %dma_wait3A_71, %dma_wait3A_72] : memref<5x128x128xf32, #tpu.memory_space<vmem>> -> memref<1x128x128xf32, #tpu.memory_space<vmem>>
    %dma_wait3A_74 = tpu.memref_squeeze %dma_wait3A_73 : memref<1x128x128xf32, #tpu.memory_space<vmem>> -> memref<128x128xf32, #tpu.memory_space<vmem>>
    tpu.wait_dma2 semaphore(%arg14 : memref<!tpu.dma_semaphore, #tpu.memory_space<semaphore_mem>>) src(%dma_wait3A_74 : memref<128x128xf32, #tpu.memory_space<vmem>>) dst(%dma_wait3A_70 : memref<128x128xf32, #tpu.memory_space<hbm>>)
    %add3A_75 = arith.constant 6144 : i32
    %add3A_76 = arith.addi %mul3A_2, %add3A_75 : i32
    %dma_wait3A_77 = arith.constant 3 : i32
    %dma_wait3A_78 = arith.constant 0 : i32
    %dma_wait3A_79 = arith.constant 0 : i32
    %dma_wait3A_80 = tpu.memref_slice %arg6[%dma_wait3A_77, %dma_wait3A_78, %dma_wait3A_79] : memref<5x128x128xf32, #tpu.memory_space<vmem>> -> memref<1x128x128xf32, #tpu.memory_space<vmem>>
    %dma_wait3A_81 = tpu.memref_squeeze %dma_wait3A_80 : memref<1x128x128xf32, #tpu.memory_space<vmem>> -> memref<128x128xf32, #tpu.memory_space<vmem>>
    %dma_wait3A_82 = arith.constant 0 : i32
    %dma_wait3A_83 = tpu.memref_slice %arg4[%add3A_76, %dma_wait3A_82] : memref<204800x128xf32, #tpu.memory_space<hbm>> -> memref<128x128xf32, #tpu.memory_space<hbm>>
    %dma_wait3A_84 = arith.constant 0 : i32
    %dma_wait3A_85 = tpu.memref_slice %arg4[%add3A_76, %dma_wait3A_84] : memref<204800x128xf32, #tpu.memory_space<hbm>> -> memref<128x128xf32, #tpu.memory_space<hbm>>
    %dma_wait3A_86 = arith.constant 0 : i32
    %dma_wait3A_87 = arith.constant 0 : i32
    %dma_wait3A_88 = tpu.memref_slice %arg6[%dma_wait3A_77, %dma_wait3A_86, %dma_wait3A_87] : memref<5x128x128xf32, #tpu.memory_space<vmem>> -> memref<1x128x128xf32, #tpu.memory_space<vmem>>
    %dma_wait3A_89 = tpu.memref_squeeze %dma_wait3A_88 : memref<1x128x128xf32, #tpu.memory_space<vmem>> -> memref<128x128xf32, #tpu.memory_space<vmem>>
    tpu.wait_dma2 semaphore(%arg15 : memref<!tpu.dma_semaphore, #tpu.memory_space<semaphore_mem>>) src(%dma_wait3A_89 : memref<128x128xf32, #tpu.memory_space<vmem>>) dst(%dma_wait3A_85 : memref<128x128xf32, #tpu.memory_space<hbm>>)
    %add3A_90 = arith.constant 6272 : i32
    %add3A_91 = arith.addi %mul3A_2, %add3A_90 : i32
    %dma_wait3A_92 = arith.constant 4 : i32
    %dma_wait3A_93 = arith.constant 0 : i32
    %dma_wait3A_94 = arith.constant 0 : i32
    %dma_wait3A_95 = tpu.memref_slice %arg6[%dma_wait3A_92, %dma_wait3A_93, %dma_wait3A_94] : memref<5x128x128xf32, #tpu.memory_space<vmem>> -> memref<1x128x128xf32, #tpu.memory_space<vmem>>
    %dma_wait3A_96 = tpu.memref_squeeze %dma_wait3A_95 : memref<1x128x128xf32, #tpu.memory_space<vmem>> -> memref<128x128xf32, #tpu.memory_space<vmem>>
    %dma_wait3A_97 = arith.constant 0 : i32
    %dma_wait3A_98 = tpu.memref_slice %arg4[%add3A_91, %dma_wait3A_97] : memref<204800x128xf32, #tpu.memory_space<hbm>> -> memref<128x128xf32, #tpu.memory_space<hbm>>
    %dma_wait3A_99 = arith.constant 0 : i32
    %dma_wait3A_100 = tpu.memref_slice %arg4[%add3A_91, %dma_wait3A_99] : memref<204800x128xf32, #tpu.memory_space<hbm>> -> memref<128x128xf32, #tpu.memory_space<hbm>>
    %dma_wait3A_101 = arith.constant 0 : i32
    %dma_wait3A_102 = arith.constant 0 : i32
    %dma_wait3A_103 = tpu.memref_slice %arg6[%dma_wait3A_92, %dma_wait3A_101, %dma_wait3A_102] : memref<5x128x128xf32, #tpu.memory_space<vmem>> -> memref<1x128x128xf32, #tpu.memory_space<vmem>>
    %dma_wait3A_104 = tpu.memref_squeeze %dma_wait3A_103 : memref<1x128x128xf32, #tpu.memory_space<vmem>> -> memref<128x128xf32, #tpu.memory_space<vmem>>
    tpu.wait_dma2 semaphore(%arg16 : memref<!tpu.dma_semaphore, #tpu.memory_space<semaphore_mem>>) src(%dma_wait3A_104 : memref<128x128xf32, #tpu.memory_space<vmem>>) dst(%dma_wait3A_100 : memref<128x128xf32, #tpu.memory_space<hbm>>)
    return
  }
}

</mosaic_0001>

<sc_bundles>
// kernel: kernel.3.cloned.1.call-start
scs
__scs_entry_jumppad:
0x0: {  	(pc) =	sbr.rel $0x88, $3  }
0x1: {  	(tag) =	ssettag $0x0;
	lr =	simm.s32 $0x1  }
0x2: {  	[smem:$0x3F9F] =	sst lr;
	_ =	strace $0xD0000000  }
0x3: {  	_ = 	snop  }
0x4: {  	_ = 	snop  }
0x5: {  	_ = 	snop  }
0x6: {  	_ = 	snop  }
0x7: {  	_ = 	snop  }
__scs_overlays_trampoline_lowered:
0x8: {  	[smem:$0x3FAE] =	sst s0  }
0x9: {  	[smem:$0x3FAF] =	sst s1  }
0xa: {  	[smem:$0x3FB0] =	sst s2  }
0xb: {  	[smem:$0x3FB1] =	sst s3  }
0xc: {  	[smem:$0x3FB2] =	sst s4  }
0xd: {  	[smem:$0x3FB3] =	sst s5  }
0xe: {  	[smem:$0x3FB4] =	sst s6  }
0xf: {  	[smem:$0x3FB5] =	sst s7  }
0x10: {  	[smem:$0x3FB6] =	sst s8  }
0x11: {  	[smem:$0x3FB7] =	sst s9;
	s0 =	simm.s32 @!p0 $0x0  }
0x12: {  	s1 =	sld [smem:$0x3F9D];
	s0 =	simm.s32 @p0 $0x1  }
0x13: {  	[smem:$0x3FB8] =	sst s0;
	s0 =	simm.s32 @!p1 $0x0  }
0x14: {  	s2 =	sld [smem:$0x3F9C];
	s0 =	simm.s32 @p1 $0x1  }
0x15: {  	[smem:$0x3FB9] =	sst s0;
	s0 =	simm.s32 @!p2 $0x0  }
0x16: {  	s3 =	sld [smem:$0x3FDB];
	s0 =	simm.s32 @p2 $0x1  }
0x17: {  	s4 =	simm.s32 $0x1BF5;
	[smem:$0x3FBB] =	sst s0  }
0x18: {  	s0 =	sld [smem:$0x3F9E];
	_ =	swait.ge [sflag:s4], $0x0  }
0x19: {  	s7 =	sld [smem:$0x3F9F]  }
0x1a: {  	s8 =	sadd.s32 $0xFFFFE003, lr  }
0x1b: {  	s9 =	sadd.s32 $0xFFFFFEF7, lr;
	s5 =	simm.s32 $0xFFFFFFFF;
	p2 =	slt.u32 s8, $0xFFFFF086  }
0x1c: {  	p1 =	slt.u32 s9, $0xF7A;
	s5 =	simm.s32 @!p2 $0x0  }
0x1d: {  	s5 =	simm.s32 @p1 $0x1;
	p0 =	seq.s32 s7, s2  }
0x1e: {  	s7 =	smul.u32 @!p0 $0xF7A, s2;
	p2 =	seq.s32 @!p0 s5, $0x0  }
0x1f: {  	s9 =	smul.u32 $0xF7A, s1;
	s8 =	simm.s32 @!p0 $0x1BF5;
	p2 =	por !p2, p0  }
0x20: {  	[sflag:s8] =	ssyncset.s32 @!p0 $0xFFFFF086;
	s6 =	sadd.s32 @!p0 s3, s7;
	s7 =	simm.s32 @!p0 $0x108  }
0x21: {  	s3 =	sadd.s32 s3, s9;
	s6 =	sadd.s32 @!p0 $0x88, s6;
	s7 =	simm.s32 @p2 $0x1082  }
0x22: {  	[simem:s7], [sflag:s8] =	dma.local @!p0 [hbm:s6], $0xF7A  }
0x23: {  	s9 =	sor.u32 $0xD0000000, s2;
	s6 =	simm.s32 $0x108;
	_ =	swait.ge @!p0 [sflag:s8], $0x0  }
0x24: {  	s3 =	sadd.s32 $0x88, s3;
	s6 =	simm.s32 @!p1 $0x1082;
	[sflag:s4] =	ssyncset.s32 $0xFFFFF086  }
0x25: {  	[simem:s6], [sflag:s4] =	dma.local [hbm:s3], $0xF7A  }
0x26: {  	[smem:$0x3F9F] =	sst s1;
	(tag) =	ssettag s2;
	_ =	strace s9  }
0x27: {  	s1 =	sld [smem:$0x3FAF]  }
0x28: {  	s2 =	sld [smem:$0x3FB0]  }
0x29: {  	s4 =	sld [smem:$0x3FB2]  }
0x2a: {  	p0 =	seq.s32 s5, $0x0;
	s5 =	sld [smem:$0x3FB3]  }
0x2b: {  	s6 =	sld [smem:$0x3FB4]  }
0x2c: {  	s7 =	sld [smem:$0x3FB5]  }
0x2d: {  	s3 =	simm.s32 $0x108;
	s8 =	sld [smem:$0x3FB6]  }
0x2e: {  	s3 =	simm.s32 @!p0 $0x1082;
	s9 =	sld [smem:$0x3FB7]  }
0x2f: {  	lr =	sadd.s32 s0, s3;
	s0 =	sld [smem:$0x3FAE]  }
0x30: {  	s3 =	sld [smem:$0x3FB1]  }
0x31: {  	[smem:$0x3FBA] =	sst s10  }
0x32: {  	s10 =	sld [smem:$0x3FB8];
	_ =	sdelay $0x3  }
0x33: {  	p0 =	seq.s32 s10, $0x1;
	s10 =	sld [smem:$0x3FBA];
	_ =	sdelay $0x3  }
0x34: {  	[smem:$0x3FBA] =	sst s10  }
0x35: {  	s10 =	sld [smem:$0x3FB9];
	_ =	sdelay $0x3  }
0x36: {  	p1 =	seq.s32 s10, $0x1;
	s10 =	sld [smem:$0x3FBA];
	_ =	sdelay $0x3  }
0x37: {  	[smem:$0x3FBA] =	sst s10  }
0x38: {  	s10 =	sld [smem:$0x3FBB]  }
0x39: {  	_ = 	snop;
	(pc) =	sbr.ind lr, $3  }
0x3a: {  	_ = 	snop  }
0x3b: {  	_ = 	snop  }
0x3c: {  	p2 =	seq.s32 s10, $0x1;
	s10 =	sld [smem:$0x3FBA]  }
0x3d: {  	_ =	shalt  }
0x3e: {  	_ =	shalt  }
0x3f: {  	_ =	shalt  }
0x40: {  	_ =	shalt  }
0x41: {  	_ =	shalt  }
0x42: {  	_ =	shalt  }
0x43: {  	_ =	shalt  }
0x44: {  	_ =	shalt  }
0x45: {  	_ =	shalt  }
0x46: {  	_ =	shalt  }
0x47: {  	_ =	shalt  }
0x48: {  	_ =	shalt  }
0x49: {  	_ =	shalt  }
0x4a: {  	_ =	shalt  }
0x4b: {  	_ =	shalt  }
0x4c: {  	_ =	shalt  }
0x4d: {  	_ =	shalt  }
0x4e: {  	_ =	shalt  }
0x4f: {  	_ =	shalt  }
0x50: {  	_ =	shalt  }
0x51: {  	_ =	shalt  }
0x52: {  	_ =	shalt  }
0x53: {  	_ =	shalt  }
0x54: {  	_ =	shalt  }
0x55: {  	_ =	shalt  }
0x56: {  	_ =	shalt  }
0x57: {  	_ =	shalt  }
0x58: {  	_ =	shalt  }
0x59: {  	_ =	shalt  }
0x5a: {  	_ =	shalt  }
0x5b: {  	_ =	shalt  }
0x5c: {  	_ =	shalt  }
0x5d: {  	_ =	shalt  }
0x5e: {  	_ =	shalt  }
0x5f: {  	_ =	shalt  }
0x60: {  	_ =	shalt  }
0x61: {  	_ =	shalt  }
0x62: {  	_ =	shalt  }
0x63: {  	_ =	shalt  }
0x64: {  	_ =	shalt  }
0x65: {  	_ =	shalt  }
0x66: {  	_ =	shalt  }
0x67: {  	_ =	shalt  }
0x68: {  	_ =	shalt  }
0x69: {  	_ =	shalt  }
0x6a: {  	_ =	shalt  }
0x6b: {  	_ =	shalt  }
0x6c: {  	_ =	shalt  }
0x6d: {  	_ =	shalt  }
0x6e: {  	_ =	shalt  }
0x6f: {  	_ =	shalt  }
0x70: {  	_ =	shalt  }
0x71: {  	_ =	shalt  }
0x72: {  	_ =	shalt  }
0x73: {  	_ =	shalt  }
0x74: {  	_ =	shalt  }
0x75: {  	_ =	shalt  }
0x76: {  	_ =	shalt  }
0x77: {  	_ =	shalt  }
0x78: {  	_ =	shalt  }
0x79: {  	_ =	shalt  }
0x7a: {  	_ =	shalt  }
0x7b: {  	_ =	shalt  }
0x7c: {  	_ =	shalt  }
0x7d: {  	_ =	shalt  }
0x7e: {  	_ =	shalt  }
0x7f: {  	_ =	shalt  }
0x80: {  	_ =	shalt  }
0x81: {  	_ =	shalt  }
0x82: {  	_ =	shalt  }
0x83: {  	_ =	shalt  }
0x84: {  	_ =	shalt  }
0x85: {  	_ =	shalt  }
0x86: {  	_ =	shalt  }
0x87: {  	_ =	shalt  }
.Lfunc_end0:
.L_simem_size_0:
called_computation_lowered:
.L_overlay_start_0:
0x88: {  	s2 =	sld [smem:$0x3FD9]  }
0x89: {  	s3 =	sld [smem:$0x3FFE];
	_ =	sdelay $0x1  }
0x8a: {  	s1 =	srdreg.scid  }
0x8b: {  	s0 =	sand.u32 $0x1, s1  }
0x8c: {  	s17 =	sshll.u32 s0, $0xA;
	s2 =	sadd.s32 s3, s2  }
0x8d: {  	s2 =	sadd.s32 s2, s17  }
0x8e: {  	[smem:$0x3FC6] =	sst s2  }
0x8f: {  	_ = 	snop  }
0x90: {  	s2 =	sld [smem:$0x3FC8]  }
0x91: {  	s18 =	sld [smem:$0x3FD0];
	(tm) =	ssettm $0x1  }
0x92: {  	s4 =	sld [smem:$0x3FFB];
	_ =	sdelay $0x3  }
0x93: {  	_ =	strace s4  }
0x94: {  	s4 =	sld [smem:$0x3FFC];
	_ =	sdelay $0x3  }
0x95: {  	_ =	strace s4  }
0x96: {  	s4 =	sld [smem:$0x3FFD];
	_ =	sdelay $0x3  }
0x97: {  	_ =	strace s4  }
0x98: {  	_ =	strace $0x8FFFFFFF  }
0x99: {  	s19 =	sld [smem:$0x3FDB];
	_ =	sdelay $0x1  }
0x9a: {  	s5 =	simm.s32 $_scs_section_size  }
0x9b: {  	s6 =	simm.s32 $_size__tile_overlayer_lowered;
	s7 =	simm.s32 $_tile_overlayer_lowered  }
0x9c: {  	s22 =	simm.s32 $0x1BFF;
	s21 =	sshll.u32 s7, $0x1;
	s4 =	sadd.s32 s5, s19  }
0x9d: {  	s8 =	simm.s32 $0x0;
	s20 =	sshll.u32 s6, $0x1;
	s6 =	sadd.s32 s21, s4  }
0x9e: {  	[timem:s8], [sflag:s22] =	dma.local [hbm:s6], s20  }
0x9f: {  	_ =	swait.ge [sflag:s22], s20  }
0xa0: {  	s5 =	ssub.s32 $0x0, s20;
	[sflag:s22] =	ssyncset.done $0x0  }
0xa1: {  	[sflag:s22] =	ssyncadd.s32 s5;
	_ =	sdelay $0x1  }
0xa2: {  	s23 =	simm.s32 $0x1B8B  }
0xa3: {  	_ =	swait.ge [sflag:s23], $0x1  }
0xa4: {  	[sflag:s23] =	ssyncset.done $0x0  }
0xa5: {  	s25 =	simm.s32 $0x1B8E;
	s24 =	sld [smem:$0x3FFE];
	[sflag:s23] =	ssyncadd.s32 $0xFFFFFFFF  }
0xa6: {  	s26 =	simm.s32 $execute0_lowered;
	[smem:$0x3FD2] =	sst s25  }
0xa7: {  	s6 =	sshll.u32 s26, $0x1;
	_ =	strace $0x80000046;
	[dreg:$0x1] =	wrdreg $0xFFFFFFFF  }
0xa8: {  	s28 =	simm.s32 $_size_execute0_lowered;
	s4 =	sadd.s32 s4, s6;
	[dreg:$0x0] =	wrdreg $0x0  }
0xa9: {  	s6 =	sshll.u32 s28, $0x1;
	[dreg:$0x2] =	wrdreg s4  }
0xaa: {  	[dreg:$0x3] =	wrdreg s6  }
0xab: {  	[dreg:$0x4] =	wrdreg $0xC0  }
0xac: {  	_ =	task [dreg:s8], $0x5FFFF  }
0xad: {  	[dreg:$0x1] =	wrdreg $0xFFFFFFFF  }
0xae: {  	[dreg:$0x0] =	wrdreg $0x60  }
0xaf: {  	[dreg:$0x2] =	wrdreg s24  }
0xb0: {  	[dreg:$0x3] =	wrdreg s2  }
0xb1: {  	[dreg:$0x4] =	wrdreg s18  }
0xb2: {  	[dreg:$0x5] =	wrdreg $0x9  }
0xb3: {  	_ =	task.clear_ibuf [dreg:s8], $0x6FFFF;
	_ =	strace $0x90000046  }
0xb4: {  	s29 =	simm.s32 $0x9;
	_ =	strace $0x80000048  }
0xb5: {  	_ =	swait.ge [sflag:s29], $0x1  }
0xb6: {  	[sflag:s29] =	ssyncadd.s32 $0xFFFFFFFF  }
0xb7: {  	_ =	strace $0x90000048  }
0xb8: {  	_ =	sfence  }
0xb9: {  	s30 =	sld [smem:$0x0];
	_ =	sdelay $0x2  }
0xba: {  	s31 =	sshll.u32 s1, $0xD;
	s1 =	sshrl.u32 s1, $0x2  }
0xbb: {  	s3 =	sand.u32 $0x4000, s31;
	s1 =	sadd.s32 s1, s30  }
0xbc: {  	s0 =	sor.u32 s3, s0;
	s1 =	sshll.u32 s1, $0x11  }
0xbd: {  	s0 =	sor.u32 s1, s0  }
0xbe: {  	s0 =	sadd.s32 $0x8F2B, s0  }
0xbf: {  	[sflag:s0] =	ssyncadd.remote.s32 $0x1  }
0xc0: {  	_ =	sfence.sel $0xFFFF  }
0xc1: {  	[dreg:$0x0] =	wrdreg $0xFFFFFFFF;
	(pc) =	sbr.abs _section_cstart, $3  }
0xc2: {  	[dreg:$0x1] =	wrdreg $0xFFFFFFFF  }
0xc3: {  	_ =	task.clear_ibuf [dreg:s8], $0x2FFFF;
	_ =	strace $0x9FFFFFFF  }
0xc4: {  	(tm) =	ssettm $0x7FFFFFFF  }
0xc5: {  	_ =	shalt  }
tec
execute0_lowered:
.L_overlay_start_1:
0x0: {  	(tag) =	ssettag $0x1  }
0x1: {  	s0 =	srdreg.scid;
	s1 =	stileid.u32  }
0x2: {  	s4 =	rddreg [dreg:$0x0];
	v0 =	vimm.s32 $0xFEDCBA98;
	s3 =	simm.s32 $0x0;
	v1 =	vimm.s32 $0x76543210;
	s10 =	simm.s32 $0xB  }
0x3: {  	v2 =	vimm.s32 $0xBA98FEDC;
	v3 =	vimm.s32 $0x32107654;
	s11 =	simm.s32 $0x80;
	s12 =	simm.s32 $0x1C00;
	s13 =	simm.s32 $0x5C00  }
0x4: {  	v4 =	vimm.s32 $0xDCFE98BA;
	v5 =	vimm.s32 $0x54761032;
	s14 =	simm.s32 $0x9C00;
	s15 =	simm.s32 $0x1;
	s16 =	simm.s32 $0xDC00  }
0x5: {  	v6 =	vimm.s32 $0xEFCDAB89;
	v7 =	vimm.s32 $0x67452301;
	s17 =	simm.s32 $0x2;
	s18 =	simm.s32 $0x11C00;
	s19 =	simm.s32 $0x3  }
0x6: {  	s20 =	simm.s32 $0x4;
	s21 =	simm.s32 $0x5;
	s22 =	simm.s32 $0x6;
	v0 =	vunpack.c.l.s4.s8 v0;
	v1 =	vunpack.c.l.s4.s8 v1;
	v2 =	vunpack.c.l.s4.s8 v2  }
0x7: {  	s23 =	simm.s32 $0x7;
	s24 =	simm.s32 $0x8;
	s25 =	simm.s32 $0x9;
	v3 =	vunpack.c.l.s4.s8 v3;
	v4 =	vunpack.c.l.s4.s8 v4;
	v5 =	vunpack.c.l.s4.s8 v5  }
0x8: {  	s26 =	simm.s32 $0xA;
	s0 =	sand.u32 $0x1, s0;
	s2 =	sshll.u32 s1, $0x1;
	v6 =	vunpack.c.l.s4.s8 v6;
	v7 =	vunpack.c.l.s4.s8 v7;
	v0 =	vunpack.c.0.s8.s32 v0  }
0x9: {  	s1 =	rddreg [dreg:$0x1];
	s6 =	sor.u32 s0, s2;
	s0 =	ssub.s32 $0x2, s0;
	v2 =	vunpack.c.0.s8.s32 v2;
	v3 =	vunpack.c.0.s8.s32 v3;
	v4 =	vunpack.c.0.s8.s32 v4  }
0xa: {  	[smem:$0x7FF] =	sst s3;
	s7 =	smul.u32 $0x380, s6;
	s8 =	sshrl.u32 s0, $0x1;
	v5 =	vunpack.c.0.s8.s32 v5;
	v6 =	vunpack.c.0.s8.s32 v6;
	v7 =	vunpack.c.0.s8.s32 v7  }
0xb: {  	s2 =	rddreg [dreg:$0x2];
	s5 =	smul.u32 $0x1900, s6;
	v1 =	vunpack.c.0.s8.s32 v1;
	s0 =	ssub.s32 s0, s8;
	v2 =	vcombine.low v3, v2  }
0xc: {  	s6 =	smul.u32 $0xC8000, s6;
	s4 =	sadd.s32 s7, s4;
	s0 =	smax.u32 s0, $0x1;
	v3 =	vcombine.low v5, v4;
	v4 =	vcombine.low v7, v6;
	v0 =	vand.u32 $0xF, v0  }
0xd: {  	_ =	strace $0x80000047;
	s4 =	sadd.s32 $0x400, s4;
	[dreg:$0x5] =	wrdreg s0;
	v0 =	vcombine.low v0, v1  }
0xe: {  	s28 =	simm.s32 $0x0;
	s8 =	sor.u32 $0x4000, s6;
	[dreg:$0x4] =	wrdreg s4;
	v1 =	vand.u32 $0xF, v2;
	v2 =	vand.u32 $0xF, v3;
	v3 =	vand.u32 $0xF, v4  }
.LBB2_1:
0xf: {  	s0 =	rddreg [dreg:$0x4]  }
0x10: {  	[tilespmem:s3], [sflag:$0xB] =	stream.linear.gather [hbm4b:s0+s3], $0x1900, $0x38;
	[tilespmem:$0x15C00] =	vst v63  }
0x11: {  	_ =	swait.ge [sflag:s10], $0x1900  }
0x12: {  	[sflag:s10] =	ssyncset.done $0x0  }
0x13: {  	[sflag:s10] =	ssyncadd.s32 $0xFFFFE700  }
0x14: {  	[tilespmem:s12], [sflag:$0x1] =	stream.indirect.gather [hbm4b:s1+s11], $0x80, s3, s11, $0xb8;
	[tilespmem:$0x15C00] =	vst v63  }
0x15: {  	s29 =	simm.s32 $0x0  }
0x16: {  	[tilespmem:s13], [sflag:$0x2] =	stream.indirect.gather [hbm4b:s1+s11], $0x80, s11, s11, $0xb8;
	[tilespmem:$0x15C00] =	vst v63  }
.LBB2_2:
0x17: {  	s31 =	smul.u32 $0x5, s29;
	p0 =	seq.s32 s29, $0x0  }
0x18: {  	s0 =	simm.s32 @!p0 $0x8  }
0x19: {  	s4 =	sadd.s32 $0x2, s31;
	_ =	swait.ge @!p0 [sflag:s0], $0x4000  }
0x1a: {  	[sflag:s0] =	ssyncset.done @!p0 $0x0;
	s7 =	sshll.u32 s4, $0x7  }
0x1b: {  	[sflag:s0] =	ssyncadd.s32 @!p0 $0xFFFFC000;
	s9 =	sand.u32 $0x3FFFFF80, s7  }
0x1c: {  	[tilespmem:s14], [sflag:$0x3] =	stream.indirect.gather [hbm4b:s1+s11], $0x80, s9, s11, $0xb8;
	[tilespmem:$0x15C00] =	vst v63  }
0x1d: {  	_ =	swait.ge [sflag:s15], $0x4000  }
0x1e: {  	[sflag:s15] =	ssyncset.done $0x0  }
0x1f: {  	s30 =	simm.s32 $0x1D00;
	[sflag:s15] =	ssyncadd.s32 $0xFFFFC000  }
0x20: {  	v29 =	vld [tilespmem:s30+$0x90]  }
0x21: {  	v32 =	vld [tilespmem:s30+$0x80]  }
0x22: {  	v31 =	vld [tilespmem:s30+$0xA0]  }
0x23: {  	v34 =	vld [tilespmem:s30+$0xB0]  }
0x24: {  	v4 =	vld [tilespmem:s30+$0x0]  }
0x25: {  	v19 =	vld [tilespmem:s30+$0x10]  }
0x26: {  	v17 =	vld [tilespmem:s30+$0x20];
	v5 =	vmul.f32 v29, v29;
	v6 =	vmul.f32 v32, v32  }
0x27: {  	v13 =	vld [tilespmem:s30+$0xC0]  }
0x28: {  	v23 =	vld [tilespmem:s30+$0x30];
	v7 =	vmul.f32 v31, v31;
	v5 =	vadd.f32 v5, v6  }
0x29: {  	v30 =	vld [tilespmem:s30+$0xD0];
	v8 =	vmul.f32 v34, v34  }
0x2a: {  	v18 =	vld [tilespmem:s30+$0xE0];
	v9 =	vmul.f32 v19, v19;
	v6 =	vmul.f32 v4, v4;
	v7 =	vadd.f32 v7, v5  }
0x2b: {  	v22 =	vld [tilespmem:s30+$0x40];
	v10 =	vmul.f32 v17, v17  }
0x2c: {  	v5 =	vld [tilespmem:s30+$0x50];
	v6 =	vadd.f32 v9, v6;
	v7 =	vadd.f32 v8, v7;
	v8 =	vmul.f32 v13, v13  }
0x2d: {  	v25 =	vld [tilespmem:s30+$0xF0];
	v11 =	vmul.f32 v23, v23  }
0x2e: {  	v9 =	vmul.f32 v30, v30;
	v6 =	vadd.f32 v10, v6;
	v7 =	vadd.f32 v8, v7  }
0x2f: {  	v16 =	vld [tilespmem:s30+$0x60];
	v12 =	vmul.f32 v18, v18  }
0x30: {  	v26 =	vld [tilespmem:s30+$0x70];
	v10 =	vmul.f32 v22, v22;
	v6 =	vadd.f32 v11, v6;
	v7 =	vadd.f32 v9, v7  }
0x31: {  	v8 =	vld [tilespmem:s30+$0xFFFFFF10];
	v11 =	vmul.f32 v5, v5  }
0x32: {  	v6 =	vadd.f32 v10, v6;
	v10 =	vmul.f32 v25, v25;
	v12 =	vadd.f32 v12, v7;
	v7 =	vld [tilespmem:s30+$0xFFFFFF00];
	_ =	sdelay $0x1  }
0x33: {  	v14 =	vmul.f32 v16, v16;
	v9 =	vld [tilespmem:s30+$0xFFFFFF20];
	v11 =	vadd.f32 v11, v6;
	v10 =	vadd.f32 v10, v12;
	_ =	sdelay $0x1  }
0x34: {  	v6 =	vld [tilespmem:s30+$0xFFFFFF30];
	v12 =	vadd.f32 v14, v11;
	v14 =	vmul.f32 v26, v26;
	v15 =	vperm.xlane v10, v0  }
0x35: {  	v20 =	vmul.f32 v8, v8;
	v21 =	vmul.f32 v7, v7  }
0x36: {  	v11 =	vld [tilespmem:s30+$0xFFFFFF40];
	v12 =	vadd.f32 v14, v12;
	v14 =	vadd.f32 v10, v15  }
0x37: {  	v10 =	vmul.f32 v9, v9;
	v15 =	vadd.f32 v20, v21  }
0x38: {  	v27 =	vld [tilespmem:s30+$0xFFFFFF50];
	v20 =	vperm.xlane v12, v0;
	v21 =	vperm.xlane v14, v1  }
0x39: {  	v24 =	vmul.f32 v6, v6;
	v15 =	vadd.f32 v10, v15  }
0x3a: {  	v10 =	vld [tilespmem:s30+$0xFFFFFF60];
	v12 =	vadd.f32 v12, v20;
	v14 =	vadd.f32 v14, v21  }
0x3b: {  	v21 =	vmul.f32 v11, v11;
	v15 =	vadd.f32 v24, v15  }
0x3c: {  	v24 =	vperm.xlane v12, v1;
	v28 =	vperm.xlane v14, v2  }
0x3d: {  	v20 =	vld [tilespmem:s30+$0xFFFFFF70];
	v15 =	vadd.f32 v21, v15;
	v21 =	vmul.f32 v27, v27  }
0x3e: {  	v12 =	vadd.f32 v12, v24;
	v14 =	vadd.f32 v14, v28  }
0x3f: {  	v24 =	vmul.f32 v10, v10;
	v15 =	vadd.f32 v21, v15  }
0x40: {  	v21 =	vperm.xlane v12, v2;
	v28 =	vperm.xlane v14, v3  }
0x41: {  	v24 =	vadd.f32 v24, v15  }
0x42: {  	v33 =	vmul.f32 v20, v20;
	v35 =	vadd.f32 v12, v21;
	v12 =	vadd.f32 v14, v28  }
0x43: {  	v15 =	vld [tilespmem:s30+$0xFFFFFF80]  }
0x44: {  	v14 =	vld [tilespmem:s30+$0xFFFFFF90];
	v24 =	vadd.f32 v33, v24;
	v21 =	vshrl.u32 v12, $0x1;
	v28 =	vmul.f32 $5.000000000e-01, v12  }
0x45: {  	v57 =	vperm.xlane v35, v3;
	v36 =	vsub.s32 $0x5F3759DF, v21  }
0x46: {  	v12 =	vld [tilespmem:s30+$0xFFFFFFD0];
	v37 =	vperm.xlane v24, v0;
	v28 =	vmul.f32 v36, v28  }
0x47: {  	v21 =	vld [tilespmem:s30+$0xFFFFFFA0];
	v33 =	vadd.f32 v35, v57  }
0x48: {  	v38 =	vmul.f32 v15, v15;
	v58 =	vadd.f32 v24, v37;
	v24 =	vld [tilespmem:s30+$0xFFFFFFE0];
	v39 =	vmul.f32 v36, v28  }
0x49: {  	v59 =	vshrl.u32 v33, $0x1;
	v33 =	vmul.f32 $5.000000000e-01, v33;
	v41 =	vmul.f32 v14, v14  }
0x4a: {  	v42 =	vsub.s32 $0x5F3759DF, v59;
	v40 =	vperm.xlane v58, v1;
	v39 =	vsub.f32 $1.500000000e+00, v39  }
0x4b: {  	v28 =	vld [tilespmem:s30+$0xFFFFFFB0];
	v37 =	vmul.f32 v12, v12;
	v33 =	vmul.f32 v42, v33  }
0x4c: {  	v61 =	vmul.f32 v21, v21;
	v35 =	vadd.f32 v58, v40;
	v39 =	vmul.f32 v36, v39  }
0x4d: {  	v60 =	vadd.f32 v41, v38;
	v33 =	vmul.f32 v42, v33;
	v38 =	vmul.f32 v24, v24  }
0x4e: {  	v62 =	vperm.xlane v35, v2;
	v44 =	vmul.f32 v39, v29;
	v29 =	vld [tilespmem:s30+$0xFFFFFFC0]  }
0x4f: {  	v40 =	vadd.f32 v61, v60;
	v33 =	vsub.f32 $1.500000000e+00, v33;
	v43 =	vmul.f32 v39, v30  }
0x50: {  	v63 =	vmul.f32 v28, v28;
	v31 =	vmul.f32 v39, v31;
	v30 =	vadd.f32 v35, v62  }
0x51: {  	v36 =	vmul.f32 v42, v33;
	v33 =	vmul.f32 v39, v32;
	[tilespmem:s30+$0xD0] =	vst v43  }
0x52: {  	s0 =	simm.s32 $0x0;
	s7 =	simm.s32 $0x1F00;
	v40 =	vadd.f32 v63, v40;
	v32 =	vmul.f32 v39, v34;
	[tilespmem:s30+$0x90] =	vst v44;
	v35 =	vperm.xlane v30, v3  }
.LBB2_3:
0x53: {  	s0 =	sadd.s32 $0x4, s0;
	v34 =	vmul.f32 v29, v29;
	v19 =	vmul.f32 v36, v19;
	[tilespmem:s30+$0xA0] =	vst v31  }
0x54: {  	v17 =	vmul.f32 v36, v17;
	v13 =	vmul.f32 v39, v13;
	p1 =	slt.u32 s0, $0x7C;
	v31 =	vadd.f32 v30, v35;
	v35 =	vld [tilespmem:s30+$0xFFFFFFF0];
	[tilespmem:s30+$0xB0] =	vst v32  }
0x55: {  	v18 =	vmul.f32 v39, v18;
	v32 =	vadd.f32 v34, v40;
	[tilespmem:s30+$0x10] =	vst v19;
	v19 =	vmul.f32 v36, v23  }
0x56: {  	v30 =	vld [tilespmem:s7+$0xD0];
	v23 =	vshrl.u32 v31, $0x1;
	v34 =	vmul.f32 $5.000000000e-01, v31;
	[tilespmem:s30+$0x20] =	vst v17;
	v17 =	vmul.f32 v36, v22  }
0x57: {  	v25 =	vmul.f32 v39, v25;
	v22 =	vsub.s32 $0x5F3759DF, v23;
	v23 =	vadd.f32 v37, v32;
	[tilespmem:s30+$0x30] =	vst v19  }
0x58: {  	v31 =	vld [tilespmem:s7+$0x90];
	v19 =	vmul.f32 v22, v34;
	[tilespmem:s30+$0x40] =	vst v17  }
0x59: {  	v4 =	vmul.f32 v36, v4;
	v32 =	vld [tilespmem:s7+$0xA0];
	v17 =	vadd.f32 v38, v23;
	[tilespmem:s30+$0x80] =	vst v33  }
0x5a: {  	v23 =	vmul.f32 v35, v35;
	v33 =	vld [tilespmem:s7+$0x80];
	v19 =	vmul.f32 v22, v19;
	[tilespmem:s30+$0xC0] =	vst v13  }
0x5b: {  	v13 =	vmul.f32 v36, v26;
	v34 =	vld [tilespmem:s7+$0xB0];
	[tilespmem:s30+$0x0] =	vst v4  }
0x5c: {  	v37 =	vmul.f32 v30, v30;
	v38 =	vadd.f32 v23, v17;
	v4 =	vld [tilespmem:s7+$0x0];
	v26 =	vsub.f32 $1.500000000e+00, v19;
	[tilespmem:s30+$0xE0] =	vst v18  }
0x5d: {  	v16 =	vmul.f32 v36, v16;
	v19 =	vld [tilespmem:s7+$0x10];
	v39 =	vmul.f32 v31, v31;
	[tilespmem:s30+$0xF0] =	vst v25  }
0x5e: {  	v18 =	vperm.xlane v38, v0;
	v17 =	vld [tilespmem:s7+$0x20];
	v40 =	vmul.f32 v22, v26;
	[tilespmem:s30+$0x70] =	vst v13  }
0x5f: {  	v5 =	vmul.f32 v36, v5;
	v25 =	vmul.f32 v32, v32;
	v13 =	vld [tilespmem:s7+$0xC0];
	[tilespmem:s30+$0x60] =	vst v16  }
0x60: {  	v16 =	vmul.f32 v33, v33;
	v26 =	vadd.f32 v38, v18;
	v23 =	vld [tilespmem:s7+$0x30];
	v11 =	vmul.f32 v40, v11  }
0x61: {  	v8 =	vmul.f32 v40, v8;
	v36 =	vmul.f32 v4, v4;
	v18 =	vld [tilespmem:s7+$0xE0];
	[tilespmem:s30+$0x50] =	vst v5  }
0x62: {  	v38 =	vmul.f32 v34, v34;
	v16 =	vadd.f32 v39, v16;
	v22 =	vld [tilespmem:s7+$0x40];
	[tilespmem:s30+$0xFFFFFF40] =	vst v11;
	v11 =	vperm.xlane v26, v1  }
0x63: {  	v39 =	vmul.f32 v19, v19;
	v41 =	vmul.f32 v17, v17;
	v5 =	vld [tilespmem:s7+$0x50]  }
0x64: {  	v9 =	vmul.f32 v40, v9;
	v16 =	vadd.f32 v25, v16;
	v26 =	vadd.f32 v26, v11  }
0x65: {  	v36 =	vadd.f32 v39, v36;
	v39 =	vmul.f32 v23, v23;
	v25 =	vld [tilespmem:s7+$0xF0];
	[tilespmem:s30+$0xFFFFFF10] =	vst v8;
	v8 =	vmul.f32 v40, v27  }
0x66: {  	v27 =	vadd.f32 v38, v16;
	v38 =	vmul.f32 v13, v13;
	v11 =	vld [tilespmem:s7+$0xFFFFFF40];
	[tilespmem:s30+$0xFFFFFF20] =	vst v9;
	v9 =	vperm.xlane v26, v2  }
0x67: {  	v7 =	vmul.f32 v40, v7;
	v36 =	vadd.f32 v41, v36;
	v41 =	vmul.f32 v22, v22;
	v16 =	vld [tilespmem:s7+$0x60]  }
0x68: {  	v27 =	vadd.f32 v38, v27;
	v38 =	vmul.f32 v18, v18;
	[tilespmem:s30+$0xFFFFFF50] =	vst v8;
	v42 =	vadd.f32 v26, v9  }
0x69: {  	v36 =	vadd.f32 v39, v36;
	v39 =	vmul.f32 v5, v5;
	v8 =	vld [tilespmem:s7+$0xFFFFFF10]  }
0x6a: {  	v6 =	vmul.f32 v40, v6;
	v27 =	vadd.f32 v37, v27;
	v26 =	vld [tilespmem:s7+$0x70];
	[tilespmem:s30+$0xFFFFFF00] =	vst v7;
	v7 =	vperm.xlane v42, v3  }
0x6b: {  	v10 =	vmul.f32 v40, v10;
	v36 =	vadd.f32 v41, v36;
	v37 =	vmul.f32 v25, v25;
	v9 =	vld [tilespmem:s7+$0xFFFFFF20]  }
0x6c: {  	v27 =	vadd.f32 v38, v27;
	v41 =	vmul.f32 v16, v16;
	[tilespmem:s30+$0xFFFFFF30] =	vst v6;
	v38 =	vadd.f32 v42, v7  }
0x6d: {  	v36 =	vadd.f32 v39, v36;
	v7 =	vld [tilespmem:s7+$0xFFFFFF00];
	[tilespmem:s30+$0xFFFFFF60] =	vst v10;
	v10 =	vmul.f32 v40, v20  }
0x6e: {  	v20 =	vadd.f32 v37, v27;
	v6 =	vld [tilespmem:s7+$0xFFFFFF30];
	v27 =	vshrl.u32 v38, $0x1;
	v37 =	vmul.f32 $5.000000000e-01, v38  }
0x6f: {  	v36 =	vadd.f32 v41, v36;
	v38 =	vmul.f32 v26, v26;
	[tilespmem:s30+$0xFFFFFF70] =	vst v10;
	v39 =	vsub.s32 $0x5F3759DF, v27  }
0x70: {  	v27 =	vmul.f32 v8, v8;
	v37 =	vmul.f32 v39, v37  }
0x71: {  	v10 =	vld [tilespmem:s7+$0xFFFFFF60];
	v36 =	vadd.f32 v38, v36;
	v38 =	vperm.xlane v20, v0  }
0x72: {  	v40 =	vmul.f32 v7, v7;
	v37 =	vmul.f32 v39, v37  }
0x73: {  	v41 =	vmul.f32 v9, v9;
	v42 =	vperm.xlane v36, v0;
	v20 =	vadd.f32 v20, v38  }
0x74: {  	v38 =	vadd.f32 v27, v40;
	v40 =	vmul.f32 v6, v6;
	v37 =	vsub.f32 $1.500000000e+00, v37  }
0x75: {  	v27 =	vld [tilespmem:s7+$0xFFFFFF50];
	v36 =	vadd.f32 v36, v42;
	v42 =	vperm.xlane v20, v1  }
0x76: {  	v38 =	vadd.f32 v41, v38;
	v41 =	vmul.f32 v10, v10;
	v37 =	vmul.f32 v39, v37  }
0x77: {  	v39 =	vmul.f32 v11, v11;
	v43 =	vperm.xlane v36, v1;
	v42 =	vadd.f32 v20, v42  }
0x78: {  	v38 =	vadd.f32 v40, v38;
	v12 =	vmul.f32 v37, v12;
	v24 =	vmul.f32 v37, v24  }
0x79: {  	v15 =	vmul.f32 v37, v15;
	v20 =	vld [tilespmem:s7+$0xFFFFFF70];
	v36 =	vadd.f32 v36, v43;
	v40 =	vperm.xlane v42, v2  }
0x7a: {  	v14 =	vmul.f32 v37, v14;
	v38 =	vadd.f32 v39, v38;
	v39 =	vmul.f32 v27, v27;
	[tilespmem:s30+$0xFFFFFFD0] =	vst v12  }
0x7b: {  	v21 =	vmul.f32 v37, v21;
	v28 =	vmul.f32 v37, v28;
	v12 =	vld [tilespmem:s7+$0xFFFFFFD0];
	v40 =	vadd.f32 v42, v40;
	[tilespmem:s30+$0xFFFFFFE0] =	vst v24  }
0x7c: {  	v24 =	vadd.f32 v39, v38;
	[tilespmem:s30+$0xFFFFFF80] =	vst v15;
	v15 =	vmul.f32 v37, v29;
	v29 =	vmul.f32 v37, v35  }
0x7d: {  	v35 =	vperm.xlane v36, v2;
	v37 =	vperm.xlane v40, v3;
	[tilespmem:s30+$0xFFFFFFB0] =	vst v28  }
0x7e: {  	v28 =	vadd.f32 v41, v24;
	v24 =	vld [tilespmem:s7+$0xFFFFFFE0];
	[tilespmem:s30+$0xFFFFFFF0] =	vst v29  }
0x7f: {  	v29 =	vmul.f32 v20, v20;
	v35 =	vadd.f32 v36, v35;
	v36 =	vadd.f32 v40, v37;
	[tilespmem:s30+$0xFFFFFFC0] =	vst v15  }
0x80: {  	v15 =	vld [tilespmem:s7+$0xFFFFFF80];
	v37 =	vmul.f32 v12, v12;
	[tilespmem:s30+$0xFFFFFFA0] =	vst v21  }
0x81: {  	v28 =	vadd.f32 v29, v28;
	v21 =	vshrl.u32 v36, $0x1;
	v29 =	vmul.f32 $5.000000000e-01, v36;
	[tilespmem:s30+$0xFFFFFF90] =	vst v14;
	s30 =	smov.u32 s7  }
0x82: {  	v36 =	vperm.xlane v35, v3;
	v14 =	vld [tilespmem:s7+$0xFFFFFF90];
	v39 =	vsub.s32 $0x5F3759DF, v21  }
0x83: {  	v40 =	vperm.xlane v28, v0;
	v38 =	vmul.f32 v24, v24  }
0x84: {  	v35 =	vadd.f32 v35, v36;
	v36 =	vmul.f32 v39, v29;
	v21 =	vld [tilespmem:s7+$0xFFFFFFA0]  }
0x85: {  	v40 =	vadd.f32 v28, v40;
	v41 =	vmul.f32 v15, v15  }
0x86: {  	v42 =	vshrl.u32 v35, $0x1;
	v35 =	vmul.f32 $5.000000000e-01, v35;
	v36 =	vmul.f32 v39, v36;
	v29 =	vld [tilespmem:s7+$0xFFFFFFC0]  }
0x87: {  	v43 =	vperm.xlane v40, v1;
	v42 =	vsub.s32 $0x5F3759DF, v42;
	v44 =	vmul.f32 v14, v14;
	v28 =	vld [tilespmem:s7+$0xFFFFFFB0]  }
0x88: {  	v35 =	vmul.f32 v42, v35;
	v36 =	vsub.f32 $1.500000000e+00, v36  }
0x89: {  	v40 =	vadd.f32 v40, v43;
	v41 =	vadd.f32 v44, v41;
	v43 =	vmul.f32 v21, v21  }
0x8a: {  	v35 =	vmul.f32 v42, v35;
	v39 =	vmul.f32 v39, v36  }
.Ltmp0:
0x8b: {  	v36 =	vperm.xlane v40, v2;
	v41 =	vadd.f32 v43, v41;
	(pc) =	sbr.rel @p1 .LBB2_3-.Ltmp0, $4  }
0x8c: {  	v35 =	vsub.f32 $1.500000000e+00, v35;
	v44 =	vmul.f32 v39, v30;
	v43 =	vmul.f32 v28, v28  }
0x8d: {  	v45 =	vmul.f32 v39, v31;
	v31 =	vmul.f32 v39, v32;
	v30 =	vadd.f32 v40, v36  }
0x8e: {  	v33 =	vmul.f32 v39, v33;
	v36 =	vmul.f32 v42, v35;
	v40 =	vadd.f32 v43, v41;
	[tilespmem:s7+$0xD0] =	vst v44  }
0x8f: {  	v32 =	vmul.f32 v39, v34;
	v35 =	vperm.xlane v30, v3;
	s7 =	sadd.s32 $0x200, s7;
	[tilespmem:s30+$0x90] =	vst v45  }
0x90: {  	v34 =	vmul.f32 v29, v29  }
0x91: {  	v41 =	vld [tilespmem:s30+$0xFFFFFFF0]  }
0x92: {  	v34 =	vadd.f32 v34, v40;
	_ =	sdelay $0x1  }
0x93: {  	v34 =	vadd.f32 v37, v34;
	_ =	sdelay $0x1  }
0x94: {  	v47 =	vmul.f32 v41, v41;
	v34 =	vadd.f32 v38, v34;
	_ =	sdelay $0x1  }
0x95: {  	v34 =	vadd.f32 v47, v34;
	_ =	sdelay $0x1  }
0x96: {  	v37 =	vperm.xlane v34, v0;
	_ =	sdelay $0x1  }
0x97: {  	v34 =	vadd.f32 v34, v37;
	_ =	sdelay $0x1  }
0x98: {  	v37 =	vperm.xlane v34, v1  }
0x99: {  	v19 =	vmul.f32 v36, v19;
	v30 =	vadd.f32 v30, v35  }
0x9a: {  	[tilespmem:s30+$0xA0] =	vst v31;
	v31 =	vadd.f32 v34, v37  }
0x9b: {  	v17 =	vmul.f32 v36, v17;
	[tilespmem:s30+$0x10] =	vst v19;
	v19 =	vshrl.u32 v30, $0x1;
	v30 =	vmul.f32 $5.000000000e-01, v30  }
0x9c: {  	v23 =	vmul.f32 v36, v23;
	[tilespmem:s30+$0x80] =	vst v33;
	v19 =	vsub.s32 $0x5F3759DF, v19;
	v48 =	vperm.xlane v31, v2  }
0x9d: {  	[tilespmem:s30+$0x20] =	vst v17;
	v17 =	vmul.f32 v36, v22;
	v22 =	vmul.f32 v19, v30  }
0x9e: {  	[tilespmem:s30+$0x30] =	vst v23;
	v23 =	vadd.f32 v31, v48  }
0x9f: {  	v4 =	vmul.f32 v36, v4;
	[tilespmem:s30+$0x40] =	vst v17;
	v17 =	vmul.f32 v19, v22  }
0xa0: {  	v13 =	vmul.f32 v39, v13;
	[tilespmem:s30+$0xB0] =	vst v32;
	v22 =	vperm.xlane v23, v3  }
0xa1: {  	v18 =	vmul.f32 v39, v18;
	[tilespmem:s30+$0x0] =	vst v4;
	v4 =	vsub.f32 $1.500000000e+00, v17  }
0xa2: {  	[tilespmem:s30+$0xC0] =	vst v13;
	v13 =	vmul.f32 v39, v25;
	v17 =	vadd.f32 v23, v22  }
0xa3: {  	v16 =	vmul.f32 v36, v16;
	[tilespmem:s30+$0xE0] =	vst v18;
	v4 =	vmul.f32 v19, v4  }
0xa4: {  	v5 =	vmul.f32 v36, v5;
	[tilespmem:s30+$0xF0] =	vst v13;
	v13 =	vshrl.u32 v17, $0x1;
	v17 =	vmul.f32 $5.000000000e-01, v17  }
0xa5: {  	[tilespmem:s30+$0x60] =	vst v16;
	v11 =	vmul.f32 v4, v11;
	v13 =	vsub.s32 $0x5F3759DF, v13  }
0xa6: {  	[tilespmem:s30+$0x50] =	vst v5;
	v8 =	vmul.f32 v4, v8;
	v16 =	vmul.f32 v13, v17  }
0xa7: {  	v5 =	vmul.f32 v4, v9;
	[tilespmem:s30+$0xFFFFFF40] =	vst v11  }
0xa8: {  	v6 =	vmul.f32 v4, v6;
	[tilespmem:s30+$0xFFFFFF10] =	vst v8;
	v9 =	vmul.f32 v13, v16  }
0xa9: {  	[tilespmem:s30+$0xFFFFFF20] =	vst v5;
	v5 =	vmul.f32 v4, v7  }
0xaa: {  	v8 =	vmul.f32 v4, v27;
	[tilespmem:s30+$0xFFFFFF30] =	vst v6;
	v7 =	vsub.f32 $1.500000000e+00, v9  }
0xab: {  	[tilespmem:s30+$0xFFFFFF00] =	vst v5;
	v5 =	vmul.f32 v4, v10  }
0xac: {  	[tilespmem:s30+$0xFFFFFF50] =	vst v8;
	v4 =	vmul.f32 v4, v20;
	v7 =	vmul.f32 v13, v7  }
0xad: {  	[tilespmem:s30+$0xFFFFFF60] =	vst v5;
	v22 =	vmul.f32 v36, v26  }
0xae: {  	[tilespmem:s30+$0xFFFFFF70] =	vst v4;
	v5 =	vmul.f32 v7, v12  }
0xaf: {  	[tilespmem:s30+$0x70] =	vst v22;
	v4 =	vmul.f32 v7, v24  }
0xb0: {  	v6 =	vmul.f32 v7, v15;
	[tilespmem:s30+$0xFFFFFFD0] =	vst v5  }
0xb1: {  	v5 =	vmul.f32 v7, v28;
	[tilespmem:s30+$0xFFFFFFE0] =	vst v4  }
0xb2: {  	[tilespmem:s30+$0xFFFFFF80] =	vst v6;
	v4 =	vmul.f32 v7, v41  }
0xb3: {  	s0 =	smul.u32 $0x280, s29;
	v6 =	vmul.f32 v7, v29;
	[tilespmem:s30+$0xFFFFFFB0] =	vst v5  }
0xb4: {  	v5 =	vmul.f32 v7, v21;
	[tilespmem:s30+$0xFFFFFFF0] =	vst v4  }
0xb5: {  	s0 =	sadd.s32 s5, s0;
	v4 =	vmul.f32 v7, v14;
	[tilespmem:s30+$0xFFFFFFC0] =	vst v6  }
0xb6: {  	s0 =	sshll.u32 s0, $0x4;
	[tilespmem:s30+$0xFFFFFFA0] =	vst v5  }
0xb7: {  	s0 =	sadd.s32 s2, s0;
	[tilespmem:s30+$0xFFFFFF90] =	vst v4  }
0xb8: {  	[hbm4b:s0+s3] =	stream.linear.scatter [tilespmem:s12], [sflag:$0x6], $0x4000, $0x38;
	[tilespmem:$0x15C00] =	vst v63  }
0xb9: {  	s0 =	simm.s32 @!p0 $0x9  }
0xba: {  	s30 =	sadd.s32 $0x3, s31;
	_ =	swait.ge @!p0 [sflag:s0], $0x4000  }
0xbb: {  	s7 =	sshll.u32 s30, $0x7;
	[sflag:s0] =	ssyncset.done @!p0 $0x0  }
0xbc: {  	s9 =	sand.u32 $0x3FFFFF80, s7;
	[sflag:s0] =	ssyncadd.s32 @!p0 $0xFFFFC000  }
0xbd: {  	[tilespmem:s16], [sflag:$0x4] =	stream.indirect.gather [hbm4b:s1+s11], $0x80, s9, s11, $0xb8;
	[tilespmem:$0x15C00] =	vst v63  }
0xbe: {  	_ =	swait.ge [sflag:s17], $0x4000  }
0xbf: {  	[sflag:s17] =	ssyncset.done $0x0  }
0xc0: {  	s0 =	simm.s32 $0x5C00;
	[sflag:s17] =	ssyncadd.s32 $0xFFFFC000  }
0xc1: {  	v30 =	vld [tilespmem:s0+$0x120]  }
0xc2: {  	v10 =	vld [tilespmem:s0+$0x1E0]  }
0xc3: {  	v32 =	vld [tilespmem:s0+$0x160]  }
0xc4: {  	v34 =	vld [tilespmem:s0+$0x100]  }
0xc5: {  	v31 =	vld [tilespmem:s0+$0x110]  }
0xc6: {  	v8 =	vld [tilespmem:s0+$0x180]  }
0xc7: {  	v4 =	vld [tilespmem:s0+$0x140]  }
0xc8: {  	v14 =	vld [tilespmem:s0+$0x190]  }
0xc9: {  	v33 =	vld [tilespmem:s0+$0x130]  }
0xca: {  	v12 =	vld [tilespmem:s0+$0x1A0];
	v5 =	vmul.f32 v31, v31;
	v6 =	vmul.f32 v34, v34  }
0xcb: {  	v19 =	vld [tilespmem:s0+$0x1D0]  }
0xcc: {  	v7 =	vld [tilespmem:s0+$0x1B0];
	v5 =	vadd.f32 v5, v6;
	v6 =	vmul.f32 v30, v30  }
0xcd: {  	v35 =	vld [tilespmem:s0+$0x150];
	v9 =	vmul.f32 v14, v14;
	v11 =	vmul.f32 v8, v8  }
0xce: {  	v16 =	vld [tilespmem:s0+$0x1C0];
	v5 =	vadd.f32 v6, v5;
	v6 =	vmul.f32 v33, v33  }
0xcf: {  	v24 =	vld [tilespmem:s0+$0x170];
	v9 =	vadd.f32 v9, v11;
	v11 =	vmul.f32 v12, v12  }
0xd0: {  	v17 =	vld [tilespmem:s0+$0x10];
	v13 =	vmul.f32 v4, v4;
	v5 =	vadd.f32 v6, v5  }
0xd1: {  	v26 =	vld [tilespmem:s0+$0x1F0];
	v9 =	vadd.f32 v11, v9;
	v11 =	vmul.f32 v7, v7  }
0xd2: {  	v21 =	vld [tilespmem:s0+$0x0];
	v15 =	vmul.f32 v35, v35;
	v5 =	vadd.f32 v13, v5  }
0xd3: {  	v18 =	vmul.f32 v16, v16;
	v6 =	vld [tilespmem:s0+$0x90];
	v11 =	vadd.f32 v11, v9  }
0xd4: {  	v20 =	vmul.f32 v32, v32;
	v9 =	vld [tilespmem:s0+$0x80];
	v5 =	vadd.f32 v15, v5  }
0xd5: {  	v13 =	vld [tilespmem:s0+$0x20];
	v11 =	vadd.f32 v18, v11;
	v18 =	vmul.f32 v19, v19  }
0xd6: {  	v22 =	vmul.f32 v24, v24;
	v15 =	vld [tilespmem:s0+$0xA0];
	v20 =	vadd.f32 v20, v5  }
0xd7: {  	v23 =	vmul.f32 v17, v17;
	v27 =	vmul.f32 v10, v10;
	v18 =	vadd.f32 v18, v11;
	v5 =	vld [tilespmem:s0+$0x30]  }
0xd8: {  	v29 =	vmul.f32 v21, v21;
	v50 =	vmul.f32 v26, v26;
	v11 =	vld [tilespmem:s0+$0xB0];
	v49 =	vadd.f32 v22, v20  }
0xd9: {  	v25 =	vld [tilespmem:s0+$0x40];
	v28 =	vmul.f32 v6, v6;
	v27 =	vadd.f32 v27, v18;
	v22 =	vmul.f32 v9, v9  }
0xda: {  	v23 =	vadd.f32 v23, v29;
	v51 =	vmul.f32 v13, v13;
	v20 =	vld [tilespmem:s0+$0xC0];
	v29 =	vperm.xlane v49, v0  }
0xdb: {  	v18 =	vld [tilespmem:s0+$0x50];
	v27 =	vadd.f32 v50, v27;
	v52 =	vmul.f32 v15, v15;
	v53 =	vadd.f32 v28, v22  }
0xdc: {  	v54 =	vadd.f32 v51, v23;
	v22 =	vld [tilespmem:s0+$0xD0];
	v55 =	vmul.f32 v5, v5;
	v36 =	vadd.f32 v49, v29  }
0xdd: {  	v56 =	vmul.f32 v11, v11;
	v28 =	vld [tilespmem:s0+$0x60];
	v57 =	vperm.xlane v27, v0;
	v39 =	vadd.f32 v52, v53  }
0xde: {  	v42 =	vmul.f32 v25, v25;
	v23 =	vld [tilespmem:s0+$0xE0];
	v37 =	vadd.f32 v55, v54;
	v58 =	vperm.xlane v36, v1  }
0xdf: {  	v29 =	vld [tilespmem:s0+$0x70];
	v40 =	vadd.f32 v27, v57;
	v43 =	vmul.f32 v20, v20;
	v39 =	vadd.f32 v56, v39  }
0xe0: {  	v59 =	vmul.f32 v18, v18;
	v27 =	vld [tilespmem:s0+$0xF0];
	v37 =	vadd.f32 v42, v37;
	v36 =	vadd.f32 v36, v58  }
0xe1: {  	v61 =	vperm.xlane v40, v1;
	v60 =	vmul.f32 v22, v22;
	v39 =	vadd.f32 v43, v39  }
0xe2: {  	v62 =	vmul.f32 v28, v28;
	v37 =	vadd.f32 v59, v37;
	v63 =	vperm.xlane v36, v2  }
0xe3: {  	v44 =	vmul.f32 v23, v23;
	v46 =	vadd.f32 v40, v61;
	v38 =	vadd.f32 v60, v39  }
0xe4: {  	v47 =	vmul.f32 v29, v29;
	v37 =	vadd.f32 v62, v37;
	v36 =	vadd.f32 v36, v63  }
0xe5: {  	v48 =	vmul.f32 v27, v27;
	v42 =	vperm.xlane v46, v2;
	v38 =	vadd.f32 v44, v38  }
0xe6: {  	v37 =	vadd.f32 v47, v37;
	v49 =	vperm.xlane v36, v3  }
0xe7: {  	v39 =	vadd.f32 v46, v42;
	v38 =	vadd.f32 v48, v38  }
0xe8: {  	v50 =	vperm.xlane v37, v0;
	v36 =	vadd.f32 v36, v49  }
0xe9: {  	v42 =	vperm.xlane v39, v3;
	v51 =	vperm.xlane v38, v0  }
0xea: {  	v37 =	vadd.f32 v37, v50;
	v52 =	vshrl.u32 v36, $0x1;
	v36 =	vmul.f32 $5.000000000e-01, v36  }
0xeb: {  	v39 =	vadd.f32 v39, v42;
	v38 =	vadd.f32 v38, v51;
	v53 =	vsub.s32 $0x5F3759DF, v52  }
0xec: {  	v54 =	vperm.xlane v37, v1;
	v36 =	vmul.f32 v53, v36  }
0xed: {  	v56 =	vshrl.u32 v39, $0x1;
	v55 =	vperm.xlane v38, v1  }
0xee: {  	v39 =	vmul.f32 $5.000000000e-01, v39;
	v37 =	vadd.f32 v37, v54;
	v36 =	vmul.f32 v53, v36  }
0xef: {  	v57 =	vsub.s32 $0x5F3759DF, v56;
	v38 =	vadd.f32 v38, v55  }
0xf0: {  	v39 =	vmul.f32 v57, v39;
	v58 =	vperm.xlane v37, v2;
	v36 =	vsub.f32 $1.500000000e+00, v36  }
0xf1: {  	v59 =	vperm.xlane v38, v2  }
0xf2: {  	v39 =	vmul.f32 v57, v39;
	v37 =	vadd.f32 v37, v58;
	v36 =	vmul.f32 v53, v36  }
0xf3: {  	v38 =	vadd.f32 v38, v59  }
0xf4: {  	v39 =	vsub.f32 $1.500000000e+00, v39;
	v60 =	vperm.xlane v37, v3;
	v34 =	vmul.f32 v36, v34  }
0xf5: {  	v61 =	vperm.xlane v38, v3;
	v62 =	vmul.f32 v36, v35  }
0xf6: {  	v63 =	vmul.f32 v36, v32;
	v35 =	vmul.f32 v57, v39;
	v40 =	vadd.f32 v37, v60;
	[tilespmem:s0+$0x100] =	vst v34  }
0xf7: {  	v32 =	vmul.f32 v36, v31;
	v30 =	vmul.f32 v36, v30;
	v37 =	vadd.f32 v38, v61;
	[tilespmem:s0+$0x150] =	vst v62  }
0xf8: {  	s7 =	simm.s32 $0x0;
	s9 =	simm.s32 $0x5C00;
	v34 =	vmul.f32 v36, v33;
	[tilespmem:s0+$0x160] =	vst v63;
	v33 =	vshrl.u32 v40, $0x1;
	v31 =	vmul.f32 $5.000000000e-01, v40  }
.LBB2_5:
0xf9: {  	s7 =	sadd.s32 $0x4, s7;
	v38 =	vsub.s32 $0x5F3759DF, v33;
	[tilespmem:s0+$0x110] =	vst v32;
	v10 =	vmul.f32 v35, v10;
	v26 =	vmul.f32 v35, v26;
	s9 =	sadd.s32 $0x200, s9  }
0xfa: {  	v32 =	vshrl.u32 v37, $0x1;
	v19 =	vmul.f32 v35, v19;
	p1 =	slt.u32 s7, $0x7C;
	v31 =	vmul.f32 v38, v31;
	[tilespmem:s0+$0x120] =	vst v30  }
0xfb: {  	v8 =	vmul.f32 v35, v8;
	v39 =	vsub.s32 $0x5F3759DF, v32;
	v32 =	vmul.f32 $5.000000000e-01, v37;
	v30 =	vld [tilespmem:s9+$0x120];
	[tilespmem:s0+$0x1E0] =	vst v10  }
0xfc: {  	v14 =	vmul.f32 v35, v14;
	v10 =	vld [tilespmem:s9+$0x1E0];
	v33 =	vmul.f32 v38, v31;
	[tilespmem:s0+$0x1D0] =	vst v19  }
0xfd: {  	v24 =	vmul.f32 v36, v24;
	v19 =	vmul.f32 v39, v32;
	v31 =	vld [tilespmem:s9+$0x160];
	[tilespmem:s0+$0x180] =	vst v8  }
0xfe: {  	v4 =	vmul.f32 v36, v4;
	v12 =	vmul.f32 v35, v12;
	v8 =	vld [tilespmem:s9+$0x180];
	v37 =	vsub.f32 $1.500000000e+00, v33;
	[tilespmem:s0+$0x190] =	vst v14  }
0xff: {  	v7 =	vmul.f32 v35, v7;
	v14 =	vmul.f32 v39, v19;
	v33 =	vld [tilespmem:s9+$0x100];
	[tilespmem:s0+$0x170] =	vst v24  }
0x100: {  	v16 =	vmul.f32 v35, v16;
	v32 =	vld [tilespmem:s9+$0x110];
	[tilespmem:s0+$0x140] =	vst v4  }
0x101: {  	v36 =	vmul.f32 v38, v37;
	v24 =	vsub.f32 $1.500000000e+00, v14;
	v4 =	vld [tilespmem:s9+$0x140];
	[tilespmem:s0+$0x1A0] =	vst v12  }
0x102: {  	v37 =	vmul.f32 v31, v31;
	v19 =	vld [tilespmem:s9+$0x1D0];
	[tilespmem:s0+$0x130] =	vst v34  }
0x103: {  	v12 =	vmul.f32 v36, v17;
	v13 =	vmul.f32 v36, v13;
	v14 =	vld [tilespmem:s9+$0x190];
	[tilespmem:s0+$0x1B0] =	vst v7  }
0x104: {  	v17 =	vmul.f32 v36, v21;
	v38 =	vmul.f32 v39, v24;
	v7 =	vld [tilespmem:s9+$0x1B0];
	[tilespmem:s0+$0x1C0] =	vst v16  }
0x105: {  	v28 =	vmul.f32 v36, v28;
	v16 =	vmul.f32 v32, v32;
	v34 =	vld [tilespmem:s9+$0x130];
	[tilespmem:s0+$0x10] =	vst v12  }
0x106: {  	v21 =	vmul.f32 v33, v33;
	v12 =	vld [tilespmem:s9+$0x1A0];
	[tilespmem:s0+$0x0] =	vst v17;
	v17 =	vmul.f32 v36, v25  }
0x107: {  	v24 =	vmul.f32 v36, v29;
	v25 =	vmul.f32 v4, v4;
	v35 =	vld [tilespmem:s9+$0x150];
	[tilespmem:s0+$0x20] =	vst v13  }
0x108: {  	v29 =	vmul.f32 v30, v30;
	v21 =	vadd.f32 v16, v21;
	v13 =	vld [tilespmem:s9+$0x20];
	v39 =	vmul.f32 v14, v14;
	[tilespmem:s0+$0x40] =	vst v17  }
0x109: {  	v40 =	vmul.f32 v8, v8;
	v6 =	vmul.f32 v38, v6;
	v16 =	vld [tilespmem:s9+$0x1C0];
	[tilespmem:s0+$0x70] =	vst v24  }
0x10a: {  	v15 =	vmul.f32 v38, v15;
	v21 =	vadd.f32 v29, v21;
	v29 =	vmul.f32 v34, v34;
	v24 =	vld [tilespmem:s9+$0x170];
	[tilespmem:s0+$0x1F0] =	vst v26  }
0x10b: {  	v9 =	vmul.f32 v38, v9;
	v39 =	vadd.f32 v39, v40;
	v17 =	vld [tilespmem:s9+$0x10];
	v40 =	vmul.f32 v12, v12;
	[tilespmem:s0+$0x90] =	vst v6  }
0x10c: {  	v11 =	vmul.f32 v38, v11;
	v29 =	vadd.f32 v29, v21;
	v41 =	vmul.f32 v35, v35;
	v26 =	vld [tilespmem:s9+$0x1F0];
	[tilespmem:s0+$0xA0] =	vst v15  }
0x10d: {  	v20 =	vmul.f32 v38, v20;
	v6 =	vld [tilespmem:s9+$0x90];
	v15 =	vadd.f32 v40, v39;
	v39 =	vmul.f32 v7, v7;
	[tilespmem:s0+$0x80] =	vst v9  }
0x10e: {  	v21 =	vld [tilespmem:s9+$0x0];
	v25 =	vadd.f32 v25, v29;
	[tilespmem:s0+$0xB0] =	vst v11;
	v11 =	vmul.f32 v38, v22;
	v22 =	vmul.f32 v38, v23  }
0x10f: {  	v29 =	vmul.f32 v16, v16;
	v9 =	vld [tilespmem:s9+$0x80];
	v23 =	vadd.f32 v39, v15;
	[tilespmem:s0+$0xC0] =	vst v20;
	v20 =	vmul.f32 v38, v27  }
0x110: {  	v5 =	vmul.f32 v36, v5;
	v18 =	vmul.f32 v36, v18;
	v15 =	vld [tilespmem:s9+$0xA0];
	v27 =	vadd.f32 v41, v25;
	[tilespmem:s0+$0xD0] =	vst v11  }
0x111: {  	v36 =	vmul.f32 v17, v17;
	v11 =	vld [tilespmem:s9+$0xB0];
	v23 =	vadd.f32 v29, v23;
	v29 =	vmul.f32 v19, v19;
	[tilespmem:s0+$0x60] =	vst v28  }
0x112: {  	v28 =	vmul.f32 v13, v13;
	v25 =	vld [tilespmem:s9+$0x40];
	v27 =	vadd.f32 v37, v27;
	v37 =	vmul.f32 v24, v24;
	[tilespmem:s0+$0x30] =	vst v5  }
0x113: {  	v38 =	vmul.f32 v6, v6;
	v5 =	vld [tilespmem:s9+$0x30];
	v23 =	vadd.f32 v29, v23;
	v29 =	vmul.f32 v10, v10;
	[tilespmem:s0+$0xF0] =	vst v20  }
0x114: {  	v39 =	vmul.f32 v21, v21;
	v40 =	vmul.f32 v9, v9;
	v27 =	vadd.f32 v37, v27;
	[tilespmem:s0+$0xE0] =	vst v22  }
0x115: {  	v37 =	vmul.f32 v15, v15;
	v20 =	vld [tilespmem:s9+$0xC0];
	v23 =	vadd.f32 v29, v23;
	v29 =	vmul.f32 v26, v26;
	[tilespmem:s0+$0x50] =	vst v18;
	s0 =	smov.u32 s9  }
0x116: {  	v36 =	vadd.f32 v36, v39;
	v38 =	vadd.f32 v38, v40;
	v22 =	vld [tilespmem:s9+$0xD0];
	v39 =	vperm.xlane v27, v0  }
0x117: {  	v41 =	vmul.f32 v11, v11;
	v40 =	vmul.f32 v25, v25;
	v18 =	vld [tilespmem:s9+$0x50];
	v42 =	vadd.f32 v29, v23  }
0x118: {  	v29 =	vadd.f32 v28, v36;
	v36 =	vmul.f32 v5, v5;
	v23 =	vld [tilespmem:s9+$0xE0];
	v39 =	vadd.f32 v27, v39  }
0x119: {  	v27 =	vadd.f32 v37, v38;
	v28 =	vld [tilespmem:s9+$0x60];
	v37 =	vperm.xlane v42, v0  }
0x11a: {  	v36 =	vadd.f32 v36, v29;
	v29 =	vld [tilespmem:s9+$0x70];
	v38 =	vmul.f32 v20, v20;
	v43 =	vperm.xlane v39, v1  }
0x11b: {  	v41 =	vadd.f32 v41, v27;
	v44 =	vmul.f32 v22, v22;
	v27 =	vld [tilespmem:s9+$0xF0];
	v37 =	vadd.f32 v42, v37  }
0x11c: {  	v36 =	vadd.f32 v40, v36;
	v40 =	vmul.f32 v18, v18;
	v39 =	vadd.f32 v39, v43  }
0x11d: {  	v38 =	vadd.f32 v38, v41;
	v41 =	vmul.f32 v23, v23;
	v42 =	vperm.xlane v37, v1  }
0x11e: {  	v36 =	vadd.f32 v40, v36;
	v40 =	vmul.f32 v28, v28;
	v43 =	vperm.xlane v39, v2  }
0x11f: {  	v38 =	vadd.f32 v44, v38;
	v45 =	vmul.f32 v29, v29;
	v37 =	vadd.f32 v37, v42  }
0x120: {  	v36 =	vadd.f32 v40, v36;
	v40 =	vmul.f32 v27, v27;
	v39 =	vadd.f32 v39, v43  }
0x121: {  	v38 =	vadd.f32 v41, v38;
	v41 =	vperm.xlane v37, v2  }
0x122: {  	v36 =	vadd.f32 v45, v36;
	v42 =	vperm.xlane v39, v3  }
0x123: {  	v38 =	vadd.f32 v40, v38;
	v37 =	vadd.f32 v37, v41  }
0x124: {  	v40 =	vperm.xlane v36, v0;
	v39 =	vadd.f32 v39, v42  }
0x125: {  	v41 =	vperm.xlane v38, v0;
	v42 =	vperm.xlane v37, v3  }
0x126: {  	v36 =	vadd.f32 v36, v40;
	v40 =	vshrl.u32 v39, $0x1;
	v39 =	vmul.f32 $5.000000000e-01, v39  }
0x127: {  	v38 =	vadd.f32 v38, v41;
	v40 =	vsub.s32 $0x5F3759DF, v40;
	v37 =	vadd.f32 v37, v42  }
0x128: {  	v41 =	vperm.xlane v36, v1;
	v39 =	vmul.f32 v40, v39  }
0x129: {  	v42 =	vperm.xlane v38, v1;
	v43 =	vshrl.u32 v37, $0x1;
	v37 =	vmul.f32 $5.000000000e-01, v37  }
0x12a: {  	v36 =	vadd.f32 v36, v41;
	v39 =	vmul.f32 v40, v39;
	v41 =	vsub.s32 $0x5F3759DF, v43  }
0x12b: {  	v38 =	vadd.f32 v38, v42;
	v37 =	vmul.f32 v41, v37  }
0x12c: {  	v42 =	vperm.xlane v36, v2;
	v39 =	vsub.f32 $1.500000000e+00, v39  }
0x12d: {  	v43 =	vperm.xlane v38, v2;
	v37 =	vmul.f32 v41, v37  }
0x12e: {  	v42 =	vadd.f32 v36, v42;
	v36 =	vmul.f32 v40, v39  }
0x12f: {  	v38 =	vadd.f32 v38, v43;
	v37 =	vsub.f32 $1.500000000e+00, v37  }
.Ltmp1:
0x130: {  	v39 =	vperm.xlane v42, v3;
	v33 =	vmul.f32 v36, v33;
	(pc) =	sbr.rel @p1 .LBB2_5-.Ltmp1, $4  }
0x131: {  	v40 =	vperm.xlane v38, v3;
	v43 =	vmul.f32 v36, v35  }
0x132: {  	v35 =	vmul.f32 v41, v37;
	v39 =	vadd.f32 v42, v39;
	[tilespmem:s9+$0x100] =	vst v33;
	v42 =	vmul.f32 v36, v31  }
0x133: {  	v32 =	vmul.f32 v36, v32;
	v34 =	vmul.f32 v36, v34;
	v37 =	vadd.f32 v38, v40;
	[tilespmem:s9+$0x150] =	vst v43  }
0x134: {  	v30 =	vmul.f32 v36, v30;
	v33 =	vshrl.u32 v39, $0x1;
	v31 =	vmul.f32 $5.000000000e-01, v39;
	[tilespmem:s9+$0x160] =	vst v42  }
0x135: {  	[tilespmem:s0+$0x110] =	vst v32  }
0x136: {  	v10 =	vmul.f32 v35, v10;
	v52 =	vsub.s32 $0x5F3759DF, v33;
	[tilespmem:s0+$0x130] =	vst v34  }
0x137: {  	v19 =	vmul.f32 v35, v19;
	[tilespmem:s0+$0x120] =	vst v30;
	v30 =	vmul.f32 v52, v31  }
0x138: {  	v8 =	vmul.f32 v35, v8;
	v4 =	vmul.f32 v36, v4;
	[tilespmem:s0+$0x1E0] =	vst v10  }
0x139: {  	v10 =	vmul.f32 v35, v14;
	[tilespmem:s0+$0x1D0] =	vst v19;
	v14 =	vmul.f32 v52, v30  }
0x13a: {  	v12 =	vmul.f32 v35, v12;
	v19 =	vmul.f32 v36, v24;
	[tilespmem:s0+$0x180] =	vst v8  }
0x13b: {  	v8 =	vshrl.u32 v37, $0x1;
	v24 =	vmul.f32 $5.000000000e-01, v37;
	[tilespmem:s0+$0x190] =	vst v10;
	v10 =	vsub.f32 $1.500000000e+00, v14  }
0x13c: {  	[tilespmem:s0+$0x140] =	vst v4;
	v4 =	vmul.f32 v35, v7;
	v8 =	vsub.s32 $0x5F3759DF, v8  }
0x13d: {  	[tilespmem:s0+$0x1A0] =	vst v12;
	v14 =	vmul.f32 v8, v24;
	v7 =	vmul.f32 v52, v10  }
0x13e: {  	[tilespmem:s0+$0x170] =	vst v19;
	v10 =	vmul.f32 v35, v16  }
0x13f: {  	[tilespmem:s0+$0x1B0] =	vst v4;
	v12 =	vmul.f32 v8, v14;
	v14 =	vmul.f32 v7, v17  }
0x140: {  	v4 =	vmul.f32 v7, v21;
	[tilespmem:s0+$0x1C0] =	vst v10  }
0x141: {  	v10 =	vsub.f32 $1.500000000e+00, v12;
	v12 =	vmul.f32 v7, v13;
	[tilespmem:s0+$0x10] =	vst v14  }
0x142: {  	v5 =	vmul.f32 v7, v5;
	[tilespmem:s0+$0x0] =	vst v4  }
0x143: {  	v4 =	vmul.f32 v7, v25;
	[tilespmem:s0+$0x20] =	vst v12  }
0x144: {  	v8 =	vmul.f32 v8, v10;
	v10 =	vmul.f32 v7, v29;
	[tilespmem:s0+$0x30] =	vst v5  }
0x145: {  	v12 =	vmul.f32 v35, v26;
	[tilespmem:s0+$0x40] =	vst v4  }
0x146: {  	v5 =	vmul.f32 v7, v18;
	[tilespmem:s0+$0x70] =	vst v10  }
0x147: {  	v4 =	vmul.f32 v8, v6;
	[tilespmem:s0+$0x1F0] =	vst v12  }
0x148: {  	v6 =	vmul.f32 v8, v15;
	[tilespmem:s0+$0x50] =	vst v5  }
0x149: {  	v9 =	vmul.f32 v8, v9;
	[tilespmem:s0+$0x90] =	vst v4  }
0x14a: {  	[tilespmem:s0+$0xA0] =	vst v6;
	v4 =	vmul.f32 v8, v11  }
0x14b: {  	[tilespmem:s0+$0x80] =	vst v9;
	v6 =	vmul.f32 v8, v20  }
0x14c: {  	v9 =	vmul.f32 v7, v28;
	[tilespmem:s0+$0xB0] =	vst v4  }
0x14d: {  	s7 =	smul.u32 $0x14000, s29;
	v4 =	vmul.f32 v8, v22;
	[tilespmem:s0+$0xC0] =	vst v6  }
0x14e: {  	[tilespmem:s0+$0x60] =	vst v9;
	v6 =	vmul.f32 v8, v23  }
0x14f: {  	s7 =	sadd.s32 s7, s8;
	[tilespmem:s0+$0xD0] =	vst v4;
	v4 =	vmul.f32 v8, v27  }
0x150: {  	s7 =	sshrl.u32 s7, $0x3;
	[tilespmem:s0+$0xE0] =	vst v6  }
0x151: {  	s7 =	sadd.s32 s2, s7;
	[tilespmem:s0+$0xF0] =	vst v4;
	s0 =	simm.s32 @!p0 $0xA  }
0x152: {  	[hbm4b:s7+s3] =	stream.linear.scatter [tilespmem:s13], [sflag:$0x7], $0x4000, $0x38;
	[tilespmem:$0x15C00] =	vst v63  }
0x153: {  	s31 =	sadd.s32 $0x4, s31;
	_ =	swait.ge @!p0 [sflag:s0], $0x4000  }
0x154: {  	s9 =	sshll.u32 s31, $0x7;
	[sflag:s0] =	ssyncset.done @!p0 $0x0  }
0x155: {  	s9 =	sand.u32 $0x3FFFFF80, s9;
	[sflag:s0] =	ssyncadd.s32 @!p0 $0xFFFFC000  }
0x156: {  	[tilespmem:s18], [sflag:$0x5] =	stream.indirect.gather [hbm4b:s1+s11], $0x80, s9, s11, $0xb8;
	[tilespmem:$0x15C00] =	vst v63  }
0x157: {  	_ =	swait.ge [sflag:s19], $0x4000  }
0x158: {  	[sflag:s19] =	ssyncset.done $0x0  }
0x159: {  	s0 =	simm.s32 $0x9C00;
	[sflag:s19] =	ssyncadd.s32 $0xFFFFC000  }
0x15a: {  	v30 =	vld [tilespmem:s0+$0x120]  }
0x15b: {  	v10 =	vld [tilespmem:s0+$0x1E0]  }
0x15c: {  	v32 =	vld [tilespmem:s0+$0x160]  }
0x15d: {  	v34 =	vld [tilespmem:s0+$0x100]  }
0x15e: {  	v31 =	vld [tilespmem:s0+$0x110]  }
0x15f: {  	v8 =	vld [tilespmem:s0+$0x180]  }
0x160: {  	v4 =	vld [tilespmem:s0+$0x140]  }
0x161: {  	v14 =	vld [tilespmem:s0+$0x190]  }
0x162: {  	v33 =	vld [tilespmem:s0+$0x130]  }
0x163: {  	v12 =	vld [tilespmem:s0+$0x1A0];
	v5 =	vmul.f32 v31, v31;
	v6 =	vmul.f32 v34, v34  }
0x164: {  	v19 =	vld [tilespmem:s0+$0x1D0]  }
0x165: {  	v7 =	vld [tilespmem:s0+$0x1B0];
	v5 =	vadd.f32 v5, v6;
	v6 =	vmul.f32 v30, v30  }
0x166: {  	v35 =	vld [tilespmem:s0+$0x150];
	v9 =	vmul.f32 v14, v14;
	v11 =	vmul.f32 v8, v8  }
0x167: {  	v16 =	vld [tilespmem:s0+$0x1C0];
	v5 =	vadd.f32 v6, v5;
	v6 =	vmul.f32 v33, v33  }
0x168: {  	v24 =	vld [tilespmem:s0+$0x170];
	v9 =	vadd.f32 v9, v11;
	v11 =	vmul.f32 v12, v12  }
0x169: {  	v17 =	vld [tilespmem:s0+$0x10];
	v13 =	vmul.f32 v4, v4;
	v5 =	vadd.f32 v6, v5  }
0x16a: {  	v26 =	vld [tilespmem:s0+$0x1F0];
	v9 =	vadd.f32 v11, v9;
	v11 =	vmul.f32 v7, v7  }
0x16b: {  	v21 =	vld [tilespmem:s0+$0x0];
	v15 =	vmul.f32 v35, v35;
	v5 =	vadd.f32 v13, v5  }
0x16c: {  	v18 =	vmul.f32 v16, v16;
	v6 =	vld [tilespmem:s0+$0x90];
	v11 =	vadd.f32 v11, v9  }
0x16d: {  	v20 =	vmul.f32 v32, v32;
	v9 =	vld [tilespmem:s0+$0x80];
	v5 =	vadd.f32 v15, v5  }
0x16e: {  	v13 =	vld [tilespmem:s0+$0x20];
	v11 =	vadd.f32 v18, v11;
	v18 =	vmul.f32 v19, v19  }
0x16f: {  	v22 =	vmul.f32 v24, v24;
	v15 =	vld [tilespmem:s0+$0xA0];
	v20 =	vadd.f32 v20, v5  }
0x170: {  	v23 =	vmul.f32 v17, v17;
	v27 =	vmul.f32 v10, v10;
	v18 =	vadd.f32 v18, v11;
	v5 =	vld [tilespmem:s0+$0x30]  }
0x171: {  	v29 =	vmul.f32 v21, v21;
	v54 =	vmul.f32 v26, v26;
	v11 =	vld [tilespmem:s0+$0xB0];
	v53 =	vadd.f32 v22, v20  }
0x172: {  	v25 =	vld [tilespmem:s0+$0x40];
	v28 =	vmul.f32 v6, v6;
	v27 =	vadd.f32 v27, v18;
	v22 =	vmul.f32 v9, v9  }
0x173: {  	v23 =	vadd.f32 v23, v29;
	v38 =	vmul.f32 v13, v13;
	v20 =	vld [tilespmem:s0+$0xC0];
	v29 =	vperm.xlane v53, v0  }
0x174: {  	v18 =	vld [tilespmem:s0+$0x50];
	v27 =	vadd.f32 v54, v27;
	v39 =	vmul.f32 v15, v15;
	v40 =	vadd.f32 v28, v22  }
0x175: {  	v55 =	vadd.f32 v38, v23;
	v22 =	vld [tilespmem:s0+$0xD0];
	v56 =	vmul.f32 v5, v5;
	v36 =	vadd.f32 v53, v29  }
0x176: {  	v41 =	vmul.f32 v11, v11;
	v28 =	vld [tilespmem:s0+$0x60];
	v57 =	vperm.xlane v27, v0;
	v39 =	vadd.f32 v39, v40  }
0x177: {  	v42 =	vmul.f32 v25, v25;
	v23 =	vld [tilespmem:s0+$0xE0];
	v37 =	vadd.f32 v56, v55;
	v58 =	vperm.xlane v36, v1  }
0x178: {  	v29 =	vld [tilespmem:s0+$0x70];
	v40 =	vadd.f32 v27, v57;
	v43 =	vmul.f32 v20, v20;
	v39 =	vadd.f32 v41, v39  }
0x179: {  	v59 =	vmul.f32 v18, v18;
	v27 =	vld [tilespmem:s0+$0xF0];
	v37 =	vadd.f32 v42, v37;
	v36 =	vadd.f32 v36, v58  }
0x17a: {  	v61 =	vperm.xlane v40, v1;
	v60 =	vmul.f32 v22, v22;
	v39 =	vadd.f32 v43, v39  }
0x17b: {  	v62 =	vmul.f32 v28, v28;
	v37 =	vadd.f32 v59, v37;
	v63 =	vperm.xlane v36, v2  }
0x17c: {  	v44 =	vmul.f32 v23, v23;
	v46 =	vadd.f32 v40, v61;
	v38 =	vadd.f32 v60, v39  }
0x17d: {  	v47 =	vmul.f32 v29, v29;
	v37 =	vadd.f32 v62, v37;
	v36 =	vadd.f32 v36, v63  }
0x17e: {  	v48 =	vmul.f32 v27, v27;
	v42 =	vperm.xlane v46, v2;
	v38 =	vadd.f32 v44, v38  }
0x17f: {  	v37 =	vadd.f32 v47, v37;
	v49 =	vperm.xlane v36, v3  }
0x180: {  	v39 =	vadd.f32 v46, v42;
	v38 =	vadd.f32 v48, v38  }
0x181: {  	v50 =	vperm.xlane v37, v0;
	v36 =	vadd.f32 v36, v49  }
0x182: {  	v42 =	vperm.xlane v39, v3;
	v51 =	vperm.xlane v38, v0  }
0x183: {  	v37 =	vadd.f32 v37, v50;
	v52 =	vshrl.u32 v36, $0x1;
	v36 =	vmul.f32 $5.000000000e-01, v36  }
0x184: {  	v39 =	vadd.f32 v39, v42;
	v38 =	vadd.f32 v38, v51;
	v53 =	vsub.s32 $0x5F3759DF, v52  }
0x185: {  	v54 =	vperm.xlane v37, v1;
	v36 =	vmul.f32 v53, v36  }
0x186: {  	v56 =	vshrl.u32 v39, $0x1;
	v55 =	vperm.xlane v38, v1  }
0x187: {  	v39 =	vmul.f32 $5.000000000e-01, v39;
	v37 =	vadd.f32 v37, v54;
	v36 =	vmul.f32 v53, v36  }
0x188: {  	v57 =	vsub.s32 $0x5F3759DF, v56;
	v38 =	vadd.f32 v38, v55  }
0x189: {  	v39 =	vmul.f32 v57, v39;
	v58 =	vperm.xlane v37, v2;
	v36 =	vsub.f32 $1.500000000e+00, v36  }
0x18a: {  	v59 =	vperm.xlane v38, v2  }
0x18b: {  	v39 =	vmul.f32 v57, v39;
	v37 =	vadd.f32 v37, v58;
	v36 =	vmul.f32 v53, v36  }
0x18c: {  	v38 =	vadd.f32 v38, v59  }
0x18d: {  	v39 =	vsub.f32 $1.500000000e+00, v39;
	v60 =	vperm.xlane v37, v3;
	v34 =	vmul.f32 v36, v34  }
0x18e: {  	v61 =	vperm.xlane v38, v3;
	v62 =	vmul.f32 v36, v35  }
0x18f: {  	v63 =	vmul.f32 v36, v32;
	v35 =	vmul.f32 v57, v39;
	v40 =	vadd.f32 v37, v60;
	[tilespmem:s0+$0x100] =	vst v34  }
0x190: {  	v32 =	vmul.f32 v36, v31;
	v30 =	vmul.f32 v36, v30;
	v37 =	vadd.f32 v38, v61;
	[tilespmem:s0+$0x150] =	vst v62  }
0x191: {  	s7 =	simm.s32 $0x0;
	s9 =	simm.s32 $0x9C00;
	v34 =	vmul.f32 v36, v33;
	[tilespmem:s0+$0x160] =	vst v63;
	v33 =	vshrl.u32 v40, $0x1;
	v31 =	vmul.f32 $5.000000000e-01, v40  }
.LBB2_7:
0x192: {  	s7 =	sadd.s32 $0x4, s7;
	v38 =	vsub.s32 $0x5F3759DF, v33;
	[tilespmem:s0+$0x110] =	vst v32;
	v10 =	vmul.f32 v35, v10;
	v26 =	vmul.f32 v35, v26;
	s9 =	sadd.s32 $0x200, s9  }
0x193: {  	v32 =	vshrl.u32 v37, $0x1;
	v19 =	vmul.f32 v35, v19;
	p0 =	slt.u32 s7, $0x7C;
	v31 =	vmul.f32 v38, v31;
	[tilespmem:s0+$0x120] =	vst v30  }
0x194: {  	v8 =	vmul.f32 v35, v8;
	v39 =	vsub.s32 $0x5F3759DF, v32;
	v32 =	vmul.f32 $5.000000000e-01, v37;
	v30 =	vld [tilespmem:s9+$0x120];
	[tilespmem:s0+$0x1E0] =	vst v10  }
0x195: {  	v14 =	vmul.f32 v35, v14;
	v10 =	vld [tilespmem:s9+$0x1E0];
	v33 =	vmul.f32 v38, v31;
	[tilespmem:s0+$0x1D0] =	vst v19  }
0x196: {  	v24 =	vmul.f32 v36, v24;
	v19 =	vmul.f32 v39, v32;
	v31 =	vld [tilespmem:s9+$0x160];
	[tilespmem:s0+$0x180] =	vst v8  }
0x197: {  	v4 =	vmul.f32 v36, v4;
	v12 =	vmul.f32 v35, v12;
	v8 =	vld [tilespmem:s9+$0x180];
	v37 =	vsub.f32 $1.500000000e+00, v33;
	[tilespmem:s0+$0x190] =	vst v14  }
0x198: {  	v7 =	vmul.f32 v35, v7;
	v14 =	vmul.f32 v39, v19;
	v33 =	vld [tilespmem:s9+$0x100];
	[tilespmem:s0+$0x170] =	vst v24  }
0x199: {  	v16 =	vmul.f32 v35, v16;
	v32 =	vld [tilespmem:s9+$0x110];
	[tilespmem:s0+$0x140] =	vst v4  }
0x19a: {  	v36 =	vmul.f32 v38, v37;
	v24 =	vsub.f32 $1.500000000e+00, v14;
	v4 =	vld [tilespmem:s9+$0x140];
	[tilespmem:s0+$0x1A0] =	vst v12  }
0x19b: {  	v37 =	vmul.f32 v31, v31;
	v19 =	vld [tilespmem:s9+$0x1D0];
	[tilespmem:s0+$0x130] =	vst v34  }
0x19c: {  	v12 =	vmul.f32 v36, v17;
	v13 =	vmul.f32 v36, v13;
	v14 =	vld [tilespmem:s9+$0x190];
	[tilespmem:s0+$0x1B0] =	vst v7  }
0x19d: {  	v17 =	vmul.f32 v36, v21;
	v38 =	vmul.f32 v39, v24;
	v7 =	vld [tilespmem:s9+$0x1B0];
	[tilespmem:s0+$0x1C0] =	vst v16  }
0x19e: {  	v28 =	vmul.f32 v36, v28;
	v16 =	vmul.f32 v32, v32;
	v34 =	vld [tilespmem:s9+$0x130];
	[tilespmem:s0+$0x10] =	vst v12  }
0x19f: {  	v21 =	vmul.f32 v33, v33;
	v12 =	vld [tilespmem:s9+$0x1A0];
	[tilespmem:s0+$0x0] =	vst v17;
	v17 =	vmul.f32 v36, v25  }
0x1a0: {  	v24 =	vmul.f32 v36, v29;
	v25 =	vmul.f32 v4, v4;
	v35 =	vld [tilespmem:s9+$0x150];
	[tilespmem:s0+$0x20] =	vst v13  }
0x1a1: {  	v29 =	vmul.f32 v30, v30;
	v21 =	vadd.f32 v16, v21;
	v13 =	vld [tilespmem:s9+$0x20];
	v39 =	vmul.f32 v14, v14;
	[tilespmem:s0+$0x40] =	vst v17  }
0x1a2: {  	v40 =	vmul.f32 v8, v8;
	v6 =	vmul.f32 v38, v6;
	v16 =	vld [tilespmem:s9+$0x1C0];
	[tilespmem:s0+$0x70] =	vst v24  }
0x1a3: {  	v15 =	vmul.f32 v38, v15;
	v21 =	vadd.f32 v29, v21;
	v29 =	vmul.f32 v34, v34;
	v24 =	vld [tilespmem:s9+$0x170];
	[tilespmem:s0+$0x1F0] =	vst v26  }
0x1a4: {  	v9 =	vmul.f32 v38, v9;
	v39 =	vadd.f32 v39, v40;
	v17 =	vld [tilespmem:s9+$0x10];
	v40 =	vmul.f32 v12, v12;
	[tilespmem:s0+$0x90] =	vst v6  }
0x1a5: {  	v11 =	vmul.f32 v38, v11;
	v29 =	vadd.f32 v29, v21;
	v41 =	vmul.f32 v35, v35;
	v26 =	vld [tilespmem:s9+$0x1F0];
	[tilespmem:s0+$0xA0] =	vst v15  }
0x1a6: {  	v20 =	vmul.f32 v38, v20;
	v6 =	vld [tilespmem:s9+$0x90];
	v15 =	vadd.f32 v40, v39;
	v39 =	vmul.f32 v7, v7;
	[tilespmem:s0+$0x80] =	vst v9  }
0x1a7: {  	v21 =	vld [tilespmem:s9+$0x0];
	v25 =	vadd.f32 v25, v29;
	[tilespmem:s0+$0xB0] =	vst v11;
	v11 =	vmul.f32 v38, v22;
	v22 =	vmul.f32 v38, v23  }
0x1a8: {  	v29 =	vmul.f32 v16, v16;
	v9 =	vld [tilespmem:s9+$0x80];
	v23 =	vadd.f32 v39, v15;
	[tilespmem:s0+$0xC0] =	vst v20;
	v20 =	vmul.f32 v38, v27  }
0x1a9: {  	v5 =	vmul.f32 v36, v5;
	v18 =	vmul.f32 v36, v18;
	v15 =	vld [tilespmem:s9+$0xA0];
	v27 =	vadd.f32 v41, v25;
	[tilespmem:s0+$0xD0] =	vst v11  }
0x1aa: {  	v36 =	vmul.f32 v17, v17;
	v11 =	vld [tilespmem:s9+$0xB0];
	v23 =	vadd.f32 v29, v23;
	v29 =	vmul.f32 v19, v19;
	[tilespmem:s0+$0x60] =	vst v28  }
0x1ab: {  	v28 =	vmul.f32 v13, v13;
	v25 =	vld [tilespmem:s9+$0x40];
	v27 =	vadd.f32 v37, v27;
	v37 =	vmul.f32 v24, v24;
	[tilespmem:s0+$0x30] =	vst v5  }
0x1ac: {  	v38 =	vmul.f32 v6, v6;
	v5 =	vld [tilespmem:s9+$0x30];
	v23 =	vadd.f32 v29, v23;
	v29 =	vmul.f32 v10, v10;
	[tilespmem:s0+$0xF0] =	vst v20  }
0x1ad: {  	v39 =	vmul.f32 v21, v21;
	v40 =	vmul.f32 v9, v9;
	v27 =	vadd.f32 v37, v27;
	[tilespmem:s0+$0xE0] =	vst v22  }
0x1ae: {  	v37 =	vmul.f32 v15, v15;
	v20 =	vld [tilespmem:s9+$0xC0];
	v23 =	vadd.f32 v29, v23;
	v29 =	vmul.f32 v26, v26;
	[tilespmem:s0+$0x50] =	vst v18;
	s0 =	smov.u32 s9  }
0x1af: {  	v36 =	vadd.f32 v36, v39;
	v38 =	vadd.f32 v38, v40;
	v22 =	vld [tilespmem:s9+$0xD0];
	v39 =	vperm.xlane v27, v0  }
0x1b0: {  	v41 =	vmul.f32 v11, v11;
	v40 =	vmul.f32 v25, v25;
	v18 =	vld [tilespmem:s9+$0x50];
	v42 =	vadd.f32 v29, v23  }
0x1b1: {  	v29 =	vadd.f32 v28, v36;
	v36 =	vmul.f32 v5, v5;
	v23 =	vld [tilespmem:s9+$0xE0];
	v39 =	vadd.f32 v27, v39  }
0x1b2: {  	v27 =	vadd.f32 v37, v38;
	v28 =	vld [tilespmem:s9+$0x60];
	v37 =	vperm.xlane v42, v0  }
0x1b3: {  	v36 =	vadd.f32 v36, v29;
	v29 =	vld [tilespmem:s9+$0x70];
	v38 =	vmul.f32 v20, v20;
	v43 =	vperm.xlane v39, v1  }
0x1b4: {  	v41 =	vadd.f32 v41, v27;
	v44 =	vmul.f32 v22, v22;
	v27 =	vld [tilespmem:s9+$0xF0];
	v37 =	vadd.f32 v42, v37  }
0x1b5: {  	v36 =	vadd.f32 v40, v36;
	v40 =	vmul.f32 v18, v18;
	v39 =	vadd.f32 v39, v43  }
0x1b6: {  	v38 =	vadd.f32 v38, v41;
	v41 =	vmul.f32 v23, v23;
	v42 =	vperm.xlane v37, v1  }
0x1b7: {  	v36 =	vadd.f32 v40, v36;
	v40 =	vmul.f32 v28, v28;
	v43 =	vperm.xlane v39, v2  }
0x1b8: {  	v38 =	vadd.f32 v44, v38;
	v45 =	vmul.f32 v29, v29;
	v37 =	vadd.f32 v37, v42  }
0x1b9: {  	v36 =	vadd.f32 v40, v36;
	v40 =	vmul.f32 v27, v27;
	v39 =	vadd.f32 v39, v43  }
0x1ba: {  	v38 =	vadd.f32 v41, v38;
	v41 =	vperm.xlane v37, v2  }
0x1bb: {  	v36 =	vadd.f32 v45, v36;
	v42 =	vperm.xlane v39, v3  }
0x1bc: {  	v38 =	vadd.f32 v40, v38;
	v37 =	vadd.f32 v37, v41  }
0x1bd: {  	v40 =	vperm.xlane v36, v0;
	v39 =	vadd.f32 v39, v42  }
0x1be: {  	v41 =	vperm.xlane v38, v0;
	v42 =	vperm.xlane v37, v3  }
0x1bf: {  	v36 =	vadd.f32 v36, v40;
	v40 =	vshrl.u32 v39, $0x1;
	v39 =	vmul.f32 $5.000000000e-01, v39  }
0x1c0: {  	v38 =	vadd.f32 v38, v41;
	v40 =	vsub.s32 $0x5F3759DF, v40;
	v37 =	vadd.f32 v37, v42  }
0x1c1: {  	v41 =	vperm.xlane v36, v1;
	v39 =	vmul.f32 v40, v39  }
0x1c2: {  	v42 =	vperm.xlane v38, v1;
	v43 =	vshrl.u32 v37, $0x1;
	v37 =	vmul.f32 $5.000000000e-01, v37  }
0x1c3: {  	v36 =	vadd.f32 v36, v41;
	v39 =	vmul.f32 v40, v39;
	v41 =	vsub.s32 $0x5F3759DF, v43  }
0x1c4: {  	v38 =	vadd.f32 v38, v42;
	v37 =	vmul.f32 v41, v37  }
0x1c5: {  	v42 =	vperm.xlane v36, v2;
	v39 =	vsub.f32 $1.500000000e+00, v39  }
0x1c6: {  	v43 =	vperm.xlane v38, v2;
	v37 =	vmul.f32 v41, v37  }
0x1c7: {  	v42 =	vadd.f32 v36, v42;
	v36 =	vmul.f32 v40, v39  }
0x1c8: {  	v38 =	vadd.f32 v38, v43;
	v37 =	vsub.f32 $1.500000000e+00, v37  }
.Ltmp2:
0x1c9: {  	v39 =	vperm.xlane v42, v3;
	v33 =	vmul.f32 v36, v33;
	(pc) =	sbr.rel @p0 .LBB2_7-.Ltmp2, $4  }
0x1ca: {  	v40 =	vperm.xlane v38, v3;
	v43 =	vmul.f32 v36, v35  }
0x1cb: {  	v35 =	vmul.f32 v41, v37;
	v39 =	vadd.f32 v42, v39;
	[tilespmem:s9+$0x100] =	vst v33;
	v42 =	vmul.f32 v36, v31  }
0x1cc: {  	v32 =	vmul.f32 v36, v32;
	v34 =	vmul.f32 v36, v34;
	v37 =	vadd.f32 v38, v40;
	[tilespmem:s9+$0x150] =	vst v43  }
0x1cd: {  	v30 =	vmul.f32 v36, v30;
	v33 =	vshrl.u32 v39, $0x1;
	v31 =	vmul.f32 $5.000000000e-01, v39;
	[tilespmem:s9+$0x160] =	vst v42  }
0x1ce: {  	[tilespmem:s0+$0x110] =	vst v32  }
0x1cf: {  	v10 =	vmul.f32 v35, v10;
	v52 =	vsub.s32 $0x5F3759DF, v33;
	[tilespmem:s0+$0x130] =	vst v34  }
0x1d0: {  	v19 =	vmul.f32 v35, v19;
	[tilespmem:s0+$0x120] =	vst v30;
	v30 =	vmul.f32 v52, v31  }
0x1d1: {  	v8 =	vmul.f32 v35, v8;
	v4 =	vmul.f32 v36, v4;
	[tilespmem:s0+$0x1E0] =	vst v10  }
0x1d2: {  	v10 =	vmul.f32 v35, v14;
	[tilespmem:s0+$0x1D0] =	vst v19;
	v14 =	vmul.f32 v52, v30  }
0x1d3: {  	v12 =	vmul.f32 v35, v12;
	v19 =	vmul.f32 v36, v24;
	[tilespmem:s0+$0x180] =	vst v8  }
0x1d4: {  	v8 =	vshrl.u32 v37, $0x1;
	v24 =	vmul.f32 $5.000000000e-01, v37;
	[tilespmem:s0+$0x190] =	vst v10;
	v10 =	vsub.f32 $1.500000000e+00, v14  }
0x1d5: {  	[tilespmem:s0+$0x140] =	vst v4;
	v4 =	vmul.f32 v35, v7;
	v8 =	vsub.s32 $0x5F3759DF, v8  }
0x1d6: {  	[tilespmem:s0+$0x1A0] =	vst v12;
	v14 =	vmul.f32 v8, v24;
	v7 =	vmul.f32 v52, v10  }
0x1d7: {  	[tilespmem:s0+$0x170] =	vst v19;
	v10 =	vmul.f32 v35, v16  }
0x1d8: {  	[tilespmem:s0+$0x1B0] =	vst v4;
	v12 =	vmul.f32 v8, v14;
	v14 =	vmul.f32 v7, v17  }
0x1d9: {  	v4 =	vmul.f32 v7, v21;
	[tilespmem:s0+$0x1C0] =	vst v10  }
0x1da: {  	v10 =	vsub.f32 $1.500000000e+00, v12;
	v12 =	vmul.f32 v7, v13;
	[tilespmem:s0+$0x10] =	vst v14  }
0x1db: {  	v5 =	vmul.f32 v7, v5;
	[tilespmem:s0+$0x0] =	vst v4  }
0x1dc: {  	v4 =	vmul.f32 v7, v25;
	[tilespmem:s0+$0x20] =	vst v12  }
0x1dd: {  	v8 =	vmul.f32 v8, v10;
	v10 =	vmul.f32 v7, v29;
	[tilespmem:s0+$0x30] =	vst v5  }
0x1de: {  	v12 =	vmul.f32 v35, v26;
	[tilespmem:s0+$0x40] =	vst v4  }
0x1df: {  	v5 =	vmul.f32 v7, v18;
	[tilespmem:s0+$0x70] =	vst v10  }
0x1e0: {  	v4 =	vmul.f32 v8, v6;
	[tilespmem:s0+$0x1F0] =	vst v12  }
0x1e1: {  	v6 =	vmul.f32 v8, v15;
	[tilespmem:s0+$0x50] =	vst v5  }
0x1e2: {  	v9 =	vmul.f32 v8, v9;
	[tilespmem:s0+$0x90] =	vst v4  }
0x1e3: {  	[tilespmem:s0+$0xA0] =	vst v6;
	v4 =	vmul.f32 v8, v11  }
0x1e4: {  	[tilespmem:s0+$0x80] =	vst v9;
	v6 =	vmul.f32 v8, v20  }
0x1e5: {  	v9 =	vmul.f32 v7, v28;
	[tilespmem:s0+$0xB0] =	vst v4  }
0x1e6: {  	v4 =	vmul.f32 v8, v22;
	[tilespmem:s0+$0xC0] =	vst v6  }
0x1e7: {  	s4 =	sshll.u32 s4, $0xE;
	[tilespmem:s0+$0x60] =	vst v9;
	v6 =	vmul.f32 v8, v23  }
0x1e8: {  	s4 =	sadd.s32 s6, s4;
	[tilespmem:s0+$0xD0] =	vst v4;
	v4 =	vmul.f32 v8, v27  }
0x1e9: {  	p0 =	seq.s32 s29, $0x9;
	s4 =	sshrl.u32 s4, $0x3;
	[tilespmem:s0+$0xE0] =	vst v6  }
0x1ea: {  	s9 =	sadd.s32 s2, s4;
	s4 =	smul.u32 @!p0 $0xA00, s29;
	[tilespmem:s0+$0xF0] =	vst v4;
	s0 =	simm.s32 @!p0 $0x6  }
0x1eb: {  	[hbm4b:s9+s3] =	stream.linear.scatter [tilespmem:s14], [sflag:$0x8], $0x4000, $0x38;
	[tilespmem:$0x15C00] =	vst v63  }
0x1ec: {  	_ =	swait.ge @!p0 [sflag:s0], $0x4000  }
0x1ed: {  	s7 =	simm.s32 @!p0 $0x80;
	s4 =	sshra.s32 @!p0 s4, $0x2;
	[sflag:s0] =	ssyncset.done @!p0 $0x0  }
0x1ee: {  	s9 =	simm.s32 @!p0 $0x1C00;
	[sflag:s0] =	ssyncadd.s32 @!p0 $0xFFFFC000;
	s0 =	sadd.s32 @!p0 $0x280, s4  }
0x1ef: {  	[tilespmem:s9], [sflag:$0x1] =	stream.indirect.gather @!p0 [hbm4b:s1+s7], $0x80, s0, s7, $0xb8;
	[tilespmem:$0x15C00] =	vst v63  }
0x1f0: {  	_ =	swait.ge [sflag:s20], $0x4000  }
0x1f1: {  	[sflag:s20] =	ssyncset.done $0x0  }
0x1f2: {  	s0 =	simm.s32 $0xDC00;
	[sflag:s20] =	ssyncadd.s32 $0xFFFFC000  }
0x1f3: {  	v30 =	vld [tilespmem:s0+$0x120]  }
0x1f4: {  	v10 =	vld [tilespmem:s0+$0x1E0]  }
0x1f5: {  	v32 =	vld [tilespmem:s0+$0x160]  }
0x1f6: {  	v34 =	vld [tilespmem:s0+$0x100]  }
0x1f7: {  	v31 =	vld [tilespmem:s0+$0x110]  }
0x1f8: {  	v8 =	vld [tilespmem:s0+$0x180]  }
0x1f9: {  	v4 =	vld [tilespmem:s0+$0x140]  }
0x1fa: {  	v14 =	vld [tilespmem:s0+$0x190]  }
0x1fb: {  	v33 =	vld [tilespmem:s0+$0x130]  }
0x1fc: {  	v12 =	vld [tilespmem:s0+$0x1A0];
	v5 =	vmul.f32 v31, v31;
	v6 =	vmul.f32 v34, v34  }
0x1fd: {  	v19 =	vld [tilespmem:s0+$0x1D0]  }
0x1fe: {  	v7 =	vld [tilespmem:s0+$0x1B0];
	v5 =	vadd.f32 v5, v6;
	v6 =	vmul.f32 v30, v30  }
0x1ff: {  	v35 =	vld [tilespmem:s0+$0x150];
	v9 =	vmul.f32 v14, v14;
	v11 =	vmul.f32 v8, v8  }
0x200: {  	v16 =	vld [tilespmem:s0+$0x1C0];
	v5 =	vadd.f32 v6, v5;
	v6 =	vmul.f32 v33, v33  }
0x201: {  	v24 =	vld [tilespmem:s0+$0x170];
	v9 =	vadd.f32 v9, v11;
	v11 =	vmul.f32 v12, v12  }
0x202: {  	v17 =	vld [tilespmem:s0+$0x10];
	v13 =	vmul.f32 v4, v4;
	v5 =	vadd.f32 v6, v5  }
0x203: {  	v26 =	vld [tilespmem:s0+$0x1F0];
	v9 =	vadd.f32 v11, v9;
	v11 =	vmul.f32 v7, v7  }
0x204: {  	v21 =	vld [tilespmem:s0+$0x0];
	v15 =	vmul.f32 v35, v35;
	v5 =	vadd.f32 v13, v5  }
0x205: {  	v18 =	vmul.f32 v16, v16;
	v6 =	vld [tilespmem:s0+$0x90];
	v11 =	vadd.f32 v11, v9  }
0x206: {  	v20 =	vmul.f32 v32, v32;
	v9 =	vld [tilespmem:s0+$0x80];
	v5 =	vadd.f32 v15, v5  }
0x207: {  	v13 =	vld [tilespmem:s0+$0x20];
	v11 =	vadd.f32 v18, v11;
	v18 =	vmul.f32 v19, v19  }
0x208: {  	v22 =	vmul.f32 v24, v24;
	v15 =	vld [tilespmem:s0+$0xA0];
	v20 =	vadd.f32 v20, v5  }
0x209: {  	v23 =	vmul.f32 v17, v17;
	v27 =	vmul.f32 v10, v10;
	v18 =	vadd.f32 v18, v11;
	v5 =	vld [tilespmem:s0+$0x30]  }
0x20a: {  	v29 =	vmul.f32 v21, v21;
	v54 =	vmul.f32 v26, v26;
	v11 =	vld [tilespmem:s0+$0xB0];
	v53 =	vadd.f32 v22, v20  }
0x20b: {  	v25 =	vld [tilespmem:s0+$0x40];
	v28 =	vmul.f32 v6, v6;
	v27 =	vadd.f32 v27, v18;
	v22 =	vmul.f32 v9, v9  }
0x20c: {  	v23 =	vadd.f32 v23, v29;
	v38 =	vmul.f32 v13, v13;
	v20 =	vld [tilespmem:s0+$0xC0];
	v29 =	vperm.xlane v53, v0  }
0x20d: {  	v18 =	vld [tilespmem:s0+$0x50];
	v27 =	vadd.f32 v54, v27;
	v39 =	vmul.f32 v15, v15;
	v40 =	vadd.f32 v28, v22  }
0x20e: {  	v55 =	vadd.f32 v38, v23;
	v22 =	vld [tilespmem:s0+$0xD0];
	v56 =	vmul.f32 v5, v5;
	v36 =	vadd.f32 v53, v29  }
0x20f: {  	v41 =	vmul.f32 v11, v11;
	v28 =	vld [tilespmem:s0+$0x60];
	v57 =	vperm.xlane v27, v0;
	v39 =	vadd.f32 v39, v40  }
0x210: {  	v42 =	vmul.f32 v25, v25;
	v23 =	vld [tilespmem:s0+$0xE0];
	v37 =	vadd.f32 v56, v55;
	v58 =	vperm.xlane v36, v1  }
0x211: {  	v29 =	vld [tilespmem:s0+$0x70];
	v40 =	vadd.f32 v27, v57;
	v43 =	vmul.f32 v20, v20;
	v39 =	vadd.f32 v41, v39  }
0x212: {  	v59 =	vmul.f32 v18, v18;
	v27 =	vld [tilespmem:s0+$0xF0];
	v37 =	vadd.f32 v42, v37;
	v36 =	vadd.f32 v36, v58  }
0x213: {  	v61 =	vperm.xlane v40, v1;
	v60 =	vmul.f32 v22, v22;
	v39 =	vadd.f32 v43, v39  }
0x214: {  	v62 =	vmul.f32 v28, v28;
	v37 =	vadd.f32 v59, v37;
	v63 =	vperm.xlane v36, v2  }
0x215: {  	v44 =	vmul.f32 v23, v23;
	v46 =	vadd.f32 v40, v61;
	v38 =	vadd.f32 v60, v39  }
0x216: {  	v47 =	vmul.f32 v29, v29;
	v37 =	vadd.f32 v62, v37;
	v36 =	vadd.f32 v36, v63  }
0x217: {  	v48 =	vmul.f32 v27, v27;
	v42 =	vperm.xlane v46, v2;
	v38 =	vadd.f32 v44, v38  }
0x218: {  	v37 =	vadd.f32 v47, v37;
	v49 =	vperm.xlane v36, v3  }
0x219: {  	v39 =	vadd.f32 v46, v42;
	v38 =	vadd.f32 v48, v38  }
0x21a: {  	v50 =	vperm.xlane v37, v0;
	v36 =	vadd.f32 v36, v49  }
0x21b: {  	v42 =	vperm.xlane v39, v3;
	v51 =	vperm.xlane v38, v0  }
0x21c: {  	v37 =	vadd.f32 v37, v50;
	v52 =	vshrl.u32 v36, $0x1;
	v36 =	vmul.f32 $5.000000000e-01, v36  }
0x21d: {  	v39 =	vadd.f32 v39, v42;
	v38 =	vadd.f32 v38, v51;
	v53 =	vsub.s32 $0x5F3759DF, v52  }
0x21e: {  	v54 =	vperm.xlane v37, v1;
	v36 =	vmul.f32 v53, v36  }
0x21f: {  	v56 =	vshrl.u32 v39, $0x1;
	v55 =	vperm.xlane v38, v1  }
0x220: {  	v39 =	vmul.f32 $5.000000000e-01, v39;
	v37 =	vadd.f32 v37, v54;
	v36 =	vmul.f32 v53, v36  }
0x221: {  	v57 =	vsub.s32 $0x5F3759DF, v56;
	v38 =	vadd.f32 v38, v55  }
0x222: {  	v39 =	vmul.f32 v57, v39;
	v58 =	vperm.xlane v37, v2;
	v36 =	vsub.f32 $1.500000000e+00, v36  }
0x223: {  	v59 =	vperm.xlane v38, v2  }
0x224: {  	v39 =	vmul.f32 v57, v39;
	v37 =	vadd.f32 v37, v58;
	v36 =	vmul.f32 v53, v36  }
0x225: {  	v38 =	vadd.f32 v38, v59  }
0x226: {  	v39 =	vsub.f32 $1.500000000e+00, v39;
	v60 =	vperm.xlane v37, v3;
	v34 =	vmul.f32 v36, v34  }
0x227: {  	v61 =	vperm.xlane v38, v3;
	v62 =	vmul.f32 v36, v35  }
0x228: {  	v63 =	vmul.f32 v36, v32;
	v35 =	vmul.f32 v57, v39;
	v40 =	vadd.f32 v37, v60;
	[tilespmem:s0+$0x100] =	vst v34  }
0x229: {  	v32 =	vmul.f32 v36, v31;
	v30 =	vmul.f32 v36, v30;
	v37 =	vadd.f32 v38, v61;
	[tilespmem:s0+$0x150] =	vst v62  }
0x22a: {  	s7 =	simm.s32 $0x0;
	s9 =	simm.s32 $0xDC00;
	v34 =	vmul.f32 v36, v33;
	[tilespmem:s0+$0x160] =	vst v63;
	v33 =	vshrl.u32 v40, $0x1;
	v31 =	vmul.f32 $5.000000000e-01, v40  }
.LBB2_9:
0x22b: {  	s7 =	sadd.s32 $0x4, s7;
	v38 =	vsub.s32 $0x5F3759DF, v33;
	[tilespmem:s0+$0x110] =	vst v32;
	v10 =	vmul.f32 v35, v10;
	v26 =	vmul.f32 v35, v26;
	s9 =	sadd.s32 $0x200, s9  }
0x22c: {  	v32 =	vshrl.u32 v37, $0x1;
	v19 =	vmul.f32 v35, v19;
	p1 =	slt.u32 s7, $0x7C;
	v31 =	vmul.f32 v38, v31;
	[tilespmem:s0+$0x120] =	vst v30  }
0x22d: {  	v8 =	vmul.f32 v35, v8;
	v39 =	vsub.s32 $0x5F3759DF, v32;
	v32 =	vmul.f32 $5.000000000e-01, v37;
	v30 =	vld [tilespmem:s9+$0x120];
	[tilespmem:s0+$0x1E0] =	vst v10  }
0x22e: {  	v14 =	vmul.f32 v35, v14;
	v10 =	vld [tilespmem:s9+$0x1E0];
	v33 =	vmul.f32 v38, v31;
	[tilespmem:s0+$0x1D0] =	vst v19  }
0x22f: {  	v24 =	vmul.f32 v36, v24;
	v19 =	vmul.f32 v39, v32;
	v31 =	vld [tilespmem:s9+$0x160];
	[tilespmem:s0+$0x180] =	vst v8  }
0x230: {  	v4 =	vmul.f32 v36, v4;
	v12 =	vmul.f32 v35, v12;
	v8 =	vld [tilespmem:s9+$0x180];
	v37 =	vsub.f32 $1.500000000e+00, v33;
	[tilespmem:s0+$0x190] =	vst v14  }
0x231: {  	v7 =	vmul.f32 v35, v7;
	v14 =	vmul.f32 v39, v19;
	v33 =	vld [tilespmem:s9+$0x100];
	[tilespmem:s0+$0x170] =	vst v24  }
0x232: {  	v16 =	vmul.f32 v35, v16;
	v32 =	vld [tilespmem:s9+$0x110];
	[tilespmem:s0+$0x140] =	vst v4  }
0x233: {  	v36 =	vmul.f32 v38, v37;
	v24 =	vsub.f32 $1.500000000e+00, v14;
	v4 =	vld [tilespmem:s9+$0x140];
	[tilespmem:s0+$0x1A0] =	vst v12  }
0x234: {  	v37 =	vmul.f32 v31, v31;
	v19 =	vld [tilespmem:s9+$0x1D0];
	[tilespmem:s0+$0x130] =	vst v34  }
0x235: {  	v12 =	vmul.f32 v36, v17;
	v13 =	vmul.f32 v36, v13;
	v14 =	vld [tilespmem:s9+$0x190];
	[tilespmem:s0+$0x1B0] =	vst v7  }
0x236: {  	v17 =	vmul.f32 v36, v21;
	v38 =	vmul.f32 v39, v24;
	v7 =	vld [tilespmem:s9+$0x1B0];
	[tilespmem:s0+$0x1C0] =	vst v16  }
0x237: {  	v28 =	vmul.f32 v36, v28;
	v16 =	vmul.f32 v32, v32;
	v34 =	vld [tilespmem:s9+$0x130];
	[tilespmem:s0+$0x10] =	vst v12  }
0x238: {  	v21 =	vmul.f32 v33, v33;
	v12 =	vld [tilespmem:s9+$0x1A0];
	[tilespmem:s0+$0x0] =	vst v17;
	v17 =	vmul.f32 v36, v25  }
0x239: {  	v24 =	vmul.f32 v36, v29;
	v25 =	vmul.f32 v4, v4;
	v35 =	vld [tilespmem:s9+$0x150];
	[tilespmem:s0+$0x20] =	vst v13  }
0x23a: {  	v29 =	vmul.f32 v30, v30;
	v21 =	vadd.f32 v16, v21;
	v13 =	vld [tilespmem:s9+$0x20];
	v39 =	vmul.f32 v14, v14;
	[tilespmem:s0+$0x40] =	vst v17  }
0x23b: {  	v40 =	vmul.f32 v8, v8;
	v6 =	vmul.f32 v38, v6;
	v16 =	vld [tilespmem:s9+$0x1C0];
	[tilespmem:s0+$0x70] =	vst v24  }
0x23c: {  	v15 =	vmul.f32 v38, v15;
	v21 =	vadd.f32 v29, v21;
	v29 =	vmul.f32 v34, v34;
	v24 =	vld [tilespmem:s9+$0x170];
	[tilespmem:s0+$0x1F0] =	vst v26  }
0x23d: {  	v9 =	vmul.f32 v38, v9;
	v39 =	vadd.f32 v39, v40;
	v17 =	vld [tilespmem:s9+$0x10];
	v40 =	vmul.f32 v12, v12;
	[tilespmem:s0+$0x90] =	vst v6  }
0x23e: {  	v11 =	vmul.f32 v38, v11;
	v29 =	vadd.f32 v29, v21;
	v41 =	vmul.f32 v35, v35;
	v26 =	vld [tilespmem:s9+$0x1F0];
	[tilespmem:s0+$0xA0] =	vst v15  }
0x23f: {  	v20 =	vmul.f32 v38, v20;
	v6 =	vld [tilespmem:s9+$0x90];
	v15 =	vadd.f32 v40, v39;
	v39 =	vmul.f32 v7, v7;
	[tilespmem:s0+$0x80] =	vst v9  }
0x240: {  	v21 =	vld [tilespmem:s9+$0x0];
	v25 =	vadd.f32 v25, v29;
	[tilespmem:s0+$0xB0] =	vst v11;
	v11 =	vmul.f32 v38, v22;
	v22 =	vmul.f32 v38, v23  }
0x241: {  	v29 =	vmul.f32 v16, v16;
	v9 =	vld [tilespmem:s9+$0x80];
	v23 =	vadd.f32 v39, v15;
	[tilespmem:s0+$0xC0] =	vst v20;
	v20 =	vmul.f32 v38, v27  }
0x242: {  	v5 =	vmul.f32 v36, v5;
	v18 =	vmul.f32 v36, v18;
	v15 =	vld [tilespmem:s9+$0xA0];
	v27 =	vadd.f32 v41, v25;
	[tilespmem:s0+$0xD0] =	vst v11  }
0x243: {  	v36 =	vmul.f32 v17, v17;
	v11 =	vld [tilespmem:s9+$0xB0];
	v23 =	vadd.f32 v29, v23;
	v29 =	vmul.f32 v19, v19;
	[tilespmem:s0+$0x60] =	vst v28  }
0x244: {  	v28 =	vmul.f32 v13, v13;
	v25 =	vld [tilespmem:s9+$0x40];
	v27 =	vadd.f32 v37, v27;
	v37 =	vmul.f32 v24, v24;
	[tilespmem:s0+$0x30] =	vst v5  }
0x245: {  	v38 =	vmul.f32 v6, v6;
	v5 =	vld [tilespmem:s9+$0x30];
	v23 =	vadd.f32 v29, v23;
	v29 =	vmul.f32 v10, v10;
	[tilespmem:s0+$0xF0] =	vst v20  }
0x246: {  	v39 =	vmul.f32 v21, v21;
	v40 =	vmul.f32 v9, v9;
	v27 =	vadd.f32 v37, v27;
	[tilespmem:s0+$0xE0] =	vst v22  }
0x247: {  	v37 =	vmul.f32 v15, v15;
	v20 =	vld [tilespmem:s9+$0xC0];
	v23 =	vadd.f32 v29, v23;
	v29 =	vmul.f32 v26, v26;
	[tilespmem:s0+$0x50] =	vst v18;
	s0 =	smov.u32 s9  }
0x248: {  	v36 =	vadd.f32 v36, v39;
	v38 =	vadd.f32 v38, v40;
	v22 =	vld [tilespmem:s9+$0xD0];
	v39 =	vperm.xlane v27, v0  }
0x249: {  	v41 =	vmul.f32 v11, v11;
	v40 =	vmul.f32 v25, v25;
	v18 =	vld [tilespmem:s9+$0x50];
	v42 =	vadd.f32 v29, v23  }
0x24a: {  	v29 =	vadd.f32 v28, v36;
	v36 =	vmul.f32 v5, v5;
	v23 =	vld [tilespmem:s9+$0xE0];
	v39 =	vadd.f32 v27, v39  }
0x24b: {  	v27 =	vadd.f32 v37, v38;
	v28 =	vld [tilespmem:s9+$0x60];
	v37 =	vperm.xlane v42, v0  }
0x24c: {  	v36 =	vadd.f32 v36, v29;
	v29 =	vld [tilespmem:s9+$0x70];
	v38 =	vmul.f32 v20, v20;
	v43 =	vperm.xlane v39, v1  }
0x24d: {  	v41 =	vadd.f32 v41, v27;
	v44 =	vmul.f32 v22, v22;
	v27 =	vld [tilespmem:s9+$0xF0];
	v37 =	vadd.f32 v42, v37  }
0x24e: {  	v36 =	vadd.f32 v40, v36;
	v40 =	vmul.f32 v18, v18;
	v39 =	vadd.f32 v39, v43  }
0x24f: {  	v38 =	vadd.f32 v38, v41;
	v41 =	vmul.f32 v23, v23;
	v42 =	vperm.xlane v37, v1  }
0x250: {  	v36 =	vadd.f32 v40, v36;
	v40 =	vmul.f32 v28, v28;
	v43 =	vperm.xlane v39, v2  }
0x251: {  	v38 =	vadd.f32 v44, v38;
	v45 =	vmul.f32 v29, v29;
	v37 =	vadd.f32 v37, v42  }
0x252: {  	v36 =	vadd.f32 v40, v36;
	v40 =	vmul.f32 v27, v27;
	v39 =	vadd.f32 v39, v43  }
0x253: {  	v38 =	vadd.f32 v41, v38;
	v41 =	vperm.xlane v37, v2  }
0x254: {  	v36 =	vadd.f32 v45, v36;
	v42 =	vperm.xlane v39, v3  }
0x255: {  	v38 =	vadd.f32 v40, v38;
	v37 =	vadd.f32 v37, v41  }
0x256: {  	v40 =	vperm.xlane v36, v0;
	v39 =	vadd.f32 v39, v42  }
0x257: {  	v41 =	vperm.xlane v38, v0;
	v42 =	vperm.xlane v37, v3  }
0x258: {  	v36 =	vadd.f32 v36, v40;
	v40 =	vshrl.u32 v39, $0x1;
	v39 =	vmul.f32 $5.000000000e-01, v39  }
0x259: {  	v38 =	vadd.f32 v38, v41;
	v40 =	vsub.s32 $0x5F3759DF, v40;
	v37 =	vadd.f32 v37, v42  }
0x25a: {  	v41 =	vperm.xlane v36, v1;
	v39 =	vmul.f32 v40, v39  }
0x25b: {  	v42 =	vperm.xlane v38, v1;
	v43 =	vshrl.u32 v37, $0x1;
	v37 =	vmul.f32 $5.000000000e-01, v37  }
0x25c: {  	v36 =	vadd.f32 v36, v41;
	v39 =	vmul.f32 v40, v39;
	v41 =	vsub.s32 $0x5F3759DF, v43  }
0x25d: {  	v38 =	vadd.f32 v38, v42;
	v37 =	vmul.f32 v41, v37  }
0x25e: {  	v42 =	vperm.xlane v36, v2;
	v39 =	vsub.f32 $1.500000000e+00, v39  }
0x25f: {  	v43 =	vperm.xlane v38, v2;
	v37 =	vmul.f32 v41, v37  }
0x260: {  	v42 =	vadd.f32 v36, v42;
	v36 =	vmul.f32 v40, v39  }
0x261: {  	v38 =	vadd.f32 v38, v43;
	v37 =	vsub.f32 $1.500000000e+00, v37  }
.Ltmp3:
0x262: {  	v39 =	vperm.xlane v42, v3;
	v33 =	vmul.f32 v36, v33;
	(pc) =	sbr.rel @p1 .LBB2_9-.Ltmp3, $4  }
0x263: {  	v40 =	vperm.xlane v38, v3;
	v43 =	vmul.f32 v36, v35  }
0x264: {  	v35 =	vmul.f32 v41, v37;
	v39 =	vadd.f32 v42, v39;
	[tilespmem:s9+$0x100] =	vst v33;
	v42 =	vmul.f32 v36, v31  }
0x265: {  	v32 =	vmul.f32 v36, v32;
	v34 =	vmul.f32 v36, v34;
	v37 =	vadd.f32 v38, v40;
	[tilespmem:s9+$0x150] =	vst v43  }
0x266: {  	v30 =	vmul.f32 v36, v30;
	v33 =	vshrl.u32 v39, $0x1;
	v31 =	vmul.f32 $5.000000000e-01, v39;
	[tilespmem:s9+$0x160] =	vst v42  }
0x267: {  	[tilespmem:s0+$0x110] =	vst v32  }
0x268: {  	v10 =	vmul.f32 v35, v10;
	v52 =	vsub.s32 $0x5F3759DF, v33;
	[tilespmem:s0+$0x130] =	vst v34  }
0x269: {  	v19 =	vmul.f32 v35, v19;
	[tilespmem:s0+$0x120] =	vst v30;
	v30 =	vmul.f32 v52, v31  }
0x26a: {  	v8 =	vmul.f32 v35, v8;
	v4 =	vmul.f32 v36, v4;
	[tilespmem:s0+$0x1E0] =	vst v10  }
0x26b: {  	v10 =	vmul.f32 v35, v14;
	[tilespmem:s0+$0x1D0] =	vst v19;
	v14 =	vmul.f32 v52, v30  }
0x26c: {  	v12 =	vmul.f32 v35, v12;
	v19 =	vmul.f32 v36, v24;
	[tilespmem:s0+$0x180] =	vst v8  }
0x26d: {  	v8 =	vshrl.u32 v37, $0x1;
	v24 =	vmul.f32 $5.000000000e-01, v37;
	[tilespmem:s0+$0x190] =	vst v10;
	v10 =	vsub.f32 $1.500000000e+00, v14  }
0x26e: {  	[tilespmem:s0+$0x140] =	vst v4;
	v4 =	vmul.f32 v35, v7;
	v8 =	vsub.s32 $0x5F3759DF, v8  }
0x26f: {  	[tilespmem:s0+$0x1A0] =	vst v12;
	v14 =	vmul.f32 v8, v24;
	v7 =	vmul.f32 v52, v10  }
0x270: {  	[tilespmem:s0+$0x170] =	vst v19;
	v10 =	vmul.f32 v35, v16  }
0x271: {  	[tilespmem:s0+$0x1B0] =	vst v4;
	v12 =	vmul.f32 v8, v14;
	v14 =	vmul.f32 v7, v17  }
0x272: {  	v4 =	vmul.f32 v7, v21;
	[tilespmem:s0+$0x1C0] =	vst v10  }
0x273: {  	v10 =	vsub.f32 $1.500000000e+00, v12;
	v12 =	vmul.f32 v7, v13;
	[tilespmem:s0+$0x10] =	vst v14  }
0x274: {  	v5 =	vmul.f32 v7, v5;
	[tilespmem:s0+$0x0] =	vst v4  }
0x275: {  	v4 =	vmul.f32 v7, v25;
	[tilespmem:s0+$0x20] =	vst v12  }
0x276: {  	v8 =	vmul.f32 v8, v10;
	v10 =	vmul.f32 v7, v29;
	[tilespmem:s0+$0x30] =	vst v5  }
0x277: {  	v12 =	vmul.f32 v35, v26;
	[tilespmem:s0+$0x40] =	vst v4  }
0x278: {  	v5 =	vmul.f32 v7, v18;
	[tilespmem:s0+$0x70] =	vst v10  }
0x279: {  	v4 =	vmul.f32 v8, v6;
	[tilespmem:s0+$0x1F0] =	vst v12  }
0x27a: {  	v6 =	vmul.f32 v8, v15;
	[tilespmem:s0+$0x50] =	vst v5  }
0x27b: {  	v9 =	vmul.f32 v8, v9;
	[tilespmem:s0+$0x90] =	vst v4  }
0x27c: {  	[tilespmem:s0+$0xA0] =	vst v6;
	v4 =	vmul.f32 v8, v11  }
0x27d: {  	[tilespmem:s0+$0x80] =	vst v9;
	v6 =	vmul.f32 v8, v20  }
0x27e: {  	v9 =	vmul.f32 v7, v28;
	[tilespmem:s0+$0xB0] =	vst v4  }
0x27f: {  	v4 =	vmul.f32 v8, v22;
	[tilespmem:s0+$0xC0] =	vst v6  }
0x280: {  	s7 =	sshll.u32 s30, $0xE;
	[tilespmem:s0+$0x60] =	vst v9;
	v6 =	vmul.f32 v8, v23  }
0x281: {  	s7 =	sadd.s32 s6, s7;
	[tilespmem:s0+$0xD0] =	vst v4;
	v4 =	vmul.f32 v8, v27  }
0x282: {  	s7 =	sshrl.u32 s7, $0x3;
	[tilespmem:s0+$0xE0] =	vst v6  }
0x283: {  	s30 =	sadd.s32 s2, s7;
	[tilespmem:s0+$0xF0] =	vst v4;
	s0 =	simm.s32 @!p0 $0x7  }
0x284: {  	[hbm4b:s30+s3] =	stream.linear.scatter [tilespmem:s16], [sflag:$0x9], $0x4000, $0x38;
	[tilespmem:$0x15C00] =	vst v63  }
0x285: {  	_ =	swait.ge @!p0 [sflag:s0], $0x4000  }
0x286: {  	s7 =	simm.s32 @!p0 $0x5C00;
	[sflag:s0] =	ssyncset.done @!p0 $0x0  }
0x287: {  	[sflag:s0] =	ssyncadd.s32 @!p0 $0xFFFFC000;
	s0 =	sadd.s32 @!p0 $0x300, s4;
	s4 =	simm.s32 @!p0 $0x80  }
0x288: {  	[tilespmem:s7], [sflag:$0x2] =	stream.indirect.gather @!p0 [hbm4b:s1+s4], $0x80, s0, s4, $0xb8;
	[tilespmem:$0x15C00] =	vst v63  }
0x289: {  	_ =	swait.ge [sflag:s21], $0x4000  }
0x28a: {  	[sflag:s21] =	ssyncset.done $0x0  }
0x28b: {  	s0 =	simm.s32 $0x11C00;
	[sflag:s21] =	ssyncadd.s32 $0xFFFFC000  }
0x28c: {  	v30 =	vld [tilespmem:s0+$0x120]  }
0x28d: {  	v10 =	vld [tilespmem:s0+$0x1E0]  }
0x28e: {  	v32 =	vld [tilespmem:s0+$0x160]  }
0x28f: {  	v34 =	vld [tilespmem:s0+$0x100]  }
0x290: {  	v31 =	vld [tilespmem:s0+$0x110]  }
0x291: {  	v8 =	vld [tilespmem:s0+$0x180]  }
0x292: {  	v4 =	vld [tilespmem:s0+$0x140]  }
0x293: {  	v14 =	vld [tilespmem:s0+$0x190]  }
0x294: {  	v33 =	vld [tilespmem:s0+$0x130]  }
0x295: {  	v12 =	vld [tilespmem:s0+$0x1A0];
	v5 =	vmul.f32 v31, v31;
	v6 =	vmul.f32 v34, v34  }
0x296: {  	v19 =	vld [tilespmem:s0+$0x1D0]  }
0x297: {  	v7 =	vld [tilespmem:s0+$0x1B0];
	v5 =	vadd.f32 v5, v6;
	v6 =	vmul.f32 v30, v30  }
0x298: {  	v35 =	vld [tilespmem:s0+$0x150];
	v9 =	vmul.f32 v14, v14;
	v11 =	vmul.f32 v8, v8  }
0x299: {  	v16 =	vld [tilespmem:s0+$0x1C0];
	v5 =	vadd.f32 v6, v5;
	v6 =	vmul.f32 v33, v33  }
0x29a: {  	v24 =	vld [tilespmem:s0+$0x170];
	v9 =	vadd.f32 v9, v11;
	v11 =	vmul.f32 v12, v12  }
0x29b: {  	v17 =	vld [tilespmem:s0+$0x10];
	v13 =	vmul.f32 v4, v4;
	v5 =	vadd.f32 v6, v5  }
0x29c: {  	v26 =	vld [tilespmem:s0+$0x1F0];
	v9 =	vadd.f32 v11, v9;
	v11 =	vmul.f32 v7, v7  }
0x29d: {  	v21 =	vld [tilespmem:s0+$0x0];
	v15 =	vmul.f32 v35, v35;
	v5 =	vadd.f32 v13, v5  }
0x29e: {  	v18 =	vmul.f32 v16, v16;
	v6 =	vld [tilespmem:s0+$0x90];
	v11 =	vadd.f32 v11, v9  }
0x29f: {  	v20 =	vmul.f32 v32, v32;
	v9 =	vld [tilespmem:s0+$0x80];
	v5 =	vadd.f32 v15, v5  }
0x2a0: {  	v13 =	vld [tilespmem:s0+$0x20];
	v11 =	vadd.f32 v18, v11;
	v18 =	vmul.f32 v19, v19  }
0x2a1: {  	v22 =	vmul.f32 v24, v24;
	v15 =	vld [tilespmem:s0+$0xA0];
	v20 =	vadd.f32 v20, v5  }
0x2a2: {  	v23 =	vmul.f32 v17, v17;
	v27 =	vmul.f32 v10, v10;
	v18 =	vadd.f32 v18, v11;
	v5 =	vld [tilespmem:s0+$0x30]  }
0x2a3: {  	v29 =	vmul.f32 v21, v21;
	v54 =	vmul.f32 v26, v26;
	v11 =	vld [tilespmem:s0+$0xB0];
	v53 =	vadd.f32 v22, v20  }
0x2a4: {  	v25 =	vld [tilespmem:s0+$0x40];
	v28 =	vmul.f32 v6, v6;
	v27 =	vadd.f32 v27, v18;
	v22 =	vmul.f32 v9, v9  }
0x2a5: {  	v23 =	vadd.f32 v23, v29;
	v38 =	vmul.f32 v13, v13;
	v20 =	vld [tilespmem:s0+$0xC0];
	v29 =	vperm.xlane v53, v0  }
0x2a6: {  	v18 =	vld [tilespmem:s0+$0x50];
	v27 =	vadd.f32 v54, v27;
	v39 =	vmul.f32 v15, v15;
	v40 =	vadd.f32 v28, v22  }
0x2a7: {  	v55 =	vadd.f32 v38, v23;
	v22 =	vld [tilespmem:s0+$0xD0];
	v56 =	vmul.f32 v5, v5;
	v36 =	vadd.f32 v53, v29  }
0x2a8: {  	v41 =	vmul.f32 v11, v11;
	v28 =	vld [tilespmem:s0+$0x60];
	v57 =	vperm.xlane v27, v0;
	v39 =	vadd.f32 v39, v40  }
0x2a9: {  	v42 =	vmul.f32 v25, v25;
	v23 =	vld [tilespmem:s0+$0xE0];
	v37 =	vadd.f32 v56, v55;
	v58 =	vperm.xlane v36, v1  }
0x2aa: {  	v29 =	vld [tilespmem:s0+$0x70];
	v40 =	vadd.f32 v27, v57;
	v43 =	vmul.f32 v20, v20;
	v39 =	vadd.f32 v41, v39  }
0x2ab: {  	v59 =	vmul.f32 v18, v18;
	v27 =	vld [tilespmem:s0+$0xF0];
	v37 =	vadd.f32 v42, v37;
	v36 =	vadd.f32 v36, v58  }
0x2ac: {  	v61 =	vperm.xlane v40, v1;
	v60 =	vmul.f32 v22, v22;
	v39 =	vadd.f32 v43, v39  }
0x2ad: {  	v62 =	vmul.f32 v28, v28;
	v37 =	vadd.f32 v59, v37;
	v63 =	vperm.xlane v36, v2  }
0x2ae: {  	v44 =	vmul.f32 v23, v23;
	v46 =	vadd.f32 v40, v61;
	v38 =	vadd.f32 v60, v39  }
0x2af: {  	v47 =	vmul.f32 v29, v29;
	v37 =	vadd.f32 v62, v37;
	v36 =	vadd.f32 v36, v63  }
0x2b0: {  	v48 =	vmul.f32 v27, v27;
	v42 =	vperm.xlane v46, v2;
	v38 =	vadd.f32 v44, v38  }
0x2b1: {  	v37 =	vadd.f32 v47, v37;
	v49 =	vperm.xlane v36, v3  }
0x2b2: {  	v39 =	vadd.f32 v46, v42;
	v38 =	vadd.f32 v48, v38  }
0x2b3: {  	v50 =	vperm.xlane v37, v0;
	v36 =	vadd.f32 v36, v49  }
0x2b4: {  	v42 =	vperm.xlane v39, v3;
	v51 =	vperm.xlane v38, v0  }
0x2b5: {  	v37 =	vadd.f32 v37, v50;
	v52 =	vshrl.u32 v36, $0x1;
	v36 =	vmul.f32 $5.000000000e-01, v36  }
0x2b6: {  	v39 =	vadd.f32 v39, v42;
	v38 =	vadd.f32 v38, v51;
	v53 =	vsub.s32 $0x5F3759DF, v52  }
0x2b7: {  	v54 =	vperm.xlane v37, v1;
	v36 =	vmul.f32 v53, v36  }
0x2b8: {  	v56 =	vshrl.u32 v39, $0x1;
	v55 =	vperm.xlane v38, v1  }
0x2b9: {  	v39 =	vmul.f32 $5.000000000e-01, v39;
	v37 =	vadd.f32 v37, v54;
	v36 =	vmul.f32 v53, v36  }
0x2ba: {  	v57 =	vsub.s32 $0x5F3759DF, v56;
	v38 =	vadd.f32 v38, v55  }
0x2bb: {  	v39 =	vmul.f32 v57, v39;
	v58 =	vperm.xlane v37, v2;
	v36 =	vsub.f32 $1.500000000e+00, v36  }
0x2bc: {  	v59 =	vperm.xlane v38, v2  }
0x2bd: {  	v39 =	vmul.f32 v57, v39;
	v37 =	vadd.f32 v37, v58;
	v36 =	vmul.f32 v53, v36  }
0x2be: {  	v38 =	vadd.f32 v38, v59  }
0x2bf: {  	v39 =	vsub.f32 $1.500000000e+00, v39;
	v60 =	vperm.xlane v37, v3;
	v34 =	vmul.f32 v36, v34  }
0x2c0: {  	v61 =	vperm.xlane v38, v3;
	v62 =	vmul.f32 v36, v35  }
0x2c1: {  	v63 =	vmul.f32 v36, v32;
	v35 =	vmul.f32 v57, v39;
	v40 =	vadd.f32 v37, v60;
	[tilespmem:s0+$0x100] =	vst v34  }
0x2c2: {  	v32 =	vmul.f32 v36, v31;
	v30 =	vmul.f32 v36, v30;
	v37 =	vadd.f32 v38, v61;
	[tilespmem:s0+$0x150] =	vst v62  }
0x2c3: {  	s4 =	simm.s32 $0x0;
	s7 =	simm.s32 $0x11C00;
	v34 =	vmul.f32 v36, v33;
	[tilespmem:s0+$0x160] =	vst v63;
	v33 =	vshrl.u32 v40, $0x1;
	v31 =	vmul.f32 $5.000000000e-01, v40  }
.LBB2_11:
0x2c4: {  	s4 =	sadd.s32 $0x4, s4;
	v38 =	vsub.s32 $0x5F3759DF, v33;
	[tilespmem:s0+$0x110] =	vst v32;
	v10 =	vmul.f32 v35, v10;
	v26 =	vmul.f32 v35, v26;
	s7 =	sadd.s32 $0x200, s7  }
0x2c5: {  	v32 =	vshrl.u32 v37, $0x1;
	v19 =	vmul.f32 v35, v19;
	p0 =	slt.u32 s4, $0x7C;
	v31 =	vmul.f32 v38, v31;
	[tilespmem:s0+$0x120] =	vst v30  }
0x2c6: {  	v8 =	vmul.f32 v35, v8;
	v39 =	vsub.s32 $0x5F3759DF, v32;
	v32 =	vmul.f32 $5.000000000e-01, v37;
	v30 =	vld [tilespmem:s7+$0x120];
	[tilespmem:s0+$0x1E0] =	vst v10  }
0x2c7: {  	v14 =	vmul.f32 v35, v14;
	v10 =	vld [tilespmem:s7+$0x1E0];
	v33 =	vmul.f32 v38, v31;
	[tilespmem:s0+$0x1D0] =	vst v19  }
0x2c8: {  	v24 =	vmul.f32 v36, v24;
	v19 =	vmul.f32 v39, v32;
	v31 =	vld [tilespmem:s7+$0x160];
	[tilespmem:s0+$0x180] =	vst v8  }
0x2c9: {  	v4 =	vmul.f32 v36, v4;
	v12 =	vmul.f32 v35, v12;
	v8 =	vld [tilespmem:s7+$0x180];
	v37 =	vsub.f32 $1.500000000e+00, v33;
	[tilespmem:s0+$0x190] =	vst v14  }
0x2ca: {  	v7 =	vmul.f32 v35, v7;
	v14 =	vmul.f32 v39, v19;
	v33 =	vld [tilespmem:s7+$0x100];
	[tilespmem:s0+$0x170] =	vst v24  }
0x2cb: {  	v16 =	vmul.f32 v35, v16;
	v32 =	vld [tilespmem:s7+$0x110];
	[tilespmem:s0+$0x140] =	vst v4  }
0x2cc: {  	v36 =	vmul.f32 v38, v37;
	v24 =	vsub.f32 $1.500000000e+00, v14;
	v4 =	vld [tilespmem:s7+$0x140];
	[tilespmem:s0+$0x1A0] =	vst v12  }
0x2cd: {  	v37 =	vmul.f32 v31, v31;
	v19 =	vld [tilespmem:s7+$0x1D0];
	[tilespmem:s0+$0x130] =	vst v34  }
0x2ce: {  	v12 =	vmul.f32 v36, v17;
	v13 =	vmul.f32 v36, v13;
	v14 =	vld [tilespmem:s7+$0x190];
	[tilespmem:s0+$0x1B0] =	vst v7  }
0x2cf: {  	v17 =	vmul.f32 v36, v21;
	v38 =	vmul.f32 v39, v24;
	v7 =	vld [tilespmem:s7+$0x1B0];
	[tilespmem:s0+$0x1C0] =	vst v16  }
0x2d0: {  	v28 =	vmul.f32 v36, v28;
	v16 =	vmul.f32 v32, v32;
	v34 =	vld [tilespmem:s7+$0x130];
	[tilespmem:s0+$0x10] =	vst v12  }
0x2d1: {  	v21 =	vmul.f32 v33, v33;
	v12 =	vld [tilespmem:s7+$0x1A0];
	[tilespmem:s0+$0x0] =	vst v17;
	v17 =	vmul.f32 v36, v25  }
0x2d2: {  	v24 =	vmul.f32 v36, v29;
	v25 =	vmul.f32 v4, v4;
	v35 =	vld [tilespmem:s7+$0x150];
	[tilespmem:s0+$0x20] =	vst v13  }
0x2d3: {  	v29 =	vmul.f32 v30, v30;
	v21 =	vadd.f32 v16, v21;
	v13 =	vld [tilespmem:s7+$0x20];
	v39 =	vmul.f32 v14, v14;
	[tilespmem:s0+$0x40] =	vst v17  }
0x2d4: {  	v40 =	vmul.f32 v8, v8;
	v6 =	vmul.f32 v38, v6;
	v16 =	vld [tilespmem:s7+$0x1C0];
	[tilespmem:s0+$0x70] =	vst v24  }
0x2d5: {  	v15 =	vmul.f32 v38, v15;
	v21 =	vadd.f32 v29, v21;
	v29 =	vmul.f32 v34, v34;
	v24 =	vld [tilespmem:s7+$0x170];
	[tilespmem:s0+$0x1F0] =	vst v26  }
0x2d6: {  	v9 =	vmul.f32 v38, v9;
	v39 =	vadd.f32 v39, v40;
	v17 =	vld [tilespmem:s7+$0x10];
	v40 =	vmul.f32 v12, v12;
	[tilespmem:s0+$0x90] =	vst v6  }
0x2d7: {  	v11 =	vmul.f32 v38, v11;
	v29 =	vadd.f32 v29, v21;
	v41 =	vmul.f32 v35, v35;
	v26 =	vld [tilespmem:s7+$0x1F0];
	[tilespmem:s0+$0xA0] =	vst v15  }
0x2d8: {  	v20 =	vmul.f32 v38, v20;
	v6 =	vld [tilespmem:s7+$0x90];
	v15 =	vadd.f32 v40, v39;
	v39 =	vmul.f32 v7, v7;
	[tilespmem:s0+$0x80] =	vst v9  }
0x2d9: {  	v21 =	vld [tilespmem:s7+$0x0];
	v25 =	vadd.f32 v25, v29;
	[tilespmem:s0+$0xB0] =	vst v11;
	v11 =	vmul.f32 v38, v22;
	v22 =	vmul.f32 v38, v23  }
0x2da: {  	v29 =	vmul.f32 v16, v16;
	v9 =	vld [tilespmem:s7+$0x80];
	v23 =	vadd.f32 v39, v15;
	[tilespmem:s0+$0xC0] =	vst v20;
	v20 =	vmul.f32 v38, v27  }
0x2db: {  	v5 =	vmul.f32 v36, v5;
	v18 =	vmul.f32 v36, v18;
	v15 =	vld [tilespmem:s7+$0xA0];
	v27 =	vadd.f32 v41, v25;
	[tilespmem:s0+$0xD0] =	vst v11  }
0x2dc: {  	v36 =	vmul.f32 v17, v17;
	v11 =	vld [tilespmem:s7+$0xB0];
	v23 =	vadd.f32 v29, v23;
	v29 =	vmul.f32 v19, v19;
	[tilespmem:s0+$0x60] =	vst v28  }
0x2dd: {  	v28 =	vmul.f32 v13, v13;
	v25 =	vld [tilespmem:s7+$0x40];
	v27 =	vadd.f32 v37, v27;
	v37 =	vmul.f32 v24, v24;
	[tilespmem:s0+$0x30] =	vst v5  }
0x2de: {  	v38 =	vmul.f32 v6, v6;
	v5 =	vld [tilespmem:s7+$0x30];
	v23 =	vadd.f32 v29, v23;
	v29 =	vmul.f32 v10, v10;
	[tilespmem:s0+$0xF0] =	vst v20  }
0x2df: {  	v39 =	vmul.f32 v21, v21;
	v40 =	vmul.f32 v9, v9;
	v27 =	vadd.f32 v37, v27;
	[tilespmem:s0+$0xE0] =	vst v22  }
0x2e0: {  	v37 =	vmul.f32 v15, v15;
	v20 =	vld [tilespmem:s7+$0xC0];
	v23 =	vadd.f32 v29, v23;
	v29 =	vmul.f32 v26, v26;
	[tilespmem:s0+$0x50] =	vst v18;
	s0 =	smov.u32 s7  }
0x2e1: {  	v36 =	vadd.f32 v36, v39;
	v38 =	vadd.f32 v38, v40;
	v22 =	vld [tilespmem:s7+$0xD0];
	v39 =	vperm.xlane v27, v0  }
0x2e2: {  	v41 =	vmul.f32 v11, v11;
	v40 =	vmul.f32 v25, v25;
	v18 =	vld [tilespmem:s7+$0x50];
	v42 =	vadd.f32 v29, v23  }
0x2e3: {  	v29 =	vadd.f32 v28, v36;
	v36 =	vmul.f32 v5, v5;
	v23 =	vld [tilespmem:s7+$0xE0];
	v39 =	vadd.f32 v27, v39  }
0x2e4: {  	v27 =	vadd.f32 v37, v38;
	v28 =	vld [tilespmem:s7+$0x60];
	v37 =	vperm.xlane v42, v0  }
0x2e5: {  	v36 =	vadd.f32 v36, v29;
	v29 =	vld [tilespmem:s7+$0x70];
	v38 =	vmul.f32 v20, v20;
	v43 =	vperm.xlane v39, v1  }
0x2e6: {  	v41 =	vadd.f32 v41, v27;
	v44 =	vmul.f32 v22, v22;
	v27 =	vld [tilespmem:s7+$0xF0];
	v37 =	vadd.f32 v42, v37  }
0x2e7: {  	v36 =	vadd.f32 v40, v36;
	v40 =	vmul.f32 v18, v18;
	v39 =	vadd.f32 v39, v43  }
0x2e8: {  	v38 =	vadd.f32 v38, v41;
	v41 =	vmul.f32 v23, v23;
	v42 =	vperm.xlane v37, v1  }
0x2e9: {  	v36 =	vadd.f32 v40, v36;
	v40 =	vmul.f32 v28, v28;
	v43 =	vperm.xlane v39, v2  }
0x2ea: {  	v38 =	vadd.f32 v44, v38;
	v45 =	vmul.f32 v29, v29;
	v37 =	vadd.f32 v37, v42  }
0x2eb: {  	v36 =	vadd.f32 v40, v36;
	v40 =	vmul.f32 v27, v27;
	v39 =	vadd.f32 v39, v43  }
0x2ec: {  	v38 =	vadd.f32 v41, v38;
	v41 =	vperm.xlane v37, v2  }
0x2ed: {  	v36 =	vadd.f32 v45, v36;
	v42 =	vperm.xlane v39, v3  }
0x2ee: {  	v38 =	vadd.f32 v40, v38;
	v37 =	vadd.f32 v37, v41  }
0x2ef: {  	v40 =	vperm.xlane v36, v0;
	v39 =	vadd.f32 v39, v42  }
0x2f0: {  	v41 =	vperm.xlane v38, v0;
	v42 =	vperm.xlane v37, v3  }
0x2f1: {  	v36 =	vadd.f32 v36, v40;
	v40 =	vshrl.u32 v39, $0x1;
	v39 =	vmul.f32 $5.000000000e-01, v39  }
0x2f2: {  	v38 =	vadd.f32 v38, v41;
	v40 =	vsub.s32 $0x5F3759DF, v40;
	v37 =	vadd.f32 v37, v42  }
0x2f3: {  	v41 =	vperm.xlane v36, v1;
	v39 =	vmul.f32 v40, v39  }
0x2f4: {  	v42 =	vperm.xlane v38, v1;
	v43 =	vshrl.u32 v37, $0x1;
	v37 =	vmul.f32 $5.000000000e-01, v37  }
0x2f5: {  	v36 =	vadd.f32 v36, v41;
	v39 =	vmul.f32 v40, v39;
	v41 =	vsub.s32 $0x5F3759DF, v43  }
0x2f6: {  	v38 =	vadd.f32 v38, v42;
	v37 =	vmul.f32 v41, v37  }
0x2f7: {  	v42 =	vperm.xlane v36, v2;
	v39 =	vsub.f32 $1.500000000e+00, v39  }
0x2f8: {  	v43 =	vperm.xlane v38, v2;
	v37 =	vmul.f32 v41, v37  }
0x2f9: {  	v42 =	vadd.f32 v36, v42;
	v36 =	vmul.f32 v40, v39  }
0x2fa: {  	v38 =	vadd.f32 v38, v43;
	v37 =	vsub.f32 $1.500000000e+00, v37  }
.Ltmp4:
0x2fb: {  	v39 =	vperm.xlane v42, v3;
	v33 =	vmul.f32 v36, v33;
	(pc) =	sbr.rel @p0 .LBB2_11-.Ltmp4, $4  }
0x2fc: {  	v40 =	vperm.xlane v38, v3;
	v43 =	vmul.f32 v36, v35  }
0x2fd: {  	v35 =	vmul.f32 v41, v37;
	v39 =	vadd.f32 v42, v39;
	[tilespmem:s7+$0x100] =	vst v33;
	v42 =	vmul.f32 v36, v31  }
0x2fe: {  	v32 =	vmul.f32 v36, v32;
	v34 =	vmul.f32 v36, v34;
	v37 =	vadd.f32 v38, v40;
	[tilespmem:s7+$0x150] =	vst v43  }
0x2ff: {  	v30 =	vmul.f32 v36, v30;
	v33 =	vshrl.u32 v39, $0x1;
	v31 =	vmul.f32 $5.000000000e-01, v39;
	[tilespmem:s7+$0x160] =	vst v42  }
0x300: {  	[tilespmem:s0+$0x110] =	vst v32  }
0x301: {  	v10 =	vmul.f32 v35, v10;
	[tilespmem:s0+$0x130] =	vst v34  }
0x302: {  	v43 =	vsub.s32 $0x5F3759DF, v33;
	v19 =	vmul.f32 v35, v19;
	[tilespmem:s0+$0x120] =	vst v30  }
0x303: {  	v8 =	vmul.f32 v35, v8;
	v44 =	vmul.f32 v43, v31;
	[tilespmem:s0+$0x1E0] =	vst v10  }
0x304: {  	v45 =	vmul.f32 v35, v14;
	[tilespmem:s0+$0x1D0] =	vst v19  }
0x305: {  	v47 =	vmul.f32 v36, v24;
	[tilespmem:s0+$0x180] =	vst v8;
	v46 =	vmul.f32 v43, v44  }
0x306: {  	v4 =	vmul.f32 v36, v4;
	[tilespmem:s0+$0x190] =	vst v45  }
0x307: {  	v12 =	vmul.f32 v35, v12;
	[tilespmem:s0+$0x170] =	vst v47;
	v50 =	vsub.f32 $1.500000000e+00, v46  }
0x308: {  	v48 =	vshrl.u32 v37, $0x1;
	v49 =	vmul.f32 $5.000000000e-01, v37;
	v53 =	vmul.f32 v35, v16;
	[tilespmem:s0+$0x140] =	vst v4  }
0x309: {  	v59 =	vmul.f32 v35, v26;
	v8 =	vsub.s32 $0x5F3759DF, v48;
	[tilespmem:s0+$0x1A0] =	vst v12;
	v52 =	vmul.f32 v43, v50  }
0x30a: {  	v4 =	vmul.f32 v35, v7;
	[tilespmem:s0+$0x1C0] =	vst v53;
	v51 =	vmul.f32 v8, v49  }
0x30b: {  	[tilespmem:s0+$0x1F0] =	vst v59;
	v55 =	vmul.f32 v52, v17  }
0x30c: {  	[tilespmem:s0+$0x1B0] =	vst v4;
	v54 =	vmul.f32 v8, v51;
	v4 =	vmul.f32 v52, v21  }
0x30d: {  	v57 =	vmul.f32 v52, v13;
	[tilespmem:s0+$0x10] =	vst v55  }
0x30e: {  	v56 =	vsub.f32 $1.500000000e+00, v54;
	v58 =	vmul.f32 v52, v29;
	[tilespmem:s0+$0x0] =	vst v4  }
0x30f: {  	v62 =	vmul.f32 v52, v28;
	[tilespmem:s0+$0x20] =	vst v57  }
0x310: {  	v8 =	vmul.f32 v8, v56;
	v5 =	vmul.f32 v52, v5;
	[tilespmem:s0+$0x70] =	vst v58  }
0x311: {  	v4 =	vmul.f32 v52, v25;
	[tilespmem:s0+$0x60] =	vst v62  }
0x312: {  	v60 =	vmul.f32 v8, v15;
	[tilespmem:s0+$0x30] =	vst v5  }
0x313: {  	v9 =	vmul.f32 v8, v9;
	[tilespmem:s0+$0x40] =	vst v4  }
0x314: {  	v4 =	vmul.f32 v8, v6;
	[tilespmem:s0+$0xA0] =	vst v60  }
0x315: {  	v61 =	vmul.f32 v8, v20;
	[tilespmem:s0+$0x80] =	vst v9  }
0x316: {  	[tilespmem:s0+$0x90] =	vst v4;
	v4 =	vmul.f32 v8, v11  }
0x317: {  	s29 =	sadd.s32 $0x1, s29;
	v63 =	vmul.f32 v8, v23;
	[tilespmem:s0+$0xC0] =	vst v61  }
0x318: {  	p0 =	sne.s32 s29, $0xA;
	[tilespmem:s0+$0xB0] =	vst v4;
	v4 =	vmul.f32 v8, v22  }
.Ltmp5:
0x319: {  	s4 =	sshll.u32 s31, $0xE;
	v5 =	vmul.f32 v52, v18;
	[tilespmem:s0+$0xE0] =	vst v63;
	(pc) =	sbr.rel @p0 .LBB2_2-.Ltmp5, $4  }
0x31a: {  	s4 =	sadd.s32 s6, s4;
	[tilespmem:s0+$0xD0] =	vst v4;
	v4 =	vmul.f32 v8, v27  }
0x31b: {  	s4 =	sshrl.u32 s4, $0x3;
	[tilespmem:s0+$0x50] =	vst v5  }
0x31c: {  	s31 =	sadd.s32 s2, s4;
	[tilespmem:s0+$0xF0] =	vst v4  }
0x31d: {  	[hbm4b:s31+s3] =	stream.linear.scatter [tilespmem:s18], [sflag:$0xA], $0x4000, $0x38;
	[tilespmem:$0x15C00] =	vst v63  }
0x31e: {  	_ =	swait.ge [sflag:s22], $0x4000  }
0x31f: {  	[sflag:s22] =	ssyncset.done $0x0  }
0x320: {  	[sflag:s22] =	ssyncadd.s32 $0xFFFFC000  }
0x321: {  	_ =	swait.ge [sflag:s23], $0x4000  }
0x322: {  	[sflag:s23] =	ssyncset.done $0x0  }
0x323: {  	[sflag:s23] =	ssyncadd.s32 $0xFFFFC000  }
0x324: {  	_ =	swait.ge [sflag:s24], $0x4000  }
0x325: {  	[sflag:s24] =	ssyncset.done $0x0  }
0x326: {  	[sflag:s24] =	ssyncadd.s32 $0xFFFFC000  }
0x327: {  	_ =	swait.ge [sflag:s25], $0x4000  }
0x328: {  	[sflag:s25] =	ssyncset.done $0x0  }
0x329: {  	[sflag:s25] =	ssyncadd.s32 $0xFFFFC000  }
0x32a: {  	_ =	swait.ge [sflag:s26], $0x4000  }
0x32b: {  	s28 =	sadd.s32 $0x1, s28;
	s0 =	rddreg [dreg:$0x5]  }
0x32c: {  	p0 =	sne.s32 s28, s0  }
.Ltmp6:
0x32d: {  	_ = 	snop;
	(pc) =	sbr.rel @p0 .LBB2_1-.Ltmp6, $3  }
0x32e: {  	_ =	sdelay $0x1  }
0x32f: {  	[sflag:s26] =	ssyncset.done $0x0  }
0x330: {  	[sflag:s26] =	ssyncadd.s32 $0xFFFFC000  }
0x331: {  	_ =	sfence.sel $0x180000  }
0x332: {  	[bflag:$0x0] =	sbarrier.arrive $0xFFFF  }
0x333: {  	_ =	strace $0x90000047  }
0x334: {  	s0 =	stileid.u32;
	[bflag:$0x2] =	sbarrier.arrive $0xFFFF  }
0x335: {  	p0 =	sne.s32 s0, $0x0;
	s0 =	rddreg [dreg:$0x3]  }
0x336: {  	s0 =	sadd.s32 @!p0 $0x100000, s0  }
0x337: {  	[sflag:s0] =	ssyncadd.tile.s32 @!p0 $0x1;
	_ =	shalt  }
.Lfunc_end2:
_tile_overlayer_lowered:
.L_overlay_start_2:
0x338: {  	(tag) =	ssettag $0x2  }
0x339: {  	s0 =	rddreg [dreg:$0x0];
	s2 =	stileid.u32  }
0x33a: {  	s1 =	rddreg [dreg:$0x1];
	p0 =	sne.s32 s2, $0x0  }
0x33b: {  	s3 =	rddreg [dreg:$0x2];
	[bflag:$0x3] =	sbarrier.arrive $0xFFFF;
	s2 =	simm.s32 @!p0 $0x1C0B  }
0x33c: {  	[timem:s3], [sflag:s2] =	dma.local @!p0 [hbm:s0], s1  }
0x33d: {  	s0 =	simm.s32 @!p0 $0xB  }
0x33e: {  	_ =	swait.ge @!p0 [sflag:s0], s1  }
0x33f: {  	s1 =	ssub.s32 @!p0 $0x0, s1;
	[sflag:s0] =	ssyncset.done @!p0 $0x0  }
0x340: {  	[sflag:s0] =	ssyncadd.s32 @!p0 s1  }
0x341: {  	[bflag:$0x3] =	sbarrier.arrive $0xFFFF  }
0x342: {  	_ =	shalt  }

</sc_bundles>
